<compile_context>
chip_gen: v7x
topology: tpu7x:2x2x1
jax: 0.10.2.dev20260603
libtpu: 0.0.44.dev20260713+nightly
codegen_flags: <defaults>
</compile_context>

<pallas_src>
import functools

import jax
import jax.numpy as jnp
from jax import lax
from jax.experimental import pallas as pl
from jax.experimental.pallas import tpu as pltpu
from jax.experimental.pallas import tpu_sc as plsc

N = 4096
E = 65536
F = 256
OUT = 128
KARY = 5

NC = 2
NS = 16
L = 16
HALF = N // NC
NPT = HALF // NS
CHUNK = E // NS


def _sc_build_body(src_hbm, dst_hbm, selT_hbm, len_hbm,
                   src_v, dst_v, cnt_v, loc_v, cnt_t, loc_t, selT, len_t,
                   counts_sh, locs_sh):
    cid = lax.axis_index("c")
    sid = lax.axis_index("s")
    lo = cid * HALF
    lanes = lax.iota(jnp.int32, L)

    pltpu.sync_copy(src_hbm.at[pl.ds(sid * CHUNK, CHUNK)], src_v)
    pltpu.sync_copy(dst_hbm.at[pl.ds(sid * CHUNK, CHUNK)], dst_v)

    @plsc.parallel_loop(0, HALF, step=L)
    def _(i):
        cnt_v[pl.ds(i, L)] = jnp.zeros((L,), jnp.int32)

    nv = CHUNK // L

    def stage1(i):
        s16 = src_v[pl.ds(i * L, L)]
        d16 = dst_v[pl.ds(i * L, L)]
        sl_raw = s16 - lo
        valid = (sl_raw >= 0) & (sl_raw < HALF)
        occ, lastm = plsc.scan_count(sl_raw, mask=valid)
        return d16, sl_raw, valid, occ, lastm

    def edge_body(i, carry):
        d16, sl_raw, valid, occ, lastm = carry
        nxt = stage1(jnp.minimum(i + 1, nv - 1))
        sl = sl_raw & (HALF - 1)
        cnt16 = plsc.load_gather(cnt_v, [sl], mask=valid)
        p = cnt16 + occ - 1
        plsc.store_scatter(loc_v, [sl * KARY + p], d16,
                           mask=valid & (p < KARY))
        plsc.store_scatter(cnt_v, [sl], cnt16 + occ, mask=valid & lastm)
        return nxt

    lax.fori_loop(0, nv, edge_body, stage1(0))

    pltpu.sync_copy(cnt_v, counts_sh.at[sid])
    pltpu.sync_copy(loc_v, locs_sh.at[sid])
    plsc.subcore_barrier()

    nb = sid * NPT
    pltpu.sync_copy(counts_sh.at[:, pl.ds(nb, NPT)], cnt_t)
    pltpu.sync_copy(locs_sh.at[:, pl.ds(nb * KARY, NPT * KARY)], loc_t)

    @plsc.parallel_loop(0, NPT * KARY, step=L)
    def _(i):
        selT[pl.ds(i, L)] = jnp.zeros((L,), jnp.int32)

    @plsc.parallel_loop(0, NPT, step=L)
    def _(j):
        acc = jnp.zeros((L,), jnp.int32)
        for w in range(NS):
            acc = acc + jnp.minimum(cnt_t[w, pl.ds(j, L)], KARY)
        len_t[pl.ds(j, L)] = jnp.minimum(acc, KARY)

    @plsc.parallel_loop(0, NPT, unroll=2)
    def _(j):
        jv = jnp.full((L,), j, jnp.int32)
        col = plsc.load_gather(cnt_t, [lanes, jv])
        cc = jnp.minimum(col, KARY)
        off = plsc.cumsum(cc) - cc
        for k in range(KARY):
            vals = plsc.load_gather(loc_t, [lanes, jv * KARY + k])
            pos = off + k
            m = (k < cc) & (pos < KARY)
            plsc.store_scatter(selT, [pos * NPT + j], vals, mask=m)

    pltpu.sync_copy(len_t, len_hbm.at[pl.ds(lo + nb, NPT)])
    for t in range(KARY):
        pltpu.sync_copy(selT.at[pl.ds(t * NPT, NPT)],
                        selT_hbm.at[pl.ds(t * N + lo + nb, NPT)])


def _sc_build(src, dst):
    mesh = plsc.VectorSubcoreMesh(core_axis_name="c", subcore_axis_name="s")
    kern = pl.kernel(
        _sc_build_body,
        out_type=[
            jax.ShapeDtypeStruct((KARY * N,), jnp.int32),
            jax.ShapeDtypeStruct((N,), jnp.int32),
        ],
        mesh=mesh,
        scratch_types=[
            pltpu.VMEM((CHUNK,), jnp.int32),
            pltpu.VMEM((CHUNK,), jnp.int32),
            pltpu.VMEM((HALF,), jnp.int32),
            pltpu.VMEM((HALF * KARY,), jnp.int32),
            pltpu.VMEM((NS, NPT), jnp.int32),
            pltpu.VMEM((NS, NPT * KARY), jnp.int32),
            pltpu.VMEM((NPT * KARY,), jnp.int32),
            pltpu.VMEM((NPT,), jnp.int32),
            pltpu.VMEM_SHARED((NS, HALF), jnp.int32),
            pltpu.VMEM_SHARED((NS, HALF * KARY), jnp.int32),
        ],
        compiler_params=pltpu.CompilerParams(needs_layout_passes=False),
    )
    return kern(src, dst)


STAGES = (1024, 3072)
NW = NC * NS


def _sc_gather_body(base, npq, x_hbm, selT_hbm, feats_hbm, sel_v, rows_v,
                    sem):
    cid = lax.axis_index("c")
    sid = lax.axis_index("s")
    wid = sid * NC + cid
    gbase = base + wid * npq
    obase = wid * npq
    w1 = [pltpu.async_copy(selT_hbm.at[pl.ds(t * N + gbase, npq)],
                           sel_v.at[pl.ds(t * npq, npq)], sem)
          for t in range(KARY)]
    for c in w1:
        c.wait()
    w2 = [pltpu.async_copy(x_hbm.at[sel_v.at[pl.ds(t * npq, npq)]],
                           rows_v.at[pl.ds(t * npq, npq)], sem)
          for t in range(KARY)]
    for c in w2:
        c.wait()
    w3 = [pltpu.async_copy(rows_v.at[pl.ds(t * npq, npq)],
                           feats_hbm.at[t, pl.ds(obase, npq)], sem)
          for t in range(KARY)]
    for c in w3:
        c.wait()


def _sc_gather(x_pk, selT, base, count):
    npq = count // NW
    mesh = plsc.VectorSubcoreMesh(core_axis_name="c", subcore_axis_name="s")
    kern = pl.kernel(
        functools.partial(_sc_gather_body, base, npq),
        out_type=jax.ShapeDtypeStruct((KARY, count, F // 2), jnp.int32),
        mesh=mesh,
        scratch_types=[
            pltpu.VMEM((KARY * npq,), jnp.int32),
            pltpu.VMEM((KARY * npq, F // 2), jnp.int32),
            pltpu.SemaphoreType.DMA,
        ],
        compiler_params=pltpu.CompilerParams(needs_layout_passes=False),
    )
    return kern(x_pk, selT)


def _pack_body(x_ref, wih_ref, whh_ref, wout_ref, xpk_ref, wihb_ref, whhb_ref,
               woutb_ref):
    xa = lax.bitcast_convert_type(x_ref[:, :F // 2], jnp.int32)
    xb = lax.bitcast_convert_type(x_ref[:, F // 2:], jnp.int32)
    half = jnp.int32(0x8000)
    lo = ((xa + half) >> 16) & jnp.int32(0xFFFF)
    hi = (xb + half) & jnp.int32(-65536)
    xpk_ref[...] = lo | hi
    bf = jnp.bfloat16
    wihb_ref[...] = wih_ref[...].astype(bf)
    whhb_ref[...] = whh_ref[...].astype(bf)
    woutb_ref[...] = wout_ref[...].astype(bf)


def _tc_pack(x, W_ih, W_hh, W_out):
    bf = jnp.bfloat16
    return pl.pallas_call(
        _pack_body,
        out_shape=[
            jax.ShapeDtypeStruct((N, F // 2), jnp.int32),
            jax.ShapeDtypeStruct((4 * F, F), bf),
            jax.ShapeDtypeStruct((4 * F, F), bf),
            jax.ShapeDtypeStruct((2 * F, OUT), bf),
        ],
    )(x, W_ih, W_hh, W_out)


def _dot_t(a, w):
    return lax.dot_general(a, w, (((1,), (1,)), ((), ())),
                           preferred_element_type=jnp.float32)


def _tc_body(x_ref, feats_ref, len_ref, wih_ref, whh_ref, bih_ref,
             bhh_ref, wout_ref, bout_ref, out_ref):
    xb = x_ref[...]
    b = bih_ref[...] + bhh_ref[...]
    lens = len_ref[...]
    blk = xb.shape[0]
    c = jnp.zeros((blk, F), jnp.float32)
    h = jnp.zeros((blk, F), jnp.float32)
    bf = jnp.bfloat16
    for t in range(KARY):
        fi = feats_ref[t]
        ft_lo = lax.bitcast_convert_type(fi << 16, jnp.float32).astype(bf)
        ft_hi = lax.bitcast_convert_type(fi & jnp.int32(-65536),
                                         jnp.float32).astype(bf)
        gates = (_dot_t(ft_lo, wih_ref[:, :F // 2])
                 + _dot_t(ft_hi, wih_ref[:, F // 2:]) + b)
        if t > 0:
            gates = gates + _dot_t(h.astype(bf), whh_ref[...])
        i_g = gates[:, :F]
        f_g = gates[:, F:2 * F]
        g_g = gates[:, 2 * F:3 * F]
        o_g = gates[:, 3 * F:]
        c_new = jax.nn.sigmoid(f_g) * c + jax.nn.sigmoid(i_g) * jnp.tanh(g_g)
        h_new = jax.nn.sigmoid(o_g) * jnp.tanh(c_new)
        m = t < lens
        c = jnp.where(m, c_new, c)
        h = jnp.where(m, h_new, h)
    y = (jnp.dot(xb.astype(bf), wout_ref[:F],
                 preferred_element_type=jnp.float32)
         + jnp.dot(c.astype(bf), wout_ref[F:],
                   preferred_element_type=jnp.float32)
         + bout_ref[...])
    out_ref[...] = jax.nn.sigmoid(y)


def _tc_lstm(x, feats, lens, wihb, whhb, bih, bhh, woutb, bout, base, count):
    B = 512
    hb = base // B
    grid = (count // B,)
    return pl.pallas_call(
        _tc_body,
        grid=grid,
        in_specs=[
            pl.BlockSpec((B, F), lambda i: (i + hb, 0)),
            pl.BlockSpec((KARY, B, F // 2), lambda i: (0, i, 0)),
            pl.BlockSpec((B, 1), lambda i: (i + hb, 0)),
            pl.BlockSpec((4 * F, F), lambda i: (0, 0)),
            pl.BlockSpec((4 * F, F), lambda i: (0, 0)),
            pl.BlockSpec((1, 4 * F), lambda i: (0, 0)),
            pl.BlockSpec((1, 4 * F), lambda i: (0, 0)),
            pl.BlockSpec((2 * F, OUT), lambda i: (0, 0)),
            pl.BlockSpec((1, OUT), lambda i: (0, 0)),
        ],
        out_specs=pl.BlockSpec((B, OUT), lambda i: (i, 0)),
        out_shape=jax.ShapeDtypeStruct((count, OUT), jnp.float32),
        compiler_params=pltpu.CompilerParams(
            dimension_semantics=("arbitrary",)),
    )(x, feats, lens, wihb, whhb, bih, bhh, woutb, bout)


def kernel(node_feat_input, adjacency_input, indices, W_ih, W_hh, b_ih, b_hh,
           W_out, b_out):
    src = adjacency_input[:, 0]
    dst = adjacency_input[:, 1]
    x_pk, wihb, whhb, woutb = _tc_pack(node_feat_input, W_ih, W_hh, W_out)
    selT, lengths = _sc_build(src, dst)
    lens2 = lengths.reshape(N, 1)
    bih2 = b_ih.reshape(1, -1)
    bhh2 = b_hh.reshape(1, -1)
    bout2 = b_out.reshape(1, -1)
    outs = []
    base = 0
    for count in STAGES:
        feats_q = _sc_gather(x_pk, selT, base, count)
        outs.append(_tc_lstm(node_feat_input, feats_q, lens2, wihb, whhb,
                             bih2, bhh2, woutb, bout2, base, count))
        base += count
    return jnp.concatenate(outs, axis=0)

# --- scband reference (transcript-rebuilt; emitter-appended) ---
"""Pipeline reference for scband-sparse-janossy-62122406969953 (READ-ONLY COPY).

The authoritative reference and input builder live on the scoring server;
editing this copy changes nothing except your own understanding.
"""

import jax, jax.numpy as jnp
import numpy as np

N = 4096
E = 65536
F = 256
OUT = 128
KARY = 5


def setup_inputs(seed: int = 0) -> dict:
    key = jax.random.key(seed)
    ks = jax.random.split(key, 10)
    x = jax.random.normal(ks[0], (N, F), dtype=jnp.float32)
    adjacency = jax.random.randint(ks[1], (E, 2), 0, N, dtype=jnp.int32)
    indices = jnp.arange(N, dtype=jnp.int32)
    s = 1.0 / float(np.sqrt(F))
    W_ih = jax.random.uniform(ks[2], (4 * F, F), minval=-s, maxval=s, dtype=jnp.float32)
    W_hh = jax.random.uniform(ks[3], (4 * F, F), minval=-s, maxval=s, dtype=jnp.float32)
    b_ih = jax.random.uniform(ks[4], (4 * F,), minval=-s, maxval=s, dtype=jnp.float32)
    b_hh = jax.random.uniform(ks[5], (4 * F,), minval=-s, maxval=s, dtype=jnp.float32)
    s2 = float(np.sqrt(6.0 / (2 * F + OUT)))
    W_out = jax.random.uniform(ks[6], (2 * F, OUT), minval=-s2, maxval=s2, dtype=jnp.float32)
    b_out = jax.random.uniform(ks[7], (OUT,), minval=-s2, maxval=s2, dtype=jnp.float32)
    return {"node_feat_input": x, "adjacency_input": adjacency, "indices": indices,
            "W_ih": W_ih, "W_hh": W_hh, "b_ih": b_ih, "b_hh": b_hh,
            "W_out": W_out, "b_out": b_out}


def _build_neighbors(adjacency):
    # For each node i: neighbor list = dst of edges with src == i; keep first KARY
    # (deterministic stand-in for random.sample of up to kary neighbors).
    src = adjacency[:, 0]
    dst = adjacency[:, 1]
    order = jnp.argsort(src)  # stable sort
    src_s = src[order]
    dst_s = dst[order]
    counts = jnp.bincount(src, length=N)
    starts = jnp.cumsum(counts) - counts
    pos = jnp.arange(E) - starts[src_s]
    sel = jnp.zeros((N, KARY), dtype=dst.dtype).at[src_s, pos].set(dst_s, mode='drop')
    lengths = jnp.minimum(counts, KARY)
    return sel, lengths


def _lstm_cn(feats, lengths, W_ih, W_hh, b_ih, b_hh):
    # torch LSTM cell, packed-sequence semantics: state frozen past each sequence length.
    n = feats.shape[0]
    fh = W_hh.shape[1]
    h = jnp.zeros((n, fh), dtype=feats.dtype)
    c = jnp.zeros((n, fh), dtype=feats.dtype)
    for t in range(KARY):
        xt = feats[:, t, :]
        gates = xt @ W_ih.T + b_ih + h @ W_hh.T + b_hh
        i_g, f_g, g_g, o_g = jnp.split(gates, 4, axis=1)
        c_new = jax.nn.sigmoid(f_g) * c + jax.nn.sigmoid(i_g) * jnp.tanh(g_g)
        h_new = jax.nn.sigmoid(o_g) * jnp.tanh(c_new)
        m = (t < lengths)[:, None]
        c = jnp.where(m, c_new, c)
        h = jnp.where(m, h_new, h)
    return c


def reference(node_feat_input, adjacency_input, indices, W_ih, W_hh, b_ih, b_hh, W_out, b_out):
    sel, lengths = _build_neighbors(adjacency_input)
    feats = node_feat_input[sel]  # gather [N, KARY, F]
    c_n = _lstm_cn(feats, lengths, W_ih, W_hh, b_ih, b_hh)
    h_neigh = c_n  # training mode: n_perms = 1, h_neigh = sum / 1
    temp = jnp.concatenate([node_feat_input, h_neigh], axis=1) @ W_out + b_out
    return jax.nn.sigmoid(temp)

if __name__ == "__main__":
    import jax
    _d = setup_inputs()
    print(jax.jit(kernel)(*tuple(_d.values())))

</pallas_src>

<mosaic_0001>
#map = affine_map<(d0, d1) -> (0, 0)>
#map1 = affine_map<(d0, d1) -> (0)>
#map2 = affine_map<(d0, d1) -> (0, 0, 0)>
module attributes {stable_mosaic.version = 14 : i64} {
  func.func @_sc_gather_body(%arg0: i32, %arg1: i32, %arg2: memref<4096x128xi32, #tpu.memory_space<hbm>>, %arg3: memref<20480xi32, #tpu.memory_space<hbm>>, %arg4: memref<5x1024x128xi32, #tpu.memory_space<hbm>>, %arg5: memref<160xi32, #tpu.memory_space<vmem>>, %arg6: memref<160x128xi32, #tpu.memory_space<vmem>>, %arg7: memref<!tpu.dma_semaphore, #tpu.memory_space<semaphore_mem>>) attributes {dimension_semantics = [#tpu.dimension_semantics<core_parallel>, #tpu.dimension_semantics<subcore_parallel>], iteration_bounds = array<i64: 2, 16>, scalar_prefetch = 0 : i64, scratch_operands = 3 : i64, tpu.core_type = #tpu.core_type<sc_vector_subcore>, window_params = [{transform_indices = #map}, {transform_indices = #map1}, {transform_indices = #map2}]} {
    %mul3A = arith.constant 2 : i32
    %mul3A_0 = arith.muli %arg1, %mul3A : i32
    %add3A = arith.addi %mul3A_0, %arg0 : i32
    %mul3A_1 = arith.constant 32 : i32
    %mul3A_2 = arith.muli %add3A, %mul3A_1 : i32
    %add3A_3 = arith.constant 0 : i32
    %add3A_4 = arith.addi %add3A_3, %mul3A_2 : i32
    %mul3A_5 = arith.constant 32 : i32
    %mul3A_6 = arith.muli %add3A, %mul3A_5 : i32
    %add3A_7 = arith.constant 0 : i32
    %add3A_8 = arith.addi %add3A_7, %add3A_4 : i32
    %dma_start3A = arith.constant 0 : i32
    %dma_start3A_9 = tpu.memref_slice %arg5[%dma_start3A] : memref<160xi32, #tpu.memory_space<vmem>> -> memref<32xi32, #tpu.memory_space<vmem>>
    %dma_start3A_10 = tpu.memref_slice %arg3[%add3A_8] : memref<20480xi32, #tpu.memory_space<hbm>> -> memref<32xi32, #tpu.memory_space<hbm>>
    %dma_start3A_11 = arith.constant 0 : i32
    %dma_start3A_12 = tpu.memref_slice %arg5[%dma_start3A_11] : memref<160xi32, #tpu.memory_space<vmem>> -> memref<32xi32, #tpu.memory_space<vmem>>
    %dma_start3A_13 = tpu.memref_slice %arg3[%add3A_8] : memref<20480xi32, #tpu.memory_space<hbm>> -> memref<32xi32, #tpu.memory_space<hbm>>
    tpu.enqueue_dma source(%dma_start3A_13 : memref<32xi32, #tpu.memory_space<hbm>>) target(%dma_start3A_12 : memref<32xi32, #tpu.memory_space<vmem>>) target_semaphore(%arg7 : memref<!tpu.dma_semaphore, #tpu.memory_space<semaphore_mem>>)
    %add3A_14 = arith.constant 4096 : i32
    %add3A_15 = arith.addi %add3A_14, %add3A_4 : i32
    %dma_start3A_16 = arith.constant 32 : i32
    %dma_start3A_17 = tpu.memref_slice %arg5[%dma_start3A_16] : memref<160xi32, #tpu.memory_space<vmem>> -> memref<32xi32, #tpu.memory_space<vmem>>
    %dma_start3A_18 = tpu.memref_slice %arg3[%add3A_15] : memref<20480xi32, #tpu.memory_space<hbm>> -> memref<32xi32, #tpu.memory_space<hbm>>
    %dma_start3A_19 = arith.constant 32 : i32
    %dma_start3A_20 = tpu.memref_slice %arg5[%dma_start3A_19] : memref<160xi32, #tpu.memory_space<vmem>> -> memref<32xi32, #tpu.memory_space<vmem>>
    %dma_start3A_21 = tpu.memref_slice %arg3[%add3A_15] : memref<20480xi32, #tpu.memory_space<hbm>> -> memref<32xi32, #tpu.memory_space<hbm>>
    tpu.enqueue_dma source(%dma_start3A_21 : memref<32xi32, #tpu.memory_space<hbm>>) target(%dma_start3A_20 : memref<32xi32, #tpu.memory_space<vmem>>) target_semaphore(%arg7 : memref<!tpu.dma_semaphore, #tpu.memory_space<semaphore_mem>>)
    %add3A_22 = arith.constant 8192 : i32
    %add3A_23 = arith.addi %add3A_22, %add3A_4 : i32
    %dma_start3A_24 = arith.constant 64 : i32
    %dma_start3A_25 = tpu.memref_slice %arg5[%dma_start3A_24] : memref<160xi32, #tpu.memory_space<vmem>> -> memref<32xi32, #tpu.memory_space<vmem>>
    %dma_start3A_26 = tpu.memref_slice %arg3[%add3A_23] : memref<20480xi32, #tpu.memory_space<hbm>> -> memref<32xi32, #tpu.memory_space<hbm>>
    %dma_start3A_27 = arith.constant 64 : i32
    %dma_start3A_28 = tpu.memref_slice %arg5[%dma_start3A_27] : memref<160xi32, #tpu.memory_space<vmem>> -> memref<32xi32, #tpu.memory_space<vmem>>
    %dma_start3A_29 = tpu.memref_slice %arg3[%add3A_23] : memref<20480xi32, #tpu.memory_space<hbm>> -> memref<32xi32, #tpu.memory_space<hbm>>
    tpu.enqueue_dma source(%dma_start3A_29 : memref<32xi32, #tpu.memory_space<hbm>>) target(%dma_start3A_28 : memref<32xi32, #tpu.memory_space<vmem>>) target_semaphore(%arg7 : memref<!tpu.dma_semaphore, #tpu.memory_space<semaphore_mem>>)
    %add3A_30 = arith.constant 12288 : i32
    %add3A_31 = arith.addi %add3A_30, %add3A_4 : i32
    %dma_start3A_32 = arith.constant 96 : i32
    %dma_start3A_33 = tpu.memref_slice %arg5[%dma_start3A_32] : memref<160xi32, #tpu.memory_space<vmem>> -> memref<32xi32, #tpu.memory_space<vmem>>
    %dma_start3A_34 = tpu.memref_slice %arg3[%add3A_31] : memref<20480xi32, #tpu.memory_space<hbm>> -> memref<32xi32, #tpu.memory_space<hbm>>
    %dma_start3A_35 = arith.constant 96 : i32
    %dma_start3A_36 = tpu.memref_slice %arg5[%dma_start3A_35] : memref<160xi32, #tpu.memory_space<vmem>> -> memref<32xi32, #tpu.memory_space<vmem>>
    %dma_start3A_37 = tpu.memref_slice %arg3[%add3A_31] : memref<20480xi32, #tpu.memory_space<hbm>> -> memref<32xi32, #tpu.memory_space<hbm>>
    tpu.enqueue_dma source(%dma_start3A_37 : memref<32xi32, #tpu.memory_space<hbm>>) target(%dma_start3A_36 : memref<32xi32, #tpu.memory_space<vmem>>) target_semaphore(%arg7 : memref<!tpu.dma_semaphore, #tpu.memory_space<semaphore_mem>>)
    %add3A_38 = arith.constant 16384 : i32
    %add3A_39 = arith.addi %add3A_38, %add3A_4 : i32
    %dma_start3A_40 = arith.constant 128 : i32
    %dma_start3A_41 = tpu.memref_slice %arg5[%dma_start3A_40] : memref<160xi32, #tpu.memory_space<vmem>> -> memref<32xi32, #tpu.memory_space<vmem>>
    %dma_start3A_42 = tpu.memref_slice %arg3[%add3A_39] : memref<20480xi32, #tpu.memory_space<hbm>> -> memref<32xi32, #tpu.memory_space<hbm>>
    %dma_start3A_43 = arith.constant 128 : i32
    %dma_start3A_44 = tpu.memref_slice %arg5[%dma_start3A_43] : memref<160xi32, #tpu.memory_space<vmem>> -> memref<32xi32, #tpu.memory_space<vmem>>
    %dma_start3A_45 = tpu.memref_slice %arg3[%add3A_39] : memref<20480xi32, #tpu.memory_space<hbm>> -> memref<32xi32, #tpu.memory_space<hbm>>
    tpu.enqueue_dma source(%dma_start3A_45 : memref<32xi32, #tpu.memory_space<hbm>>) target(%dma_start3A_44 : memref<32xi32, #tpu.memory_space<vmem>>) target_semaphore(%arg7 : memref<!tpu.dma_semaphore, #tpu.memory_space<semaphore_mem>>)
    %dma_wait3A = arith.constant 0 : i32
    %dma_wait3A_46 = tpu.memref_slice %arg5[%dma_wait3A] : memref<160xi32, #tpu.memory_space<vmem>> -> memref<32xi32, #tpu.memory_space<vmem>>
    %dma_wait3A_47 = tpu.memref_slice %arg3[%add3A_8] : memref<20480xi32, #tpu.memory_space<hbm>> -> memref<32xi32, #tpu.memory_space<hbm>>
    %dma_wait3A_48 = arith.constant 0 : i32
    %dma_wait3A_49 = tpu.memref_slice %arg5[%dma_wait3A_48] : memref<160xi32, #tpu.memory_space<vmem>> -> memref<32xi32, #tpu.memory_space<vmem>>
    %dma_wait3A_50 = tpu.memref_slice %arg3[%add3A_8] : memref<20480xi32, #tpu.memory_space<hbm>> -> memref<32xi32, #tpu.memory_space<hbm>>
    tpu.wait_dma2 semaphore(%arg7 : memref<!tpu.dma_semaphore, #tpu.memory_space<semaphore_mem>>) src(%dma_wait3A_50 : memref<32xi32, #tpu.memory_space<hbm>>) dst(%dma_wait3A_49 : memref<32xi32, #tpu.memory_space<vmem>>)
    %dma_wait3A_51 = arith.constant 32 : i32
    %dma_wait3A_52 = tpu.memref_slice %arg5[%dma_wait3A_51] : memref<160xi32, #tpu.memory_space<vmem>> -> memref<32xi32, #tpu.memory_space<vmem>>
    %dma_wait3A_53 = tpu.memref_slice %arg3[%add3A_15] : memref<20480xi32, #tpu.memory_space<hbm>> -> memref<32xi32, #tpu.memory_space<hbm>>
    %dma_wait3A_54 = arith.constant 32 : i32
    %dma_wait3A_55 = tpu.memref_slice %arg5[%dma_wait3A_54] : memref<160xi32, #tpu.memory_space<vmem>> -> memref<32xi32, #tpu.memory_space<vmem>>
    %dma_wait3A_56 = tpu.memref_slice %arg3[%add3A_15] : memref<20480xi32, #tpu.memory_space<hbm>> -> memref<32xi32, #tpu.memory_space<hbm>>
    tpu.wait_dma2 semaphore(%arg7 : memref<!tpu.dma_semaphore, #tpu.memory_space<semaphore_mem>>) src(%dma_wait3A_56 : memref<32xi32, #tpu.memory_space<hbm>>) dst(%dma_wait3A_55 : memref<32xi32, #tpu.memory_space<vmem>>)
    %dma_wait3A_57 = arith.constant 64 : i32
    %dma_wait3A_58 = tpu.memref_slice %arg5[%dma_wait3A_57] : memref<160xi32, #tpu.memory_space<vmem>> -> memref<32xi32, #tpu.memory_space<vmem>>
    %dma_wait3A_59 = tpu.memref_slice %arg3[%add3A_23] : memref<20480xi32, #tpu.memory_space<hbm>> -> memref<32xi32, #tpu.memory_space<hbm>>
    %dma_wait3A_60 = arith.constant 64 : i32
    %dma_wait3A_61 = tpu.memref_slice %arg5[%dma_wait3A_60] : memref<160xi32, #tpu.memory_space<vmem>> -> memref<32xi32, #tpu.memory_space<vmem>>
    %dma_wait3A_62 = tpu.memref_slice %arg3[%add3A_23] : memref<20480xi32, #tpu.memory_space<hbm>> -> memref<32xi32, #tpu.memory_space<hbm>>
    tpu.wait_dma2 semaphore(%arg7 : memref<!tpu.dma_semaphore, #tpu.memory_space<semaphore_mem>>) src(%dma_wait3A_62 : memref<32xi32, #tpu.memory_space<hbm>>) dst(%dma_wait3A_61 : memref<32xi32, #tpu.memory_space<vmem>>)
    %dma_wait3A_63 = arith.constant 96 : i32
    %dma_wait3A_64 = tpu.memref_slice %arg5[%dma_wait3A_63] : memref<160xi32, #tpu.memory_space<vmem>> -> memref<32xi32, #tpu.memory_space<vmem>>
    %dma_wait3A_65 = tpu.memref_slice %arg3[%add3A_31] : memref<20480xi32, #tpu.memory_space<hbm>> -> memref<32xi32, #tpu.memory_space<hbm>>
    %dma_wait3A_66 = arith.constant 96 : i32
    %dma_wait3A_67 = tpu.memref_slice %arg5[%dma_wait3A_66] : memref<160xi32, #tpu.memory_space<vmem>> -> memref<32xi32, #tpu.memory_space<vmem>>
    %dma_wait3A_68 = tpu.memref_slice %arg3[%add3A_31] : memref<20480xi32, #tpu.memory_space<hbm>> -> memref<32xi32, #tpu.memory_space<hbm>>
    tpu.wait_dma2 semaphore(%arg7 : memref<!tpu.dma_semaphore, #tpu.memory_space<semaphore_mem>>) src(%dma_wait3A_68 : memref<32xi32, #tpu.memory_space<hbm>>) dst(%dma_wait3A_67 : memref<32xi32, #tpu.memory_space<vmem>>)
    %dma_wait3A_69 = arith.constant 128 : i32
    %dma_wait3A_70 = tpu.memref_slice %arg5[%dma_wait3A_69] : memref<160xi32, #tpu.memory_space<vmem>> -> memref<32xi32, #tpu.memory_space<vmem>>
    %dma_wait3A_71 = tpu.memref_slice %arg3[%add3A_39] : memref<20480xi32, #tpu.memory_space<hbm>> -> memref<32xi32, #tpu.memory_space<hbm>>
    %dma_wait3A_72 = arith.constant 128 : i32
    %dma_wait3A_73 = tpu.memref_slice %arg5[%dma_wait3A_72] : memref<160xi32, #tpu.memory_space<vmem>> -> memref<32xi32, #tpu.memory_space<vmem>>
    %dma_wait3A_74 = tpu.memref_slice %arg3[%add3A_39] : memref<20480xi32, #tpu.memory_space<hbm>> -> memref<32xi32, #tpu.memory_space<hbm>>
    tpu.wait_dma2 semaphore(%arg7 : memref<!tpu.dma_semaphore, #tpu.memory_space<semaphore_mem>>) src(%dma_wait3A_74 : memref<32xi32, #tpu.memory_space<hbm>>) dst(%dma_wait3A_73 : memref<32xi32, #tpu.memory_space<vmem>>)
    %dma_start3A_75 = arith.constant 0 : i32
    %dma_start3A_76 = arith.constant 0 : i32
    %dma_start3A_77 = tpu.memref_slice %arg6[%dma_start3A_75, %dma_start3A_76] : memref<160x128xi32, #tpu.memory_space<vmem>> -> memref<32x128xi32, #tpu.memory_space<vmem>>
    %dma_start3A_78 = arith.constant 0 : i32
    %dma_start3A_79 = tpu.memref_slice %arg5[%dma_start3A_78] : memref<160xi32, #tpu.memory_space<vmem>> -> memref<32xi32, #tpu.memory_space<vmem>>
    %dma_start3A_80 = arith.constant 0 : i32
    %dma_start3A_81 = arith.constant 0 : i32
    %dma_start3A_82 = tpu.memref_slice %arg2[%dma_start3A_80, %dma_start3A_81] : memref<4096x128xi32, #tpu.memory_space<hbm>> -> memref<4096x128xi32, #tpu.memory_space<hbm>>
    tpu.enqueue_indirect_dma source(%dma_start3A_82 : memref<4096x128xi32, #tpu.memory_space<hbm>>) target(%dma_start3A_77 : memref<32x128xi32, #tpu.memory_space<vmem>>) offsets(%dma_start3A_79 : memref<32xi32, #tpu.memory_space<vmem>>) semaphore(%arg7 : memref<!tpu.dma_semaphore, #tpu.memory_space<semaphore_mem>>)
    %dma_start3A_83 = arith.constant 32 : i32
    %dma_start3A_84 = arith.constant 0 : i32
    %dma_start3A_85 = tpu.memref_slice %arg6[%dma_start3A_83, %dma_start3A_84] : memref<160x128xi32, #tpu.memory_space<vmem>> -> memref<32x128xi32, #tpu.memory_space<vmem>>
    %dma_start3A_86 = arith.constant 32 : i32
    %dma_start3A_87 = tpu.memref_slice %arg5[%dma_start3A_86] : memref<160xi32, #tpu.memory_space<vmem>> -> memref<32xi32, #tpu.memory_space<vmem>>
    %dma_start3A_88 = arith.constant 0 : i32
    %dma_start3A_89 = arith.constant 0 : i32
    %dma_start3A_90 = tpu.memref_slice %arg2[%dma_start3A_88, %dma_start3A_89] : memref<4096x128xi32, #tpu.memory_space<hbm>> -> memref<4096x128xi32, #tpu.memory_space<hbm>>
    tpu.enqueue_indirect_dma source(%dma_start3A_90 : memref<4096x128xi32, #tpu.memory_space<hbm>>) target(%dma_start3A_85 : memref<32x128xi32, #tpu.memory_space<vmem>>) offsets(%dma_start3A_87 : memref<32xi32, #tpu.memory_space<vmem>>) semaphore(%arg7 : memref<!tpu.dma_semaphore, #tpu.memory_space<semaphore_mem>>)
    %dma_start3A_91 = arith.constant 64 : i32
    %dma_start3A_92 = arith.constant 0 : i32
    %dma_start3A_93 = tpu.memref_slice %arg6[%dma_start3A_91, %dma_start3A_92] : memref<160x128xi32, #tpu.memory_space<vmem>> -> memref<32x128xi32, #tpu.memory_space<vmem>>
    %dma_start3A_94 = arith.constant 64 : i32
    %dma_start3A_95 = tpu.memref_slice %arg5[%dma_start3A_94] : memref<160xi32, #tpu.memory_space<vmem>> -> memref<32xi32, #tpu.memory_space<vmem>>
    %dma_start3A_96 = arith.constant 0 : i32
    %dma_start3A_97 = arith.constant 0 : i32
    %dma_start3A_98 = tpu.memref_slice %arg2[%dma_start3A_96, %dma_start3A_97] : memref<4096x128xi32, #tpu.memory_space<hbm>> -> memref<4096x128xi32, #tpu.memory_space<hbm>>
    tpu.enqueue_indirect_dma source(%dma_start3A_98 : memref<4096x128xi32, #tpu.memory_space<hbm>>) target(%dma_start3A_93 : memref<32x128xi32, #tpu.memory_space<vmem>>) offsets(%dma_start3A_95 : memref<32xi32, #tpu.memory_space<vmem>>) semaphore(%arg7 : memref<!tpu.dma_semaphore, #tpu.memory_space<semaphore_mem>>)
    %dma_start3A_99 = arith.constant 96 : i32
    %dma_start3A_100 = arith.constant 0 : i32
    %dma_start3A_101 = tpu.memref_slice %arg6[%dma_start3A_99, %dma_start3A_100] : memref<160x128xi32, #tpu.memory_space<vmem>> -> memref<32x128xi32, #tpu.memory_space<vmem>>
    %dma_start3A_102 = arith.constant 96 : i32
    %dma_start3A_103 = tpu.memref_slice %arg5[%dma_start3A_102] : memref<160xi32, #tpu.memory_space<vmem>> -> memref<32xi32, #tpu.memory_space<vmem>>
    %dma_start3A_104 = arith.constant 0 : i32
    %dma_start3A_105 = arith.constant 0 : i32
    %dma_start3A_106 = tpu.memref_slice %arg2[%dma_start3A_104, %dma_start3A_105] : memref<4096x128xi32, #tpu.memory_space<hbm>> -> memref<4096x128xi32, #tpu.memory_space<hbm>>
    tpu.enqueue_indirect_dma source(%dma_start3A_106 : memref<4096x128xi32, #tpu.memory_space<hbm>>) target(%dma_start3A_101 : memref<32x128xi32, #tpu.memory_space<vmem>>) offsets(%dma_start3A_103 : memref<32xi32, #tpu.memory_space<vmem>>) semaphore(%arg7 : memref<!tpu.dma_semaphore, #tpu.memory_space<semaphore_mem>>)
    %dma_start3A_107 = arith.constant 128 : i32
    %dma_start3A_108 = arith.constant 0 : i32
    %dma_start3A_109 = tpu.memref_slice %arg6[%dma_start3A_107, %dma_start3A_108] : memref<160x128xi32, #tpu.memory_space<vmem>> -> memref<32x128xi32, #tpu.memory_space<vmem>>
    %dma_start3A_110 = arith.constant 128 : i32
    %dma_start3A_111 = tpu.memref_slice %arg5[%dma_start3A_110] : memref<160xi32, #tpu.memory_space<vmem>> -> memref<32xi32, #tpu.memory_space<vmem>>
    %dma_start3A_112 = arith.constant 0 : i32
    %dma_start3A_113 = arith.constant 0 : i32
    %dma_start3A_114 = tpu.memref_slice %arg2[%dma_start3A_112, %dma_start3A_113] : memref<4096x128xi32, #tpu.memory_space<hbm>> -> memref<4096x128xi32, #tpu.memory_space<hbm>>
    tpu.enqueue_indirect_dma source(%dma_start3A_114 : memref<4096x128xi32, #tpu.memory_space<hbm>>) target(%dma_start3A_109 : memref<32x128xi32, #tpu.memory_space<vmem>>) offsets(%dma_start3A_111 : memref<32xi32, #tpu.memory_space<vmem>>) semaphore(%arg7 : memref<!tpu.dma_semaphore, #tpu.memory_space<semaphore_mem>>)
    %dma_wait3A_115 = arith.constant 0 : i32
    %dma_wait3A_116 = arith.constant 0 : i32
    %dma_wait3A_117 = tpu.memref_slice %arg6[%dma_wait3A_115, %dma_wait3A_116] : memref<160x128xi32, #tpu.memory_space<vmem>> -> memref<32x128xi32, #tpu.memory_space<vmem>>
    %dma_wait3A_118 = arith.constant 0 : i32
    %dma_wait3A_119 = tpu.memref_slice %arg5[%dma_wait3A_118] : memref<160xi32, #tpu.memory_space<vmem>> -> memref<32xi32, #tpu.memory_space<vmem>>
    %dma_wait3A_120 = arith.constant 0 : i32
    %dma_wait3A_121 = arith.constant 0 : i32
    %dma_wait3A_122 = tpu.memref_slice %arg2[%dma_wait3A_120, %dma_wait3A_121] : memref<4096x128xi32, #tpu.memory_space<hbm>> -> memref<4096x128xi32, #tpu.memory_space<hbm>>
    tpu.wait_indirect_dma semaphore(%arg7 : memref<!tpu.dma_semaphore, #tpu.memory_space<semaphore_mem>>) src(%dma_wait3A_122 : memref<4096x128xi32, #tpu.memory_space<hbm>>) dst(%dma_wait3A_117 : memref<32x128xi32, #tpu.memory_space<vmem>>)
    %dma_wait3A_123 = arith.constant 32 : i32
    %dma_wait3A_124 = arith.constant 0 : i32
    %dma_wait3A_125 = tpu.memref_slice %arg6[%dma_wait3A_123, %dma_wait3A_124] : memref<160x128xi32, #tpu.memory_space<vmem>> -> memref<32x128xi32, #tpu.memory_space<vmem>>
    %dma_wait3A_126 = arith.constant 32 : i32
    %dma_wait3A_127 = tpu.memref_slice %arg5[%dma_wait3A_126] : memref<160xi32, #tpu.memory_space<vmem>> -> memref<32xi32, #tpu.memory_space<vmem>>
    %dma_wait3A_128 = arith.constant 0 : i32
    %dma_wait3A_129 = arith.constant 0 : i32
    %dma_wait3A_130 = tpu.memref_slice %arg2[%dma_wait3A_128, %dma_wait3A_129] : memref<4096x128xi32, #tpu.memory_space<hbm>> -> memref<4096x128xi32, #tpu.memory_space<hbm>>
    tpu.wait_indirect_dma semaphore(%arg7 : memref<!tpu.dma_semaphore, #tpu.memory_space<semaphore_mem>>) src(%dma_wait3A_130 : memref<4096x128xi32, #tpu.memory_space<hbm>>) dst(%dma_wait3A_125 : memref<32x128xi32, #tpu.memory_space<vmem>>)
    %dma_wait3A_131 = arith.constant 64 : i32
    %dma_wait3A_132 = arith.constant 0 : i32
    %dma_wait3A_133 = tpu.memref_slice %arg6[%dma_wait3A_131, %dma_wait3A_132] : memref<160x128xi32, #tpu.memory_space<vmem>> -> memref<32x128xi32, #tpu.memory_space<vmem>>
    %dma_wait3A_134 = arith.constant 64 : i32
    %dma_wait3A_135 = tpu.memref_slice %arg5[%dma_wait3A_134] : memref<160xi32, #tpu.memory_space<vmem>> -> memref<32xi32, #tpu.memory_space<vmem>>
    %dma_wait3A_136 = arith.constant 0 : i32
    %dma_wait3A_137 = arith.constant 0 : i32
    %dma_wait3A_138 = tpu.memref_slice %arg2[%dma_wait3A_136, %dma_wait3A_137] : memref<4096x128xi32, #tpu.memory_space<hbm>> -> memref<4096x128xi32, #tpu.memory_space<hbm>>
    tpu.wait_indirect_dma semaphore(%arg7 : memref<!tpu.dma_semaphore, #tpu.memory_space<semaphore_mem>>) src(%dma_wait3A_138 : memref<4096x128xi32, #tpu.memory_space<hbm>>) dst(%dma_wait3A_133 : memref<32x128xi32, #tpu.memory_space<vmem>>)
    %dma_wait3A_139 = arith.constant 96 : i32
    %dma_wait3A_140 = arith.constant 0 : i32
    %dma_wait3A_141 = tpu.memref_slice %arg6[%dma_wait3A_139, %dma_wait3A_140] : memref<160x128xi32, #tpu.memory_space<vmem>> -> memref<32x128xi32, #tpu.memory_space<vmem>>
    %dma_wait3A_142 = arith.constant 96 : i32
    %dma_wait3A_143 = tpu.memref_slice %arg5[%dma_wait3A_142] : memref<160xi32, #tpu.memory_space<vmem>> -> memref<32xi32, #tpu.memory_space<vmem>>
    %dma_wait3A_144 = arith.constant 0 : i32
    %dma_wait3A_145 = arith.constant 0 : i32
    %dma_wait3A_146 = tpu.memref_slice %arg2[%dma_wait3A_144, %dma_wait3A_145] : memref<4096x128xi32, #tpu.memory_space<hbm>> -> memref<4096x128xi32, #tpu.memory_space<hbm>>
    tpu.wait_indirect_dma semaphore(%arg7 : memref<!tpu.dma_semaphore, #tpu.memory_space<semaphore_mem>>) src(%dma_wait3A_146 : memref<4096x128xi32, #tpu.memory_space<hbm>>) dst(%dma_wait3A_141 : memref<32x128xi32, #tpu.memory_space<vmem>>)
    %dma_wait3A_147 = arith.constant 128 : i32
    %dma_wait3A_148 = arith.constant 0 : i32
    %dma_wait3A_149 = tpu.memref_slice %arg6[%dma_wait3A_147, %dma_wait3A_148] : memref<160x128xi32, #tpu.memory_space<vmem>> -> memref<32x128xi32, #tpu.memory_space<vmem>>
    %dma_wait3A_150 = arith.constant 128 : i32
    %dma_wait3A_151 = tpu.memref_slice %arg5[%dma_wait3A_150] : memref<160xi32, #tpu.memory_space<vmem>> -> memref<32xi32, #tpu.memory_space<vmem>>
    %dma_wait3A_152 = arith.constant 0 : i32
    %dma_wait3A_153 = arith.constant 0 : i32
    %dma_wait3A_154 = tpu.memref_slice %arg2[%dma_wait3A_152, %dma_wait3A_153] : memref<4096x128xi32, #tpu.memory_space<hbm>> -> memref<4096x128xi32, #tpu.memory_space<hbm>>
    tpu.wait_indirect_dma semaphore(%arg7 : memref<!tpu.dma_semaphore, #tpu.memory_space<semaphore_mem>>) src(%dma_wait3A_154 : memref<4096x128xi32, #tpu.memory_space<hbm>>) dst(%dma_wait3A_149 : memref<32x128xi32, #tpu.memory_space<vmem>>)
    %dma_start3A_155 = arith.constant 0 : i32
    %dma_start3A_156 = arith.constant 0 : i32
    %dma_start3A_157 = arith.constant 0 : i32
    %dma_start3A_158 = tpu.memref_slice %arg6[%dma_start3A_156, %dma_start3A_157] : memref<160x128xi32, #tpu.memory_space<vmem>> -> memref<32x128xi32, #tpu.memory_space<vmem>>
    %dma_start3A_159 = arith.constant 0 : i32
    %dma_start3A_160 = tpu.memref_slice %arg4[%dma_start3A_155, %mul3A_6, %dma_start3A_159] : memref<5x1024x128xi32, #tpu.memory_space<hbm>> -> memref<1x32x128xi32, #tpu.memory_space<hbm>>
    %dma_start3A_161 = tpu.memref_squeeze %dma_start3A_160 : memref<1x32x128xi32, #tpu.memory_space<hbm>> -> memref<32x128xi32, #tpu.memory_space<hbm>>
    %dma_start3A_162 = arith.constant 0 : i32
    %dma_start3A_163 = tpu.memref_slice %arg4[%dma_start3A_155, %mul3A_6, %dma_start3A_162] : memref<5x1024x128xi32, #tpu.memory_space<hbm>> -> memref<1x32x128xi32, #tpu.memory_space<hbm>>
    %dma_start3A_164 = tpu.memref_squeeze %dma_start3A_163 : memref<1x32x128xi32, #tpu.memory_space<hbm>> -> memref<32x128xi32, #tpu.memory_space<hbm>>
    %dma_start3A_165 = arith.constant 0 : i32
    %dma_start3A_166 = arith.constant 0 : i32
    %dma_start3A_167 = tpu.memref_slice %arg6[%dma_start3A_165, %dma_start3A_166] : memref<160x128xi32, #tpu.memory_space<vmem>> -> memref<32x128xi32, #tpu.memory_space<vmem>>
    tpu.enqueue_dma source(%dma_start3A_167 : memref<32x128xi32, #tpu.memory_space<vmem>>) target(%dma_start3A_164 : memref<32x128xi32, #tpu.memory_space<hbm>>) target_semaphore(%arg7 : memref<!tpu.dma_semaphore, #tpu.memory_space<semaphore_mem>>)
    %dma_start3A_168 = arith.constant 1 : i32
    %dma_start3A_169 = arith.constant 32 : i32
    %dma_start3A_170 = arith.constant 0 : i32
    %dma_start3A_171 = tpu.memref_slice %arg6[%dma_start3A_169, %dma_start3A_170] : memref<160x128xi32, #tpu.memory_space<vmem>> -> memref<32x128xi32, #tpu.memory_space<vmem>>
    %dma_start3A_172 = arith.constant 0 : i32
    %dma_start3A_173 = tpu.memref_slice %arg4[%dma_start3A_168, %mul3A_6, %dma_start3A_172] : memref<5x1024x128xi32, #tpu.memory_space<hbm>> -> memref<1x32x128xi32, #tpu.memory_space<hbm>>
    %dma_start3A_174 = tpu.memref_squeeze %dma_start3A_173 : memref<1x32x128xi32, #tpu.memory_space<hbm>> -> memref<32x128xi32, #tpu.memory_space<hbm>>
    %dma_start3A_175 = arith.constant 0 : i32
    %dma_start3A_176 = tpu.memref_slice %arg4[%dma_start3A_168, %mul3A_6, %dma_start3A_175] : memref<5x1024x128xi32, #tpu.memory_space<hbm>> -> memref<1x32x128xi32, #tpu.memory_space<hbm>>
    %dma_start3A_177 = tpu.memref_squeeze %dma_start3A_176 : memref<1x32x128xi32, #tpu.memory_space<hbm>> -> memref<32x128xi32, #tpu.memory_space<hbm>>
    %dma_start3A_178 = arith.constant 32 : i32
    %dma_start3A_179 = arith.constant 0 : i32
    %dma_start3A_180 = tpu.memref_slice %arg6[%dma_start3A_178, %dma_start3A_179] : memref<160x128xi32, #tpu.memory_space<vmem>> -> memref<32x128xi32, #tpu.memory_space<vmem>>
    tpu.enqueue_dma source(%dma_start3A_180 : memref<32x128xi32, #tpu.memory_space<vmem>>) target(%dma_start3A_177 : memref<32x128xi32, #tpu.memory_space<hbm>>) target_semaphore(%arg7 : memref<!tpu.dma_semaphore, #tpu.memory_space<semaphore_mem>>)
    %dma_start3A_181 = arith.constant 2 : i32
    %dma_start3A_182 = arith.constant 64 : i32
    %dma_start3A_183 = arith.constant 0 : i32
    %dma_start3A_184 = tpu.memref_slice %arg6[%dma_start3A_182, %dma_start3A_183] : memref<160x128xi32, #tpu.memory_space<vmem>> -> memref<32x128xi32, #tpu.memory_space<vmem>>
    %dma_start3A_185 = arith.constant 0 : i32
    %dma_start3A_186 = tpu.memref_slice %arg4[%dma_start3A_181, %mul3A_6, %dma_start3A_185] : memref<5x1024x128xi32, #tpu.memory_space<hbm>> -> memref<1x32x128xi32, #tpu.memory_space<hbm>>
    %dma_start3A_187 = tpu.memref_squeeze %dma_start3A_186 : memref<1x32x128xi32, #tpu.memory_space<hbm>> -> memref<32x128xi32, #tpu.memory_space<hbm>>
    %dma_start3A_188 = arith.constant 0 : i32
    %dma_start3A_189 = tpu.memref_slice %arg4[%dma_start3A_181, %mul3A_6, %dma_start3A_188] : memref<5x1024x128xi32, #tpu.memory_space<hbm>> -> memref<1x32x128xi32, #tpu.memory_space<hbm>>
    %dma_start3A_190 = tpu.memref_squeeze %dma_start3A_189 : memref<1x32x128xi32, #tpu.memory_space<hbm>> -> memref<32x128xi32, #tpu.memory_space<hbm>>
    %dma_start3A_191 = arith.constant 64 : i32
    %dma_start3A_192 = arith.constant 0 : i32
    %dma_start3A_193 = tpu.memref_slice %arg6[%dma_start3A_191, %dma_start3A_192] : memref<160x128xi32, #tpu.memory_space<vmem>> -> memref<32x128xi32, #tpu.memory_space<vmem>>
    tpu.enqueue_dma source(%dma_start3A_193 : memref<32x128xi32, #tpu.memory_space<vmem>>) target(%dma_start3A_190 : memref<32x128xi32, #tpu.memory_space<hbm>>) target_semaphore(%arg7 : memref<!tpu.dma_semaphore, #tpu.memory_space<semaphore_mem>>)
    %dma_start3A_194 = arith.constant 3 : i32
    %dma_start3A_195 = arith.constant 96 : i32
    %dma_start3A_196 = arith.constant 0 : i32
    %dma_start3A_197 = tpu.memref_slice %arg6[%dma_start3A_195, %dma_start3A_196] : memref<160x128xi32, #tpu.memory_space<vmem>> -> memref<32x128xi32, #tpu.memory_space<vmem>>
    %dma_start3A_198 = arith.constant 0 : i32
    %dma_start3A_199 = tpu.memref_slice %arg4[%dma_start3A_194, %mul3A_6, %dma_start3A_198] : memref<5x1024x128xi32, #tpu.memory_space<hbm>> -> memref<1x32x128xi32, #tpu.memory_space<hbm>>
    %dma_start3A_200 = tpu.memref_squeeze %dma_start3A_199 : memref<1x32x128xi32, #tpu.memory_space<hbm>> -> memref<32x128xi32, #tpu.memory_space<hbm>>
    %dma_start3A_201 = arith.constant 0 : i32
    %dma_start3A_202 = tpu.memref_slice %arg4[%dma_start3A_194, %mul3A_6, %dma_start3A_201] : memref<5x1024x128xi32, #tpu.memory_space<hbm>> -> memref<1x32x128xi32, #tpu.memory_space<hbm>>
    %dma_start3A_203 = tpu.memref_squeeze %dma_start3A_202 : memref<1x32x128xi32, #tpu.memory_space<hbm>> -> memref<32x128xi32, #tpu.memory_space<hbm>>
    %dma_start3A_204 = arith.constant 96 : i32
    %dma_start3A_205 = arith.constant 0 : i32
    %dma_start3A_206 = tpu.memref_slice %arg6[%dma_start3A_204, %dma_start3A_205] : memref<160x128xi32, #tpu.memory_space<vmem>> -> memref<32x128xi32, #tpu.memory_space<vmem>>
    tpu.enqueue_dma source(%dma_start3A_206 : memref<32x128xi32, #tpu.memory_space<vmem>>) target(%dma_start3A_203 : memref<32x128xi32, #tpu.memory_space<hbm>>) target_semaphore(%arg7 : memref<!tpu.dma_semaphore, #tpu.memory_space<semaphore_mem>>)
    %dma_start3A_207 = arith.constant 4 : i32
    %dma_start3A_208 = arith.constant 128 : i32
    %dma_start3A_209 = arith.constant 0 : i32
    %dma_start3A_210 = tpu.memref_slice %arg6[%dma_start3A_208, %dma_start3A_209] : memref<160x128xi32, #tpu.memory_space<vmem>> -> memref<32x128xi32, #tpu.memory_space<vmem>>
    %dma_start3A_211 = arith.constant 0 : i32
    %dma_start3A_212 = tpu.memref_slice %arg4[%dma_start3A_207, %mul3A_6, %dma_start3A_211] : memref<5x1024x128xi32, #tpu.memory_space<hbm>> -> memref<1x32x128xi32, #tpu.memory_space<hbm>>
    %dma_start3A_213 = tpu.memref_squeeze %dma_start3A_212 : memref<1x32x128xi32, #tpu.memory_space<hbm>> -> memref<32x128xi32, #tpu.memory_space<hbm>>
    %dma_start3A_214 = arith.constant 0 : i32
    %dma_start3A_215 = tpu.memref_slice %arg4[%dma_start3A_207, %mul3A_6, %dma_start3A_214] : memref<5x1024x128xi32, #tpu.memory_space<hbm>> -> memref<1x32x128xi32, #tpu.memory_space<hbm>>
    %dma_start3A_216 = tpu.memref_squeeze %dma_start3A_215 : memref<1x32x128xi32, #tpu.memory_space<hbm>> -> memref<32x128xi32, #tpu.memory_space<hbm>>
    %dma_start3A_217 = arith.constant 128 : i32
    %dma_start3A_218 = arith.constant 0 : i32
    %dma_start3A_219 = tpu.memref_slice %arg6[%dma_start3A_217, %dma_start3A_218] : memref<160x128xi32, #tpu.memory_space<vmem>> -> memref<32x128xi32, #tpu.memory_space<vmem>>
    tpu.enqueue_dma source(%dma_start3A_219 : memref<32x128xi32, #tpu.memory_space<vmem>>) target(%dma_start3A_216 : memref<32x128xi32, #tpu.memory_space<hbm>>) target_semaphore(%arg7 : memref<!tpu.dma_semaphore, #tpu.memory_space<semaphore_mem>>)
    %dma_wait3A_220 = arith.constant 0 : i32
    %dma_wait3A_221 = arith.constant 0 : i32
    %dma_wait3A_222 = arith.constant 0 : i32
    %dma_wait3A_223 = tpu.memref_slice %arg6[%dma_wait3A_221, %dma_wait3A_222] : memref<160x128xi32, #tpu.memory_space<vmem>> -> memref<32x128xi32, #tpu.memory_space<vmem>>
    %dma_wait3A_224 = arith.constant 0 : i32
    %dma_wait3A_225 = tpu.memref_slice %arg4[%dma_wait3A_220, %mul3A_6, %dma_wait3A_224] : memref<5x1024x128xi32, #tpu.memory_space<hbm>> -> memref<1x32x128xi32, #tpu.memory_space<hbm>>
    %dma_wait3A_226 = tpu.memref_squeeze %dma_wait3A_225 : memref<1x32x128xi32, #tpu.memory_space<hbm>> -> memref<32x128xi32, #tpu.memory_space<hbm>>
    %dma_wait3A_227 = arith.constant 0 : i32
    %dma_wait3A_228 = tpu.memref_slice %arg4[%dma_wait3A_220, %mul3A_6, %dma_wait3A_227] : memref<5x1024x128xi32, #tpu.memory_space<hbm>> -> memref<1x32x128xi32, #tpu.memory_space<hbm>>
    %dma_wait3A_229 = tpu.memref_squeeze %dma_wait3A_228 : memref<1x32x128xi32, #tpu.memory_space<hbm>> -> memref<32x128xi32, #tpu.memory_space<hbm>>
    %dma_wait3A_230 = arith.constant 0 : i32
    %dma_wait3A_231 = arith.constant 0 : i32
    %dma_wait3A_232 = tpu.memref_slice %arg6[%dma_wait3A_230, %dma_wait3A_231] : memref<160x128xi32, #tpu.memory_space<vmem>> -> memref<32x128xi32, #tpu.memory_space<vmem>>
    tpu.wait_dma2 semaphore(%arg7 : memref<!tpu.dma_semaphore, #tpu.memory_space<semaphore_mem>>) src(%dma_wait3A_232 : memref<32x128xi32, #tpu.memory_space<vmem>>) dst(%dma_wait3A_229 : memref<32x128xi32, #tpu.memory_space<hbm>>)
    %dma_wait3A_233 = arith.constant 1 : i32
    %dma_wait3A_234 = arith.constant 32 : i32
    %dma_wait3A_235 = arith.constant 0 : i32
    %dma_wait3A_236 = tpu.memref_slice %arg6[%dma_wait3A_234, %dma_wait3A_235] : memref<160x128xi32, #tpu.memory_space<vmem>> -> memref<32x128xi32, #tpu.memory_space<vmem>>
    %dma_wait3A_237 = arith.constant 0 : i32
    %dma_wait3A_238 = tpu.memref_slice %arg4[%dma_wait3A_233, %mul3A_6, %dma_wait3A_237] : memref<5x1024x128xi32, #tpu.memory_space<hbm>> -> memref<1x32x128xi32, #tpu.memory_space<hbm>>
    %dma_wait3A_239 = tpu.memref_squeeze %dma_wait3A_238 : memref<1x32x128xi32, #tpu.memory_space<hbm>> -> memref<32x128xi32, #tpu.memory_space<hbm>>
    %dma_wait3A_240 = arith.constant 0 : i32
    %dma_wait3A_241 = tpu.memref_slice %arg4[%dma_wait3A_233, %mul3A_6, %dma_wait3A_240] : memref<5x1024x128xi32, #tpu.memory_space<hbm>> -> memref<1x32x128xi32, #tpu.memory_space<hbm>>
    %dma_wait3A_242 = tpu.memref_squeeze %dma_wait3A_241 : memref<1x32x128xi32, #tpu.memory_space<hbm>> -> memref<32x128xi32, #tpu.memory_space<hbm>>
    %dma_wait3A_243 = arith.constant 32 : i32
    %dma_wait3A_244 = arith.constant 0 : i32
    %dma_wait3A_245 = tpu.memref_slice %arg6[%dma_wait3A_243, %dma_wait3A_244] : memref<160x128xi32, #tpu.memory_space<vmem>> -> memref<32x128xi32, #tpu.memory_space<vmem>>
    tpu.wait_dma2 semaphore(%arg7 : memref<!tpu.dma_semaphore, #tpu.memory_space<semaphore_mem>>) src(%dma_wait3A_245 : memref<32x128xi32, #tpu.memory_space<vmem>>) dst(%dma_wait3A_242 : memref<32x128xi32, #tpu.memory_space<hbm>>)
    %dma_wait3A_246 = arith.constant 2 : i32
    %dma_wait3A_247 = arith.constant 64 : i32
    %dma_wait3A_248 = arith.constant 0 : i32
    %dma_wait3A_249 = tpu.memref_slice %arg6[%dma_wait3A_247, %dma_wait3A_248] : memref<160x128xi32, #tpu.memory_space<vmem>> -> memref<32x128xi32, #tpu.memory_space<vmem>>
    %dma_wait3A_250 = arith.constant 0 : i32
    %dma_wait3A_251 = tpu.memref_slice %arg4[%dma_wait3A_246, %mul3A_6, %dma_wait3A_250] : memref<5x1024x128xi32, #tpu.memory_space<hbm>> -> memref<1x32x128xi32, #tpu.memory_space<hbm>>
    %dma_wait3A_252 = tpu.memref_squeeze %dma_wait3A_251 : memref<1x32x128xi32, #tpu.memory_space<hbm>> -> memref<32x128xi32, #tpu.memory_space<hbm>>
    %dma_wait3A_253 = arith.constant 0 : i32
    %dma_wait3A_254 = tpu.memref_slice %arg4[%dma_wait3A_246, %mul3A_6, %dma_wait3A_253] : memref<5x1024x128xi32, #tpu.memory_space<hbm>> -> memref<1x32x128xi32, #tpu.memory_space<hbm>>
    %dma_wait3A_255 = tpu.memref_squeeze %dma_wait3A_254 : memref<1x32x128xi32, #tpu.memory_space<hbm>> -> memref<32x128xi32, #tpu.memory_space<hbm>>
    %dma_wait3A_256 = arith.constant 64 : i32
    %dma_wait3A_257 = arith.constant 0 : i32
    %dma_wait3A_258 = tpu.memref_slice %arg6[%dma_wait3A_256, %dma_wait3A_257] : memref<160x128xi32, #tpu.memory_space<vmem>> -> memref<32x128xi32, #tpu.memory_space<vmem>>
    tpu.wait_dma2 semaphore(%arg7 : memref<!tpu.dma_semaphore, #tpu.memory_space<semaphore_mem>>) src(%dma_wait3A_258 : memref<32x128xi32, #tpu.memory_space<vmem>>) dst(%dma_wait3A_255 : memref<32x128xi32, #tpu.memory_space<hbm>>)
    %dma_wait3A_259 = arith.constant 3 : i32
    %dma_wait3A_260 = arith.constant 96 : i32
    %dma_wait3A_261 = arith.constant 0 : i32
    %dma_wait3A_262 = tpu.memref_slice %arg6[%dma_wait3A_260, %dma_wait3A_261] : memref<160x128xi32, #tpu.memory_space<vmem>> -> memref<32x128xi32, #tpu.memory_space<vmem>>
    %dma_wait3A_263 = arith.constant 0 : i32
    %dma_wait3A_264 = tpu.memref_slice %arg4[%dma_wait3A_259, %mul3A_6, %dma_wait3A_263] : memref<5x1024x128xi32, #tpu.memory_space<hbm>> -> memref<1x32x128xi32, #tpu.memory_space<hbm>>
    %dma_wait3A_265 = tpu.memref_squeeze %dma_wait3A_264 : memref<1x32x128xi32, #tpu.memory_space<hbm>> -> memref<32x128xi32, #tpu.memory_space<hbm>>
    %dma_wait3A_266 = arith.constant 0 : i32
    %dma_wait3A_267 = tpu.memref_slice %arg4[%dma_wait3A_259, %mul3A_6, %dma_wait3A_266] : memref<5x1024x128xi32, #tpu.memory_space<hbm>> -> memref<1x32x128xi32, #tpu.memory_space<hbm>>
    %dma_wait3A_268 = tpu.memref_squeeze %dma_wait3A_267 : memref<1x32x128xi32, #tpu.memory_space<hbm>> -> memref<32x128xi32, #tpu.memory_space<hbm>>
    %dma_wait3A_269 = arith.constant 96 : i32
    %dma_wait3A_270 = arith.constant 0 : i32
    %dma_wait3A_271 = tpu.memref_slice %arg6[%dma_wait3A_269, %dma_wait3A_270] : memref<160x128xi32, #tpu.memory_space<vmem>> -> memref<32x128xi32, #tpu.memory_space<vmem>>
    tpu.wait_dma2 semaphore(%arg7 : memref<!tpu.dma_semaphore, #tpu.memory_space<semaphore_mem>>) src(%dma_wait3A_271 : memref<32x128xi32, #tpu.memory_space<vmem>>) dst(%dma_wait3A_268 : memref<32x128xi32, #tpu.memory_space<hbm>>)
    %dma_wait3A_272 = arith.constant 4 : i32
    %dma_wait3A_273 = arith.constant 128 : i32
    %dma_wait3A_274 = arith.constant 0 : i32
    %dma_wait3A_275 = tpu.memref_slice %arg6[%dma_wait3A_273, %dma_wait3A_274] : memref<160x128xi32, #tpu.memory_space<vmem>> -> memref<32x128xi32, #tpu.memory_space<vmem>>
    %dma_wait3A_276 = arith.constant 0 : i32
    %dma_wait3A_277 = tpu.memref_slice %arg4[%dma_wait3A_272, %mul3A_6, %dma_wait3A_276] : memref<5x1024x128xi32, #tpu.memory_space<hbm>> -> memref<1x32x128xi32, #tpu.memory_space<hbm>>
    %dma_wait3A_278 = tpu.memref_squeeze %dma_wait3A_277 : memref<1x32x128xi32, #tpu.memory_space<hbm>> -> memref<32x128xi32, #tpu.memory_space<hbm>>
    %dma_wait3A_279 = arith.constant 0 : i32
    %dma_wait3A_280 = tpu.memref_slice %arg4[%dma_wait3A_272, %mul3A_6, %dma_wait3A_279] : memref<5x1024x128xi32, #tpu.memory_space<hbm>> -> memref<1x32x128xi32, #tpu.memory_space<hbm>>
    %dma_wait3A_281 = tpu.memref_squeeze %dma_wait3A_280 : memref<1x32x128xi32, #tpu.memory_space<hbm>> -> memref<32x128xi32, #tpu.memory_space<hbm>>
    %dma_wait3A_282 = arith.constant 128 : i32
    %dma_wait3A_283 = arith.constant 0 : i32
    %dma_wait3A_284 = tpu.memref_slice %arg6[%dma_wait3A_282, %dma_wait3A_283] : memref<160x128xi32, #tpu.memory_space<vmem>> -> memref<32x128xi32, #tpu.memory_space<vmem>>
    tpu.wait_dma2 semaphore(%arg7 : memref<!tpu.dma_semaphore, #tpu.memory_space<semaphore_mem>>) src(%dma_wait3A_284 : memref<32x128xi32, #tpu.memory_space<vmem>>) dst(%dma_wait3A_281 : memref<32x128xi32, #tpu.memory_space<hbm>>)
    return
  }
}

#map = affine_map<(d0, d1) -> (0)>
module attributes {stable_mosaic.version = 14 : i64} {
  func.func @_sc_build_body(%arg0: i32, %arg1: i32, %arg2: memref<65536xi32, #tpu.memory_space<hbm>>, %arg3: memref<65536xi32, #tpu.memory_space<hbm>>, %arg4: memref<20480xi32, #tpu.memory_space<hbm>>, %arg5: memref<4096xi32, #tpu.memory_space<hbm>>, %arg6: memref<4096xi32, #tpu.memory_space<vmem>>, %arg7: memref<4096xi32, #tpu.memory_space<vmem>>, %arg8: memref<2048xi32, #tpu.memory_space<vmem>>, %arg9: memref<10240xi32, #tpu.memory_space<vmem>>, %arg10: memref<16x128xi32, #tpu.memory_space<vmem>>, %arg11: memref<16x640xi32, #tpu.memory_space<vmem>>, %arg12: memref<640xi32, #tpu.memory_space<vmem>>, %arg13: memref<128xi32, #tpu.memory_space<vmem>>, %arg14: memref<16x2048xi32, #tpu.memory_space<vmem_shared>>, %arg15: memref<16x10240xi32, #tpu.memory_space<vmem_shared>>) attributes {dimension_semantics = [#tpu.dimension_semantics<core_parallel>, #tpu.dimension_semantics<subcore_parallel>], iteration_bounds = array<i64: 2, 16>, scalar_prefetch = 0 : i64, scratch_operands = 10 : i64, tpu.core_type = #tpu.core_type<sc_vector_subcore>, window_params = [{transform_indices = #map}, {transform_indices = #map}, {transform_indices = #map}, {transform_indices = #map}]} {
    %mul3A = arith.constant 2048 : i32
    %mul3A_0 = arith.muli %arg0, %mul3A : i32
    %iota3A = tpu.iota {dimensions = array<i32: 0>} : vector<16xi32>
    %mul3A_1 = arith.constant 4096 : i32
    %mul3A_2 = arith.muli %arg1, %mul3A_1 : i32
    "tpu.region"() ({
      %run_scoped3A = tpu.sem_alloc : memref<!tpu.dma_semaphore, #tpu.memory_space<semaphore_mem>>
      %dma_start3A = tpu.memref_slice %arg2[%mul3A_2] : memref<65536xi32, #tpu.memory_space<hbm>> -> memref<4096xi32, #tpu.memory_space<hbm>>
      %dma_start3A_49 = tpu.memref_slice %arg2[%mul3A_2] : memref<65536xi32, #tpu.memory_space<hbm>> -> memref<4096xi32, #tpu.memory_space<hbm>>
      tpu.enqueue_dma source(%dma_start3A_49 : memref<4096xi32, #tpu.memory_space<hbm>>) target(%arg6 : memref<4096xi32, #tpu.memory_space<vmem>>) target_semaphore(%run_scoped3A : memref<!tpu.dma_semaphore, #tpu.memory_space<semaphore_mem>>)
      %dma_wait3A = tpu.memref_slice %arg2[%mul3A_2] : memref<65536xi32, #tpu.memory_space<hbm>> -> memref<4096xi32, #tpu.memory_space<hbm>>
      %dma_wait3A_50 = tpu.memref_slice %arg2[%mul3A_2] : memref<65536xi32, #tpu.memory_space<hbm>> -> memref<4096xi32, #tpu.memory_space<hbm>>
      tpu.wait_dma2 semaphore(%run_scoped3A : memref<!tpu.dma_semaphore, #tpu.memory_space<semaphore_mem>>) src(%dma_wait3A_50 : memref<4096xi32, #tpu.memory_space<hbm>>) dst(%arg6 : memref<4096xi32, #tpu.memory_space<vmem>>)
      tpu.yield
    }) : () -> ()
    %mul3A_3 = arith.constant 4096 : i32
    %mul3A_4 = arith.muli %arg1, %mul3A_3 : i32
    "tpu.region"() ({
      %run_scoped3A = tpu.sem_alloc : memref<!tpu.dma_semaphore, #tpu.memory_space<semaphore_mem>>
      %dma_start3A = tpu.memref_slice %arg3[%mul3A_4] : memref<65536xi32, #tpu.memory_space<hbm>> -> memref<4096xi32, #tpu.memory_space<hbm>>
      %dma_start3A_49 = tpu.memref_slice %arg3[%mul3A_4] : memref<65536xi32, #tpu.memory_space<hbm>> -> memref<4096xi32, #tpu.memory_space<hbm>>
      tpu.enqueue_dma source(%dma_start3A_49 : memref<4096xi32, #tpu.memory_space<hbm>>) target(%arg7 : memref<4096xi32, #tpu.memory_space<vmem>>) target_semaphore(%run_scoped3A : memref<!tpu.dma_semaphore, #tpu.memory_space<semaphore_mem>>)
      %dma_wait3A = tpu.memref_slice %arg3[%mul3A_4] : memref<65536xi32, #tpu.memory_space<hbm>> -> memref<4096xi32, #tpu.memory_space<hbm>>
      %dma_wait3A_50 = tpu.memref_slice %arg3[%mul3A_4] : memref<65536xi32, #tpu.memory_space<hbm>> -> memref<4096xi32, #tpu.memory_space<hbm>>
      tpu.wait_dma2 semaphore(%run_scoped3A : memref<!tpu.dma_semaphore, #tpu.memory_space<semaphore_mem>>) src(%dma_wait3A_50 : memref<4096xi32, #tpu.memory_space<hbm>>) dst(%arg7 : memref<4096xi32, #tpu.memory_space<vmem>>)
      tpu.yield
    }) : () -> ()
    %parallel_loop3A = arith.constant 0 : i32
    %parallel_loop3A_5 = arith.constant 2048 : i32
    %parallel_loop3A_6 = arith.constant 16 : i32
    scf.for %parallel_loop3A_49 = %parallel_loop3A to %parallel_loop3A_5 step %parallel_loop3A_6  : i32 {
      %parallel_loop3A_50 = arith.constant 0 : i32
      %parallel_loop3A_51 = vector.broadcast %parallel_loop3A_50 : i32 to vector<16xi32>
      %parallel_loop3A_52 = arith.index_cast %parallel_loop3A_49 : i32 to index
      %parallel_loop3A_53 = tpu.vector_load %arg8[%parallel_loop3A_52] {strides = array<i32>} : memref<2048xi32, #tpu.memory_space<vmem>>, vector<16xi32>,
      tpu.vector_store %arg8[%parallel_loop3A_52], %parallel_loop3A_51 {strides = array<i32>} : memref<2048xi32, #tpu.memory_space<vmem>>, vector<16xi32>,
    } {sc.loop_unroll_factor = 1 : i64, sc.parallel_access}
    %get3A = arith.constant 0 : index
    %get3A_7 = tpu.vector_load %arg6[%get3A] {strides = array<i32>} : memref<4096xi32, #tpu.memory_space<vmem>>, vector<16xi32>,
    %get3A_8 = arith.constant 0 : index
    %get3A_9 = tpu.vector_load %arg7[%get3A_8] {strides = array<i32>} : memref<4096xi32, #tpu.memory_space<vmem>>, vector<16xi32>,
    %sub3A = vector.broadcast %mul3A_0 : i32 to vector<16xi32>
    %sub3A_10 = arith.subi %get3A_7, %sub3A : vector<16xi32>
    %ge3A = arith.constant 0 : i32
    %ge3A_11 = vector.broadcast %ge3A : i32 to vector<16xi32>
    %ge3A_12 = arith.cmpi sge, %sub3A_10, %ge3A_11 : vector<16xi32>
    %lt3A = arith.constant 2048 : i32
    %lt3A_13 = vector.broadcast %lt3A : i32 to vector<16xi32>
    %lt3A_14 = arith.cmpi slt, %sub3A_10, %lt3A_13 : vector<16xi32>
    %and3A = arith.andi %ge3A_12, %lt3A_14 : vector<16xi1>
    %unique3A, %unique3A_15 = tpu.scan_count mask(%and3A : vector<16xi1>) value(%sub3A_10 : vector<16xi32>) : vector<16xi1>, vector<16xi32>
    %scan3A = arith.constant 0 : i32
    %scan3A_16 = arith.constant 256 : i32
    %scan3A_17 = arith.addi %scan3A, %scan3A_16 : i32
    %scan3A_18 = arith.constant 1 : i32
    %scan3A_19:5 = scf.for %scan3A_49 = %scan3A to %scan3A_17 step %scan3A_18 iter_args(%scan3A_50 = %get3A_9, %scan3A_51 = %sub3A_10, %scan3A_52 = %and3A, %scan3A_53 = %unique3A_15, %scan3A_54 = %unique3A) -> (vector<16xi32>, vector<16xi32>, vector<16xi1>, vector<16xi32>, vector<16xi1>)  : i32 {
      %add3A_55 = arith.constant 1 : i32
      %add3A_56 = arith.addi %scan3A_49, %add3A_55 : i32
      %min3A = arith.constant 255 : i32
      %min3A_57 = arith.minsi %add3A_56, %min3A : i32
      %mul3A_58 = arith.constant 16 : i32
      %mul3A_59 = arith.muli %min3A_57, %mul3A_58 : i32
      %get3A_60 = arith.index_cast %mul3A_59 : i32 to index
      %get3A_61 = tpu.vector_load %arg6[%get3A_60] {strides = array<i32>} : memref<4096xi32, #tpu.memory_space<vmem>>, vector<16xi32>,
      %mul3A_62 = arith.constant 16 : i32
      %mul3A_63 = arith.muli %min3A_57, %mul3A_62 : i32
      %get3A_64 = arith.index_cast %mul3A_63 : i32 to index
      %get3A_65 = tpu.vector_load %arg7[%get3A_64] {strides = array<i32>} : memref<4096xi32, #tpu.memory_space<vmem>>, vector<16xi32>,
      %sub3A_66 = vector.broadcast %mul3A_0 : i32 to vector<16xi32>
      %sub3A_67 = arith.subi %get3A_61, %sub3A_66 : vector<16xi32>
      %ge3A_68 = arith.constant 0 : i32
      %ge3A_69 = vector.broadcast %ge3A_68 : i32 to vector<16xi32>
      %ge3A_70 = arith.cmpi sge, %sub3A_67, %ge3A_69 : vector<16xi32>
      %lt3A_71 = arith.constant 2048 : i32
      %lt3A_72 = vector.broadcast %lt3A_71 : i32 to vector<16xi32>
      %lt3A_73 = arith.cmpi slt, %sub3A_67, %lt3A_72 : vector<16xi32>
      %and3A_74 = arith.andi %ge3A_70, %lt3A_73 : vector<16xi1>
      %unique3A_75, %unique3A_76 = tpu.scan_count mask(%and3A_74 : vector<16xi1>) value(%sub3A_67 : vector<16xi32>) : vector<16xi1>, vector<16xi32>
      %and3A_77 = arith.constant 2047 : i32
      %and3A_78 = vector.broadcast %and3A_77 : i32 to vector<16xi32>
      %and3A_79 = arith.andi %scan3A_51, %and3A_78 : vector<16xi32>
      %gather3A = tpu.vector_load_idx %arg8[%and3A_79] masked %scan3A_52 : memref<2048xi32, #tpu.memory_space<vmem>>[vector<16xi32>], vector<16xi32>, vector<16xi1>
      %add3A_80 = arith.addi %gather3A, %scan3A_53 : vector<16xi32>
      %sub3A_81 = arith.constant 1 : i32
      %sub3A_82 = vector.broadcast %sub3A_81 : i32 to vector<16xi32>
      %sub3A_83 = arith.subi %add3A_80, %sub3A_82 : vector<16xi32>
      %mul3A_84 = arith.constant 5 : i32
      %mul3A_85 = vector.broadcast %mul3A_84 : i32 to vector<16xi32>
      %mul3A_86 = arith.muli %and3A_79, %mul3A_85 : vector<16xi32>
      %add3A_87 = arith.addi %mul3A_86, %sub3A_83 : vector<16xi32>
      %lt3A_88 = arith.constant 5 : i32
      %lt3A_89 = vector.broadcast %lt3A_88 : i32 to vector<16xi32>
      %lt3A_90 = arith.cmpi slt, %sub3A_83, %lt3A_89 : vector<16xi32>
      %and3A_91 = arith.andi %scan3A_52, %lt3A_90 : vector<16xi1>
      tpu.vector_store_idx %arg9[%add3A_87], %scan3A_50 masked %and3A_91 : memref<10240xi32, #tpu.memory_space<vmem>>[vector<16xi32>], vector<16xi32>, vector<16xi1>
      %add3A_92 = arith.addi %gather3A, %scan3A_53 : vector<16xi32>
      %and3A_93 = arith.andi %scan3A_52, %scan3A_54 : vector<16xi1>
      tpu.vector_store_idx %arg8[%and3A_79], %add3A_92 masked %and3A_93 : memref<2048xi32, #tpu.memory_space<vmem>>[vector<16xi32>], vector<16xi32>, vector<16xi1>
      scf.yield %get3A_65, %sub3A_67, %and3A_74, %unique3A_76, %unique3A_75 : vector<16xi32>, vector<16xi32>, vector<16xi1>, vector<16xi32>, vector<16xi1>
    }
    %scan3A_20 = arith.constant 256 : i32
    "tpu.region"() ({
      %run_scoped3A = tpu.sem_alloc : memref<!tpu.dma_semaphore, #tpu.memory_space<semaphore_mem>>
      %dma_start3A = arith.constant 0 : i32
      %dma_start3A_49 = tpu.memref_slice %arg14[%arg1, %dma_start3A] : memref<16x2048xi32, #tpu.memory_space<vmem_shared>> -> memref<1x2048xi32, #tpu.memory_space<vmem_shared>>
      %dma_start3A_50 = tpu.memref_squeeze %dma_start3A_49 : memref<1x2048xi32, #tpu.memory_space<vmem_shared>> -> memref<2048xi32, #tpu.memory_space<vmem_shared>>
      %dma_start3A_51 = arith.constant 0 : i32
      %dma_start3A_52 = tpu.memref_slice %arg14[%arg1, %dma_start3A_51] : memref<16x2048xi32, #tpu.memory_space<vmem_shared>> -> memref<1x2048xi32, #tpu.memory_space<vmem_shared>>
      %dma_start3A_53 = tpu.memref_squeeze %dma_start3A_52 : memref<1x2048xi32, #tpu.memory_space<vmem_shared>> -> memref<2048xi32, #tpu.memory_space<vmem_shared>>
      tpu.enqueue_dma source(%arg8 : memref<2048xi32, #tpu.memory_space<vmem>>) target(%dma_start3A_53 : memref<2048xi32, #tpu.memory_space<vmem_shared>>) target_semaphore(%run_scoped3A : memref<!tpu.dma_semaphore, #tpu.memory_space<semaphore_mem>>)
      %dma_wait3A = arith.constant 0 : i32
      %dma_wait3A_54 = tpu.memref_slice %arg14[%arg1, %dma_wait3A] : memref<16x2048xi32, #tpu.memory_space<vmem_shared>> -> memref<1x2048xi32, #tpu.memory_space<vmem_shared>>
      %dma_wait3A_55 = tpu.memref_squeeze %dma_wait3A_54 : memref<1x2048xi32, #tpu.memory_space<vmem_shared>> -> memref<2048xi32, #tpu.memory_space<vmem_shared>>
      %dma_wait3A_56 = arith.constant 0 : i32
      %dma_wait3A_57 = tpu.memref_slice %arg14[%arg1, %dma_wait3A_56] : memref<16x2048xi32, #tpu.memory_space<vmem_shared>> -> memref<1x2048xi32, #tpu.memory_space<vmem_shared>>
      %dma_wait3A_58 = tpu.memref_squeeze %dma_wait3A_57 : memref<1x2048xi32, #tpu.memory_space<vmem_shared>> -> memref<2048xi32, #tpu.memory_space<vmem_shared>>
      tpu.wait_dma2 semaphore(%run_scoped3A : memref<!tpu.dma_semaphore, #tpu.memory_space<semaphore_mem>>) src(%arg8 : memref<2048xi32, #tpu.memory_space<vmem>>) dst(%dma_wait3A_58 : memref<2048xi32, #tpu.memory_space<vmem_shared>>)
      tpu.yield
    }) : () -> ()
    "tpu.region"() ({
      %run_scoped3A = tpu.sem_alloc : memref<!tpu.dma_semaphore, #tpu.memory_space<semaphore_mem>>
      %dma_start3A = arith.constant 0 : i32
      %dma_start3A_49 = tpu.memref_slice %arg15[%arg1, %dma_start3A] : memref<16x10240xi32, #tpu.memory_space<vmem_shared>> -> memref<1x10240xi32, #tpu.memory_space<vmem_shared>>
      %dma_start3A_50 = tpu.memref_squeeze %dma_start3A_49 : memref<1x10240xi32, #tpu.memory_space<vmem_shared>> -> memref<10240xi32, #tpu.memory_space<vmem_shared>>
      %dma_start3A_51 = arith.constant 0 : i32
      %dma_start3A_52 = tpu.memref_slice %arg15[%arg1, %dma_start3A_51] : memref<16x10240xi32, #tpu.memory_space<vmem_shared>> -> memref<1x10240xi32, #tpu.memory_space<vmem_shared>>
      %dma_start3A_53 = tpu.memref_squeeze %dma_start3A_52 : memref<1x10240xi32, #tpu.memory_space<vmem_shared>> -> memref<10240xi32, #tpu.memory_space<vmem_shared>>
      tpu.enqueue_dma source(%arg9 : memref<10240xi32, #tpu.memory_space<vmem>>) target(%dma_start3A_53 : memref<10240xi32, #tpu.memory_space<vmem_shared>>) target_semaphore(%run_scoped3A : memref<!tpu.dma_semaphore, #tpu.memory_space<semaphore_mem>>)
      %dma_wait3A = arith.constant 0 : i32
      %dma_wait3A_54 = tpu.memref_slice %arg15[%arg1, %dma_wait3A] : memref<16x10240xi32, #tpu.memory_space<vmem_shared>> -> memref<1x10240xi32, #tpu.memory_space<vmem_shared>>
      %dma_wait3A_55 = tpu.memref_squeeze %dma_wait3A_54 : memref<1x10240xi32, #tpu.memory_space<vmem_shared>> -> memref<10240xi32, #tpu.memory_space<vmem_shared>>
      %dma_wait3A_56 = arith.constant 0 : i32
      %dma_wait3A_57 = tpu.memref_slice %arg15[%arg1, %dma_wait3A_56] : memref<16x10240xi32, #tpu.memory_space<vmem_shared>> -> memref<1x10240xi32, #tpu.memory_space<vmem_shared>>
      %dma_wait3A_58 = tpu.memref_squeeze %dma_wait3A_57 : memref<1x10240xi32, #tpu.memory_space<vmem_shared>> -> memref<10240xi32, #tpu.memory_space<vmem_shared>>
      tpu.wait_dma2 semaphore(%run_scoped3A : memref<!tpu.dma_semaphore, #tpu.memory_space<semaphore_mem>>) src(%arg9 : memref<10240xi32, #tpu.memory_space<vmem>>) dst(%dma_wait3A_58 : memref<10240xi32, #tpu.memory_space<vmem_shared>>)
      tpu.yield
    }) : () -> ()
    %barrier3A = arith.constant 0 : index
    tpu.barrier barrier_id(%barrier3A)
    %mul3A_21 = arith.constant 128 : i32
    %mul3A_22 = arith.muli %arg1, %mul3A_21 : i32
    "tpu.region"() ({
      %run_scoped3A = tpu.sem_alloc : memref<!tpu.dma_semaphore, #tpu.memory_space<semaphore_mem>>
      %dma_start3A = arith.constant 0 : i32
      %dma_start3A_49 = tpu.memref_slice %arg14[%dma_start3A, %mul3A_22] : memref<16x2048xi32, #tpu.memory_space<vmem_shared>> -> memref<16x128xi32, #tpu.memory_space<vmem_shared>>
      %dma_start3A_50 = arith.constant 0 : i32
      %dma_start3A_51 = tpu.memref_slice %arg14[%dma_start3A_50, %mul3A_22] : memref<16x2048xi32, #tpu.memory_space<vmem_shared>> -> memref<16x128xi32, #tpu.memory_space<vmem_shared>>
      tpu.enqueue_dma source(%dma_start3A_51 : memref<16x128xi32, #tpu.memory_space<vmem_shared>>) target(%arg10 : memref<16x128xi32, #tpu.memory_space<vmem>>) target_semaphore(%run_scoped3A : memref<!tpu.dma_semaphore, #tpu.memory_space<semaphore_mem>>)
      %dma_wait3A = arith.constant 0 : i32
      %dma_wait3A_52 = tpu.memref_slice %arg14[%dma_wait3A, %mul3A_22] : memref<16x2048xi32, #tpu.memory_space<vmem_shared>> -> memref<16x128xi32, #tpu.memory_space<vmem_shared>>
      %dma_wait3A_53 = arith.constant 0 : i32
      %dma_wait3A_54 = tpu.memref_slice %arg14[%dma_wait3A_53, %mul3A_22] : memref<16x2048xi32, #tpu.memory_space<vmem_shared>> -> memref<16x128xi32, #tpu.memory_space<vmem_shared>>
      tpu.wait_dma2 semaphore(%run_scoped3A : memref<!tpu.dma_semaphore, #tpu.memory_space<semaphore_mem>>) src(%dma_wait3A_54 : memref<16x128xi32, #tpu.memory_space<vmem_shared>>) dst(%arg10 : memref<16x128xi32, #tpu.memory_space<vmem>>)
      tpu.yield
    }) : () -> ()
    %mul3A_23 = arith.constant 5 : i32
    %mul3A_24 = arith.muli %mul3A_22, %mul3A_23 : i32
    "tpu.region"() ({
      %run_scoped3A = tpu.sem_alloc : memref<!tpu.dma_semaphore, #tpu.memory_space<semaphore_mem>>
      %dma_start3A = arith.constant 0 : i32
      %dma_start3A_49 = tpu.memref_slice %arg15[%dma_start3A, %mul3A_24] : memref<16x10240xi32, #tpu.memory_space<vmem_shared>> -> memref<16x640xi32, #tpu.memory_space<vmem_shared>>
      %dma_start3A_50 = arith.constant 0 : i32
      %dma_start3A_51 = tpu.memref_slice %arg15[%dma_start3A_50, %mul3A_24] : memref<16x10240xi32, #tpu.memory_space<vmem_shared>> -> memref<16x640xi32, #tpu.memory_space<vmem_shared>>
      tpu.enqueue_dma source(%dma_start3A_51 : memref<16x640xi32, #tpu.memory_space<vmem_shared>>) target(%arg11 : memref<16x640xi32, #tpu.memory_space<vmem>>) target_semaphore(%run_scoped3A : memref<!tpu.dma_semaphore, #tpu.memory_space<semaphore_mem>>)
      %dma_wait3A = arith.constant 0 : i32
      %dma_wait3A_52 = tpu.memref_slice %arg15[%dma_wait3A, %mul3A_24] : memref<16x10240xi32, #tpu.memory_space<vmem_shared>> -> memref<16x640xi32, #tpu.memory_space<vmem_shared>>
      %dma_wait3A_53 = arith.constant 0 : i32
      %dma_wait3A_54 = tpu.memref_slice %arg15[%dma_wait3A_53, %mul3A_24] : memref<16x10240xi32, #tpu.memory_space<vmem_shared>> -> memref<16x640xi32, #tpu.memory_space<vmem_shared>>
      tpu.wait_dma2 semaphore(%run_scoped3A : memref<!tpu.dma_semaphore, #tpu.memory_space<semaphore_mem>>) src(%dma_wait3A_54 : memref<16x640xi32, #tpu.memory_space<vmem_shared>>) dst(%arg11 : memref<16x640xi32, #tpu.memory_space<vmem>>)
      tpu.yield
    }) : () -> ()
    %parallel_loop3A_25 = arith.constant 0 : i32
    %parallel_loop3A_26 = arith.constant 640 : i32
    %parallel_loop3A_27 = arith.constant 16 : i32
    scf.for %parallel_loop3A_49 = %parallel_loop3A_25 to %parallel_loop3A_26 step %parallel_loop3A_27  : i32 {
      %parallel_loop3A_50 = arith.constant 0 : i32
      %parallel_loop3A_51 = vector.broadcast %parallel_loop3A_50 : i32 to vector<16xi32>
      %parallel_loop3A_52 = arith.index_cast %parallel_loop3A_49 : i32 to index
      %parallel_loop3A_53 = tpu.vector_load %arg12[%parallel_loop3A_52] {strides = array<i32>} : memref<640xi32, #tpu.memory_space<vmem>>, vector<16xi32>,
      tpu.vector_store %arg12[%parallel_loop3A_52], %parallel_loop3A_51 {strides = array<i32>} : memref<640xi32, #tpu.memory_space<vmem>>, vector<16xi32>,
    } {sc.loop_unroll_factor = 1 : i64, sc.parallel_access}
    %parallel_loop3A_28 = arith.constant 0 : i32
    %parallel_loop3A_29 = arith.constant 128 : i32
    %parallel_loop3A_30 = arith.constant 16 : i32
    scf.for %parallel_loop3A_49 = %parallel_loop3A_28 to %parallel_loop3A_29 step %parallel_loop3A_30  : i32 {
      %parallel_loop3A_50 = arith.constant 0 : i32
      %parallel_loop3A_51 = vector.broadcast %parallel_loop3A_50 : i32 to vector<16xi32>
      %parallel_loop3A_52 = arith.constant 0 : i32
      %parallel_loop3A_53 = arith.index_cast %parallel_loop3A_52 : i32 to index
      %parallel_loop3A_54 = arith.index_cast %parallel_loop3A_49 : i32 to index
      %parallel_loop3A_55 = tpu.vector_load %arg10[%parallel_loop3A_53, %parallel_loop3A_54] {strides = array<i32>} : memref<16x128xi32, #tpu.memory_space<vmem>>, vector<16xi32>,
      %parallel_loop3A_56 = arith.constant 5 : i32
      %parallel_loop3A_57 = vector.broadcast %parallel_loop3A_56 : i32 to vector<16xi32>
      %parallel_loop3A_58 = arith.minsi %parallel_loop3A_55, %parallel_loop3A_57 : vector<16xi32>
      %parallel_loop3A_59 = arith.addi %parallel_loop3A_51, %parallel_loop3A_58 : vector<16xi32>
      %parallel_loop3A_60 = arith.constant 1 : i32
      %parallel_loop3A_61 = arith.index_cast %parallel_loop3A_60 : i32 to index
      %parallel_loop3A_62 = arith.index_cast %parallel_loop3A_49 : i32 to index
      %parallel_loop3A_63 = tpu.vector_load %arg10[%parallel_loop3A_61, %parallel_loop3A_62] {strides = array<i32>} : memref<16x128xi32, #tpu.memory_space<vmem>>, vector<16xi32>,
      %parallel_loop3A_64 = arith.constant 5 : i32
      %parallel_loop3A_65 = vector.broadcast %parallel_loop3A_64 : i32 to vector<16xi32>
      %parallel_loop3A_66 = arith.minsi %parallel_loop3A_63, %parallel_loop3A_65 : vector<16xi32>
      %parallel_loop3A_67 = arith.addi %parallel_loop3A_59, %parallel_loop3A_66 : vector<16xi32>
      %parallel_loop3A_68 = arith.constant 2 : i32
      %parallel_loop3A_69 = arith.index_cast %parallel_loop3A_68 : i32 to index
      %parallel_loop3A_70 = arith.index_cast %parallel_loop3A_49 : i32 to index
      %parallel_loop3A_71 = tpu.vector_load %arg10[%parallel_loop3A_69, %parallel_loop3A_70] {strides = array<i32>} : memref<16x128xi32, #tpu.memory_space<vmem>>, vector<16xi32>,
      %parallel_loop3A_72 = arith.constant 5 : i32
      %parallel_loop3A_73 = vector.broadcast %parallel_loop3A_72 : i32 to vector<16xi32>
      %parallel_loop3A_74 = arith.minsi %parallel_loop3A_71, %parallel_loop3A_73 : vector<16xi32>
      %parallel_loop3A_75 = arith.addi %parallel_loop3A_67, %parallel_loop3A_74 : vector<16xi32>
      %parallel_loop3A_76 = arith.constant 3 : i32
      %parallel_loop3A_77 = arith.index_cast %parallel_loop3A_76 : i32 to index
      %parallel_loop3A_78 = arith.index_cast %parallel_loop3A_49 : i32 to index
      %parallel_loop3A_79 = tpu.vector_load %arg10[%parallel_loop3A_77, %parallel_loop3A_78] {strides = array<i32>} : memref<16x128xi32, #tpu.memory_space<vmem>>, vector<16xi32>,
      %parallel_loop3A_80 = arith.constant 5 : i32
      %parallel_loop3A_81 = vector.broadcast %parallel_loop3A_80 : i32 to vector<16xi32>
      %parallel_loop3A_82 = arith.minsi %parallel_loop3A_79, %parallel_loop3A_81 : vector<16xi32>
      %parallel_loop3A_83 = arith.addi %parallel_loop3A_75, %parallel_loop3A_82 : vector<16xi32>
      %parallel_loop3A_84 = arith.constant 4 : i32
      %parallel_loop3A_85 = arith.index_cast %parallel_loop3A_84 : i32 to index
      %parallel_loop3A_86 = arith.index_cast %parallel_loop3A_49 : i32 to index
      %parallel_loop3A_87 = tpu.vector_load %arg10[%parallel_loop3A_85, %parallel_loop3A_86] {strides = array<i32>} : memref<16x128xi32, #tpu.memory_space<vmem>>, vector<16xi32>,
      %parallel_loop3A_88 = arith.constant 5 : i32
      %parallel_loop3A_89 = vector.broadcast %parallel_loop3A_88 : i32 to vector<16xi32>
      %parallel_loop3A_90 = arith.minsi %parallel_loop3A_87, %parallel_loop3A_89 : vector<16xi32>
      %parallel_loop3A_91 = arith.addi %parallel_loop3A_83, %parallel_loop3A_90 : vector<16xi32>
      %parallel_loop3A_92 = arith.constant 5 : i32
      %parallel_loop3A_93 = arith.index_cast %parallel_loop3A_92 : i32 to index
      %parallel_loop3A_94 = arith.index_cast %parallel_loop3A_49 : i32 to index
      %parallel_loop3A_95 = tpu.vector_load %arg10[%parallel_loop3A_93, %parallel_loop3A_94] {strides = array<i32>} : memref<16x128xi32, #tpu.memory_space<vmem>>, vector<16xi32>,
      %parallel_loop3A_96 = arith.constant 5 : i32
      %parallel_loop3A_97 = vector.broadcast %parallel_loop3A_96 : i32 to vector<16xi32>
      %parallel_loop3A_98 = arith.minsi %parallel_loop3A_95, %parallel_loop3A_97 : vector<16xi32>
      %parallel_loop3A_99 = arith.addi %parallel_loop3A_91, %parallel_loop3A_98 : vector<16xi32>
      %parallel_loop3A_100 = arith.constant 6 : i32
      %parallel_loop3A_101 = arith.index_cast %parallel_loop3A_100 : i32 to index
      %parallel_loop3A_102 = arith.index_cast %parallel_loop3A_49 : i32 to index
      %parallel_loop3A_103 = tpu.vector_load %arg10[%parallel_loop3A_101, %parallel_loop3A_102] {strides = array<i32>} : memref<16x128xi32, #tpu.memory_space<vmem>>, vector<16xi32>,
      %parallel_loop3A_104 = arith.constant 5 : i32
      %parallel_loop3A_105 = vector.broadcast %parallel_loop3A_104 : i32 to vector<16xi32>
      %parallel_loop3A_106 = arith.minsi %parallel_loop3A_103, %parallel_loop3A_105 : vector<16xi32>
      %parallel_loop3A_107 = arith.addi %parallel_loop3A_99, %parallel_loop3A_106 : vector<16xi32>
      %parallel_loop3A_108 = arith.constant 7 : i32
      %parallel_loop3A_109 = arith.index_cast %parallel_loop3A_108 : i32 to index
      %parallel_loop3A_110 = arith.index_cast %parallel_loop3A_49 : i32 to index
      %parallel_loop3A_111 = tpu.vector_load %arg10[%parallel_loop3A_109, %parallel_loop3A_110] {strides = array<i32>} : memref<16x128xi32, #tpu.memory_space<vmem>>, vector<16xi32>,
      %parallel_loop3A_112 = arith.constant 5 : i32
      %parallel_loop3A_113 = vector.broadcast %parallel_loop3A_112 : i32 to vector<16xi32>
      %parallel_loop3A_114 = arith.minsi %parallel_loop3A_111, %parallel_loop3A_113 : vector<16xi32>
      %parallel_loop3A_115 = arith.addi %parallel_loop3A_107, %parallel_loop3A_114 : vector<16xi32>
      %parallel_loop3A_116 = arith.constant 8 : i32
      %parallel_loop3A_117 = arith.index_cast %parallel_loop3A_116 : i32 to index
      %parallel_loop3A_118 = arith.index_cast %parallel_loop3A_49 : i32 to index
      %parallel_loop3A_119 = tpu.vector_load %arg10[%parallel_loop3A_117, %parallel_loop3A_118] {strides = array<i32>} : memref<16x128xi32, #tpu.memory_space<vmem>>, vector<16xi32>,
      %parallel_loop3A_120 = arith.constant 5 : i32
      %parallel_loop3A_121 = vector.broadcast %parallel_loop3A_120 : i32 to vector<16xi32>
      %parallel_loop3A_122 = arith.minsi %parallel_loop3A_119, %parallel_loop3A_121 : vector<16xi32>
      %parallel_loop3A_123 = arith.addi %parallel_loop3A_115, %parallel_loop3A_122 : vector<16xi32>
      %parallel_loop3A_124 = arith.constant 9 : i32
      %parallel_loop3A_125 = arith.index_cast %parallel_loop3A_124 : i32 to index
      %parallel_loop3A_126 = arith.index_cast %parallel_loop3A_49 : i32 to index
      %parallel_loop3A_127 = tpu.vector_load %arg10[%parallel_loop3A_125, %parallel_loop3A_126] {strides = array<i32>} : memref<16x128xi32, #tpu.memory_space<vmem>>, vector<16xi32>,
      %parallel_loop3A_128 = arith.constant 5 : i32
      %parallel_loop3A_129 = vector.broadcast %parallel_loop3A_128 : i32 to vector<16xi32>
      %parallel_loop3A_130 = arith.minsi %parallel_loop3A_127, %parallel_loop3A_129 : vector<16xi32>
      %parallel_loop3A_131 = arith.addi %parallel_loop3A_123, %parallel_loop3A_130 : vector<16xi32>
      %parallel_loop3A_132 = arith.constant 10 : i32
      %parallel_loop3A_133 = arith.index_cast %parallel_loop3A_132 : i32 to index
      %parallel_loop3A_134 = arith.index_cast %parallel_loop3A_49 : i32 to index
      %parallel_loop3A_135 = tpu.vector_load %arg10[%parallel_loop3A_133, %parallel_loop3A_134] {strides = array<i32>} : memref<16x128xi32, #tpu.memory_space<vmem>>, vector<16xi32>,
      %parallel_loop3A_136 = arith.constant 5 : i32
      %parallel_loop3A_137 = vector.broadcast %parallel_loop3A_136 : i32 to vector<16xi32>
      %parallel_loop3A_138 = arith.minsi %parallel_loop3A_135, %parallel_loop3A_137 : vector<16xi32>
      %parallel_loop3A_139 = arith.addi %parallel_loop3A_131, %parallel_loop3A_138 : vector<16xi32>
      %parallel_loop3A_140 = arith.constant 11 : i32
      %parallel_loop3A_141 = arith.index_cast %parallel_loop3A_140 : i32 to index
      %parallel_loop3A_142 = arith.index_cast %parallel_loop3A_49 : i32 to index
      %parallel_loop3A_143 = tpu.vector_load %arg10[%parallel_loop3A_141, %parallel_loop3A_142] {strides = array<i32>} : memref<16x128xi32, #tpu.memory_space<vmem>>, vector<16xi32>,
      %parallel_loop3A_144 = arith.constant 5 : i32
      %parallel_loop3A_145 = vector.broadcast %parallel_loop3A_144 : i32 to vector<16xi32>
      %parallel_loop3A_146 = arith.minsi %parallel_loop3A_143, %parallel_loop3A_145 : vector<16xi32>
      %parallel_loop3A_147 = arith.addi %parallel_loop3A_139, %parallel_loop3A_146 : vector<16xi32>
      %parallel_loop3A_148 = arith.constant 12 : i32
      %parallel_loop3A_149 = arith.index_cast %parallel_loop3A_148 : i32 to index
      %parallel_loop3A_150 = arith.index_cast %parallel_loop3A_49 : i32 to index
      %parallel_loop3A_151 = tpu.vector_load %arg10[%parallel_loop3A_149, %parallel_loop3A_150] {strides = array<i32>} : memref<16x128xi32, #tpu.memory_space<vmem>>, vector<16xi32>,
      %parallel_loop3A_152 = arith.constant 5 : i32
      %parallel_loop3A_153 = vector.broadcast %parallel_loop3A_152 : i32 to vector<16xi32>
      %parallel_loop3A_154 = arith.minsi %parallel_loop3A_151, %parallel_loop3A_153 : vector<16xi32>
      %parallel_loop3A_155 = arith.addi %parallel_loop3A_147, %parallel_loop3A_154 : vector<16xi32>
      %parallel_loop3A_156 = arith.constant 13 : i32
      %parallel_loop3A_157 = arith.index_cast %parallel_loop3A_156 : i32 to index
      %parallel_loop3A_158 = arith.index_cast %parallel_loop3A_49 : i32 to index
      %parallel_loop3A_159 = tpu.vector_load %arg10[%parallel_loop3A_157, %parallel_loop3A_158] {strides = array<i32>} : memref<16x128xi32, #tpu.memory_space<vmem>>, vector<16xi32>,
      %parallel_loop3A_160 = arith.constant 5 : i32
      %parallel_loop3A_161 = vector.broadcast %parallel_loop3A_160 : i32 to vector<16xi32>
      %parallel_loop3A_162 = arith.minsi %parallel_loop3A_159, %parallel_loop3A_161 : vector<16xi32>
      %parallel_loop3A_163 = arith.addi %parallel_loop3A_155, %parallel_loop3A_162 : vector<16xi32>
      %parallel_loop3A_164 = arith.constant 14 : i32
      %parallel_loop3A_165 = arith.index_cast %parallel_loop3A_164 : i32 to index
      %parallel_loop3A_166 = arith.index_cast %parallel_loop3A_49 : i32 to index
      %parallel_loop3A_167 = tpu.vector_load %arg10[%parallel_loop3A_165, %parallel_loop3A_166] {strides = array<i32>} : memref<16x128xi32, #tpu.memory_space<vmem>>, vector<16xi32>,
      %parallel_loop3A_168 = arith.constant 5 : i32
      %parallel_loop3A_169 = vector.broadcast %parallel_loop3A_168 : i32 to vector<16xi32>
      %parallel_loop3A_170 = arith.minsi %parallel_loop3A_167, %parallel_loop3A_169 : vector<16xi32>
      %parallel_loop3A_171 = arith.addi %parallel_loop3A_163, %parallel_loop3A_170 : vector<16xi32>
      %parallel_loop3A_172 = arith.constant 15 : i32
      %parallel_loop3A_173 = arith.index_cast %parallel_loop3A_172 : i32 to index
      %parallel_loop3A_174 = arith.index_cast %parallel_loop3A_49 : i32 to index
      %parallel_loop3A_175 = tpu.vector_load %arg10[%parallel_loop3A_173, %parallel_loop3A_174] {strides = array<i32>} : memref<16x128xi32, #tpu.memory_space<vmem>>, vector<16xi32>,
      %parallel_loop3A_176 = arith.constant 5 : i32
      %parallel_loop3A_177 = vector.broadcast %parallel_loop3A_176 : i32 to vector<16xi32>
      %parallel_loop3A_178 = arith.minsi %parallel_loop3A_175, %parallel_loop3A_177 : vector<16xi32>
      %parallel_loop3A_179 = arith.addi %parallel_loop3A_171, %parallel_loop3A_178 : vector<16xi32>
      %parallel_loop3A_180 = arith.constant 5 : i32
      %parallel_loop3A_181 = vector.broadcast %parallel_loop3A_180 : i32 to vector<16xi32>
      %parallel_loop3A_182 = arith.minsi %parallel_loop3A_179, %parallel_loop3A_181 : vector<16xi32>
      %parallel_loop3A_183 = arith.index_cast %parallel_loop3A_49 : i32 to index
      %parallel_loop3A_184 = tpu.vector_load %arg13[%parallel_loop3A_183] {strides = array<i32>} : memref<128xi32, #tpu.memory_space<vmem>>, vector<16xi32>,
      tpu.vector_store %arg13[%parallel_loop3A_183], %parallel_loop3A_182 {strides = array<i32>} : memref<128xi32, #tpu.memory_space<vmem>>, vector<16xi32>,
    } {sc.loop_unroll_factor = 1 : i64, sc.parallel_access}
    %parallel_loop3A_31 = arith.constant 0 : i32
    %parallel_loop3A_32 = arith.constant 128 : i32
    %parallel_loop3A_33 = arith.constant 1 : i32
    scf.for %parallel_loop3A_49 = %parallel_loop3A_31 to %parallel_loop3A_32 step %parallel_loop3A_33  : i32 {
      %parallel_loop3A_50 = vector.broadcast %parallel_loop3A_49 : i32 to vector<16xi32>
      %parallel_loop3A_51 = tpu.vector_load_idx %arg10[%iota3A, %parallel_loop3A_50] : memref<16x128xi32, #tpu.memory_space<vmem>>[vector<16xi32>, vector<16xi32>], vector<16xi32>,
      %parallel_loop3A_52 = arith.constant 5 : i32
      %parallel_loop3A_53 = vector.broadcast %parallel_loop3A_52 : i32 to vector<16xi32>
      %parallel_loop3A_54 = arith.minsi %parallel_loop3A_51, %parallel_loop3A_53 : vector<16xi32>
      %parallel_loop3A_55 = arith.constant true
      %parallel_loop3A_56 = vector.broadcast %parallel_loop3A_55 : i1 to vector<16xi1>
      %parallel_loop3A_57 = tpu.scan <sum>, %parallel_loop3A_54 masked %parallel_loop3A_56 : vector<16xi32>, vector<16xi1> -> vector<16xi32>
      %parallel_loop3A_58 = arith.subi %parallel_loop3A_57, %parallel_loop3A_54 : vector<16xi32>
      %parallel_loop3A_59 = arith.constant 5 : i32
      %parallel_loop3A_60 = vector.broadcast %parallel_loop3A_59 : i32 to vector<16xi32>
      %parallel_loop3A_61 = arith.muli %parallel_loop3A_50, %parallel_loop3A_60 : vector<16xi32>
      %parallel_loop3A_62 = arith.constant 0 : i32
      %parallel_loop3A_63 = vector.broadcast %parallel_loop3A_62 : i32 to vector<16xi32>
      %parallel_loop3A_64 = arith.addi %parallel_loop3A_61, %parallel_loop3A_63 : vector<16xi32>
      %parallel_loop3A_65 = tpu.vector_load_idx %arg11[%iota3A, %parallel_loop3A_64] : memref<16x640xi32, #tpu.memory_space<vmem>>[vector<16xi32>, vector<16xi32>], vector<16xi32>,
      %parallel_loop3A_66 = arith.constant 0 : i32
      %parallel_loop3A_67 = vector.broadcast %parallel_loop3A_66 : i32 to vector<16xi32>
      %parallel_loop3A_68 = arith.addi %parallel_loop3A_58, %parallel_loop3A_67 : vector<16xi32>
      %parallel_loop3A_69 = arith.constant 0 : i32
      %parallel_loop3A_70 = vector.broadcast %parallel_loop3A_69 : i32 to vector<16xi32>
      %parallel_loop3A_71 = arith.cmpi sgt, %parallel_loop3A_54, %parallel_loop3A_70 : vector<16xi32>
      %parallel_loop3A_72 = arith.constant 5 : i32
      %parallel_loop3A_73 = vector.broadcast %parallel_loop3A_72 : i32 to vector<16xi32>
      %parallel_loop3A_74 = arith.cmpi slt, %parallel_loop3A_68, %parallel_loop3A_73 : vector<16xi32>
      %parallel_loop3A_75 = arith.andi %parallel_loop3A_71, %parallel_loop3A_74 : vector<16xi1>
      %parallel_loop3A_76 = arith.constant 128 : i32
      %parallel_loop3A_77 = vector.broadcast %parallel_loop3A_76 : i32 to vector<16xi32>
      %parallel_loop3A_78 = arith.muli %parallel_loop3A_68, %parallel_loop3A_77 : vector<16xi32>
      %parallel_loop3A_79 = vector.broadcast %parallel_loop3A_49 : i32 to vector<16xi32>
      %parallel_loop3A_80 = arith.addi %parallel_loop3A_78, %parallel_loop3A_79 : vector<16xi32>
      tpu.vector_store_idx %arg12[%parallel_loop3A_80], %parallel_loop3A_65 masked %parallel_loop3A_75 : memref<640xi32, #tpu.memory_space<vmem>>[vector<16xi32>], vector<16xi32>, vector<16xi1>
      %parallel_loop3A_81 = arith.constant 5 : i32
      %parallel_loop3A_82 = vector.broadcast %parallel_loop3A_81 : i32 to vector<16xi32>
      %parallel_loop3A_83 = arith.muli %parallel_loop3A_50, %parallel_loop3A_82 : vector<16xi32>
      %parallel_loop3A_84 = arith.constant 1 : i32
      %parallel_loop3A_85 = vector.broadcast %parallel_loop3A_84 : i32 to vector<16xi32>
      %parallel_loop3A_86 = arith.addi %parallel_loop3A_83, %parallel_loop3A_85 : vector<16xi32>
      %parallel_loop3A_87 = tpu.vector_load_idx %arg11[%iota3A, %parallel_loop3A_86] : memref<16x640xi32, #tpu.memory_space<vmem>>[vector<16xi32>, vector<16xi32>], vector<16xi32>,
      %parallel_loop3A_88 = arith.constant 1 : i32
      %parallel_loop3A_89 = vector.broadcast %parallel_loop3A_88 : i32 to vector<16xi32>
      %parallel_loop3A_90 = arith.addi %parallel_loop3A_58, %parallel_loop3A_89 : vector<16xi32>
      %parallel_loop3A_91 = arith.constant 1 : i32
      %parallel_loop3A_92 = vector.broadcast %parallel_loop3A_91 : i32 to vector<16xi32>
      %parallel_loop3A_93 = arith.cmpi sgt, %parallel_loop3A_54, %parallel_loop3A_92 : vector<16xi32>
      %parallel_loop3A_94 = arith.constant 5 : i32
      %parallel_loop3A_95 = vector.broadcast %parallel_loop3A_94 : i32 to vector<16xi32>
      %parallel_loop3A_96 = arith.cmpi slt, %parallel_loop3A_90, %parallel_loop3A_95 : vector<16xi32>
      %parallel_loop3A_97 = arith.andi %parallel_loop3A_93, %parallel_loop3A_96 : vector<16xi1>
      %parallel_loop3A_98 = arith.constant 128 : i32
      %parallel_loop3A_99 = vector.broadcast %parallel_loop3A_98 : i32 to vector<16xi32>
      %parallel_loop3A_100 = arith.muli %parallel_loop3A_90, %parallel_loop3A_99 : vector<16xi32>
      %parallel_loop3A_101 = vector.broadcast %parallel_loop3A_49 : i32 to vector<16xi32>
      %parallel_loop3A_102 = arith.addi %parallel_loop3A_100, %parallel_loop3A_101 : vector<16xi32>
      tpu.vector_store_idx %arg12[%parallel_loop3A_102], %parallel_loop3A_87 masked %parallel_loop3A_97 : memref<640xi32, #tpu.memory_space<vmem>>[vector<16xi32>], vector<16xi32>, vector<16xi1>
      %parallel_loop3A_103 = arith.constant 5 : i32
      %parallel_loop3A_104 = vector.broadcast %parallel_loop3A_103 : i32 to vector<16xi32>
      %parallel_loop3A_105 = arith.muli %parallel_loop3A_50, %parallel_loop3A_104 : vector<16xi32>
      %parallel_loop3A_106 = arith.constant 2 : i32
      %parallel_loop3A_107 = vector.broadcast %parallel_loop3A_106 : i32 to vector<16xi32>
      %parallel_loop3A_108 = arith.addi %parallel_loop3A_105, %parallel_loop3A_107 : vector<16xi32>
      %parallel_loop3A_109 = tpu.vector_load_idx %arg11[%iota3A, %parallel_loop3A_108] : memref<16x640xi32, #tpu.memory_space<vmem>>[vector<16xi32>, vector<16xi32>], vector<16xi32>,
      %parallel_loop3A_110 = arith.constant 2 : i32
      %parallel_loop3A_111 = vector.broadcast %parallel_loop3A_110 : i32 to vector<16xi32>
      %parallel_loop3A_112 = arith.addi %parallel_loop3A_58, %parallel_loop3A_111 : vector<16xi32>
      %parallel_loop3A_113 = arith.constant 2 : i32
      %parallel_loop3A_114 = vector.broadcast %parallel_loop3A_113 : i32 to vector<16xi32>
      %parallel_loop3A_115 = arith.cmpi sgt, %parallel_loop3A_54, %parallel_loop3A_114 : vector<16xi32>
      %parallel_loop3A_116 = arith.constant 5 : i32
      %parallel_loop3A_117 = vector.broadcast %parallel_loop3A_116 : i32 to vector<16xi32>
      %parallel_loop3A_118 = arith.cmpi slt, %parallel_loop3A_112, %parallel_loop3A_117 : vector<16xi32>
      %parallel_loop3A_119 = arith.andi %parallel_loop3A_115, %parallel_loop3A_118 : vector<16xi1>
      %parallel_loop3A_120 = arith.constant 128 : i32
      %parallel_loop3A_121 = vector.broadcast %parallel_loop3A_120 : i32 to vector<16xi32>
      %parallel_loop3A_122 = arith.muli %parallel_loop3A_112, %parallel_loop3A_121 : vector<16xi32>
      %parallel_loop3A_123 = vector.broadcast %parallel_loop3A_49 : i32 to vector<16xi32>
      %parallel_loop3A_124 = arith.addi %parallel_loop3A_122, %parallel_loop3A_123 : vector<16xi32>
      tpu.vector_store_idx %arg12[%parallel_loop3A_124], %parallel_loop3A_109 masked %parallel_loop3A_119 : memref<640xi32, #tpu.memory_space<vmem>>[vector<16xi32>], vector<16xi32>, vector<16xi1>
      %parallel_loop3A_125 = arith.constant 5 : i32
      %parallel_loop3A_126 = vector.broadcast %parallel_loop3A_125 : i32 to vector<16xi32>
      %parallel_loop3A_127 = arith.muli %parallel_loop3A_50, %parallel_loop3A_126 : vector<16xi32>
      %parallel_loop3A_128 = arith.constant 3 : i32
      %parallel_loop3A_129 = vector.broadcast %parallel_loop3A_128 : i32 to vector<16xi32>
      %parallel_loop3A_130 = arith.addi %parallel_loop3A_127, %parallel_loop3A_129 : vector<16xi32>
      %parallel_loop3A_131 = tpu.vector_load_idx %arg11[%iota3A, %parallel_loop3A_130] : memref<16x640xi32, #tpu.memory_space<vmem>>[vector<16xi32>, vector<16xi32>], vector<16xi32>,
      %parallel_loop3A_132 = arith.constant 3 : i32
      %parallel_loop3A_133 = vector.broadcast %parallel_loop3A_132 : i32 to vector<16xi32>
      %parallel_loop3A_134 = arith.addi %parallel_loop3A_58, %parallel_loop3A_133 : vector<16xi32>
      %parallel_loop3A_135 = arith.constant 3 : i32
      %parallel_loop3A_136 = vector.broadcast %parallel_loop3A_135 : i32 to vector<16xi32>
      %parallel_loop3A_137 = arith.cmpi sgt, %parallel_loop3A_54, %parallel_loop3A_136 : vector<16xi32>
      %parallel_loop3A_138 = arith.constant 5 : i32
      %parallel_loop3A_139 = vector.broadcast %parallel_loop3A_138 : i32 to vector<16xi32>
      %parallel_loop3A_140 = arith.cmpi slt, %parallel_loop3A_134, %parallel_loop3A_139 : vector<16xi32>
      %parallel_loop3A_141 = arith.andi %parallel_loop3A_137, %parallel_loop3A_140 : vector<16xi1>
      %parallel_loop3A_142 = arith.constant 128 : i32
      %parallel_loop3A_143 = vector.broadcast %parallel_loop3A_142 : i32 to vector<16xi32>
      %parallel_loop3A_144 = arith.muli %parallel_loop3A_134, %parallel_loop3A_143 : vector<16xi32>
      %parallel_loop3A_145 = vector.broadcast %parallel_loop3A_49 : i32 to vector<16xi32>
      %parallel_loop3A_146 = arith.addi %parallel_loop3A_144, %parallel_loop3A_145 : vector<16xi32>
      tpu.vector_store_idx %arg12[%parallel_loop3A_146], %parallel_loop3A_131 masked %parallel_loop3A_141 : memref<640xi32, #tpu.memory_space<vmem>>[vector<16xi32>], vector<16xi32>, vector<16xi1>
      %parallel_loop3A_147 = arith.constant 5 : i32
      %parallel_loop3A_148 = vector.broadcast %parallel_loop3A_147 : i32 to vector<16xi32>
      %parallel_loop3A_149 = arith.muli %parallel_loop3A_50, %parallel_loop3A_148 : vector<16xi32>
      %parallel_loop3A_150 = arith.constant 4 : i32
      %parallel_loop3A_151 = vector.broadcast %parallel_loop3A_150 : i32 to vector<16xi32>
      %parallel_loop3A_152 = arith.addi %parallel_loop3A_149, %parallel_loop3A_151 : vector<16xi32>
      %parallel_loop3A_153 = tpu.vector_load_idx %arg11[%iota3A, %parallel_loop3A_152] : memref<16x640xi32, #tpu.memory_space<vmem>>[vector<16xi32>, vector<16xi32>], vector<16xi32>,
      %parallel_loop3A_154 = arith.constant 4 : i32
      %parallel_loop3A_155 = vector.broadcast %parallel_loop3A_154 : i32 to vector<16xi32>
      %parallel_loop3A_156 = arith.addi %parallel_loop3A_58, %parallel_loop3A_155 : vector<16xi32>
      %parallel_loop3A_157 = arith.constant 4 : i32
      %parallel_loop3A_158 = vector.broadcast %parallel_loop3A_157 : i32 to vector<16xi32>
      %parallel_loop3A_159 = arith.cmpi sgt, %parallel_loop3A_54, %parallel_loop3A_158 : vector<16xi32>
      %parallel_loop3A_160 = arith.constant 5 : i32
      %parallel_loop3A_161 = vector.broadcast %parallel_loop3A_160 : i32 to vector<16xi32>
      %parallel_loop3A_162 = arith.cmpi slt, %parallel_loop3A_156, %parallel_loop3A_161 : vector<16xi32>
      %parallel_loop3A_163 = arith.andi %parallel_loop3A_159, %parallel_loop3A_162 : vector<16xi1>
      %parallel_loop3A_164 = arith.constant 128 : i32
      %parallel_loop3A_165 = vector.broadcast %parallel_loop3A_164 : i32 to vector<16xi32>
      %parallel_loop3A_166 = arith.muli %parallel_loop3A_156, %parallel_loop3A_165 : vector<16xi32>
      %parallel_loop3A_167 = vector.broadcast %parallel_loop3A_49 : i32 to vector<16xi32>
      %parallel_loop3A_168 = arith.addi %parallel_loop3A_166, %parallel_loop3A_167 : vector<16xi32>
      tpu.vector_store_idx %arg12[%parallel_loop3A_168], %parallel_loop3A_153 masked %parallel_loop3A_163 : memref<640xi32, #tpu.memory_space<vmem>>[vector<16xi32>], vector<16xi32>, vector<16xi1>
    } {sc.loop_unroll_factor = 2 : i64, sc.parallel_access}
    %add3A = arith.addi %mul3A_0, %mul3A_22 : i32
    "tpu.region"() ({
      %run_scoped3A = tpu.sem_alloc : memref<!tpu.dma_semaphore, #tpu.memory_space<semaphore_mem>>
      %dma_start3A = tpu.memref_slice %arg5[%add3A] : memref<4096xi32, #tpu.memory_space<hbm>> -> memref<128xi32, #tpu.memory_space<hbm>>
      %dma_start3A_49 = tpu.memref_slice %arg5[%add3A] : memref<4096xi32, #tpu.memory_space<hbm>> -> memref<128xi32, #tpu.memory_space<hbm>>
      tpu.enqueue_dma source(%arg13 : memref<128xi32, #tpu.memory_space<vmem>>) target(%dma_start3A_49 : memref<128xi32, #tpu.memory_space<hbm>>) target_semaphore(%run_scoped3A : memref<!tpu.dma_semaphore, #tpu.memory_space<semaphore_mem>>)
      %dma_wait3A = tpu.memref_slice %arg5[%add3A] : memref<4096xi32, #tpu.memory_space<hbm>> -> memref<128xi32, #tpu.memory_space<hbm>>
      %dma_wait3A_50 = tpu.memref_slice %arg5[%add3A] : memref<4096xi32, #tpu.memory_space<hbm>> -> memref<128xi32, #tpu.memory_space<hbm>>
      tpu.wait_dma2 semaphore(%run_scoped3A : memref<!tpu.dma_semaphore, #tpu.memory_space<semaphore_mem>>) src(%arg13 : memref<128xi32, #tpu.memory_space<vmem>>) dst(%dma_wait3A_50 : memref<128xi32, #tpu.memory_space<hbm>>)
      tpu.yield
    }) : () -> ()
    %add3A_34 = arith.constant 0 : i32
    %add3A_35 = arith.addi %add3A_34, %mul3A_0 : i32
    %add3A_36 = arith.addi %add3A_35, %mul3A_22 : i32
    "tpu.region"() ({
      %run_scoped3A = tpu.sem_alloc : memref<!tpu.dma_semaphore, #tpu.memory_space<semaphore_mem>>
      %dma_start3A = arith.constant 0 : i32
      %dma_start3A_49 = tpu.memref_slice %arg12[%dma_start3A] : memref<640xi32, #tpu.memory_space<vmem>> -> memref<128xi32, #tpu.memory_space<vmem>>
      %dma_start3A_50 = tpu.memref_slice %arg4[%add3A_36] : memref<20480xi32, #tpu.memory_space<hbm>> -> memref<128xi32, #tpu.memory_space<hbm>>
      %dma_start3A_51 = tpu.memref_slice %arg4[%add3A_36] : memref<20480xi32, #tpu.memory_space<hbm>> -> memref<128xi32, #tpu.memory_space<hbm>>
      %dma_start3A_52 = arith.constant 0 : i32
      %dma_start3A_53 = tpu.memref_slice %arg12[%dma_start3A_52] : memref<640xi32, #tpu.memory_space<vmem>> -> memref<128xi32, #tpu.memory_space<vmem>>
      tpu.enqueue_dma source(%dma_start3A_53 : memref<128xi32, #tpu.memory_space<vmem>>) target(%dma_start3A_51 : memref<128xi32, #tpu.memory_space<hbm>>) target_semaphore(%run_scoped3A : memref<!tpu.dma_semaphore, #tpu.memory_space<semaphore_mem>>)
      %dma_wait3A = arith.constant 0 : i32
      %dma_wait3A_54 = tpu.memref_slice %arg12[%dma_wait3A] : memref<640xi32, #tpu.memory_space<vmem>> -> memref<128xi32, #tpu.memory_space<vmem>>
      %dma_wait3A_55 = tpu.memref_slice %arg4[%add3A_36] : memref<20480xi32, #tpu.memory_space<hbm>> -> memref<128xi32, #tpu.memory_space<hbm>>
      %dma_wait3A_56 = tpu.memref_slice %arg4[%add3A_36] : memref<20480xi32, #tpu.memory_space<hbm>> -> memref<128xi32, #tpu.memory_space<hbm>>
      %dma_wait3A_57 = arith.constant 0 : i32
      %dma_wait3A_58 = tpu.memref_slice %arg12[%dma_wait3A_57] : memref<640xi32, #tpu.memory_space<vmem>> -> memref<128xi32, #tpu.memory_space<vmem>>
      tpu.wait_dma2 semaphore(%run_scoped3A : memref<!tpu.dma_semaphore, #tpu.memory_space<semaphore_mem>>) src(%dma_wait3A_58 : memref<128xi32, #tpu.memory_space<vmem>>) dst(%dma_wait3A_56 : memref<128xi32, #tpu.memory_space<hbm>>)
      tpu.yield
    }) : () -> ()
    %add3A_37 = arith.constant 4096 : i32
    %add3A_38 = arith.addi %add3A_37, %mul3A_0 : i32
    %add3A_39 = arith.addi %add3A_38, %mul3A_22 : i32
    "tpu.region"() ({
      %run_scoped3A = tpu.sem_alloc : memref<!tpu.dma_semaphore, #tpu.memory_space<semaphore_mem>>
      %dma_start3A = arith.constant 128 : i32
      %dma_start3A_49 = tpu.memref_slice %arg12[%dma_start3A] : memref<640xi32, #tpu.memory_space<vmem>> -> memref<128xi32, #tpu.memory_space<vmem>>
      %dma_start3A_50 = tpu.memref_slice %arg4[%add3A_39] : memref<20480xi32, #tpu.memory_space<hbm>> -> memref<128xi32, #tpu.memory_space<hbm>>
      %dma_start3A_51 = tpu.memref_slice %arg4[%add3A_39] : memref<20480xi32, #tpu.memory_space<hbm>> -> memref<128xi32, #tpu.memory_space<hbm>>
      %dma_start3A_52 = arith.constant 128 : i32
      %dma_start3A_53 = tpu.memref_slice %arg12[%dma_start3A_52] : memref<640xi32, #tpu.memory_space<vmem>> -> memref<128xi32, #tpu.memory_space<vmem>>
      tpu.enqueue_dma source(%dma_start3A_53 : memref<128xi32, #tpu.memory_space<vmem>>) target(%dma_start3A_51 : memref<128xi32, #tpu.memory_space<hbm>>) target_semaphore(%run_scoped3A : memref<!tpu.dma_semaphore, #tpu.memory_space<semaphore_mem>>)
      %dma_wait3A = arith.constant 128 : i32
      %dma_wait3A_54 = tpu.memref_slice %arg12[%dma_wait3A] : memref<640xi32, #tpu.memory_space<vmem>> -> memref<128xi32, #tpu.memory_space<vmem>>
      %dma_wait3A_55 = tpu.memref_slice %arg4[%add3A_39] : memref<20480xi32, #tpu.memory_space<hbm>> -> memref<128xi32, #tpu.memory_space<hbm>>
      %dma_wait3A_56 = tpu.memref_slice %arg4[%add3A_39] : memref<20480xi32, #tpu.memory_space<hbm>> -> memref<128xi32, #tpu.memory_space<hbm>>
      %dma_wait3A_57 = arith.constant 128 : i32
      %dma_wait3A_58 = tpu.memref_slice %arg12[%dma_wait3A_57] : memref<640xi32, #tpu.memory_space<vmem>> -> memref<128xi32, #tpu.memory_space<vmem>>
      tpu.wait_dma2 semaphore(%run_scoped3A : memref<!tpu.dma_semaphore, #tpu.memory_space<semaphore_mem>>) src(%dma_wait3A_58 : memref<128xi32, #tpu.memory_space<vmem>>) dst(%dma_wait3A_56 : memref<128xi32, #tpu.memory_space<hbm>>)
      tpu.yield
    }) : () -> ()
    %add3A_40 = arith.constant 8192 : i32
    %add3A_41 = arith.addi %add3A_40, %mul3A_0 : i32
    %add3A_42 = arith.addi %add3A_41, %mul3A_22 : i32
    "tpu.region"() ({
      %run_scoped3A = tpu.sem_alloc : memref<!tpu.dma_semaphore, #tpu.memory_space<semaphore_mem>>
      %dma_start3A = arith.constant 256 : i32
      %dma_start3A_49 = tpu.memref_slice %arg12[%dma_start3A] : memref<640xi32, #tpu.memory_space<vmem>> -> memref<128xi32, #tpu.memory_space<vmem>>
      %dma_start3A_50 = tpu.memref_slice %arg4[%add3A_42] : memref<20480xi32, #tpu.memory_space<hbm>> -> memref<128xi32, #tpu.memory_space<hbm>>
      %dma_start3A_51 = tpu.memref_slice %arg4[%add3A_42] : memref<20480xi32, #tpu.memory_space<hbm>> -> memref<128xi32, #tpu.memory_space<hbm>>
      %dma_start3A_52 = arith.constant 256 : i32
      %dma_start3A_53 = tpu.memref_slice %arg12[%dma_start3A_52] : memref<640xi32, #tpu.memory_space<vmem>> -> memref<128xi32, #tpu.memory_space<vmem>>
      tpu.enqueue_dma source(%dma_start3A_53 : memref<128xi32, #tpu.memory_space<vmem>>) target(%dma_start3A_51 : memref<128xi32, #tpu.memory_space<hbm>>) target_semaphore(%run_scoped3A : memref<!tpu.dma_semaphore, #tpu.memory_space<semaphore_mem>>)
      %dma_wait3A = arith.constant 256 : i32
      %dma_wait3A_54 = tpu.memref_slice %arg12[%dma_wait3A] : memref<640xi32, #tpu.memory_space<vmem>> -> memref<128xi32, #tpu.memory_space<vmem>>
      %dma_wait3A_55 = tpu.memref_slice %arg4[%add3A_42] : memref<20480xi32, #tpu.memory_space<hbm>> -> memref<128xi32, #tpu.memory_space<hbm>>
      %dma_wait3A_56 = tpu.memref_slice %arg4[%add3A_42] : memref<20480xi32, #tpu.memory_space<hbm>> -> memref<128xi32, #tpu.memory_space<hbm>>
      %dma_wait3A_57 = arith.constant 256 : i32
      %dma_wait3A_58 = tpu.memref_slice %arg12[%dma_wait3A_57] : memref<640xi32, #tpu.memory_space<vmem>> -> memref<128xi32, #tpu.memory_space<vmem>>
      tpu.wait_dma2 semaphore(%run_scoped3A : memref<!tpu.dma_semaphore, #tpu.memory_space<semaphore_mem>>) src(%dma_wait3A_58 : memref<128xi32, #tpu.memory_space<vmem>>) dst(%dma_wait3A_56 : memref<128xi32, #tpu.memory_space<hbm>>)
      tpu.yield
    }) : () -> ()
    %add3A_43 = arith.constant 12288 : i32
    %add3A_44 = arith.addi %add3A_43, %mul3A_0 : i32
    %add3A_45 = arith.addi %add3A_44, %mul3A_22 : i32
    "tpu.region"() ({
      %run_scoped3A = tpu.sem_alloc : memref<!tpu.dma_semaphore, #tpu.memory_space<semaphore_mem>>
      %dma_start3A = arith.constant 384 : i32
      %dma_start3A_49 = tpu.memref_slice %arg12[%dma_start3A] : memref<640xi32, #tpu.memory_space<vmem>> -> memref<128xi32, #tpu.memory_space<vmem>>
      %dma_start3A_50 = tpu.memref_slice %arg4[%add3A_45] : memref<20480xi32, #tpu.memory_space<hbm>> -> memref<128xi32, #tpu.memory_space<hbm>>
      %dma_start3A_51 = tpu.memref_slice %arg4[%add3A_45] : memref<20480xi32, #tpu.memory_space<hbm>> -> memref<128xi32, #tpu.memory_space<hbm>>
      %dma_start3A_52 = arith.constant 384 : i32
      %dma_start3A_53 = tpu.memref_slice %arg12[%dma_start3A_52] : memref<640xi32, #tpu.memory_space<vmem>> -> memref<128xi32, #tpu.memory_space<vmem>>
      tpu.enqueue_dma source(%dma_start3A_53 : memref<128xi32, #tpu.memory_space<vmem>>) target(%dma_start3A_51 : memref<128xi32, #tpu.memory_space<hbm>>) target_semaphore(%run_scoped3A : memref<!tpu.dma_semaphore, #tpu.memory_space<semaphore_mem>>)
      %dma_wait3A = arith.constant 384 : i32
      %dma_wait3A_54 = tpu.memref_slice %arg12[%dma_wait3A] : memref<640xi32, #tpu.memory_space<vmem>> -> memref<128xi32, #tpu.memory_space<vmem>>
      %dma_wait3A_55 = tpu.memref_slice %arg4[%add3A_45] : memref<20480xi32, #tpu.memory_space<hbm>> -> memref<128xi32, #tpu.memory_space<hbm>>
      %dma_wait3A_56 = tpu.memref_slice %arg4[%add3A_45] : memref<20480xi32, #tpu.memory_space<hbm>> -> memref<128xi32, #tpu.memory_space<hbm>>
      %dma_wait3A_57 = arith.constant 384 : i32
      %dma_wait3A_58 = tpu.memref_slice %arg12[%dma_wait3A_57] : memref<640xi32, #tpu.memory_space<vmem>> -> memref<128xi32, #tpu.memory_space<vmem>>
      tpu.wait_dma2 semaphore(%run_scoped3A : memref<!tpu.dma_semaphore, #tpu.memory_space<semaphore_mem>>) src(%dma_wait3A_58 : memref<128xi32, #tpu.memory_space<vmem>>) dst(%dma_wait3A_56 : memref<128xi32, #tpu.memory_space<hbm>>)
      tpu.yield
    }) : () -> ()
    %add3A_46 = arith.constant 16384 : i32
    %add3A_47 = arith.addi %add3A_46, %mul3A_0 : i32
    %add3A_48 = arith.addi %add3A_47, %mul3A_22 : i32
    "tpu.region"() ({
      %run_scoped3A = tpu.sem_alloc : memref<!tpu.dma_semaphore, #tpu.memory_space<semaphore_mem>>
      %dma_start3A = arith.constant 512 : i32
      %dma_start3A_49 = tpu.memref_slice %arg12[%dma_start3A] : memref<640xi32, #tpu.memory_space<vmem>> -> memref<128xi32, #tpu.memory_space<vmem>>
      %dma_start3A_50 = tpu.memref_slice %arg4[%add3A_48] : memref<20480xi32, #tpu.memory_space<hbm>> -> memref<128xi32, #tpu.memory_space<hbm>>
      %dma_start3A_51 = tpu.memref_slice %arg4[%add3A_48] : memref<20480xi32, #tpu.memory_space<hbm>> -> memref<128xi32, #tpu.memory_space<hbm>>
      %dma_start3A_52 = arith.constant 512 : i32
      %dma_start3A_53 = tpu.memref_slice %arg12[%dma_start3A_52] : memref<640xi32, #tpu.memory_space<vmem>> -> memref<128xi32, #tpu.memory_space<vmem>>
      tpu.enqueue_dma source(%dma_start3A_53 : memref<128xi32, #tpu.memory_space<vmem>>) target(%dma_start3A_51 : memref<128xi32, #tpu.memory_space<hbm>>) target_semaphore(%run_scoped3A : memref<!tpu.dma_semaphore, #tpu.memory_space<semaphore_mem>>)
      %dma_wait3A = arith.constant 512 : i32
      %dma_wait3A_54 = tpu.memref_slice %arg12[%dma_wait3A] : memref<640xi32, #tpu.memory_space<vmem>> -> memref<128xi32, #tpu.memory_space<vmem>>
      %dma_wait3A_55 = tpu.memref_slice %arg4[%add3A_48] : memref<20480xi32, #tpu.memory_space<hbm>> -> memref<128xi32, #tpu.memory_space<hbm>>
      %dma_wait3A_56 = tpu.memref_slice %arg4[%add3A_48] : memref<20480xi32, #tpu.memory_space<hbm>> -> memref<128xi32, #tpu.memory_space<hbm>>
      %dma_wait3A_57 = arith.constant 512 : i32
      %dma_wait3A_58 = tpu.memref_slice %arg12[%dma_wait3A_57] : memref<640xi32, #tpu.memory_space<vmem>> -> memref<128xi32, #tpu.memory_space<vmem>>
      tpu.wait_dma2 semaphore(%run_scoped3A : memref<!tpu.dma_semaphore, #tpu.memory_space<semaphore_mem>>) src(%dma_wait3A_58 : memref<128xi32, #tpu.memory_space<vmem>>) dst(%dma_wait3A_56 : memref<128xi32, #tpu.memory_space<hbm>>)
      tpu.yield
    }) : () -> ()
    return
  }
}

#map = affine_map<(d0, d1) -> (0, 0)>
#map1 = affine_map<(d0, d1) -> (0)>
#map2 = affine_map<(d0, d1) -> (0, 0, 0)>
module attributes {stable_mosaic.version = 14 : i64} {
  func.func @_sc_gather_body(%arg0: i32, %arg1: i32, %arg2: memref<4096x128xi32, #tpu.memory_space<hbm>>, %arg3: memref<20480xi32, #tpu.memory_space<hbm>>, %arg4: memref<5x3072x128xi32, #tpu.memory_space<hbm>>, %arg5: memref<480xi32, #tpu.memory_space<vmem>>, %arg6: memref<480x128xi32, #tpu.memory_space<vmem>>, %arg7: memref<!tpu.dma_semaphore, #tpu.memory_space<semaphore_mem>>) attributes {dimension_semantics = [#tpu.dimension_semantics<core_parallel>, #tpu.dimension_semantics<subcore_parallel>], iteration_bounds = array<i64: 2, 16>, scalar_prefetch = 0 : i64, scratch_operands = 3 : i64, tpu.core_type = #tpu.core_type<sc_vector_subcore>, window_params = [{transform_indices = #map}, {transform_indices = #map1}, {transform_indices = #map2}]} {
    %mul3A = arith.constant 2 : i32
    %mul3A_0 = arith.muli %arg1, %mul3A : i32
    %add3A = arith.addi %mul3A_0, %arg0 : i32
    %mul3A_1 = arith.constant 96 : i32
    %mul3A_2 = arith.muli %add3A, %mul3A_1 : i32
    %add3A_3 = arith.constant 1024 : i32
    %add3A_4 = arith.addi %add3A_3, %mul3A_2 : i32
    %mul3A_5 = arith.constant 96 : i32
    %mul3A_6 = arith.muli %add3A, %mul3A_5 : i32
    %add3A_7 = arith.constant 0 : i32
    %add3A_8 = arith.addi %add3A_7, %add3A_4 : i32
    %dma_start3A = arith.constant 0 : i32
    %dma_start3A_9 = tpu.memref_slice %arg5[%dma_start3A] : memref<480xi32, #tpu.memory_space<vmem>> -> memref<96xi32, #tpu.memory_space<vmem>>
    %dma_start3A_10 = tpu.memref_slice %arg3[%add3A_8] : memref<20480xi32, #tpu.memory_space<hbm>> -> memref<96xi32, #tpu.memory_space<hbm>>
    %dma_start3A_11 = arith.constant 0 : i32
    %dma_start3A_12 = tpu.memref_slice %arg5[%dma_start3A_11] : memref<480xi32, #tpu.memory_space<vmem>> -> memref<96xi32, #tpu.memory_space<vmem>>
    %dma_start3A_13 = tpu.memref_slice %arg3[%add3A_8] : memref<20480xi32, #tpu.memory_space<hbm>> -> memref<96xi32, #tpu.memory_space<hbm>>
    tpu.enqueue_dma source(%dma_start3A_13 : memref<96xi32, #tpu.memory_space<hbm>>) target(%dma_start3A_12 : memref<96xi32, #tpu.memory_space<vmem>>) target_semaphore(%arg7 : memref<!tpu.dma_semaphore, #tpu.memory_space<semaphore_mem>>)
    %add3A_14 = arith.constant 4096 : i32
    %add3A_15 = arith.addi %add3A_14, %add3A_4 : i32
    %dma_start3A_16 = arith.constant 96 : i32
    %dma_start3A_17 = tpu.memref_slice %arg5[%dma_start3A_16] : memref<480xi32, #tpu.memory_space<vmem>> -> memref<96xi32, #tpu.memory_space<vmem>>
    %dma_start3A_18 = tpu.memref_slice %arg3[%add3A_15] : memref<20480xi32, #tpu.memory_space<hbm>> -> memref<96xi32, #tpu.memory_space<hbm>>
    %dma_start3A_19 = arith.constant 96 : i32
    %dma_start3A_20 = tpu.memref_slice %arg5[%dma_start3A_19] : memref<480xi32, #tpu.memory_space<vmem>> -> memref<96xi32, #tpu.memory_space<vmem>>
    %dma_start3A_21 = tpu.memref_slice %arg3[%add3A_15] : memref<20480xi32, #tpu.memory_space<hbm>> -> memref<96xi32, #tpu.memory_space<hbm>>
    tpu.enqueue_dma source(%dma_start3A_21 : memref<96xi32, #tpu.memory_space<hbm>>) target(%dma_start3A_20 : memref<96xi32, #tpu.memory_space<vmem>>) target_semaphore(%arg7 : memref<!tpu.dma_semaphore, #tpu.memory_space<semaphore_mem>>)
    %add3A_22 = arith.constant 8192 : i32
    %add3A_23 = arith.addi %add3A_22, %add3A_4 : i32
    %dma_start3A_24 = arith.constant 192 : i32
    %dma_start3A_25 = tpu.memref_slice %arg5[%dma_start3A_24] : memref<480xi32, #tpu.memory_space<vmem>> -> memref<96xi32, #tpu.memory_space<vmem>>
    %dma_start3A_26 = tpu.memref_slice %arg3[%add3A_23] : memref<20480xi32, #tpu.memory_space<hbm>> -> memref<96xi32, #tpu.memory_space<hbm>>
    %dma_start3A_27 = arith.constant 192 : i32
    %dma_start3A_28 = tpu.memref_slice %arg5[%dma_start3A_27] : memref<480xi32, #tpu.memory_space<vmem>> -> memref<96xi32, #tpu.memory_space<vmem>>
    %dma_start3A_29 = tpu.memref_slice %arg3[%add3A_23] : memref<20480xi32, #tpu.memory_space<hbm>> -> memref<96xi32, #tpu.memory_space<hbm>>
    tpu.enqueue_dma source(%dma_start3A_29 : memref<96xi32, #tpu.memory_space<hbm>>) target(%dma_start3A_28 : memref<96xi32, #tpu.memory_space<vmem>>) target_semaphore(%arg7 : memref<!tpu.dma_semaphore, #tpu.memory_space<semaphore_mem>>)
    %add3A_30 = arith.constant 12288 : i32
    %add3A_31 = arith.addi %add3A_30, %add3A_4 : i32
    %dma_start3A_32 = arith.constant 288 : i32
    %dma_start3A_33 = tpu.memref_slice %arg5[%dma_start3A_32] : memref<480xi32, #tpu.memory_space<vmem>> -> memref<96xi32, #tpu.memory_space<vmem>>
    %dma_start3A_34 = tpu.memref_slice %arg3[%add3A_31] : memref<20480xi32, #tpu.memory_space<hbm>> -> memref<96xi32, #tpu.memory_space<hbm>>
    %dma_start3A_35 = arith.constant 288 : i32
    %dma_start3A_36 = tpu.memref_slice %arg5[%dma_start3A_35] : memref<480xi32, #tpu.memory_space<vmem>> -> memref<96xi32, #tpu.memory_space<vmem>>
    %dma_start3A_37 = tpu.memref_slice %arg3[%add3A_31] : memref<20480xi32, #tpu.memory_space<hbm>> -> memref<96xi32, #tpu.memory_space<hbm>>
    tpu.enqueue_dma source(%dma_start3A_37 : memref<96xi32, #tpu.memory_space<hbm>>) target(%dma_start3A_36 : memref<96xi32, #tpu.memory_space<vmem>>) target_semaphore(%arg7 : memref<!tpu.dma_semaphore, #tpu.memory_space<semaphore_mem>>)
    %add3A_38 = arith.constant 16384 : i32
    %add3A_39 = arith.addi %add3A_38, %add3A_4 : i32
    %dma_start3A_40 = arith.constant 384 : i32
    %dma_start3A_41 = tpu.memref_slice %arg5[%dma_start3A_40] : memref<480xi32, #tpu.memory_space<vmem>> -> memref<96xi32, #tpu.memory_space<vmem>>
    %dma_start3A_42 = tpu.memref_slice %arg3[%add3A_39] : memref<20480xi32, #tpu.memory_space<hbm>> -> memref<96xi32, #tpu.memory_space<hbm>>
    %dma_start3A_43 = arith.constant 384 : i32
    %dma_start3A_44 = tpu.memref_slice %arg5[%dma_start3A_43] : memref<480xi32, #tpu.memory_space<vmem>> -> memref<96xi32, #tpu.memory_space<vmem>>
    %dma_start3A_45 = tpu.memref_slice %arg3[%add3A_39] : memref<20480xi32, #tpu.memory_space<hbm>> -> memref<96xi32, #tpu.memory_space<hbm>>
    tpu.enqueue_dma source(%dma_start3A_45 : memref<96xi32, #tpu.memory_space<hbm>>) target(%dma_start3A_44 : memref<96xi32, #tpu.memory_space<vmem>>) target_semaphore(%arg7 : memref<!tpu.dma_semaphore, #tpu.memory_space<semaphore_mem>>)
    %dma_wait3A = arith.constant 0 : i32
    %dma_wait3A_46 = tpu.memref_slice %arg5[%dma_wait3A] : memref<480xi32, #tpu.memory_space<vmem>> -> memref<96xi32, #tpu.memory_space<vmem>>
    %dma_wait3A_47 = tpu.memref_slice %arg3[%add3A_8] : memref<20480xi32, #tpu.memory_space<hbm>> -> memref<96xi32, #tpu.memory_space<hbm>>
    %dma_wait3A_48 = arith.constant 0 : i32
    %dma_wait3A_49 = tpu.memref_slice %arg5[%dma_wait3A_48] : memref<480xi32, #tpu.memory_space<vmem>> -> memref<96xi32, #tpu.memory_space<vmem>>
    %dma_wait3A_50 = tpu.memref_slice %arg3[%add3A_8] : memref<20480xi32, #tpu.memory_space<hbm>> -> memref<96xi32, #tpu.memory_space<hbm>>
    tpu.wait_dma2 semaphore(%arg7 : memref<!tpu.dma_semaphore, #tpu.memory_space<semaphore_mem>>) src(%dma_wait3A_50 : memref<96xi32, #tpu.memory_space<hbm>>) dst(%dma_wait3A_49 : memref<96xi32, #tpu.memory_space<vmem>>)
    %dma_wait3A_51 = arith.constant 96 : i32
    %dma_wait3A_52 = tpu.memref_slice %arg5[%dma_wait3A_51] : memref<480xi32, #tpu.memory_space<vmem>> -> memref<96xi32, #tpu.memory_space<vmem>>
    %dma_wait3A_53 = tpu.memref_slice %arg3[%add3A_15] : memref<20480xi32, #tpu.memory_space<hbm>> -> memref<96xi32, #tpu.memory_space<hbm>>
    %dma_wait3A_54 = arith.constant 96 : i32
    %dma_wait3A_55 = tpu.memref_slice %arg5[%dma_wait3A_54] : memref<480xi32, #tpu.memory_space<vmem>> -> memref<96xi32, #tpu.memory_space<vmem>>
    %dma_wait3A_56 = tpu.memref_slice %arg3[%add3A_15] : memref<20480xi32, #tpu.memory_space<hbm>> -> memref<96xi32, #tpu.memory_space<hbm>>
    tpu.wait_dma2 semaphore(%arg7 : memref<!tpu.dma_semaphore, #tpu.memory_space<semaphore_mem>>) src(%dma_wait3A_56 : memref<96xi32, #tpu.memory_space<hbm>>) dst(%dma_wait3A_55 : memref<96xi32, #tpu.memory_space<vmem>>)
    %dma_wait3A_57 = arith.constant 192 : i32
    %dma_wait3A_58 = tpu.memref_slice %arg5[%dma_wait3A_57] : memref<480xi32, #tpu.memory_space<vmem>> -> memref<96xi32, #tpu.memory_space<vmem>>
    %dma_wait3A_59 = tpu.memref_slice %arg3[%add3A_23] : memref<20480xi32, #tpu.memory_space<hbm>> -> memref<96xi32, #tpu.memory_space<hbm>>
    %dma_wait3A_60 = arith.constant 192 : i32
    %dma_wait3A_61 = tpu.memref_slice %arg5[%dma_wait3A_60] : memref<480xi32, #tpu.memory_space<vmem>> -> memref<96xi32, #tpu.memory_space<vmem>>
    %dma_wait3A_62 = tpu.memref_slice %arg3[%add3A_23] : memref<20480xi32, #tpu.memory_space<hbm>> -> memref<96xi32, #tpu.memory_space<hbm>>
    tpu.wait_dma2 semaphore(%arg7 : memref<!tpu.dma_semaphore, #tpu.memory_space<semaphore_mem>>) src(%dma_wait3A_62 : memref<96xi32, #tpu.memory_space<hbm>>) dst(%dma_wait3A_61 : memref<96xi32, #tpu.memory_space<vmem>>)
    %dma_wait3A_63 = arith.constant 288 : i32
    %dma_wait3A_64 = tpu.memref_slice %arg5[%dma_wait3A_63] : memref<480xi32, #tpu.memory_space<vmem>> -> memref<96xi32, #tpu.memory_space<vmem>>
    %dma_wait3A_65 = tpu.memref_slice %arg3[%add3A_31] : memref<20480xi32, #tpu.memory_space<hbm>> -> memref<96xi32, #tpu.memory_space<hbm>>
    %dma_wait3A_66 = arith.constant 288 : i32
    %dma_wait3A_67 = tpu.memref_slice %arg5[%dma_wait3A_66] : memref<480xi32, #tpu.memory_space<vmem>> -> memref<96xi32, #tpu.memory_space<vmem>>
    %dma_wait3A_68 = tpu.memref_slice %arg3[%add3A_31] : memref<20480xi32, #tpu.memory_space<hbm>> -> memref<96xi32, #tpu.memory_space<hbm>>
    tpu.wait_dma2 semaphore(%arg7 : memref<!tpu.dma_semaphore, #tpu.memory_space<semaphore_mem>>) src(%dma_wait3A_68 : memref<96xi32, #tpu.memory_space<hbm>>) dst(%dma_wait3A_67 : memref<96xi32, #tpu.memory_space<vmem>>)
    %dma_wait3A_69 = arith.constant 384 : i32
    %dma_wait3A_70 = tpu.memref_slice %arg5[%dma_wait3A_69] : memref<480xi32, #tpu.memory_space<vmem>> -> memref<96xi32, #tpu.memory_space<vmem>>
    %dma_wait3A_71 = tpu.memref_slice %arg3[%add3A_39] : memref<20480xi32, #tpu.memory_space<hbm>> -> memref<96xi32, #tpu.memory_space<hbm>>
    %dma_wait3A_72 = arith.constant 384 : i32
    %dma_wait3A_73 = tpu.memref_slice %arg5[%dma_wait3A_72] : memref<480xi32, #tpu.memory_space<vmem>> -> memref<96xi32, #tpu.memory_space<vmem>>
    %dma_wait3A_74 = tpu.memref_slice %arg3[%add3A_39] : memref<20480xi32, #tpu.memory_space<hbm>> -> memref<96xi32, #tpu.memory_space<hbm>>
    tpu.wait_dma2 semaphore(%arg7 : memref<!tpu.dma_semaphore, #tpu.memory_space<semaphore_mem>>) src(%dma_wait3A_74 : memref<96xi32, #tpu.memory_space<hbm>>) dst(%dma_wait3A_73 : memref<96xi32, #tpu.memory_space<vmem>>)
    %dma_start3A_75 = arith.constant 0 : i32
    %dma_start3A_76 = arith.constant 0 : i32
    %dma_start3A_77 = tpu.memref_slice %arg6[%dma_start3A_75, %dma_start3A_76] : memref<480x128xi32, #tpu.memory_space<vmem>> -> memref<96x128xi32, #tpu.memory_space<vmem>>
    %dma_start3A_78 = arith.constant 0 : i32
    %dma_start3A_79 = tpu.memref_slice %arg5[%dma_start3A_78] : memref<480xi32, #tpu.memory_space<vmem>> -> memref<96xi32, #tpu.memory_space<vmem>>
    %dma_start3A_80 = arith.constant 0 : i32
    %dma_start3A_81 = arith.constant 0 : i32
    %dma_start3A_82 = tpu.memref_slice %arg2[%dma_start3A_80, %dma_start3A_81] : memref<4096x128xi32, #tpu.memory_space<hbm>> -> memref<4096x128xi32, #tpu.memory_space<hbm>>
    tpu.enqueue_indirect_dma source(%dma_start3A_82 : memref<4096x128xi32, #tpu.memory_space<hbm>>) target(%dma_start3A_77 : memref<96x128xi32, #tpu.memory_space<vmem>>) offsets(%dma_start3A_79 : memref<96xi32, #tpu.memory_space<vmem>>) semaphore(%arg7 : memref<!tpu.dma_semaphore, #tpu.memory_space<semaphore_mem>>)
    %dma_start3A_83 = arith.constant 96 : i32
    %dma_start3A_84 = arith.constant 0 : i32
    %dma_start3A_85 = tpu.memref_slice %arg6[%dma_start3A_83, %dma_start3A_84] : memref<480x128xi32, #tpu.memory_space<vmem>> -> memref<96x128xi32, #tpu.memory_space<vmem>>
    %dma_start3A_86 = arith.constant 96 : i32
    %dma_start3A_87 = tpu.memref_slice %arg5[%dma_start3A_86] : memref<480xi32, #tpu.memory_space<vmem>> -> memref<96xi32, #tpu.memory_space<vmem>>
    %dma_start3A_88 = arith.constant 0 : i32
    %dma_start3A_89 = arith.constant 0 : i32
    %dma_start3A_90 = tpu.memref_slice %arg2[%dma_start3A_88, %dma_start3A_89] : memref<4096x128xi32, #tpu.memory_space<hbm>> -> memref<4096x128xi32, #tpu.memory_space<hbm>>
    tpu.enqueue_indirect_dma source(%dma_start3A_90 : memref<4096x128xi32, #tpu.memory_space<hbm>>) target(%dma_start3A_85 : memref<96x128xi32, #tpu.memory_space<vmem>>) offsets(%dma_start3A_87 : memref<96xi32, #tpu.memory_space<vmem>>) semaphore(%arg7 : memref<!tpu.dma_semaphore, #tpu.memory_space<semaphore_mem>>)
    %dma_start3A_91 = arith.constant 192 : i32
    %dma_start3A_92 = arith.constant 0 : i32
    %dma_start3A_93 = tpu.memref_slice %arg6[%dma_start3A_91, %dma_start3A_92] : memref<480x128xi32, #tpu.memory_space<vmem>> -> memref<96x128xi32, #tpu.memory_space<vmem>>
    %dma_start3A_94 = arith.constant 192 : i32
    %dma_start3A_95 = tpu.memref_slice %arg5[%dma_start3A_94] : memref<480xi32, #tpu.memory_space<vmem>> -> memref<96xi32, #tpu.memory_space<vmem>>
    %dma_start3A_96 = arith.constant 0 : i32
    %dma_start3A_97 = arith.constant 0 : i32
    %dma_start3A_98 = tpu.memref_slice %arg2[%dma_start3A_96, %dma_start3A_97] : memref<4096x128xi32, #tpu.memory_space<hbm>> -> memref<4096x128xi32, #tpu.memory_space<hbm>>
    tpu.enqueue_indirect_dma source(%dma_start3A_98 : memref<4096x128xi32, #tpu.memory_space<hbm>>) target(%dma_start3A_93 : memref<96x128xi32, #tpu.memory_space<vmem>>) offsets(%dma_start3A_95 : memref<96xi32, #tpu.memory_space<vmem>>) semaphore(%arg7 : memref<!tpu.dma_semaphore, #tpu.memory_space<semaphore_mem>>)
    %dma_start3A_99 = arith.constant 288 : i32
    %dma_start3A_100 = arith.constant 0 : i32
    %dma_start3A_101 = tpu.memref_slice %arg6[%dma_start3A_99, %dma_start3A_100] : memref<480x128xi32, #tpu.memory_space<vmem>> -> memref<96x128xi32, #tpu.memory_space<vmem>>
    %dma_start3A_102 = arith.constant 288 : i32
    %dma_start3A_103 = tpu.memref_slice %arg5[%dma_start3A_102] : memref<480xi32, #tpu.memory_space<vmem>> -> memref<96xi32, #tpu.memory_space<vmem>>
    %dma_start3A_104 = arith.constant 0 : i32
    %dma_start3A_105 = arith.constant 0 : i32
    %dma_start3A_106 = tpu.memref_slice %arg2[%dma_start3A_104, %dma_start3A_105] : memref<4096x128xi32, #tpu.memory_space<hbm>> -> memref<4096x128xi32, #tpu.memory_space<hbm>>
    tpu.enqueue_indirect_dma source(%dma_start3A_106 : memref<4096x128xi32, #tpu.memory_space<hbm>>) target(%dma_start3A_101 : memref<96x128xi32, #tpu.memory_space<vmem>>) offsets(%dma_start3A_103 : memref<96xi32, #tpu.memory_space<vmem>>) semaphore(%arg7 : memref<!tpu.dma_semaphore, #tpu.memory_space<semaphore_mem>>)
    %dma_start3A_107 = arith.constant 384 : i32
    %dma_start3A_108 = arith.constant 0 : i32
    %dma_start3A_109 = tpu.memref_slice %arg6[%dma_start3A_107, %dma_start3A_108] : memref<480x128xi32, #tpu.memory_space<vmem>> -> memref<96x128xi32, #tpu.memory_space<vmem>>
    %dma_start3A_110 = arith.constant 384 : i32
    %dma_start3A_111 = tpu.memref_slice %arg5[%dma_start3A_110] : memref<480xi32, #tpu.memory_space<vmem>> -> memref<96xi32, #tpu.memory_space<vmem>>
    %dma_start3A_112 = arith.constant 0 : i32
    %dma_start3A_113 = arith.constant 0 : i32
    %dma_start3A_114 = tpu.memref_slice %arg2[%dma_start3A_112, %dma_start3A_113] : memref<4096x128xi32, #tpu.memory_space<hbm>> -> memref<4096x128xi32, #tpu.memory_space<hbm>>
    tpu.enqueue_indirect_dma source(%dma_start3A_114 : memref<4096x128xi32, #tpu.memory_space<hbm>>) target(%dma_start3A_109 : memref<96x128xi32, #tpu.memory_space<vmem>>) offsets(%dma_start3A_111 : memref<96xi32, #tpu.memory_space<vmem>>) semaphore(%arg7 : memref<!tpu.dma_semaphore, #tpu.memory_space<semaphore_mem>>)
    %dma_wait3A_115 = arith.constant 0 : i32
    %dma_wait3A_116 = arith.constant 0 : i32
    %dma_wait3A_117 = tpu.memref_slice %arg6[%dma_wait3A_115, %dma_wait3A_116] : memref<480x128xi32, #tpu.memory_space<vmem>> -> memref<96x128xi32, #tpu.memory_space<vmem>>
    %dma_wait3A_118 = arith.constant 0 : i32
    %dma_wait3A_119 = tpu.memref_slice %arg5[%dma_wait3A_118] : memref<480xi32, #tpu.memory_space<vmem>> -> memref<96xi32, #tpu.memory_space<vmem>>
    %dma_wait3A_120 = arith.constant 0 : i32
    %dma_wait3A_121 = arith.constant 0 : i32
    %dma_wait3A_122 = tpu.memref_slice %arg2[%dma_wait3A_120, %dma_wait3A_121] : memref<4096x128xi32, #tpu.memory_space<hbm>> -> memref<4096x128xi32, #tpu.memory_space<hbm>>
    tpu.wait_indirect_dma semaphore(%arg7 : memref<!tpu.dma_semaphore, #tpu.memory_space<semaphore_mem>>) src(%dma_wait3A_122 : memref<4096x128xi32, #tpu.memory_space<hbm>>) dst(%dma_wait3A_117 : memref<96x128xi32, #tpu.memory_space<vmem>>)
    %dma_wait3A_123 = arith.constant 96 : i32
    %dma_wait3A_124 = arith.constant 0 : i32
    %dma_wait3A_125 = tpu.memref_slice %arg6[%dma_wait3A_123, %dma_wait3A_124] : memref<480x128xi32, #tpu.memory_space<vmem>> -> memref<96x128xi32, #tpu.memory_space<vmem>>
    %dma_wait3A_126 = arith.constant 96 : i32
    %dma_wait3A_127 = tpu.memref_slice %arg5[%dma_wait3A_126] : memref<480xi32, #tpu.memory_space<vmem>> -> memref<96xi32, #tpu.memory_space<vmem>>
    %dma_wait3A_128 = arith.constant 0 : i32
    %dma_wait3A_129 = arith.constant 0 : i32
    %dma_wait3A_130 = tpu.memref_slice %arg2[%dma_wait3A_128, %dma_wait3A_129] : memref<4096x128xi32, #tpu.memory_space<hbm>> -> memref<4096x128xi32, #tpu.memory_space<hbm>>
    tpu.wait_indirect_dma semaphore(%arg7 : memref<!tpu.dma_semaphore, #tpu.memory_space<semaphore_mem>>) src(%dma_wait3A_130 : memref<4096x128xi32, #tpu.memory_space<hbm>>) dst(%dma_wait3A_125 : memref<96x128xi32, #tpu.memory_space<vmem>>)
    %dma_wait3A_131 = arith.constant 192 : i32
    %dma_wait3A_132 = arith.constant 0 : i32
    %dma_wait3A_133 = tpu.memref_slice %arg6[%dma_wait3A_131, %dma_wait3A_132] : memref<480x128xi32, #tpu.memory_space<vmem>> -> memref<96x128xi32, #tpu.memory_space<vmem>>
    %dma_wait3A_134 = arith.constant 192 : i32
    %dma_wait3A_135 = tpu.memref_slice %arg5[%dma_wait3A_134] : memref<480xi32, #tpu.memory_space<vmem>> -> memref<96xi32, #tpu.memory_space<vmem>>
    %dma_wait3A_136 = arith.constant 0 : i32
    %dma_wait3A_137 = arith.constant 0 : i32
    %dma_wait3A_138 = tpu.memref_slice %arg2[%dma_wait3A_136, %dma_wait3A_137] : memref<4096x128xi32, #tpu.memory_space<hbm>> -> memref<4096x128xi32, #tpu.memory_space<hbm>>
    tpu.wait_indirect_dma semaphore(%arg7 : memref<!tpu.dma_semaphore, #tpu.memory_space<semaphore_mem>>) src(%dma_wait3A_138 : memref<4096x128xi32, #tpu.memory_space<hbm>>) dst(%dma_wait3A_133 : memref<96x128xi32, #tpu.memory_space<vmem>>)
    %dma_wait3A_139 = arith.constant 288 : i32
    %dma_wait3A_140 = arith.constant 0 : i32
    %dma_wait3A_141 = tpu.memref_slice %arg6[%dma_wait3A_139, %dma_wait3A_140] : memref<480x128xi32, #tpu.memory_space<vmem>> -> memref<96x128xi32, #tpu.memory_space<vmem>>
    %dma_wait3A_142 = arith.constant 288 : i32
    %dma_wait3A_143 = tpu.memref_slice %arg5[%dma_wait3A_142] : memref<480xi32, #tpu.memory_space<vmem>> -> memref<96xi32, #tpu.memory_space<vmem>>
    %dma_wait3A_144 = arith.constant 0 : i32
    %dma_wait3A_145 = arith.constant 0 : i32
    %dma_wait3A_146 = tpu.memref_slice %arg2[%dma_wait3A_144, %dma_wait3A_145] : memref<4096x128xi32, #tpu.memory_space<hbm>> -> memref<4096x128xi32, #tpu.memory_space<hbm>>
    tpu.wait_indirect_dma semaphore(%arg7 : memref<!tpu.dma_semaphore, #tpu.memory_space<semaphore_mem>>) src(%dma_wait3A_146 : memref<4096x128xi32, #tpu.memory_space<hbm>>) dst(%dma_wait3A_141 : memref<96x128xi32, #tpu.memory_space<vmem>>)
    %dma_wait3A_147 = arith.constant 384 : i32
    %dma_wait3A_148 = arith.constant 0 : i32
    %dma_wait3A_149 = tpu.memref_slice %arg6[%dma_wait3A_147, %dma_wait3A_148] : memref<480x128xi32, #tpu.memory_space<vmem>> -> memref<96x128xi32, #tpu.memory_space<vmem>>
    %dma_wait3A_150 = arith.constant 384 : i32
    %dma_wait3A_151 = tpu.memref_slice %arg5[%dma_wait3A_150] : memref<480xi32, #tpu.memory_space<vmem>> -> memref<96xi32, #tpu.memory_space<vmem>>
    %dma_wait3A_152 = arith.constant 0 : i32
    %dma_wait3A_153 = arith.constant 0 : i32
    %dma_wait3A_154 = tpu.memref_slice %arg2[%dma_wait3A_152, %dma_wait3A_153] : memref<4096x128xi32, #tpu.memory_space<hbm>> -> memref<4096x128xi32, #tpu.memory_space<hbm>>
    tpu.wait_indirect_dma semaphore(%arg7 : memref<!tpu.dma_semaphore, #tpu.memory_space<semaphore_mem>>) src(%dma_wait3A_154 : memref<4096x128xi32, #tpu.memory_space<hbm>>) dst(%dma_wait3A_149 : memref<96x128xi32, #tpu.memory_space<vmem>>)
    %dma_start3A_155 = arith.constant 0 : i32
    %dma_start3A_156 = arith.constant 0 : i32
    %dma_start3A_157 = arith.constant 0 : i32
    %dma_start3A_158 = tpu.memref_slice %arg6[%dma_start3A_156, %dma_start3A_157] : memref<480x128xi32, #tpu.memory_space<vmem>> -> memref<96x128xi32, #tpu.memory_space<vmem>>
    %dma_start3A_159 = arith.constant 0 : i32
    %dma_start3A_160 = tpu.memref_slice %arg4[%dma_start3A_155, %mul3A_6, %dma_start3A_159] : memref<5x3072x128xi32, #tpu.memory_space<hbm>> -> memref<1x96x128xi32, #tpu.memory_space<hbm>>
    %dma_start3A_161 = tpu.memref_squeeze %dma_start3A_160 : memref<1x96x128xi32, #tpu.memory_space<hbm>> -> memref<96x128xi32, #tpu.memory_space<hbm>>
    %dma_start3A_162 = arith.constant 0 : i32
    %dma_start3A_163 = tpu.memref_slice %arg4[%dma_start3A_155, %mul3A_6, %dma_start3A_162] : memref<5x3072x128xi32, #tpu.memory_space<hbm>> -> memref<1x96x128xi32, #tpu.memory_space<hbm>>
    %dma_start3A_164 = tpu.memref_squeeze %dma_start3A_163 : memref<1x96x128xi32, #tpu.memory_space<hbm>> -> memref<96x128xi32, #tpu.memory_space<hbm>>
    %dma_start3A_165 = arith.constant 0 : i32
    %dma_start3A_166 = arith.constant 0 : i32
    %dma_start3A_167 = tpu.memref_slice %arg6[%dma_start3A_165, %dma_start3A_166] : memref<480x128xi32, #tpu.memory_space<vmem>> -> memref<96x128xi32, #tpu.memory_space<vmem>>
    tpu.enqueue_dma source(%dma_start3A_167 : memref<96x128xi32, #tpu.memory_space<vmem>>) target(%dma_start3A_164 : memref<96x128xi32, #tpu.memory_space<hbm>>) target_semaphore(%arg7 : memref<!tpu.dma_semaphore, #tpu.memory_space<semaphore_mem>>)
    %dma_start3A_168 = arith.constant 1 : i32
    %dma_start3A_169 = arith.constant 96 : i32
    %dma_start3A_170 = arith.constant 0 : i32
    %dma_start3A_171 = tpu.memref_slice %arg6[%dma_start3A_169, %dma_start3A_170] : memref<480x128xi32, #tpu.memory_space<vmem>> -> memref<96x128xi32, #tpu.memory_space<vmem>>
    %dma_start3A_172 = arith.constant 0 : i32
    %dma_start3A_173 = tpu.memref_slice %arg4[%dma_start3A_168, %mul3A_6, %dma_start3A_172] : memref<5x3072x128xi32, #tpu.memory_space<hbm>> -> memref<1x96x128xi32, #tpu.memory_space<hbm>>
    %dma_start3A_174 = tpu.memref_squeeze %dma_start3A_173 : memref<1x96x128xi32, #tpu.memory_space<hbm>> -> memref<96x128xi32, #tpu.memory_space<hbm>>
    %dma_start3A_175 = arith.constant 0 : i32
    %dma_start3A_176 = tpu.memref_slice %arg4[%dma_start3A_168, %mul3A_6, %dma_start3A_175] : memref<5x3072x128xi32, #tpu.memory_space<hbm>> -> memref<1x96x128xi32, #tpu.memory_space<hbm>>
    %dma_start3A_177 = tpu.memref_squeeze %dma_start3A_176 : memref<1x96x128xi32, #tpu.memory_space<hbm>> -> memref<96x128xi32, #tpu.memory_space<hbm>>
    %dma_start3A_178 = arith.constant 96 : i32
    %dma_start3A_179 = arith.constant 0 : i32
    %dma_start3A_180 = tpu.memref_slice %arg6[%dma_start3A_178, %dma_start3A_179] : memref<480x128xi32, #tpu.memory_space<vmem>> -> memref<96x128xi32, #tpu.memory_space<vmem>>
    tpu.enqueue_dma source(%dma_start3A_180 : memref<96x128xi32, #tpu.memory_space<vmem>>) target(%dma_start3A_177 : memref<96x128xi32, #tpu.memory_space<hbm>>) target_semaphore(%arg7 : memref<!tpu.dma_semaphore, #tpu.memory_space<semaphore_mem>>)
    %dma_start3A_181 = arith.constant 2 : i32
    %dma_start3A_182 = arith.constant 192 : i32
    %dma_start3A_183 = arith.constant 0 : i32
    %dma_start3A_184 = tpu.memref_slice %arg6[%dma_start3A_182, %dma_start3A_183] : memref<480x128xi32, #tpu.memory_space<vmem>> -> memref<96x128xi32, #tpu.memory_space<vmem>>
    %dma_start3A_185 = arith.constant 0 : i32
    %dma_start3A_186 = tpu.memref_slice %arg4[%dma_start3A_181, %mul3A_6, %dma_start3A_185] : memref<5x3072x128xi32, #tpu.memory_space<hbm>> -> memref<1x96x128xi32, #tpu.memory_space<hbm>>
    %dma_start3A_187 = tpu.memref_squeeze %dma_start3A_186 : memref<1x96x128xi32, #tpu.memory_space<hbm>> -> memref<96x128xi32, #tpu.memory_space<hbm>>
    %dma_start3A_188 = arith.constant 0 : i32
    %dma_start3A_189 = tpu.memref_slice %arg4[%dma_start3A_181, %mul3A_6, %dma_start3A_188] : memref<5x3072x128xi32, #tpu.memory_space<hbm>> -> memref<1x96x128xi32, #tpu.memory_space<hbm>>
    %dma_start3A_190 = tpu.memref_squeeze %dma_start3A_189 : memref<1x96x128xi32, #tpu.memory_space<hbm>> -> memref<96x128xi32, #tpu.memory_space<hbm>>
    %dma_start3A_191 = arith.constant 192 : i32
    %dma_start3A_192 = arith.constant 0 : i32
    %dma_start3A_193 = tpu.memref_slice %arg6[%dma_start3A_191, %dma_start3A_192] : memref<480x128xi32, #tpu.memory_space<vmem>> -> memref<96x128xi32, #tpu.memory_space<vmem>>
    tpu.enqueue_dma source(%dma_start3A_193 : memref<96x128xi32, #tpu.memory_space<vmem>>) target(%dma_start3A_190 : memref<96x128xi32, #tpu.memory_space<hbm>>) target_semaphore(%arg7 : memref<!tpu.dma_semaphore, #tpu.memory_space<semaphore_mem>>)
    %dma_start3A_194 = arith.constant 3 : i32
    %dma_start3A_195 = arith.constant 288 : i32
    %dma_start3A_196 = arith.constant 0 : i32
    %dma_start3A_197 = tpu.memref_slice %arg6[%dma_start3A_195, %dma_start3A_196] : memref<480x128xi32, #tpu.memory_space<vmem>> -> memref<96x128xi32, #tpu.memory_space<vmem>>
    %dma_start3A_198 = arith.constant 0 : i32
    %dma_start3A_199 = tpu.memref_slice %arg4[%dma_start3A_194, %mul3A_6, %dma_start3A_198] : memref<5x3072x128xi32, #tpu.memory_space<hbm>> -> memref<1x96x128xi32, #tpu.memory_space<hbm>>
    %dma_start3A_200 = tpu.memref_squeeze %dma_start3A_199 : memref<1x96x128xi32, #tpu.memory_space<hbm>> -> memref<96x128xi32, #tpu.memory_space<hbm>>
    %dma_start3A_201 = arith.constant 0 : i32
    %dma_start3A_202 = tpu.memref_slice %arg4[%dma_start3A_194, %mul3A_6, %dma_start3A_201] : memref<5x3072x128xi32, #tpu.memory_space<hbm>> -> memref<1x96x128xi32, #tpu.memory_space<hbm>>
    %dma_start3A_203 = tpu.memref_squeeze %dma_start3A_202 : memref<1x96x128xi32, #tpu.memory_space<hbm>> -> memref<96x128xi32, #tpu.memory_space<hbm>>
    %dma_start3A_204 = arith.constant 288 : i32
    %dma_start3A_205 = arith.constant 0 : i32
    %dma_start3A_206 = tpu.memref_slice %arg6[%dma_start3A_204, %dma_start3A_205] : memref<480x128xi32, #tpu.memory_space<vmem>> -> memref<96x128xi32, #tpu.memory_space<vmem>>
    tpu.enqueue_dma source(%dma_start3A_206 : memref<96x128xi32, #tpu.memory_space<vmem>>) target(%dma_start3A_203 : memref<96x128xi32, #tpu.memory_space<hbm>>) target_semaphore(%arg7 : memref<!tpu.dma_semaphore, #tpu.memory_space<semaphore_mem>>)
    %dma_start3A_207 = arith.constant 4 : i32
    %dma_start3A_208 = arith.constant 384 : i32
    %dma_start3A_209 = arith.constant 0 : i32
    %dma_start3A_210 = tpu.memref_slice %arg6[%dma_start3A_208, %dma_start3A_209] : memref<480x128xi32, #tpu.memory_space<vmem>> -> memref<96x128xi32, #tpu.memory_space<vmem>>
    %dma_start3A_211 = arith.constant 0 : i32
    %dma_start3A_212 = tpu.memref_slice %arg4[%dma_start3A_207, %mul3A_6, %dma_start3A_211] : memref<5x3072x128xi32, #tpu.memory_space<hbm>> -> memref<1x96x128xi32, #tpu.memory_space<hbm>>
    %dma_start3A_213 = tpu.memref_squeeze %dma_start3A_212 : memref<1x96x128xi32, #tpu.memory_space<hbm>> -> memref<96x128xi32, #tpu.memory_space<hbm>>
    %dma_start3A_214 = arith.constant 0 : i32
    %dma_start3A_215 = tpu.memref_slice %arg4[%dma_start3A_207, %mul3A_6, %dma_start3A_214] : memref<5x3072x128xi32, #tpu.memory_space<hbm>> -> memref<1x96x128xi32, #tpu.memory_space<hbm>>
    %dma_start3A_216 = tpu.memref_squeeze %dma_start3A_215 : memref<1x96x128xi32, #tpu.memory_space<hbm>> -> memref<96x128xi32, #tpu.memory_space<hbm>>
    %dma_start3A_217 = arith.constant 384 : i32
    %dma_start3A_218 = arith.constant 0 : i32
    %dma_start3A_219 = tpu.memref_slice %arg6[%dma_start3A_217, %dma_start3A_218] : memref<480x128xi32, #tpu.memory_space<vmem>> -> memref<96x128xi32, #tpu.memory_space<vmem>>
    tpu.enqueue_dma source(%dma_start3A_219 : memref<96x128xi32, #tpu.memory_space<vmem>>) target(%dma_start3A_216 : memref<96x128xi32, #tpu.memory_space<hbm>>) target_semaphore(%arg7 : memref<!tpu.dma_semaphore, #tpu.memory_space<semaphore_mem>>)
    %dma_wait3A_220 = arith.constant 0 : i32
    %dma_wait3A_221 = arith.constant 0 : i32
    %dma_wait3A_222 = arith.constant 0 : i32
    %dma_wait3A_223 = tpu.memref_slice %arg6[%dma_wait3A_221, %dma_wait3A_222] : memref<480x128xi32, #tpu.memory_space<vmem>> -> memref<96x128xi32, #tpu.memory_space<vmem>>
    %dma_wait3A_224 = arith.constant 0 : i32
    %dma_wait3A_225 = tpu.memref_slice %arg4[%dma_wait3A_220, %mul3A_6, %dma_wait3A_224] : memref<5x3072x128xi32, #tpu.memory_space<hbm>> -> memref<1x96x128xi32, #tpu.memory_space<hbm>>
    %dma_wait3A_226 = tpu.memref_squeeze %dma_wait3A_225 : memref<1x96x128xi32, #tpu.memory_space<hbm>> -> memref<96x128xi32, #tpu.memory_space<hbm>>
    %dma_wait3A_227 = arith.constant 0 : i32
    %dma_wait3A_228 = tpu.memref_slice %arg4[%dma_wait3A_220, %mul3A_6, %dma_wait3A_227] : memref<5x3072x128xi32, #tpu.memory_space<hbm>> -> memref<1x96x128xi32, #tpu.memory_space<hbm>>
    %dma_wait3A_229 = tpu.memref_squeeze %dma_wait3A_228 : memref<1x96x128xi32, #tpu.memory_space<hbm>> -> memref<96x128xi32, #tpu.memory_space<hbm>>
    %dma_wait3A_230 = arith.constant 0 : i32
    %dma_wait3A_231 = arith.constant 0 : i32
    %dma_wait3A_232 = tpu.memref_slice %arg6[%dma_wait3A_230, %dma_wait3A_231] : memref<480x128xi32, #tpu.memory_space<vmem>> -> memref<96x128xi32, #tpu.memory_space<vmem>>
    tpu.wait_dma2 semaphore(%arg7 : memref<!tpu.dma_semaphore, #tpu.memory_space<semaphore_mem>>) src(%dma_wait3A_232 : memref<96x128xi32, #tpu.memory_space<vmem>>) dst(%dma_wait3A_229 : memref<96x128xi32, #tpu.memory_space<hbm>>)
    %dma_wait3A_233 = arith.constant 1 : i32
    %dma_wait3A_234 = arith.constant 96 : i32
    %dma_wait3A_235 = arith.constant 0 : i32
    %dma_wait3A_236 = tpu.memref_slice %arg6[%dma_wait3A_234, %dma_wait3A_235] : memref<480x128xi32, #tpu.memory_space<vmem>> -> memref<96x128xi32, #tpu.memory_space<vmem>>
    %dma_wait3A_237 = arith.constant 0 : i32
    %dma_wait3A_238 = tpu.memref_slice %arg4[%dma_wait3A_233, %mul3A_6, %dma_wait3A_237] : memref<5x3072x128xi32, #tpu.memory_space<hbm>> -> memref<1x96x128xi32, #tpu.memory_space<hbm>>
    %dma_wait3A_239 = tpu.memref_squeeze %dma_wait3A_238 : memref<1x96x128xi32, #tpu.memory_space<hbm>> -> memref<96x128xi32, #tpu.memory_space<hbm>>
    %dma_wait3A_240 = arith.constant 0 : i32
    %dma_wait3A_241 = tpu.memref_slice %arg4[%dma_wait3A_233, %mul3A_6, %dma_wait3A_240] : memref<5x3072x128xi32, #tpu.memory_space<hbm>> -> memref<1x96x128xi32, #tpu.memory_space<hbm>>
    %dma_wait3A_242 = tpu.memref_squeeze %dma_wait3A_241 : memref<1x96x128xi32, #tpu.memory_space<hbm>> -> memref<96x128xi32, #tpu.memory_space<hbm>>
    %dma_wait3A_243 = arith.constant 96 : i32
    %dma_wait3A_244 = arith.constant 0 : i32
    %dma_wait3A_245 = tpu.memref_slice %arg6[%dma_wait3A_243, %dma_wait3A_244] : memref<480x128xi32, #tpu.memory_space<vmem>> -> memref<96x128xi32, #tpu.memory_space<vmem>>
    tpu.wait_dma2 semaphore(%arg7 : memref<!tpu.dma_semaphore, #tpu.memory_space<semaphore_mem>>) src(%dma_wait3A_245 : memref<96x128xi32, #tpu.memory_space<vmem>>) dst(%dma_wait3A_242 : memref<96x128xi32, #tpu.memory_space<hbm>>)
    %dma_wait3A_246 = arith.constant 2 : i32
    %dma_wait3A_247 = arith.constant 192 : i32
    %dma_wait3A_248 = arith.constant 0 : i32
    %dma_wait3A_249 = tpu.memref_slice %arg6[%dma_wait3A_247, %dma_wait3A_248] : memref<480x128xi32, #tpu.memory_space<vmem>> -> memref<96x128xi32, #tpu.memory_space<vmem>>
    %dma_wait3A_250 = arith.constant 0 : i32
    %dma_wait3A_251 = tpu.memref_slice %arg4[%dma_wait3A_246, %mul3A_6, %dma_wait3A_250] : memref<5x3072x128xi32, #tpu.memory_space<hbm>> -> memref<1x96x128xi32, #tpu.memory_space<hbm>>
    %dma_wait3A_252 = tpu.memref_squeeze %dma_wait3A_251 : memref<1x96x128xi32, #tpu.memory_space<hbm>> -> memref<96x128xi32, #tpu.memory_space<hbm>>
    %dma_wait3A_253 = arith.constant 0 : i32
    %dma_wait3A_254 = tpu.memref_slice %arg4[%dma_wait3A_246, %mul3A_6, %dma_wait3A_253] : memref<5x3072x128xi32, #tpu.memory_space<hbm>> -> memref<1x96x128xi32, #tpu.memory_space<hbm>>
    %dma_wait3A_255 = tpu.memref_squeeze %dma_wait3A_254 : memref<1x96x128xi32, #tpu.memory_space<hbm>> -> memref<96x128xi32, #tpu.memory_space<hbm>>
    %dma_wait3A_256 = arith.constant 192 : i32
    %dma_wait3A_257 = arith.constant 0 : i32
    %dma_wait3A_258 = tpu.memref_slice %arg6[%dma_wait3A_256, %dma_wait3A_257] : memref<480x128xi32, #tpu.memory_space<vmem>> -> memref<96x128xi32, #tpu.memory_space<vmem>>
    tpu.wait_dma2 semaphore(%arg7 : memref<!tpu.dma_semaphore, #tpu.memory_space<semaphore_mem>>) src(%dma_wait3A_258 : memref<96x128xi32, #tpu.memory_space<vmem>>) dst(%dma_wait3A_255 : memref<96x128xi32, #tpu.memory_space<hbm>>)
    %dma_wait3A_259 = arith.constant 3 : i32
    %dma_wait3A_260 = arith.constant 288 : i32
    %dma_wait3A_261 = arith.constant 0 : i32
    %dma_wait3A_262 = tpu.memref_slice %arg6[%dma_wait3A_260, %dma_wait3A_261] : memref<480x128xi32, #tpu.memory_space<vmem>> -> memref<96x128xi32, #tpu.memory_space<vmem>>
    %dma_wait3A_263 = arith.constant 0 : i32
    %dma_wait3A_264 = tpu.memref_slice %arg4[%dma_wait3A_259, %mul3A_6, %dma_wait3A_263] : memref<5x3072x128xi32, #tpu.memory_space<hbm>> -> memref<1x96x128xi32, #tpu.memory_space<hbm>>
    %dma_wait3A_265 = tpu.memref_squeeze %dma_wait3A_264 : memref<1x96x128xi32, #tpu.memory_space<hbm>> -> memref<96x128xi32, #tpu.memory_space<hbm>>
    %dma_wait3A_266 = arith.constant 0 : i32
    %dma_wait3A_267 = tpu.memref_slice %arg4[%dma_wait3A_259, %mul3A_6, %dma_wait3A_266] : memref<5x3072x128xi32, #tpu.memory_space<hbm>> -> memref<1x96x128xi32, #tpu.memory_space<hbm>>
    %dma_wait3A_268 = tpu.memref_squeeze %dma_wait3A_267 : memref<1x96x128xi32, #tpu.memory_space<hbm>> -> memref<96x128xi32, #tpu.memory_space<hbm>>
    %dma_wait3A_269 = arith.constant 288 : i32
    %dma_wait3A_270 = arith.constant 0 : i32
    %dma_wait3A_271 = tpu.memref_slice %arg6[%dma_wait3A_269, %dma_wait3A_270] : memref<480x128xi32, #tpu.memory_space<vmem>> -> memref<96x128xi32, #tpu.memory_space<vmem>>
    tpu.wait_dma2 semaphore(%arg7 : memref<!tpu.dma_semaphore, #tpu.memory_space<semaphore_mem>>) src(%dma_wait3A_271 : memref<96x128xi32, #tpu.memory_space<vmem>>) dst(%dma_wait3A_268 : memref<96x128xi32, #tpu.memory_space<hbm>>)
    %dma_wait3A_272 = arith.constant 4 : i32
    %dma_wait3A_273 = arith.constant 384 : i32
    %dma_wait3A_274 = arith.constant 0 : i32
    %dma_wait3A_275 = tpu.memref_slice %arg6[%dma_wait3A_273, %dma_wait3A_274] : memref<480x128xi32, #tpu.memory_space<vmem>> -> memref<96x128xi32, #tpu.memory_space<vmem>>
    %dma_wait3A_276 = arith.constant 0 : i32
    %dma_wait3A_277 = tpu.memref_slice %arg4[%dma_wait3A_272, %mul3A_6, %dma_wait3A_276] : memref<5x3072x128xi32, #tpu.memory_space<hbm>> -> memref<1x96x128xi32, #tpu.memory_space<hbm>>
    %dma_wait3A_278 = tpu.memref_squeeze %dma_wait3A_277 : memref<1x96x128xi32, #tpu.memory_space<hbm>> -> memref<96x128xi32, #tpu.memory_space<hbm>>
    %dma_wait3A_279 = arith.constant 0 : i32
    %dma_wait3A_280 = tpu.memref_slice %arg4[%dma_wait3A_272, %mul3A_6, %dma_wait3A_279] : memref<5x3072x128xi32, #tpu.memory_space<hbm>> -> memref<1x96x128xi32, #tpu.memory_space<hbm>>
    %dma_wait3A_281 = tpu.memref_squeeze %dma_wait3A_280 : memref<1x96x128xi32, #tpu.memory_space<hbm>> -> memref<96x128xi32, #tpu.memory_space<hbm>>
    %dma_wait3A_282 = arith.constant 384 : i32
    %dma_wait3A_283 = arith.constant 0 : i32
    %dma_wait3A_284 = tpu.memref_slice %arg6[%dma_wait3A_282, %dma_wait3A_283] : memref<480x128xi32, #tpu.memory_space<vmem>> -> memref<96x128xi32, #tpu.memory_space<vmem>>
    tpu.wait_dma2 semaphore(%arg7 : memref<!tpu.dma_semaphore, #tpu.memory_space<semaphore_mem>>) src(%dma_wait3A_284 : memref<96x128xi32, #tpu.memory_space<vmem>>) dst(%dma_wait3A_281 : memref<96x128xi32, #tpu.memory_space<hbm>>)
    return
  }
}

module attributes {stable_mosaic.version = 14 : i64} {
  func.func @_pack_body(%arg0: memref<4096x256xf32, #tpu.memory_space<vmem>>, %arg1: memref<1024x256xf32, #tpu.memory_space<vmem>>, %arg2: memref<1024x256xf32, #tpu.memory_space<vmem>>, %arg3: memref<512x128xf32, #tpu.memory_space<vmem>>, %arg4: memref<4096x128xi32, #tpu.memory_space<vmem>>, %arg5: memref<1024x256xbf16, #tpu.memory_space<vmem>>, %arg6: memref<1024x256xbf16, #tpu.memory_space<vmem>>, %arg7: memref<512x128xbf16, #tpu.memory_space<vmem>>) attributes {dimension_semantics = [], scalar_prefetch = 0 : i64, scratch_operands = 0 : i64, tpu.core_type = #tpu.core_type<tc>} {
    %get3A = arith.constant 0 : index
    %get3A_0 = arith.constant 0 : index
    %get3A_1 = vector.load %arg0[%get3A, %get3A_0] : memref<4096x256xf32, #tpu.memory_space<vmem>>, vector<4096x128xf32>
    %bitcast_convert_type3A = tpu.bitcast %get3A_1 : vector<4096x128xf32> -> vector<4096x128xi32>
    %get3A_2 = arith.constant 0 : index
    %get3A_3 = arith.constant 128 : index
    %get3A_4 = vector.load %arg0[%get3A_2, %get3A_3] : memref<4096x256xf32, #tpu.memory_space<vmem>>, vector<4096x128xf32>
    %bitcast_convert_type3A_5 = tpu.bitcast %get3A_4 : vector<4096x128xf32> -> vector<4096x128xi32>
    %add3A = arith.constant 32768 : i32
    %add3A_6 = vector.broadcast %add3A : i32 to vector<4096x128xi32>
    %add3A_7 = arith.addi %bitcast_convert_type3A, %add3A_6 : vector<4096x128xi32>
    %shift_right_arithmetic3A = arith.constant 16 : i32
    %shift_right_arithmetic3A_8 = vector.broadcast %shift_right_arithmetic3A : i32 to vector<4096x128xi32>
    %shift_right_arithmetic3A_9 = arith.shrsi %add3A_7, %shift_right_arithmetic3A_8 : vector<4096x128xi32>
    %and3A = arith.constant 65535 : i32
    %and3A_10 = vector.broadcast %and3A : i32 to vector<4096x128xi32>
    %and3A_11 = arith.andi %shift_right_arithmetic3A_9, %and3A_10 : vector<4096x128xi32>
    %add3A_12 = arith.constant 32768 : i32
    %add3A_13 = vector.broadcast %add3A_12 : i32 to vector<4096x128xi32>
    %add3A_14 = arith.addi %bitcast_convert_type3A_5, %add3A_13 : vector<4096x128xi32>
    %and3A_15 = arith.constant -65536 : i32
    %and3A_16 = vector.broadcast %and3A_15 : i32 to vector<4096x128xi32>
    %and3A_17 = arith.andi %add3A_14, %and3A_16 : vector<4096x128xi32>
    %or3A = arith.ori %and3A_11, %and3A_17 : vector<4096x128xi32>
    %swap3A = arith.constant 0 : index
    %swap3A_18 = arith.constant 0 : index
    %swap3A_19 = vector.load %arg4[%swap3A, %swap3A_18] : memref<4096x128xi32, #tpu.memory_space<vmem>>, vector<4096x128xi32>
    tpu.vector_store %arg4[%swap3A, %swap3A_18], %or3A {strides = array<i32>} : memref<4096x128xi32, #tpu.memory_space<vmem>>, vector<4096x128xi32>,
    %get3A_20 = arith.constant 0 : index
    %get3A_21 = arith.constant 0 : index
    %get3A_22 = vector.load %arg1[%get3A_20, %get3A_21] : memref<1024x256xf32, #tpu.memory_space<vmem>>, vector<1024x256xf32>
    %convert_element_type3A = arith.truncf %get3A_22 : vector<1024x256xf32> to vector<1024x256xbf16>
    %swap3A_23 = arith.constant 0 : index
    %swap3A_24 = arith.constant 0 : index
    %swap3A_25 = vector.load %arg5[%swap3A_23, %swap3A_24] : memref<1024x256xbf16, #tpu.memory_space<vmem>>, vector<1024x256xbf16>
    tpu.vector_store %arg5[%swap3A_23, %swap3A_24], %convert_element_type3A {strides = array<i32>} : memref<1024x256xbf16, #tpu.memory_space<vmem>>, vector<1024x256xbf16>,
    %get3A_26 = arith.constant 0 : index
    %get3A_27 = arith.constant 0 : index
    %get3A_28 = vector.load %arg2[%get3A_26, %get3A_27] : memref<1024x256xf32, #tpu.memory_space<vmem>>, vector<1024x256xf32>
    %convert_element_type3A_29 = arith.truncf %get3A_28 : vector<1024x256xf32> to vector<1024x256xbf16>
    %swap3A_30 = arith.constant 0 : index
    %swap3A_31 = arith.constant 0 : index
    %swap3A_32 = vector.load %arg6[%swap3A_30, %swap3A_31] : memref<1024x256xbf16, #tpu.memory_space<vmem>>, vector<1024x256xbf16>
    tpu.vector_store %arg6[%swap3A_30, %swap3A_31], %convert_element_type3A_29 {strides = array<i32>} : memref<1024x256xbf16, #tpu.memory_space<vmem>>, vector<1024x256xbf16>,
    %get3A_33 = arith.constant 0 : index
    %get3A_34 = arith.constant 0 : index
    %get3A_35 = vector.load %arg3[%get3A_33, %get3A_34] : memref<512x128xf32, #tpu.memory_space<vmem>>, vector<512x128xf32>
    %convert_element_type3A_36 = arith.truncf %get3A_35 : vector<512x128xf32> to vector<512x128xbf16>
    %swap3A_37 = arith.constant 0 : index
    %swap3A_38 = arith.constant 0 : index
    %swap3A_39 = vector.load %arg7[%swap3A_37, %swap3A_38] : memref<512x128xbf16, #tpu.memory_space<vmem>>, vector<512x128xbf16>
    tpu.vector_store %arg7[%swap3A_37, %swap3A_38], %convert_element_type3A_36 {strides = array<i32>} : memref<512x128xbf16, #tpu.memory_space<vmem>>, vector<512x128xbf16>,
    return
  }
}

module attributes {stable_mosaic.version = 14 : i64} {
  func.func @_tc_body(%arg0: i32, %arg1: memref<512x256xf32, #tpu.memory_space<vmem>>, %arg2: memref<5x512x128xi32, #tpu.memory_space<vmem>>, %arg3: memref<512x1xi32, #tpu.memory_space<vmem>>, %arg4: memref<1024x256xbf16, #tpu.memory_space<vmem>>, %arg5: memref<1024x256xbf16, #tpu.memory_space<vmem>>, %arg6: memref<1x1024xf32, #tpu.memory_space<vmem>>, %arg7: memref<1x1024xf32, #tpu.memory_space<vmem>>, %arg8: memref<512x128xbf16, #tpu.memory_space<vmem>>, %arg9: memref<1x128xf32, #tpu.memory_space<vmem>>, %arg10: memref<512x128xf32, #tpu.memory_space<vmem>>) attributes {dimension_semantics = [#tpu.dimension_semantics<arbitrary>], iteration_bounds = array<i64: 2>, scalar_prefetch = 0 : i64, scratch_operands = 0 : i64, tpu.core_type = #tpu.core_type<tc>, window_params = [{transform_indices = @transform_0, window_bounds = array<i64: 512, 256>}, {transform_indices = @transform_1, window_bounds = array<i64: 5, 512, 128>}, {transform_indices = @transform_2, window_bounds = array<i64: 512, 1>}, {pipeline_mode = #tpu.pipeline_mode<synchronous>, transform_indices = @transform_3, window_bounds = array<i64: 1024, 256>}, {pipeline_mode = #tpu.pipeline_mode<synchronous>, transform_indices = @transform_4, window_bounds = array<i64: 1024, 256>}, {pipeline_mode = #tpu.pipeline_mode<synchronous>, transform_indices = @transform_5, window_bounds = array<i64: 1, 1024>}, {pipeline_mode = #tpu.pipeline_mode<synchronous>, transform_indices = @transform_6, window_bounds = array<i64: 1, 1024>}, {pipeline_mode = #tpu.pipeline_mode<synchronous>, transform_indices = @transform_7, window_bounds = array<i64: 512, 128>}, {pipeline_mode = #tpu.pipeline_mode<synchronous>, transform_indices = @transform_8, window_bounds = array<i64: 1, 128>}, {transform_indices = @transform_9, window_bounds = array<i64: 512, 128>}]} {
    %get3A = arith.constant 0 : index
    %get3A_0 = arith.constant 0 : index
    %get3A_1 = vector.load %arg1[%get3A, %get3A_0] : memref<512x256xf32, #tpu.memory_space<vmem>>, vector<512x256xf32>
    %get3A_2 = arith.constant 0 : index
    %get3A_3 = arith.constant 0 : index
    %get3A_4 = vector.load %arg6[%get3A_2, %get3A_3] : memref<1x1024xf32, #tpu.memory_space<vmem>>, vector<1x1024xf32>
    %get3A_5 = arith.constant 0 : index
    %get3A_6 = arith.constant 0 : index
    %get3A_7 = vector.load %arg7[%get3A_5, %get3A_6] : memref<1x1024xf32, #tpu.memory_space<vmem>>, vector<1x1024xf32>
    %add3A = arith.addf %get3A_4, %get3A_7 : vector<1x1024xf32>
    %get3A_8 = arith.constant 0 : index
    %get3A_9 = arith.constant 0 : index
    %get3A_10 = vector.load %arg3[%get3A_8, %get3A_9] : memref<512x1xi32, #tpu.memory_space<vmem>>, vector<512x1xi32>
    %broadcast_in_dim3A = arith.constant 0.000000e+00 : f32
    %broadcast_in_dim3A_11 = vector.broadcast %broadcast_in_dim3A : f32 to vector<512x256xf32>
    %broadcast_in_dim3A_12 = arith.constant 0.000000e+00 : f32
    %broadcast_in_dim3A_13 = vector.broadcast %broadcast_in_dim3A_12 : f32 to vector<512x256xf32>
    %get3A_14 = arith.constant 0 : index
    %get3A_15 = arith.constant 0 : index
    %get3A_16 = arith.constant 0 : index
    %get3A_17 = vector.load %arg2[%get3A_14, %get3A_15, %get3A_16] : memref<5x512x128xi32, #tpu.memory_space<vmem>>, vector<1x512x128xi32>
    %get3A_18 = vector.shape_cast %get3A_17 : vector<1x512x128xi32> to vector<512x128xi32>
    %shift_left3A = arith.constant 16 : i32
    %shift_left3A_19 = vector.broadcast %shift_left3A : i32 to vector<512x128xi32>
    %shift_left3A_20 = arith.shli %get3A_18, %shift_left3A_19 : vector<512x128xi32>
    %bitcast_convert_type3A = tpu.bitcast %shift_left3A_20 : vector<512x128xi32> -> vector<512x128xf32>
    %convert_element_type3A = arith.truncf %bitcast_convert_type3A : vector<512x128xf32> to vector<512x128xbf16>
    %and3A = arith.constant -65536 : i32
    %and3A_21 = vector.broadcast %and3A : i32 to vector<512x128xi32>
    %and3A_22 = arith.andi %get3A_18, %and3A_21 : vector<512x128xi32>
    %bitcast_convert_type3A_23 = tpu.bitcast %and3A_22 : vector<512x128xi32> -> vector<512x128xf32>
    %convert_element_type3A_24 = arith.truncf %bitcast_convert_type3A_23 : vector<512x128xf32> to vector<512x128xbf16>
    %get3A_25 = arith.constant 0 : index
    %get3A_26 = arith.constant 0 : index
    %get3A_27 = vector.load %arg4[%get3A_25, %get3A_26] : memref<1024x256xbf16, #tpu.memory_space<vmem>>, vector<1024x128xbf16>
    %dot_general3A = arith.constant dense<0.000000e+00> : vector<512x1024xf32>
    %dot_general3A_28 = tpu.matmul %convert_element_type3A, %get3A_27, %dot_general3A {dimension_numbers = #tpu.dot_dimension_numbers<[1], [1], [0], [0], [0, 0, 1, 0], [], []>, transpose_lhs_hint = false} : vector<512x128xbf16>, vector<1024x128xbf16>, vector<512x1024xf32> -> vector<512x1024xf32>
    %get3A_29 = arith.constant 0 : index
    %get3A_30 = arith.constant 128 : index
    %get3A_31 = vector.load %arg4[%get3A_29, %get3A_30] : memref<1024x256xbf16, #tpu.memory_space<vmem>>, vector<1024x128xbf16>
    %dot_general3A_32 = arith.constant dense<0.000000e+00> : vector<512x1024xf32>
    %dot_general3A_33 = tpu.matmul %convert_element_type3A_24, %get3A_31, %dot_general3A_32 {dimension_numbers = #tpu.dot_dimension_numbers<[1], [1], [0], [0], [0, 0, 1, 0], [], []>, transpose_lhs_hint = false} : vector<512x128xbf16>, vector<1024x128xbf16>, vector<512x1024xf32> -> vector<512x1024xf32>
    %add3A_34 = arith.addf %dot_general3A_28, %dot_general3A_33 : vector<512x1024xf32>
    %add3A_35 = vector.broadcast %add3A : vector<1x1024xf32> to vector<512x1024xf32>
    %add3A_36 = arith.addf %add3A_34, %add3A_35 : vector<512x1024xf32>
    %slice3A = vector.extract_strided_slice %add3A_36 {offsets = [0, 0], sizes = [512, 256], strides = [1, 1]} : vector<512x1024xf32> to vector<512x256xf32>
    %slice3A_37 = vector.extract_strided_slice %add3A_36 {offsets = [0, 256], sizes = [512, 256], strides = [1, 1]} : vector<512x1024xf32> to vector<512x256xf32>
    %slice3A_38 = vector.extract_strided_slice %add3A_36 {offsets = [0, 512], sizes = [512, 256], strides = [1, 1]} : vector<512x1024xf32> to vector<512x256xf32>
    %slice3A_39 = vector.extract_strided_slice %add3A_36 {offsets = [0, 768], sizes = [512, 256], strides = [1, 1]} : vector<512x1024xf32> to vector<512x256xf32>
    %logistic3A = arith.negf %slice3A_37 : vector<512x256xf32>
    %logistic3A_40 = math.exp %logistic3A : vector<512x256xf32>
    %logistic3A_41 = arith.constant 1.000000e+00 : f32
    %logistic3A_42 = vector.broadcast %logistic3A_41 : f32 to vector<512x256xf32>
    %logistic3A_43 = arith.addf %logistic3A_42, %logistic3A_40 : vector<512x256xf32>
    %logistic3A_44 = arith.divf %logistic3A_42, %logistic3A_43 : vector<512x256xf32>
    %mul3A = arith.mulf %logistic3A_44, %broadcast_in_dim3A_11 : vector<512x256xf32>
    %logistic3A_45 = arith.negf %slice3A : vector<512x256xf32>
    %logistic3A_46 = math.exp %logistic3A_45 : vector<512x256xf32>
    %logistic3A_47 = arith.constant 1.000000e+00 : f32
    %logistic3A_48 = vector.broadcast %logistic3A_47 : f32 to vector<512x256xf32>
    %logistic3A_49 = arith.addf %logistic3A_48, %logistic3A_46 : vector<512x256xf32>
    %logistic3A_50 = arith.divf %logistic3A_48, %logistic3A_49 : vector<512x256xf32>
    %tanh3A = math.tanh %slice3A_38 : vector<512x256xf32>
    %mul3A_51 = arith.mulf %logistic3A_50, %tanh3A : vector<512x256xf32>
    %add3A_52 = arith.addf %mul3A, %mul3A_51 : vector<512x256xf32>
    %logistic3A_53 = arith.negf %slice3A_39 : vector<512x256xf32>
    %logistic3A_54 = math.exp %logistic3A_53 : vector<512x256xf32>
    %logistic3A_55 = arith.constant 1.000000e+00 : f32
    %logistic3A_56 = vector.broadcast %logistic3A_55 : f32 to vector<512x256xf32>
    %logistic3A_57 = arith.addf %logistic3A_56, %logistic3A_54 : vector<512x256xf32>
    %logistic3A_58 = arith.divf %logistic3A_56, %logistic3A_57 : vector<512x256xf32>
    %tanh3A_59 = math.tanh %add3A_52 : vector<512x256xf32>
    %mul3A_60 = arith.mulf %logistic3A_58, %tanh3A_59 : vector<512x256xf32>
    %gt3A = arith.constant 0 : i32
    %gt3A_61 = vector.broadcast %gt3A : i32 to vector<512x1xi32>
    %gt3A_62 = arith.cmpi sgt, %get3A_10, %gt3A_61 : vector<512x1xi32>
    %broadcast_in_dim3A_63 = vector.shape_cast %gt3A_62 : vector<512x1xi1> to vector<512x1xi1>
    %broadcast_in_dim3A_64 = vector.broadcast %broadcast_in_dim3A_63 : vector<512x1xi1> to vector<512x256xi1>
    %select_n3A = arith.select %broadcast_in_dim3A_64, %add3A_52, %broadcast_in_dim3A_11 : vector<512x256xi1>, vector<512x256xf32>
    %broadcast_in_dim3A_65 = vector.shape_cast %gt3A_62 : vector<512x1xi1> to vector<512x1xi1>
    %broadcast_in_dim3A_66 = vector.broadcast %broadcast_in_dim3A_65 : vector<512x1xi1> to vector<512x256xi1>
    %select_n3A_67 = arith.select %broadcast_in_dim3A_66, %mul3A_60, %broadcast_in_dim3A_13 : vector<512x256xi1>, vector<512x256xf32>
    %get3A_68 = arith.constant 1 : index
    %get3A_69 = arith.constant 0 : index
    %get3A_70 = arith.constant 0 : index
    %get3A_71 = vector.load %arg2[%get3A_68, %get3A_69, %get3A_70] : memref<5x512x128xi32, #tpu.memory_space<vmem>>, vector<1x512x128xi32>
    %get3A_72 = vector.shape_cast %get3A_71 : vector<1x512x128xi32> to vector<512x128xi32>
    %shift_left3A_73 = arith.constant 16 : i32
    %shift_left3A_74 = vector.broadcast %shift_left3A_73 : i32 to vector<512x128xi32>
    %shift_left3A_75 = arith.shli %get3A_72, %shift_left3A_74 : vector<512x128xi32>
    %bitcast_convert_type3A_76 = tpu.bitcast %shift_left3A_75 : vector<512x128xi32> -> vector<512x128xf32>
    %convert_element_type3A_77 = arith.truncf %bitcast_convert_type3A_76 : vector<512x128xf32> to vector<512x128xbf16>
    %and3A_78 = arith.constant -65536 : i32
    %and3A_79 = vector.broadcast %and3A_78 : i32 to vector<512x128xi32>
    %and3A_80 = arith.andi %get3A_72, %and3A_79 : vector<512x128xi32>
    %bitcast_convert_type3A_81 = tpu.bitcast %and3A_80 : vector<512x128xi32> -> vector<512x128xf32>
    %convert_element_type3A_82 = arith.truncf %bitcast_convert_type3A_81 : vector<512x128xf32> to vector<512x128xbf16>
    %get3A_83 = arith.constant 0 : index
    %get3A_84 = arith.constant 0 : index
    %get3A_85 = vector.load %arg4[%get3A_83, %get3A_84] : memref<1024x256xbf16, #tpu.memory_space<vmem>>, vector<1024x128xbf16>
    %dot_general3A_86 = arith.constant dense<0.000000e+00> : vector<512x1024xf32>
    %dot_general3A_87 = tpu.matmul %convert_element_type3A_77, %get3A_85, %dot_general3A_86 {dimension_numbers = #tpu.dot_dimension_numbers<[1], [1], [0], [0], [0, 0, 1, 0], [], []>, transpose_lhs_hint = false} : vector<512x128xbf16>, vector<1024x128xbf16>, vector<512x1024xf32> -> vector<512x1024xf32>
    %get3A_88 = arith.constant 0 : index
    %get3A_89 = arith.constant 128 : index
    %get3A_90 = vector.load %arg4[%get3A_88, %get3A_89] : memref<1024x256xbf16, #tpu.memory_space<vmem>>, vector<1024x128xbf16>
    %dot_general3A_91 = arith.constant dense<0.000000e+00> : vector<512x1024xf32>
    %dot_general3A_92 = tpu.matmul %convert_element_type3A_82, %get3A_90, %dot_general3A_91 {dimension_numbers = #tpu.dot_dimension_numbers<[1], [1], [0], [0], [0, 0, 1, 0], [], []>, transpose_lhs_hint = false} : vector<512x128xbf16>, vector<1024x128xbf16>, vector<512x1024xf32> -> vector<512x1024xf32>
    %add3A_93 = arith.addf %dot_general3A_87, %dot_general3A_92 : vector<512x1024xf32>
    %add3A_94 = vector.broadcast %add3A : vector<1x1024xf32> to vector<512x1024xf32>
    %add3A_95 = arith.addf %add3A_93, %add3A_94 : vector<512x1024xf32>
    %convert_element_type3A_96 = arith.truncf %select_n3A_67 : vector<512x256xf32> to vector<512x256xbf16>
    %get3A_97 = arith.constant 0 : index
    %get3A_98 = arith.constant 0 : index
    %get3A_99 = vector.load %arg5[%get3A_97, %get3A_98] : memref<1024x256xbf16, #tpu.memory_space<vmem>>, vector<1024x256xbf16>
    %dot_general3A_100 = arith.constant dense<0.000000e+00> : vector<512x1024xf32>
    %dot_general3A_101 = tpu.matmul %convert_element_type3A_96, %get3A_99, %dot_general3A_100 {dimension_numbers = #tpu.dot_dimension_numbers<[1], [1], [0], [0], [0, 0, 1, 0], [], []>, transpose_lhs_hint = false} : vector<512x256xbf16>, vector<1024x256xbf16>, vector<512x1024xf32> -> vector<512x1024xf32>
    %add3A_102 = arith.addf %add3A_95, %dot_general3A_101 : vector<512x1024xf32>
    %slice3A_103 = vector.extract_strided_slice %add3A_102 {offsets = [0, 0], sizes = [512, 256], strides = [1, 1]} : vector<512x1024xf32> to vector<512x256xf32>
    %slice3A_104 = vector.extract_strided_slice %add3A_102 {offsets = [0, 256], sizes = [512, 256], strides = [1, 1]} : vector<512x1024xf32> to vector<512x256xf32>
    %slice3A_105 = vector.extract_strided_slice %add3A_102 {offsets = [0, 512], sizes = [512, 256], strides = [1, 1]} : vector<512x1024xf32> to vector<512x256xf32>
    %slice3A_106 = vector.extract_strided_slice %add3A_102 {offsets = [0, 768], sizes = [512, 256], strides = [1, 1]} : vector<512x1024xf32> to vector<512x256xf32>
    %logistic3A_107 = arith.negf %slice3A_104 : vector<512x256xf32>
    %logistic3A_108 = math.exp %logistic3A_107 : vector<512x256xf32>
    %logistic3A_109 = arith.constant 1.000000e+00 : f32
    %logistic3A_110 = vector.broadcast %logistic3A_109 : f32 to vector<512x256xf32>
    %logistic3A_111 = arith.addf %logistic3A_110, %logistic3A_108 : vector<512x256xf32>
    %logistic3A_112 = arith.divf %logistic3A_110, %logistic3A_111 : vector<512x256xf32>
    %mul3A_113 = arith.mulf %logistic3A_112, %select_n3A : vector<512x256xf32>
    %logistic3A_114 = arith.negf %slice3A_103 : vector<512x256xf32>
    %logistic3A_115 = math.exp %logistic3A_114 : vector<512x256xf32>
    %logistic3A_116 = arith.constant 1.000000e+00 : f32
    %logistic3A_117 = vector.broadcast %logistic3A_116 : f32 to vector<512x256xf32>
    %logistic3A_118 = arith.addf %logistic3A_117, %logistic3A_115 : vector<512x256xf32>
    %logistic3A_119 = arith.divf %logistic3A_117, %logistic3A_118 : vector<512x256xf32>
    %tanh3A_120 = math.tanh %slice3A_105 : vector<512x256xf32>
    %mul3A_121 = arith.mulf %logistic3A_119, %tanh3A_120 : vector<512x256xf32>
    %add3A_122 = arith.addf %mul3A_113, %mul3A_121 : vector<512x256xf32>
    %logistic3A_123 = arith.negf %slice3A_106 : vector<512x256xf32>
    %logistic3A_124 = math.exp %logistic3A_123 : vector<512x256xf32>
    %logistic3A_125 = arith.constant 1.000000e+00 : f32
    %logistic3A_126 = vector.broadcast %logistic3A_125 : f32 to vector<512x256xf32>
    %logistic3A_127 = arith.addf %logistic3A_126, %logistic3A_124 : vector<512x256xf32>
    %logistic3A_128 = arith.divf %logistic3A_126, %logistic3A_127 : vector<512x256xf32>
    %tanh3A_129 = math.tanh %add3A_122 : vector<512x256xf32>
    %mul3A_130 = arith.mulf %logistic3A_128, %tanh3A_129 : vector<512x256xf32>
    %gt3A_131 = arith.constant 1 : i32
    %gt3A_132 = vector.broadcast %gt3A_131 : i32 to vector<512x1xi32>
    %gt3A_133 = arith.cmpi sgt, %get3A_10, %gt3A_132 : vector<512x1xi32>
    %broadcast_in_dim3A_134 = vector.shape_cast %gt3A_133 : vector<512x1xi1> to vector<512x1xi1>
    %broadcast_in_dim3A_135 = vector.broadcast %broadcast_in_dim3A_134 : vector<512x1xi1> to vector<512x256xi1>
    %select_n3A_136 = arith.select %broadcast_in_dim3A_135, %add3A_122, %select_n3A : vector<512x256xi1>, vector<512x256xf32>
    %broadcast_in_dim3A_137 = vector.shape_cast %gt3A_133 : vector<512x1xi1> to vector<512x1xi1>
    %broadcast_in_dim3A_138 = vector.broadcast %broadcast_in_dim3A_137 : vector<512x1xi1> to vector<512x256xi1>
    %select_n3A_139 = arith.select %broadcast_in_dim3A_138, %mul3A_130, %select_n3A_67 : vector<512x256xi1>, vector<512x256xf32>
    %get3A_140 = arith.constant 2 : index
    %get3A_141 = arith.constant 0 : index
    %get3A_142 = arith.constant 0 : index
    %get3A_143 = vector.load %arg2[%get3A_140, %get3A_141, %get3A_142] : memref<5x512x128xi32, #tpu.memory_space<vmem>>, vector<1x512x128xi32>
    %get3A_144 = vector.shape_cast %get3A_143 : vector<1x512x128xi32> to vector<512x128xi32>
    %shift_left3A_145 = arith.constant 16 : i32
    %shift_left3A_146 = vector.broadcast %shift_left3A_145 : i32 to vector<512x128xi32>
    %shift_left3A_147 = arith.shli %get3A_144, %shift_left3A_146 : vector<512x128xi32>
    %bitcast_convert_type3A_148 = tpu.bitcast %shift_left3A_147 : vector<512x128xi32> -> vector<512x128xf32>
    %convert_element_type3A_149 = arith.truncf %bitcast_convert_type3A_148 : vector<512x128xf32> to vector<512x128xbf16>
    %and3A_150 = arith.constant -65536 : i32
    %and3A_151 = vector.broadcast %and3A_150 : i32 to vector<512x128xi32>
    %and3A_152 = arith.andi %get3A_144, %and3A_151 : vector<512x128xi32>
    %bitcast_convert_type3A_153 = tpu.bitcast %and3A_152 : vector<512x128xi32> -> vector<512x128xf32>
    %convert_element_type3A_154 = arith.truncf %bitcast_convert_type3A_153 : vector<512x128xf32> to vector<512x128xbf16>
    %get3A_155 = arith.constant 0 : index
    %get3A_156 = arith.constant 0 : index
    %get3A_157 = vector.load %arg4[%get3A_155, %get3A_156] : memref<1024x256xbf16, #tpu.memory_space<vmem>>, vector<1024x128xbf16>
    %dot_general3A_158 = arith.constant dense<0.000000e+00> : vector<512x1024xf32>
    %dot_general3A_159 = tpu.matmul %convert_element_type3A_149, %get3A_157, %dot_general3A_158 {dimension_numbers = #tpu.dot_dimension_numbers<[1], [1], [0], [0], [0, 0, 1, 0], [], []>, transpose_lhs_hint = false} : vector<512x128xbf16>, vector<1024x128xbf16>, vector<512x1024xf32> -> vector<512x1024xf32>
    %get3A_160 = arith.constant 0 : index
    %get3A_161 = arith.constant 128 : index
    %get3A_162 = vector.load %arg4[%get3A_160, %get3A_161] : memref<1024x256xbf16, #tpu.memory_space<vmem>>, vector<1024x128xbf16>
    %dot_general3A_163 = arith.constant dense<0.000000e+00> : vector<512x1024xf32>
    %dot_general3A_164 = tpu.matmul %convert_element_type3A_154, %get3A_162, %dot_general3A_163 {dimension_numbers = #tpu.dot_dimension_numbers<[1], [1], [0], [0], [0, 0, 1, 0], [], []>, transpose_lhs_hint = false} : vector<512x128xbf16>, vector<1024x128xbf16>, vector<512x1024xf32> -> vector<512x1024xf32>
    %add3A_165 = arith.addf %dot_general3A_159, %dot_general3A_164 : vector<512x1024xf32>
    %add3A_166 = vector.broadcast %add3A : vector<1x1024xf32> to vector<512x1024xf32>
    %add3A_167 = arith.addf %add3A_165, %add3A_166 : vector<512x1024xf32>
    %convert_element_type3A_168 = arith.truncf %select_n3A_139 : vector<512x256xf32> to vector<512x256xbf16>
    %get3A_169 = arith.constant 0 : index
    %get3A_170 = arith.constant 0 : index
    %get3A_171 = vector.load %arg5[%get3A_169, %get3A_170] : memref<1024x256xbf16, #tpu.memory_space<vmem>>, vector<1024x256xbf16>
    %dot_general3A_172 = arith.constant dense<0.000000e+00> : vector<512x1024xf32>
    %dot_general3A_173 = tpu.matmul %convert_element_type3A_168, %get3A_171, %dot_general3A_172 {dimension_numbers = #tpu.dot_dimension_numbers<[1], [1], [0], [0], [0, 0, 1, 0], [], []>, transpose_lhs_hint = false} : vector<512x256xbf16>, vector<1024x256xbf16>, vector<512x1024xf32> -> vector<512x1024xf32>
    %add3A_174 = arith.addf %add3A_167, %dot_general3A_173 : vector<512x1024xf32>
    %slice3A_175 = vector.extract_strided_slice %add3A_174 {offsets = [0, 0], sizes = [512, 256], strides = [1, 1]} : vector<512x1024xf32> to vector<512x256xf32>
    %slice3A_176 = vector.extract_strided_slice %add3A_174 {offsets = [0, 256], sizes = [512, 256], strides = [1, 1]} : vector<512x1024xf32> to vector<512x256xf32>
    %slice3A_177 = vector.extract_strided_slice %add3A_174 {offsets = [0, 512], sizes = [512, 256], strides = [1, 1]} : vector<512x1024xf32> to vector<512x256xf32>
    %slice3A_178 = vector.extract_strided_slice %add3A_174 {offsets = [0, 768], sizes = [512, 256], strides = [1, 1]} : vector<512x1024xf32> to vector<512x256xf32>
    %logistic3A_179 = arith.negf %slice3A_176 : vector<512x256xf32>
    %logistic3A_180 = math.exp %logistic3A_179 : vector<512x256xf32>
    %logistic3A_181 = arith.constant 1.000000e+00 : f32
    %logistic3A_182 = vector.broadcast %logistic3A_181 : f32 to vector<512x256xf32>
    %logistic3A_183 = arith.addf %logistic3A_182, %logistic3A_180 : vector<512x256xf32>
    %logistic3A_184 = arith.divf %logistic3A_182, %logistic3A_183 : vector<512x256xf32>
    %mul3A_185 = arith.mulf %logistic3A_184, %select_n3A_136 : vector<512x256xf32>
    %logistic3A_186 = arith.negf %slice3A_175 : vector<512x256xf32>
    %logistic3A_187 = math.exp %logistic3A_186 : vector<512x256xf32>
    %logistic3A_188 = arith.constant 1.000000e+00 : f32
    %logistic3A_189 = vector.broadcast %logistic3A_188 : f32 to vector<512x256xf32>
    %logistic3A_190 = arith.addf %logistic3A_189, %logistic3A_187 : vector<512x256xf32>
    %logistic3A_191 = arith.divf %logistic3A_189, %logistic3A_190 : vector<512x256xf32>
    %tanh3A_192 = math.tanh %slice3A_177 : vector<512x256xf32>
    %mul3A_193 = arith.mulf %logistic3A_191, %tanh3A_192 : vector<512x256xf32>
    %add3A_194 = arith.addf %mul3A_185, %mul3A_193 : vector<512x256xf32>
    %logistic3A_195 = arith.negf %slice3A_178 : vector<512x256xf32>
    %logistic3A_196 = math.exp %logistic3A_195 : vector<512x256xf32>
    %logistic3A_197 = arith.constant 1.000000e+00 : f32
    %logistic3A_198 = vector.broadcast %logistic3A_197 : f32 to vector<512x256xf32>
    %logistic3A_199 = arith.addf %logistic3A_198, %logistic3A_196 : vector<512x256xf32>
    %logistic3A_200 = arith.divf %logistic3A_198, %logistic3A_199 : vector<512x256xf32>
    %tanh3A_201 = math.tanh %add3A_194 : vector<512x256xf32>
    %mul3A_202 = arith.mulf %logistic3A_200, %tanh3A_201 : vector<512x256xf32>
    %gt3A_203 = arith.constant 2 : i32
    %gt3A_204 = vector.broadcast %gt3A_203 : i32 to vector<512x1xi32>
    %gt3A_205 = arith.cmpi sgt, %get3A_10, %gt3A_204 : vector<512x1xi32>
    %broadcast_in_dim3A_206 = vector.shape_cast %gt3A_205 : vector<512x1xi1> to vector<512x1xi1>
    %broadcast_in_dim3A_207 = vector.broadcast %broadcast_in_dim3A_206 : vector<512x1xi1> to vector<512x256xi1>
    %select_n3A_208 = arith.select %broadcast_in_dim3A_207, %add3A_194, %select_n3A_136 : vector<512x256xi1>, vector<512x256xf32>
    %broadcast_in_dim3A_209 = vector.shape_cast %gt3A_205 : vector<512x1xi1> to vector<512x1xi1>
    %broadcast_in_dim3A_210 = vector.broadcast %broadcast_in_dim3A_209 : vector<512x1xi1> to vector<512x256xi1>
    %select_n3A_211 = arith.select %broadcast_in_dim3A_210, %mul3A_202, %select_n3A_139 : vector<512x256xi1>, vector<512x256xf32>
    %get3A_212 = arith.constant 3 : index
    %get3A_213 = arith.constant 0 : index
    %get3A_214 = arith.constant 0 : index
    %get3A_215 = vector.load %arg2[%get3A_212, %get3A_213, %get3A_214] : memref<5x512x128xi32, #tpu.memory_space<vmem>>, vector<1x512x128xi32>
    %get3A_216 = vector.shape_cast %get3A_215 : vector<1x512x128xi32> to vector<512x128xi32>
    %shift_left3A_217 = arith.constant 16 : i32
    %shift_left3A_218 = vector.broadcast %shift_left3A_217 : i32 to vector<512x128xi32>
    %shift_left3A_219 = arith.shli %get3A_216, %shift_left3A_218 : vector<512x128xi32>
    %bitcast_convert_type3A_220 = tpu.bitcast %shift_left3A_219 : vector<512x128xi32> -> vector<512x128xf32>
    %convert_element_type3A_221 = arith.truncf %bitcast_convert_type3A_220 : vector<512x128xf32> to vector<512x128xbf16>
    %and3A_222 = arith.constant -65536 : i32
    %and3A_223 = vector.broadcast %and3A_222 : i32 to vector<512x128xi32>
    %and3A_224 = arith.andi %get3A_216, %and3A_223 : vector<512x128xi32>
    %bitcast_convert_type3A_225 = tpu.bitcast %and3A_224 : vector<512x128xi32> -> vector<512x128xf32>
    %convert_element_type3A_226 = arith.truncf %bitcast_convert_type3A_225 : vector<512x128xf32> to vector<512x128xbf16>
    %get3A_227 = arith.constant 0 : index
    %get3A_228 = arith.constant 0 : index
    %get3A_229 = vector.load %arg4[%get3A_227, %get3A_228] : memref<1024x256xbf16, #tpu.memory_space<vmem>>, vector<1024x128xbf16>
    %dot_general3A_230 = arith.constant dense<0.000000e+00> : vector<512x1024xf32>
    %dot_general3A_231 = tpu.matmul %convert_element_type3A_221, %get3A_229, %dot_general3A_230 {dimension_numbers = #tpu.dot_dimension_numbers<[1], [1], [0], [0], [0, 0, 1, 0], [], []>, transpose_lhs_hint = false} : vector<512x128xbf16>, vector<1024x128xbf16>, vector<512x1024xf32> -> vector<512x1024xf32>
    %get3A_232 = arith.constant 0 : index
    %get3A_233 = arith.constant 128 : index
    %get3A_234 = vector.load %arg4[%get3A_232, %get3A_233] : memref<1024x256xbf16, #tpu.memory_space<vmem>>, vector<1024x128xbf16>
    %dot_general3A_235 = arith.constant dense<0.000000e+00> : vector<512x1024xf32>
    %dot_general3A_236 = tpu.matmul %convert_element_type3A_226, %get3A_234, %dot_general3A_235 {dimension_numbers = #tpu.dot_dimension_numbers<[1], [1], [0], [0], [0, 0, 1, 0], [], []>, transpose_lhs_hint = false} : vector<512x128xbf16>, vector<1024x128xbf16>, vector<512x1024xf32> -> vector<512x1024xf32>
    %add3A_237 = arith.addf %dot_general3A_231, %dot_general3A_236 : vector<512x1024xf32>
    %add3A_238 = vector.broadcast %add3A : vector<1x1024xf32> to vector<512x1024xf32>
    %add3A_239 = arith.addf %add3A_237, %add3A_238 : vector<512x1024xf32>
    %convert_element_type3A_240 = arith.truncf %select_n3A_211 : vector<512x256xf32> to vector<512x256xbf16>
    %get3A_241 = arith.constant 0 : index
    %get3A_242 = arith.constant 0 : index
    %get3A_243 = vector.load %arg5[%get3A_241, %get3A_242] : memref<1024x256xbf16, #tpu.memory_space<vmem>>, vector<1024x256xbf16>
    %dot_general3A_244 = arith.constant dense<0.000000e+00> : vector<512x1024xf32>
    %dot_general3A_245 = tpu.matmul %convert_element_type3A_240, %get3A_243, %dot_general3A_244 {dimension_numbers = #tpu.dot_dimension_numbers<[1], [1], [0], [0], [0, 0, 1, 0], [], []>, transpose_lhs_hint = false} : vector<512x256xbf16>, vector<1024x256xbf16>, vector<512x1024xf32> -> vector<512x1024xf32>
    %add3A_246 = arith.addf %add3A_239, %dot_general3A_245 : vector<512x1024xf32>
    %slice3A_247 = vector.extract_strided_slice %add3A_246 {offsets = [0, 0], sizes = [512, 256], strides = [1, 1]} : vector<512x1024xf32> to vector<512x256xf32>
    %slice3A_248 = vector.extract_strided_slice %add3A_246 {offsets = [0, 256], sizes = [512, 256], strides = [1, 1]} : vector<512x1024xf32> to vector<512x256xf32>
    %slice3A_249 = vector.extract_strided_slice %add3A_246 {offsets = [0, 512], sizes = [512, 256], strides = [1, 1]} : vector<512x1024xf32> to vector<512x256xf32>
    %slice3A_250 = vector.extract_strided_slice %add3A_246 {offsets = [0, 768], sizes = [512, 256], strides = [1, 1]} : vector<512x1024xf32> to vector<512x256xf32>
    %logistic3A_251 = arith.negf %slice3A_248 : vector<512x256xf32>
    %logistic3A_252 = math.exp %logistic3A_251 : vector<512x256xf32>
    %logistic3A_253 = arith.constant 1.000000e+00 : f32
    %logistic3A_254 = vector.broadcast %logistic3A_253 : f32 to vector<512x256xf32>
    %logistic3A_255 = arith.addf %logistic3A_254, %logistic3A_252 : vector<512x256xf32>
    %logistic3A_256 = arith.divf %logistic3A_254, %logistic3A_255 : vector<512x256xf32>
    %mul3A_257 = arith.mulf %logistic3A_256, %select_n3A_208 : vector<512x256xf32>
    %logistic3A_258 = arith.negf %slice3A_247 : vector<512x256xf32>
    %logistic3A_259 = math.exp %logistic3A_258 : vector<512x256xf32>
    %logistic3A_260 = arith.constant 1.000000e+00 : f32
    %logistic3A_261 = vector.broadcast %logistic3A_260 : f32 to vector<512x256xf32>
    %logistic3A_262 = arith.addf %logistic3A_261, %logistic3A_259 : vector<512x256xf32>
    %logistic3A_263 = arith.divf %logistic3A_261, %logistic3A_262 : vector<512x256xf32>
    %tanh3A_264 = math.tanh %slice3A_249 : vector<512x256xf32>
    %mul3A_265 = arith.mulf %logistic3A_263, %tanh3A_264 : vector<512x256xf32>
    %add3A_266 = arith.addf %mul3A_257, %mul3A_265 : vector<512x256xf32>
    %logistic3A_267 = arith.negf %slice3A_250 : vector<512x256xf32>
    %logistic3A_268 = math.exp %logistic3A_267 : vector<512x256xf32>
    %logistic3A_269 = arith.constant 1.000000e+00 : f32
    %logistic3A_270 = vector.broadcast %logistic3A_269 : f32 to vector<512x256xf32>
    %logistic3A_271 = arith.addf %logistic3A_270, %logistic3A_268 : vector<512x256xf32>
    %logistic3A_272 = arith.divf %logistic3A_270, %logistic3A_271 : vector<512x256xf32>
    %tanh3A_273 = math.tanh %add3A_266 : vector<512x256xf32>
    %mul3A_274 = arith.mulf %logistic3A_272, %tanh3A_273 : vector<512x256xf32>
    %gt3A_275 = arith.constant 3 : i32
    %gt3A_276 = vector.broadcast %gt3A_275 : i32 to vector<512x1xi32>
    %gt3A_277 = arith.cmpi sgt, %get3A_10, %gt3A_276 : vector<512x1xi32>
    %broadcast_in_dim3A_278 = vector.shape_cast %gt3A_277 : vector<512x1xi1> to vector<512x1xi1>
    %broadcast_in_dim3A_279 = vector.broadcast %broadcast_in_dim3A_278 : vector<512x1xi1> to vector<512x256xi1>
    %select_n3A_280 = arith.select %broadcast_in_dim3A_279, %add3A_266, %select_n3A_208 : vector<512x256xi1>, vector<512x256xf32>
    %broadcast_in_dim3A_281 = vector.shape_cast %gt3A_277 : vector<512x1xi1> to vector<512x1xi1>
    %broadcast_in_dim3A_282 = vector.broadcast %broadcast_in_dim3A_281 : vector<512x1xi1> to vector<512x256xi1>
    %select_n3A_283 = arith.select %broadcast_in_dim3A_282, %mul3A_274, %select_n3A_211 : vector<512x256xi1>, vector<512x256xf32>
    %get3A_284 = arith.constant 4 : index
    %get3A_285 = arith.constant 0 : index
    %get3A_286 = arith.constant 0 : index
    %get3A_287 = vector.load %arg2[%get3A_284, %get3A_285, %get3A_286] : memref<5x512x128xi32, #tpu.memory_space<vmem>>, vector<1x512x128xi32>
    %get3A_288 = vector.shape_cast %get3A_287 : vector<1x512x128xi32> to vector<512x128xi32>
    %shift_left3A_289 = arith.constant 16 : i32
    %shift_left3A_290 = vector.broadcast %shift_left3A_289 : i32 to vector<512x128xi32>
    %shift_left3A_291 = arith.shli %get3A_288, %shift_left3A_290 : vector<512x128xi32>
    %bitcast_convert_type3A_292 = tpu.bitcast %shift_left3A_291 : vector<512x128xi32> -> vector<512x128xf32>
    %convert_element_type3A_293 = arith.truncf %bitcast_convert_type3A_292 : vector<512x128xf32> to vector<512x128xbf16>
    %and3A_294 = arith.constant -65536 : i32
    %and3A_295 = vector.broadcast %and3A_294 : i32 to vector<512x128xi32>
    %and3A_296 = arith.andi %get3A_288, %and3A_295 : vector<512x128xi32>
    %bitcast_convert_type3A_297 = tpu.bitcast %and3A_296 : vector<512x128xi32> -> vector<512x128xf32>
    %convert_element_type3A_298 = arith.truncf %bitcast_convert_type3A_297 : vector<512x128xf32> to vector<512x128xbf16>
    %get3A_299 = arith.constant 0 : index
    %get3A_300 = arith.constant 0 : index
    %get3A_301 = vector.load %arg4[%get3A_299, %get3A_300] : memref<1024x256xbf16, #tpu.memory_space<vmem>>, vector<1024x128xbf16>
    %dot_general3A_302 = arith.constant dense<0.000000e+00> : vector<512x1024xf32>
    %dot_general3A_303 = tpu.matmul %convert_element_type3A_293, %get3A_301, %dot_general3A_302 {dimension_numbers = #tpu.dot_dimension_numbers<[1], [1], [0], [0], [0, 0, 1, 0], [], []>, transpose_lhs_hint = false} : vector<512x128xbf16>, vector<1024x128xbf16>, vector<512x1024xf32> -> vector<512x1024xf32>
    %get3A_304 = arith.constant 0 : index
    %get3A_305 = arith.constant 128 : index
    %get3A_306 = vector.load %arg4[%get3A_304, %get3A_305] : memref<1024x256xbf16, #tpu.memory_space<vmem>>, vector<1024x128xbf16>
    %dot_general3A_307 = arith.constant dense<0.000000e+00> : vector<512x1024xf32>
    %dot_general3A_308 = tpu.matmul %convert_element_type3A_298, %get3A_306, %dot_general3A_307 {dimension_numbers = #tpu.dot_dimension_numbers<[1], [1], [0], [0], [0, 0, 1, 0], [], []>, transpose_lhs_hint = false} : vector<512x128xbf16>, vector<1024x128xbf16>, vector<512x1024xf32> -> vector<512x1024xf32>
    %add3A_309 = arith.addf %dot_general3A_303, %dot_general3A_308 : vector<512x1024xf32>
    %add3A_310 = vector.broadcast %add3A : vector<1x1024xf32> to vector<512x1024xf32>
    %add3A_311 = arith.addf %add3A_309, %add3A_310 : vector<512x1024xf32>
    %convert_element_type3A_312 = arith.truncf %select_n3A_283 : vector<512x256xf32> to vector<512x256xbf16>
    %get3A_313 = arith.constant 0 : index
    %get3A_314 = arith.constant 0 : index
    %get3A_315 = vector.load %arg5[%get3A_313, %get3A_314] : memref<1024x256xbf16, #tpu.memory_space<vmem>>, vector<1024x256xbf16>
    %dot_general3A_316 = arith.constant dense<0.000000e+00> : vector<512x1024xf32>
    %dot_general3A_317 = tpu.matmul %convert_element_type3A_312, %get3A_315, %dot_general3A_316 {dimension_numbers = #tpu.dot_dimension_numbers<[1], [1], [0], [0], [0, 0, 1, 0], [], []>, transpose_lhs_hint = false} : vector<512x256xbf16>, vector<1024x256xbf16>, vector<512x1024xf32> -> vector<512x1024xf32>
    %add3A_318 = arith.addf %add3A_311, %dot_general3A_317 : vector<512x1024xf32>
    %slice3A_319 = vector.extract_strided_slice %add3A_318 {offsets = [0, 0], sizes = [512, 256], strides = [1, 1]} : vector<512x1024xf32> to vector<512x256xf32>
    %slice3A_320 = vector.extract_strided_slice %add3A_318 {offsets = [0, 256], sizes = [512, 256], strides = [1, 1]} : vector<512x1024xf32> to vector<512x256xf32>
    %slice3A_321 = vector.extract_strided_slice %add3A_318 {offsets = [0, 512], sizes = [512, 256], strides = [1, 1]} : vector<512x1024xf32> to vector<512x256xf32>
    %logistic3A_322 = arith.negf %slice3A_320 : vector<512x256xf32>
    %logistic3A_323 = math.exp %logistic3A_322 : vector<512x256xf32>
    %logistic3A_324 = arith.constant 1.000000e+00 : f32
    %logistic3A_325 = vector.broadcast %logistic3A_324 : f32 to vector<512x256xf32>
    %logistic3A_326 = arith.addf %logistic3A_325, %logistic3A_323 : vector<512x256xf32>
    %logistic3A_327 = arith.divf %logistic3A_325, %logistic3A_326 : vector<512x256xf32>
    %mul3A_328 = arith.mulf %logistic3A_327, %select_n3A_280 : vector<512x256xf32>
    %logistic3A_329 = arith.negf %slice3A_319 : vector<512x256xf32>
    %logistic3A_330 = math.exp %logistic3A_329 : vector<512x256xf32>
    %logistic3A_331 = arith.constant 1.000000e+00 : f32
    %logistic3A_332 = vector.broadcast %logistic3A_331 : f32 to vector<512x256xf32>
    %logistic3A_333 = arith.addf %logistic3A_332, %logistic3A_330 : vector<512x256xf32>
    %logistic3A_334 = arith.divf %logistic3A_332, %logistic3A_333 : vector<512x256xf32>
    %tanh3A_335 = math.tanh %slice3A_321 : vector<512x256xf32>
    %mul3A_336 = arith.mulf %logistic3A_334, %tanh3A_335 : vector<512x256xf32>
    %add3A_337 = arith.addf %mul3A_328, %mul3A_336 : vector<512x256xf32>
    %gt3A_338 = arith.constant 4 : i32
    %gt3A_339 = vector.broadcast %gt3A_338 : i32 to vector<512x1xi32>
    %gt3A_340 = arith.cmpi sgt, %get3A_10, %gt3A_339 : vector<512x1xi32>
    %broadcast_in_dim3A_341 = vector.shape_cast %gt3A_340 : vector<512x1xi1> to vector<512x1xi1>
    %broadcast_in_dim3A_342 = vector.broadcast %broadcast_in_dim3A_341 : vector<512x1xi1> to vector<512x256xi1>
    %select_n3A_343 = arith.select %broadcast_in_dim3A_342, %add3A_337, %select_n3A_280 : vector<512x256xi1>, vector<512x256xf32>
    %convert_element_type3A_344 = arith.truncf %get3A_1 : vector<512x256xf32> to vector<512x256xbf16>
    %get3A_345 = arith.constant 0 : index
    %get3A_346 = arith.constant 0 : index
    %get3A_347 = vector.load %arg8[%get3A_345, %get3A_346] : memref<512x128xbf16, #tpu.memory_space<vmem>>, vector<256x128xbf16>
    %dot_general3A_348 = arith.constant dense<0.000000e+00> : vector<512x128xf32>
    %dot_general3A_349 = tpu.matmul %convert_element_type3A_344, %get3A_347, %dot_general3A_348 {dimension_numbers = #tpu.dot_dimension_numbers<[1], [0], [0], [1], [0, 0, 1, 1], [], []>, transpose_lhs_hint = false} : vector<512x256xbf16>, vector<256x128xbf16>, vector<512x128xf32> -> vector<512x128xf32>
    %convert_element_type3A_350 = arith.truncf %select_n3A_343 : vector<512x256xf32> to vector<512x256xbf16>
    %get3A_351 = arith.constant 256 : index
    %get3A_352 = arith.constant 0 : index
    %get3A_353 = vector.load %arg8[%get3A_351, %get3A_352] : memref<512x128xbf16, #tpu.memory_space<vmem>>, vector<256x128xbf16>
    %dot_general3A_354 = arith.constant dense<0.000000e+00> : vector<512x128xf32>
    %dot_general3A_355 = tpu.matmul %convert_element_type3A_350, %get3A_353, %dot_general3A_354 {dimension_numbers = #tpu.dot_dimension_numbers<[1], [0], [0], [1], [0, 0, 1, 1], [], []>, transpose_lhs_hint = false} : vector<512x256xbf16>, vector<256x128xbf16>, vector<512x128xf32> -> vector<512x128xf32>
    %add3A_356 = arith.addf %dot_general3A_349, %dot_general3A_355 : vector<512x128xf32>
    %get3A_357 = arith.constant 0 : index
    %get3A_358 = arith.constant 0 : index
    %get3A_359 = vector.load %arg9[%get3A_357, %get3A_358] : memref<1x128xf32, #tpu.memory_space<vmem>>, vector<1x128xf32>
    %add3A_360 = vector.broadcast %get3A_359 : vector<1x128xf32> to vector<512x128xf32>
    %add3A_361 = arith.addf %add3A_356, %add3A_360 : vector<512x128xf32>
    %logistic3A_362 = arith.negf %add3A_361 : vector<512x128xf32>
    %logistic3A_363 = math.exp %logistic3A_362 : vector<512x128xf32>
    %logistic3A_364 = arith.constant 1.000000e+00 : f32
    %logistic3A_365 = vector.broadcast %logistic3A_364 : f32 to vector<512x128xf32>
    %logistic3A_366 = arith.addf %logistic3A_365, %logistic3A_363 : vector<512x128xf32>
    %logistic3A_367 = arith.divf %logistic3A_365, %logistic3A_366 : vector<512x128xf32>
    %swap3A = arith.constant 0 : index
    %swap3A_368 = arith.constant 0 : index
    %swap3A_369 = vector.load %arg10[%swap3A, %swap3A_368] : memref<512x128xf32, #tpu.memory_space<vmem>>, vector<512x128xf32>
    tpu.vector_store %arg10[%swap3A, %swap3A_368], %logistic3A_367 {strides = array<i32>} : memref<512x128xf32, #tpu.memory_space<vmem>>, vector<512x128xf32>,
    return
  }
  func.func @transform_0(%arg0: i32) -> (i32, i32) {
    %add3A = arith.constant 0 : i32
    %add3A_0 = arith.addi %arg0, %add3A : i32
    %c0_i32 = arith.constant 0 : i32
    %c0_i32_1 = arith.constant 0 : i32
    return %add3A_0, %c0_i32 : i32, i32
  }
  func.func @transform_1(%arg0: i32) -> (i32, i32, i32) {
    %c0_i32 = arith.constant 0 : i32
    %c0_i32_0 = arith.constant 0 : i32
    %c0_i32_1 = arith.constant 0 : i32
    return %c0_i32, %arg0, %c0_i32_0 : i32, i32, i32
  }
  func.func @transform_2(%arg0: i32) -> (i32, i32) {
    %add3A = arith.constant 0 : i32
    %add3A_0 = arith.addi %arg0, %add3A : i32
    %c0_i32 = arith.constant 0 : i32
    %c0_i32_1 = arith.constant 0 : i32
    return %add3A_0, %c0_i32 : i32, i32
  }
  func.func @transform_3(%arg0: i32) -> (i32, i32) {
    %c0_i32 = arith.constant 0 : i32
    %c0_i32_0 = arith.constant 0 : i32
    %c0_i32_1 = arith.constant 0 : i32
    return %c0_i32, %c0_i32_0 : i32, i32
  }
  func.func @transform_4(%arg0: i32) -> (i32, i32) {
    %c0_i32 = arith.constant 0 : i32
    %c0_i32_0 = arith.constant 0 : i32
    %c0_i32_1 = arith.constant 0 : i32
    return %c0_i32, %c0_i32_0 : i32, i32
  }
  func.func @transform_5(%arg0: i32) -> (i32, i32) {
    %c0_i32 = arith.constant 0 : i32
    %c0_i32_0 = arith.constant 0 : i32
    %c0_i32_1 = arith.constant 0 : i32
    return %c0_i32, %c0_i32_0 : i32, i32
  }
  func.func @transform_6(%arg0: i32) -> (i32, i32) {
    %c0_i32 = arith.constant 0 : i32
    %c0_i32_0 = arith.constant 0 : i32
    %c0_i32_1 = arith.constant 0 : i32
    return %c0_i32, %c0_i32_0 : i32, i32
  }
  func.func @transform_7(%arg0: i32) -> (i32, i32) {
    %c0_i32 = arith.constant 0 : i32
    %c0_i32_0 = arith.constant 0 : i32
    %c0_i32_1 = arith.constant 0 : i32
    return %c0_i32, %c0_i32_0 : i32, i32
  }
  func.func @transform_8(%arg0: i32) -> (i32, i32) {
    %c0_i32 = arith.constant 0 : i32
    %c0_i32_0 = arith.constant 0 : i32
    %c0_i32_1 = arith.constant 0 : i32
    return %c0_i32, %c0_i32_0 : i32, i32
  }
  func.func @transform_9(%arg0: i32) -> (i32, i32) {
    %c0_i32 = arith.constant 0 : i32
    %c0_i32_0 = arith.constant 0 : i32
    return %arg0, %c0_i32 : i32, i32
  }
}

module attributes {stable_mosaic.version = 14 : i64} {
  func.func @_tc_body(%arg0: i32, %arg1: memref<512x256xf32, #tpu.memory_space<vmem>>, %arg2: memref<5x512x128xi32, #tpu.memory_space<vmem>>, %arg3: memref<512x1xi32, #tpu.memory_space<vmem>>, %arg4: memref<1024x256xbf16, #tpu.memory_space<vmem>>, %arg5: memref<1024x256xbf16, #tpu.memory_space<vmem>>, %arg6: memref<1x1024xf32, #tpu.memory_space<vmem>>, %arg7: memref<1x1024xf32, #tpu.memory_space<vmem>>, %arg8: memref<512x128xbf16, #tpu.memory_space<vmem>>, %arg9: memref<1x128xf32, #tpu.memory_space<vmem>>, %arg10: memref<512x128xf32, #tpu.memory_space<vmem>>) attributes {dimension_semantics = [#tpu.dimension_semantics<arbitrary>], iteration_bounds = array<i64: 6>, scalar_prefetch = 0 : i64, scratch_operands = 0 : i64, tpu.core_type = #tpu.core_type<tc>, window_params = [{transform_indices = @transform_0, window_bounds = array<i64: 512, 256>}, {transform_indices = @transform_1, window_bounds = array<i64: 5, 512, 128>}, {transform_indices = @transform_2, window_bounds = array<i64: 512, 1>}, {pipeline_mode = #tpu.pipeline_mode<synchronous>, transform_indices = @transform_3, window_bounds = array<i64: 1024, 256>}, {pipeline_mode = #tpu.pipeline_mode<synchronous>, transform_indices = @transform_4, window_bounds = array<i64: 1024, 256>}, {pipeline_mode = #tpu.pipeline_mode<synchronous>, transform_indices = @transform_5, window_bounds = array<i64: 1, 1024>}, {pipeline_mode = #tpu.pipeline_mode<synchronous>, transform_indices = @transform_6, window_bounds = array<i64: 1, 1024>}, {pipeline_mode = #tpu.pipeline_mode<synchronous>, transform_indices = @transform_7, window_bounds = array<i64: 512, 128>}, {pipeline_mode = #tpu.pipeline_mode<synchronous>, transform_indices = @transform_8, window_bounds = array<i64: 1, 128>}, {transform_indices = @transform_9, window_bounds = array<i64: 512, 128>}]} {
    %get3A = arith.constant 0 : index
    %get3A_0 = arith.constant 0 : index
    %get3A_1 = vector.load %arg1[%get3A, %get3A_0] : memref<512x256xf32, #tpu.memory_space<vmem>>, vector<512x256xf32>
    %get3A_2 = arith.constant 0 : index
    %get3A_3 = arith.constant 0 : index
    %get3A_4 = vector.load %arg6[%get3A_2, %get3A_3] : memref<1x1024xf32, #tpu.memory_space<vmem>>, vector<1x1024xf32>
    %get3A_5 = arith.constant 0 : index
    %get3A_6 = arith.constant 0 : index
    %get3A_7 = vector.load %arg7[%get3A_5, %get3A_6] : memref<1x1024xf32, #tpu.memory_space<vmem>>, vector<1x1024xf32>
    %add3A = arith.addf %get3A_4, %get3A_7 : vector<1x1024xf32>
    %get3A_8 = arith.constant 0 : index
    %get3A_9 = arith.constant 0 : index
    %get3A_10 = vector.load %arg3[%get3A_8, %get3A_9] : memref<512x1xi32, #tpu.memory_space<vmem>>, vector<512x1xi32>
    %broadcast_in_dim3A = arith.constant 0.000000e+00 : f32
    %broadcast_in_dim3A_11 = vector.broadcast %broadcast_in_dim3A : f32 to vector<512x256xf32>
    %broadcast_in_dim3A_12 = arith.constant 0.000000e+00 : f32
    %broadcast_in_dim3A_13 = vector.broadcast %broadcast_in_dim3A_12 : f32 to vector<512x256xf32>
    %get3A_14 = arith.constant 0 : index
    %get3A_15 = arith.constant 0 : index
    %get3A_16 = arith.constant 0 : index
    %get3A_17 = vector.load %arg2[%get3A_14, %get3A_15, %get3A_16] : memref<5x512x128xi32, #tpu.memory_space<vmem>>, vector<1x512x128xi32>
    %get3A_18 = vector.shape_cast %get3A_17 : vector<1x512x128xi32> to vector<512x128xi32>
    %shift_left3A = arith.constant 16 : i32
    %shift_left3A_19 = vector.broadcast %shift_left3A : i32 to vector<512x128xi32>
    %shift_left3A_20 = arith.shli %get3A_18, %shift_left3A_19 : vector<512x128xi32>
    %bitcast_convert_type3A = tpu.bitcast %shift_left3A_20 : vector<512x128xi32> -> vector<512x128xf32>
    %convert_element_type3A = arith.truncf %bitcast_convert_type3A : vector<512x128xf32> to vector<512x128xbf16>
    %and3A = arith.constant -65536 : i32
    %and3A_21 = vector.broadcast %and3A : i32 to vector<512x128xi32>
    %and3A_22 = arith.andi %get3A_18, %and3A_21 : vector<512x128xi32>
    %bitcast_convert_type3A_23 = tpu.bitcast %and3A_22 : vector<512x128xi32> -> vector<512x128xf32>
    %convert_element_type3A_24 = arith.truncf %bitcast_convert_type3A_23 : vector<512x128xf32> to vector<512x128xbf16>
    %get3A_25 = arith.constant 0 : index
    %get3A_26 = arith.constant 0 : index
    %get3A_27 = vector.load %arg4[%get3A_25, %get3A_26] : memref<1024x256xbf16, #tpu.memory_space<vmem>>, vector<1024x128xbf16>
    %dot_general3A = arith.constant dense<0.000000e+00> : vector<512x1024xf32>
    %dot_general3A_28 = tpu.matmul %convert_element_type3A, %get3A_27, %dot_general3A {dimension_numbers = #tpu.dot_dimension_numbers<[1], [1], [0], [0], [0, 0, 1, 0], [], []>, transpose_lhs_hint = false} : vector<512x128xbf16>, vector<1024x128xbf16>, vector<512x1024xf32> -> vector<512x1024xf32>
    %get3A_29 = arith.constant 0 : index
    %get3A_30 = arith.constant 128 : index
    %get3A_31 = vector.load %arg4[%get3A_29, %get3A_30] : memref<1024x256xbf16, #tpu.memory_space<vmem>>, vector<1024x128xbf16>
    %dot_general3A_32 = arith.constant dense<0.000000e+00> : vector<512x1024xf32>
    %dot_general3A_33 = tpu.matmul %convert_element_type3A_24, %get3A_31, %dot_general3A_32 {dimension_numbers = #tpu.dot_dimension_numbers<[1], [1], [0], [0], [0, 0, 1, 0], [], []>, transpose_lhs_hint = false} : vector<512x128xbf16>, vector<1024x128xbf16>, vector<512x1024xf32> -> vector<512x1024xf32>
    %add3A_34 = arith.addf %dot_general3A_28, %dot_general3A_33 : vector<512x1024xf32>
    %add3A_35 = vector.broadcast %add3A : vector<1x1024xf32> to vector<512x1024xf32>
    %add3A_36 = arith.addf %add3A_34, %add3A_35 : vector<512x1024xf32>
    %slice3A = vector.extract_strided_slice %add3A_36 {offsets = [0, 0], sizes = [512, 256], strides = [1, 1]} : vector<512x1024xf32> to vector<512x256xf32>
    %slice3A_37 = vector.extract_strided_slice %add3A_36 {offsets = [0, 256], sizes = [512, 256], strides = [1, 1]} : vector<512x1024xf32> to vector<512x256xf32>
    %slice3A_38 = vector.extract_strided_slice %add3A_36 {offsets = [0, 512], sizes = [512, 256], strides = [1, 1]} : vector<512x1024xf32> to vector<512x256xf32>
    %slice3A_39 = vector.extract_strided_slice %add3A_36 {offsets = [0, 768], sizes = [512, 256], strides = [1, 1]} : vector<512x1024xf32> to vector<512x256xf32>
    %logistic3A = arith.negf %slice3A_37 : vector<512x256xf32>
    %logistic3A_40 = math.exp %logistic3A : vector<512x256xf32>
    %logistic3A_41 = arith.constant 1.000000e+00 : f32
    %logistic3A_42 = vector.broadcast %logistic3A_41 : f32 to vector<512x256xf32>
    %logistic3A_43 = arith.addf %logistic3A_42, %logistic3A_40 : vector<512x256xf32>
    %logistic3A_44 = arith.divf %logistic3A_42, %logistic3A_43 : vector<512x256xf32>
    %mul3A = arith.mulf %logistic3A_44, %broadcast_in_dim3A_11 : vector<512x256xf32>
    %logistic3A_45 = arith.negf %slice3A : vector<512x256xf32>
    %logistic3A_46 = math.exp %logistic3A_45 : vector<512x256xf32>
    %logistic3A_47 = arith.constant 1.000000e+00 : f32
    %logistic3A_48 = vector.broadcast %logistic3A_47 : f32 to vector<512x256xf32>
    %logistic3A_49 = arith.addf %logistic3A_48, %logistic3A_46 : vector<512x256xf32>
    %logistic3A_50 = arith.divf %logistic3A_48, %logistic3A_49 : vector<512x256xf32>
    %tanh3A = math.tanh %slice3A_38 : vector<512x256xf32>
    %mul3A_51 = arith.mulf %logistic3A_50, %tanh3A : vector<512x256xf32>
    %add3A_52 = arith.addf %mul3A, %mul3A_51 : vector<512x256xf32>
    %logistic3A_53 = arith.negf %slice3A_39 : vector<512x256xf32>
    %logistic3A_54 = math.exp %logistic3A_53 : vector<512x256xf32>
    %logistic3A_55 = arith.constant 1.000000e+00 : f32
    %logistic3A_56 = vector.broadcast %logistic3A_55 : f32 to vector<512x256xf32>
    %logistic3A_57 = arith.addf %logistic3A_56, %logistic3A_54 : vector<512x256xf32>
    %logistic3A_58 = arith.divf %logistic3A_56, %logistic3A_57 : vector<512x256xf32>
    %tanh3A_59 = math.tanh %add3A_52 : vector<512x256xf32>
    %mul3A_60 = arith.mulf %logistic3A_58, %tanh3A_59 : vector<512x256xf32>
    %gt3A = arith.constant 0 : i32
    %gt3A_61 = vector.broadcast %gt3A : i32 to vector<512x1xi32>
    %gt3A_62 = arith.cmpi sgt, %get3A_10, %gt3A_61 : vector<512x1xi32>
    %broadcast_in_dim3A_63 = vector.shape_cast %gt3A_62 : vector<512x1xi1> to vector<512x1xi1>
    %broadcast_in_dim3A_64 = vector.broadcast %broadcast_in_dim3A_63 : vector<512x1xi1> to vector<512x256xi1>
    %select_n3A = arith.select %broadcast_in_dim3A_64, %add3A_52, %broadcast_in_dim3A_11 : vector<512x256xi1>, vector<512x256xf32>
    %broadcast_in_dim3A_65 = vector.shape_cast %gt3A_62 : vector<512x1xi1> to vector<512x1xi1>
    %broadcast_in_dim3A_66 = vector.broadcast %broadcast_in_dim3A_65 : vector<512x1xi1> to vector<512x256xi1>
    %select_n3A_67 = arith.select %broadcast_in_dim3A_66, %mul3A_60, %broadcast_in_dim3A_13 : vector<512x256xi1>, vector<512x256xf32>
    %get3A_68 = arith.constant 1 : index
    %get3A_69 = arith.constant 0 : index
    %get3A_70 = arith.constant 0 : index
    %get3A_71 = vector.load %arg2[%get3A_68, %get3A_69, %get3A_70] : memref<5x512x128xi32, #tpu.memory_space<vmem>>, vector<1x512x128xi32>
    %get3A_72 = vector.shape_cast %get3A_71 : vector<1x512x128xi32> to vector<512x128xi32>
    %shift_left3A_73 = arith.constant 16 : i32
    %shift_left3A_74 = vector.broadcast %shift_left3A_73 : i32 to vector<512x128xi32>
    %shift_left3A_75 = arith.shli %get3A_72, %shift_left3A_74 : vector<512x128xi32>
    %bitcast_convert_type3A_76 = tpu.bitcast %shift_left3A_75 : vector<512x128xi32> -> vector<512x128xf32>
    %convert_element_type3A_77 = arith.truncf %bitcast_convert_type3A_76 : vector<512x128xf32> to vector<512x128xbf16>
    %and3A_78 = arith.constant -65536 : i32
    %and3A_79 = vector.broadcast %and3A_78 : i32 to vector<512x128xi32>
    %and3A_80 = arith.andi %get3A_72, %and3A_79 : vector<512x128xi32>
    %bitcast_convert_type3A_81 = tpu.bitcast %and3A_80 : vector<512x128xi32> -> vector<512x128xf32>
    %convert_element_type3A_82 = arith.truncf %bitcast_convert_type3A_81 : vector<512x128xf32> to vector<512x128xbf16>
    %get3A_83 = arith.constant 0 : index
    %get3A_84 = arith.constant 0 : index
    %get3A_85 = vector.load %arg4[%get3A_83, %get3A_84] : memref<1024x256xbf16, #tpu.memory_space<vmem>>, vector<1024x128xbf16>
    %dot_general3A_86 = arith.constant dense<0.000000e+00> : vector<512x1024xf32>
    %dot_general3A_87 = tpu.matmul %convert_element_type3A_77, %get3A_85, %dot_general3A_86 {dimension_numbers = #tpu.dot_dimension_numbers<[1], [1], [0], [0], [0, 0, 1, 0], [], []>, transpose_lhs_hint = false} : vector<512x128xbf16>, vector<1024x128xbf16>, vector<512x1024xf32> -> vector<512x1024xf32>
    %get3A_88 = arith.constant 0 : index
    %get3A_89 = arith.constant 128 : index
    %get3A_90 = vector.load %arg4[%get3A_88, %get3A_89] : memref<1024x256xbf16, #tpu.memory_space<vmem>>, vector<1024x128xbf16>
    %dot_general3A_91 = arith.constant dense<0.000000e+00> : vector<512x1024xf32>
    %dot_general3A_92 = tpu.matmul %convert_element_type3A_82, %get3A_90, %dot_general3A_91 {dimension_numbers = #tpu.dot_dimension_numbers<[1], [1], [0], [0], [0, 0, 1, 0], [], []>, transpose_lhs_hint = false} : vector<512x128xbf16>, vector<1024x128xbf16>, vector<512x1024xf32> -> vector<512x1024xf32>
    %add3A_93 = arith.addf %dot_general3A_87, %dot_general3A_92 : vector<512x1024xf32>
    %add3A_94 = vector.broadcast %add3A : vector<1x1024xf32> to vector<512x1024xf32>
    %add3A_95 = arith.addf %add3A_93, %add3A_94 : vector<512x1024xf32>
    %convert_element_type3A_96 = arith.truncf %select_n3A_67 : vector<512x256xf32> to vector<512x256xbf16>
    %get3A_97 = arith.constant 0 : index
    %get3A_98 = arith.constant 0 : index
    %get3A_99 = vector.load %arg5[%get3A_97, %get3A_98] : memref<1024x256xbf16, #tpu.memory_space<vmem>>, vector<1024x256xbf16>
    %dot_general3A_100 = arith.constant dense<0.000000e+00> : vector<512x1024xf32>
    %dot_general3A_101 = tpu.matmul %convert_element_type3A_96, %get3A_99, %dot_general3A_100 {dimension_numbers = #tpu.dot_dimension_numbers<[1], [1], [0], [0], [0, 0, 1, 0], [], []>, transpose_lhs_hint = false} : vector<512x256xbf16>, vector<1024x256xbf16>, vector<512x1024xf32> -> vector<512x1024xf32>
    %add3A_102 = arith.addf %add3A_95, %dot_general3A_101 : vector<512x1024xf32>
    %slice3A_103 = vector.extract_strided_slice %add3A_102 {offsets = [0, 0], sizes = [512, 256], strides = [1, 1]} : vector<512x1024xf32> to vector<512x256xf32>
    %slice3A_104 = vector.extract_strided_slice %add3A_102 {offsets = [0, 256], sizes = [512, 256], strides = [1, 1]} : vector<512x1024xf32> to vector<512x256xf32>
    %slice3A_105 = vector.extract_strided_slice %add3A_102 {offsets = [0, 512], sizes = [512, 256], strides = [1, 1]} : vector<512x1024xf32> to vector<512x256xf32>
    %slice3A_106 = vector.extract_strided_slice %add3A_102 {offsets = [0, 768], sizes = [512, 256], strides = [1, 1]} : vector<512x1024xf32> to vector<512x256xf32>
    %logistic3A_107 = arith.negf %slice3A_104 : vector<512x256xf32>
    %logistic3A_108 = math.exp %logistic3A_107 : vector<512x256xf32>
    %logistic3A_109 = arith.constant 1.000000e+00 : f32
    %logistic3A_110 = vector.broadcast %logistic3A_109 : f32 to vector<512x256xf32>
    %logistic3A_111 = arith.addf %logistic3A_110, %logistic3A_108 : vector<512x256xf32>
    %logistic3A_112 = arith.divf %logistic3A_110, %logistic3A_111 : vector<512x256xf32>
    %mul3A_113 = arith.mulf %logistic3A_112, %select_n3A : vector<512x256xf32>
    %logistic3A_114 = arith.negf %slice3A_103 : vector<512x256xf32>
    %logistic3A_115 = math.exp %logistic3A_114 : vector<512x256xf32>
    %logistic3A_116 = arith.constant 1.000000e+00 : f32
    %logistic3A_117 = vector.broadcast %logistic3A_116 : f32 to vector<512x256xf32>
    %logistic3A_118 = arith.addf %logistic3A_117, %logistic3A_115 : vector<512x256xf32>
    %logistic3A_119 = arith.divf %logistic3A_117, %logistic3A_118 : vector<512x256xf32>
    %tanh3A_120 = math.tanh %slice3A_105 : vector<512x256xf32>
    %mul3A_121 = arith.mulf %logistic3A_119, %tanh3A_120 : vector<512x256xf32>
    %add3A_122 = arith.addf %mul3A_113, %mul3A_121 : vector<512x256xf32>
    %logistic3A_123 = arith.negf %slice3A_106 : vector<512x256xf32>
    %logistic3A_124 = math.exp %logistic3A_123 : vector<512x256xf32>
    %logistic3A_125 = arith.constant 1.000000e+00 : f32
    %logistic3A_126 = vector.broadcast %logistic3A_125 : f32 to vector<512x256xf32>
    %logistic3A_127 = arith.addf %logistic3A_126, %logistic3A_124 : vector<512x256xf32>
    %logistic3A_128 = arith.divf %logistic3A_126, %logistic3A_127 : vector<512x256xf32>
    %tanh3A_129 = math.tanh %add3A_122 : vector<512x256xf32>
    %mul3A_130 = arith.mulf %logistic3A_128, %tanh3A_129 : vector<512x256xf32>
    %gt3A_131 = arith.constant 1 : i32
    %gt3A_132 = vector.broadcast %gt3A_131 : i32 to vector<512x1xi32>
    %gt3A_133 = arith.cmpi sgt, %get3A_10, %gt3A_132 : vector<512x1xi32>
    %broadcast_in_dim3A_134 = vector.shape_cast %gt3A_133 : vector<512x1xi1> to vector<512x1xi1>
    %broadcast_in_dim3A_135 = vector.broadcast %broadcast_in_dim3A_134 : vector<512x1xi1> to vector<512x256xi1>
    %select_n3A_136 = arith.select %broadcast_in_dim3A_135, %add3A_122, %select_n3A : vector<512x256xi1>, vector<512x256xf32>
    %broadcast_in_dim3A_137 = vector.shape_cast %gt3A_133 : vector<512x1xi1> to vector<512x1xi1>
    %broadcast_in_dim3A_138 = vector.broadcast %broadcast_in_dim3A_137 : vector<512x1xi1> to vector<512x256xi1>
    %select_n3A_139 = arith.select %broadcast_in_dim3A_138, %mul3A_130, %select_n3A_67 : vector<512x256xi1>, vector<512x256xf32>
    %get3A_140 = arith.constant 2 : index
    %get3A_141 = arith.constant 0 : index
    %get3A_142 = arith.constant 0 : index
    %get3A_143 = vector.load %arg2[%get3A_140, %get3A_141, %get3A_142] : memref<5x512x128xi32, #tpu.memory_space<vmem>>, vector<1x512x128xi32>
    %get3A_144 = vector.shape_cast %get3A_143 : vector<1x512x128xi32> to vector<512x128xi32>
    %shift_left3A_145 = arith.constant 16 : i32
    %shift_left3A_146 = vector.broadcast %shift_left3A_145 : i32 to vector<512x128xi32>
    %shift_left3A_147 = arith.shli %get3A_144, %shift_left3A_146 : vector<512x128xi32>
    %bitcast_convert_type3A_148 = tpu.bitcast %shift_left3A_147 : vector<512x128xi32> -> vector<512x128xf32>
    %convert_element_type3A_149 = arith.truncf %bitcast_convert_type3A_148 : vector<512x128xf32> to vector<512x128xbf16>
    %and3A_150 = arith.constant -65536 : i32
    %and3A_151 = vector.broadcast %and3A_150 : i32 to vector<512x128xi32>
    %and3A_152 = arith.andi %get3A_144, %and3A_151 : vector<512x128xi32>
    %bitcast_convert_type3A_153 = tpu.bitcast %and3A_152 : vector<512x128xi32> -> vector<512x128xf32>
    %convert_element_type3A_154 = arith.truncf %bitcast_convert_type3A_153 : vector<512x128xf32> to vector<512x128xbf16>
    %get3A_155 = arith.constant 0 : index
    %get3A_156 = arith.constant 0 : index
    %get3A_157 = vector.load %arg4[%get3A_155, %get3A_156] : memref<1024x256xbf16, #tpu.memory_space<vmem>>, vector<1024x128xbf16>
    %dot_general3A_158 = arith.constant dense<0.000000e+00> : vector<512x1024xf32>
    %dot_general3A_159 = tpu.matmul %convert_element_type3A_149, %get3A_157, %dot_general3A_158 {dimension_numbers = #tpu.dot_dimension_numbers<[1], [1], [0], [0], [0, 0, 1, 0], [], []>, transpose_lhs_hint = false} : vector<512x128xbf16>, vector<1024x128xbf16>, vector<512x1024xf32> -> vector<512x1024xf32>
    %get3A_160 = arith.constant 0 : index
    %get3A_161 = arith.constant 128 : index
    %get3A_162 = vector.load %arg4[%get3A_160, %get3A_161] : memref<1024x256xbf16, #tpu.memory_space<vmem>>, vector<1024x128xbf16>
    %dot_general3A_163 = arith.constant dense<0.000000e+00> : vector<512x1024xf32>
    %dot_general3A_164 = tpu.matmul %convert_element_type3A_154, %get3A_162, %dot_general3A_163 {dimension_numbers = #tpu.dot_dimension_numbers<[1], [1], [0], [0], [0, 0, 1, 0], [], []>, transpose_lhs_hint = false} : vector<512x128xbf16>, vector<1024x128xbf16>, vector<512x1024xf32> -> vector<512x1024xf32>
    %add3A_165 = arith.addf %dot_general3A_159, %dot_general3A_164 : vector<512x1024xf32>
    %add3A_166 = vector.broadcast %add3A : vector<1x1024xf32> to vector<512x1024xf32>
    %add3A_167 = arith.addf %add3A_165, %add3A_166 : vector<512x1024xf32>
    %convert_element_type3A_168 = arith.truncf %select_n3A_139 : vector<512x256xf32> to vector<512x256xbf16>
    %get3A_169 = arith.constant 0 : index
    %get3A_170 = arith.constant 0 : index
    %get3A_171 = vector.load %arg5[%get3A_169, %get3A_170] : memref<1024x256xbf16, #tpu.memory_space<vmem>>, vector<1024x256xbf16>
    %dot_general3A_172 = arith.constant dense<0.000000e+00> : vector<512x1024xf32>
    %dot_general3A_173 = tpu.matmul %convert_element_type3A_168, %get3A_171, %dot_general3A_172 {dimension_numbers = #tpu.dot_dimension_numbers<[1], [1], [0], [0], [0, 0, 1, 0], [], []>, transpose_lhs_hint = false} : vector<512x256xbf16>, vector<1024x256xbf16>, vector<512x1024xf32> -> vector<512x1024xf32>
    %add3A_174 = arith.addf %add3A_167, %dot_general3A_173 : vector<512x1024xf32>
    %slice3A_175 = vector.extract_strided_slice %add3A_174 {offsets = [0, 0], sizes = [512, 256], strides = [1, 1]} : vector<512x1024xf32> to vector<512x256xf32>
    %slice3A_176 = vector.extract_strided_slice %add3A_174 {offsets = [0, 256], sizes = [512, 256], strides = [1, 1]} : vector<512x1024xf32> to vector<512x256xf32>
    %slice3A_177 = vector.extract_strided_slice %add3A_174 {offsets = [0, 512], sizes = [512, 256], strides = [1, 1]} : vector<512x1024xf32> to vector<512x256xf32>
    %slice3A_178 = vector.extract_strided_slice %add3A_174 {offsets = [0, 768], sizes = [512, 256], strides = [1, 1]} : vector<512x1024xf32> to vector<512x256xf32>
    %logistic3A_179 = arith.negf %slice3A_176 : vector<512x256xf32>
    %logistic3A_180 = math.exp %logistic3A_179 : vector<512x256xf32>
    %logistic3A_181 = arith.constant 1.000000e+00 : f32
    %logistic3A_182 = vector.broadcast %logistic3A_181 : f32 to vector<512x256xf32>
    %logistic3A_183 = arith.addf %logistic3A_182, %logistic3A_180 : vector<512x256xf32>
    %logistic3A_184 = arith.divf %logistic3A_182, %logistic3A_183 : vector<512x256xf32>
    %mul3A_185 = arith.mulf %logistic3A_184, %select_n3A_136 : vector<512x256xf32>
    %logistic3A_186 = arith.negf %slice3A_175 : vector<512x256xf32>
    %logistic3A_187 = math.exp %logistic3A_186 : vector<512x256xf32>
    %logistic3A_188 = arith.constant 1.000000e+00 : f32
    %logistic3A_189 = vector.broadcast %logistic3A_188 : f32 to vector<512x256xf32>
    %logistic3A_190 = arith.addf %logistic3A_189, %logistic3A_187 : vector<512x256xf32>
    %logistic3A_191 = arith.divf %logistic3A_189, %logistic3A_190 : vector<512x256xf32>
    %tanh3A_192 = math.tanh %slice3A_177 : vector<512x256xf32>
    %mul3A_193 = arith.mulf %logistic3A_191, %tanh3A_192 : vector<512x256xf32>
    %add3A_194 = arith.addf %mul3A_185, %mul3A_193 : vector<512x256xf32>
    %logistic3A_195 = arith.negf %slice3A_178 : vector<512x256xf32>
    %logistic3A_196 = math.exp %logistic3A_195 : vector<512x256xf32>
    %logistic3A_197 = arith.constant 1.000000e+00 : f32
    %logistic3A_198 = vector.broadcast %logistic3A_197 : f32 to vector<512x256xf32>
    %logistic3A_199 = arith.addf %logistic3A_198, %logistic3A_196 : vector<512x256xf32>
    %logistic3A_200 = arith.divf %logistic3A_198, %logistic3A_199 : vector<512x256xf32>
    %tanh3A_201 = math.tanh %add3A_194 : vector<512x256xf32>
    %mul3A_202 = arith.mulf %logistic3A_200, %tanh3A_201 : vector<512x256xf32>
    %gt3A_203 = arith.constant 2 : i32
    %gt3A_204 = vector.broadcast %gt3A_203 : i32 to vector<512x1xi32>
    %gt3A_205 = arith.cmpi sgt, %get3A_10, %gt3A_204 : vector<512x1xi32>
    %broadcast_in_dim3A_206 = vector.shape_cast %gt3A_205 : vector<512x1xi1> to vector<512x1xi1>
    %broadcast_in_dim3A_207 = vector.broadcast %broadcast_in_dim3A_206 : vector<512x1xi1> to vector<512x256xi1>
    %select_n3A_208 = arith.select %broadcast_in_dim3A_207, %add3A_194, %select_n3A_136 : vector<512x256xi1>, vector<512x256xf32>
    %broadcast_in_dim3A_209 = vector.shape_cast %gt3A_205 : vector<512x1xi1> to vector<512x1xi1>
    %broadcast_in_dim3A_210 = vector.broadcast %broadcast_in_dim3A_209 : vector<512x1xi1> to vector<512x256xi1>
    %select_n3A_211 = arith.select %broadcast_in_dim3A_210, %mul3A_202, %select_n3A_139 : vector<512x256xi1>, vector<512x256xf32>
    %get3A_212 = arith.constant 3 : index
    %get3A_213 = arith.constant 0 : index
    %get3A_214 = arith.constant 0 : index
    %get3A_215 = vector.load %arg2[%get3A_212, %get3A_213, %get3A_214] : memref<5x512x128xi32, #tpu.memory_space<vmem>>, vector<1x512x128xi32>
    %get3A_216 = vector.shape_cast %get3A_215 : vector<1x512x128xi32> to vector<512x128xi32>
    %shift_left3A_217 = arith.constant 16 : i32
    %shift_left3A_218 = vector.broadcast %shift_left3A_217 : i32 to vector<512x128xi32>
    %shift_left3A_219 = arith.shli %get3A_216, %shift_left3A_218 : vector<512x128xi32>
    %bitcast_convert_type3A_220 = tpu.bitcast %shift_left3A_219 : vector<512x128xi32> -> vector<512x128xf32>
    %convert_element_type3A_221 = arith.truncf %bitcast_convert_type3A_220 : vector<512x128xf32> to vector<512x128xbf16>
    %and3A_222 = arith.constant -65536 : i32
    %and3A_223 = vector.broadcast %and3A_222 : i32 to vector<512x128xi32>
    %and3A_224 = arith.andi %get3A_216, %and3A_223 : vector<512x128xi32>
    %bitcast_convert_type3A_225 = tpu.bitcast %and3A_224 : vector<512x128xi32> -> vector<512x128xf32>
    %convert_element_type3A_226 = arith.truncf %bitcast_convert_type3A_225 : vector<512x128xf32> to vector<512x128xbf16>
    %get3A_227 = arith.constant 0 : index
    %get3A_228 = arith.constant 0 : index
    %get3A_229 = vector.load %arg4[%get3A_227, %get3A_228] : memref<1024x256xbf16, #tpu.memory_space<vmem>>, vector<1024x128xbf16>
    %dot_general3A_230 = arith.constant dense<0.000000e+00> : vector<512x1024xf32>
    %dot_general3A_231 = tpu.matmul %convert_element_type3A_221, %get3A_229, %dot_general3A_230 {dimension_numbers = #tpu.dot_dimension_numbers<[1], [1], [0], [0], [0, 0, 1, 0], [], []>, transpose_lhs_hint = false} : vector<512x128xbf16>, vector<1024x128xbf16>, vector<512x1024xf32> -> vector<512x1024xf32>
    %get3A_232 = arith.constant 0 : index
    %get3A_233 = arith.constant 128 : index
    %get3A_234 = vector.load %arg4[%get3A_232, %get3A_233] : memref<1024x256xbf16, #tpu.memory_space<vmem>>, vector<1024x128xbf16>
    %dot_general3A_235 = arith.constant dense<0.000000e+00> : vector<512x1024xf32>
    %dot_general3A_236 = tpu.matmul %convert_element_type3A_226, %get3A_234, %dot_general3A_235 {dimension_numbers = #tpu.dot_dimension_numbers<[1], [1], [0], [0], [0, 0, 1, 0], [], []>, transpose_lhs_hint = false} : vector<512x128xbf16>, vector<1024x128xbf16>, vector<512x1024xf32> -> vector<512x1024xf32>
    %add3A_237 = arith.addf %dot_general3A_231, %dot_general3A_236 : vector<512x1024xf32>
    %add3A_238 = vector.broadcast %add3A : vector<1x1024xf32> to vector<512x1024xf32>
    %add3A_239 = arith.addf %add3A_237, %add3A_238 : vector<512x1024xf32>
    %convert_element_type3A_240 = arith.truncf %select_n3A_211 : vector<512x256xf32> to vector<512x256xbf16>
    %get3A_241 = arith.constant 0 : index
    %get3A_242 = arith.constant 0 : index
    %get3A_243 = vector.load %arg5[%get3A_241, %get3A_242] : memref<1024x256xbf16, #tpu.memory_space<vmem>>, vector<1024x256xbf16>
    %dot_general3A_244 = arith.constant dense<0.000000e+00> : vector<512x1024xf32>
    %dot_general3A_245 = tpu.matmul %convert_element_type3A_240, %get3A_243, %dot_general3A_244 {dimension_numbers = #tpu.dot_dimension_numbers<[1], [1], [0], [0], [0, 0, 1, 0], [], []>, transpose_lhs_hint = false} : vector<512x256xbf16>, vector<1024x256xbf16>, vector<512x1024xf32> -> vector<512x1024xf32>
    %add3A_246 = arith.addf %add3A_239, %dot_general3A_245 : vector<512x1024xf32>
    %slice3A_247 = vector.extract_strided_slice %add3A_246 {offsets = [0, 0], sizes = [512, 256], strides = [1, 1]} : vector<512x1024xf32> to vector<512x256xf32>
    %slice3A_248 = vector.extract_strided_slice %add3A_246 {offsets = [0, 256], sizes = [512, 256], strides = [1, 1]} : vector<512x1024xf32> to vector<512x256xf32>
    %slice3A_249 = vector.extract_strided_slice %add3A_246 {offsets = [0, 512], sizes = [512, 256], strides = [1, 1]} : vector<512x1024xf32> to vector<512x256xf32>
    %slice3A_250 = vector.extract_strided_slice %add3A_246 {offsets = [0, 768], sizes = [512, 256], strides = [1, 1]} : vector<512x1024xf32> to vector<512x256xf32>
    %logistic3A_251 = arith.negf %slice3A_248 : vector<512x256xf32>
    %logistic3A_252 = math.exp %logistic3A_251 : vector<512x256xf32>
    %logistic3A_253 = arith.constant 1.000000e+00 : f32
    %logistic3A_254 = vector.broadcast %logistic3A_253 : f32 to vector<512x256xf32>
    %logistic3A_255 = arith.addf %logistic3A_254, %logistic3A_252 : vector<512x256xf32>
    %logistic3A_256 = arith.divf %logistic3A_254, %logistic3A_255 : vector<512x256xf32>
    %mul3A_257 = arith.mulf %logistic3A_256, %select_n3A_208 : vector<512x256xf32>
    %logistic3A_258 = arith.negf %slice3A_247 : vector<512x256xf32>
    %logistic3A_259 = math.exp %logistic3A_258 : vector<512x256xf32>
    %logistic3A_260 = arith.constant 1.000000e+00 : f32
    %logistic3A_261 = vector.broadcast %logistic3A_260 : f32 to vector<512x256xf32>
    %logistic3A_262 = arith.addf %logistic3A_261, %logistic3A_259 : vector<512x256xf32>
    %logistic3A_263 = arith.divf %logistic3A_261, %logistic3A_262 : vector<512x256xf32>
    %tanh3A_264 = math.tanh %slice3A_249 : vector<512x256xf32>
    %mul3A_265 = arith.mulf %logistic3A_263, %tanh3A_264 : vector<512x256xf32>
    %add3A_266 = arith.addf %mul3A_257, %mul3A_265 : vector<512x256xf32>
    %logistic3A_267 = arith.negf %slice3A_250 : vector<512x256xf32>
    %logistic3A_268 = math.exp %logistic3A_267 : vector<512x256xf32>
    %logistic3A_269 = arith.constant 1.000000e+00 : f32
    %logistic3A_270 = vector.broadcast %logistic3A_269 : f32 to vector<512x256xf32>
    %logistic3A_271 = arith.addf %logistic3A_270, %logistic3A_268 : vector<512x256xf32>
    %logistic3A_272 = arith.divf %logistic3A_270, %logistic3A_271 : vector<512x256xf32>
    %tanh3A_273 = math.tanh %add3A_266 : vector<512x256xf32>
    %mul3A_274 = arith.mulf %logistic3A_272, %tanh3A_273 : vector<512x256xf32>
    %gt3A_275 = arith.constant 3 : i32
    %gt3A_276 = vector.broadcast %gt3A_275 : i32 to vector<512x1xi32>
    %gt3A_277 = arith.cmpi sgt, %get3A_10, %gt3A_276 : vector<512x1xi32>
    %broadcast_in_dim3A_278 = vector.shape_cast %gt3A_277 : vector<512x1xi1> to vector<512x1xi1>
    %broadcast_in_dim3A_279 = vector.broadcast %broadcast_in_dim3A_278 : vector<512x1xi1> to vector<512x256xi1>
    %select_n3A_280 = arith.select %broadcast_in_dim3A_279, %add3A_266, %select_n3A_208 : vector<512x256xi1>, vector<512x256xf32>
    %broadcast_in_dim3A_281 = vector.shape_cast %gt3A_277 : vector<512x1xi1> to vector<512x1xi1>
    %broadcast_in_dim3A_282 = vector.broadcast %broadcast_in_dim3A_281 : vector<512x1xi1> to vector<512x256xi1>
    %select_n3A_283 = arith.select %broadcast_in_dim3A_282, %mul3A_274, %select_n3A_211 : vector<512x256xi1>, vector<512x256xf32>
    %get3A_284 = arith.constant 4 : index
    %get3A_285 = arith.constant 0 : index
    %get3A_286 = arith.constant 0 : index
    %get3A_287 = vector.load %arg2[%get3A_284, %get3A_285, %get3A_286] : memref<5x512x128xi32, #tpu.memory_space<vmem>>, vector<1x512x128xi32>
    %get3A_288 = vector.shape_cast %get3A_287 : vector<1x512x128xi32> to vector<512x128xi32>
    %shift_left3A_289 = arith.constant 16 : i32
    %shift_left3A_290 = vector.broadcast %shift_left3A_289 : i32 to vector<512x128xi32>
    %shift_left3A_291 = arith.shli %get3A_288, %shift_left3A_290 : vector<512x128xi32>
    %bitcast_convert_type3A_292 = tpu.bitcast %shift_left3A_291 : vector<512x128xi32> -> vector<512x128xf32>
    %convert_element_type3A_293 = arith.truncf %bitcast_convert_type3A_292 : vector<512x128xf32> to vector<512x128xbf16>
    %and3A_294 = arith.constant -65536 : i32
    %and3A_295 = vector.broadcast %and3A_294 : i32 to vector<512x128xi32>
    %and3A_296 = arith.andi %get3A_288, %and3A_295 : vector<512x128xi32>
    %bitcast_convert_type3A_297 = tpu.bitcast %and3A_296 : vector<512x128xi32> -> vector<512x128xf32>
    %convert_element_type3A_298 = arith.truncf %bitcast_convert_type3A_297 : vector<512x128xf32> to vector<512x128xbf16>
    %get3A_299 = arith.constant 0 : index
    %get3A_300 = arith.constant 0 : index
    %get3A_301 = vector.load %arg4[%get3A_299, %get3A_300] : memref<1024x256xbf16, #tpu.memory_space<vmem>>, vector<1024x128xbf16>
    %dot_general3A_302 = arith.constant dense<0.000000e+00> : vector<512x1024xf32>
    %dot_general3A_303 = tpu.matmul %convert_element_type3A_293, %get3A_301, %dot_general3A_302 {dimension_numbers = #tpu.dot_dimension_numbers<[1], [1], [0], [0], [0, 0, 1, 0], [], []>, transpose_lhs_hint = false} : vector<512x128xbf16>, vector<1024x128xbf16>, vector<512x1024xf32> -> vector<512x1024xf32>
    %get3A_304 = arith.constant 0 : index
    %get3A_305 = arith.constant 128 : index
    %get3A_306 = vector.load %arg4[%get3A_304, %get3A_305] : memref<1024x256xbf16, #tpu.memory_space<vmem>>, vector<1024x128xbf16>
    %dot_general3A_307 = arith.constant dense<0.000000e+00> : vector<512x1024xf32>
    %dot_general3A_308 = tpu.matmul %convert_element_type3A_298, %get3A_306, %dot_general3A_307 {dimension_numbers = #tpu.dot_dimension_numbers<[1], [1], [0], [0], [0, 0, 1, 0], [], []>, transpose_lhs_hint = false} : vector<512x128xbf16>, vector<1024x128xbf16>, vector<512x1024xf32> -> vector<512x1024xf32>
    %add3A_309 = arith.addf %dot_general3A_303, %dot_general3A_308 : vector<512x1024xf32>
    %add3A_310 = vector.broadcast %add3A : vector<1x1024xf32> to vector<512x1024xf32>
    %add3A_311 = arith.addf %add3A_309, %add3A_310 : vector<512x1024xf32>
    %convert_element_type3A_312 = arith.truncf %select_n3A_283 : vector<512x256xf32> to vector<512x256xbf16>
    %get3A_313 = arith.constant 0 : index
    %get3A_314 = arith.constant 0 : index
    %get3A_315 = vector.load %arg5[%get3A_313, %get3A_314] : memref<1024x256xbf16, #tpu.memory_space<vmem>>, vector<1024x256xbf16>
    %dot_general3A_316 = arith.constant dense<0.000000e+00> : vector<512x1024xf32>
    %dot_general3A_317 = tpu.matmul %convert_element_type3A_312, %get3A_315, %dot_general3A_316 {dimension_numbers = #tpu.dot_dimension_numbers<[1], [1], [0], [0], [0, 0, 1, 0], [], []>, transpose_lhs_hint = false} : vector<512x256xbf16>, vector<1024x256xbf16>, vector<512x1024xf32> -> vector<512x1024xf32>
    %add3A_318 = arith.addf %add3A_311, %dot_general3A_317 : vector<512x1024xf32>
    %slice3A_319 = vector.extract_strided_slice %add3A_318 {offsets = [0, 0], sizes = [512, 256], strides = [1, 1]} : vector<512x1024xf32> to vector<512x256xf32>
    %slice3A_320 = vector.extract_strided_slice %add3A_318 {offsets = [0, 256], sizes = [512, 256], strides = [1, 1]} : vector<512x1024xf32> to vector<512x256xf32>
    %slice3A_321 = vector.extract_strided_slice %add3A_318 {offsets = [0, 512], sizes = [512, 256], strides = [1, 1]} : vector<512x1024xf32> to vector<512x256xf32>
    %logistic3A_322 = arith.negf %slice3A_320 : vector<512x256xf32>
    %logistic3A_323 = math.exp %logistic3A_322 : vector<512x256xf32>
    %logistic3A_324 = arith.constant 1.000000e+00 : f32
    %logistic3A_325 = vector.broadcast %logistic3A_324 : f32 to vector<512x256xf32>
    %logistic3A_326 = arith.addf %logistic3A_325, %logistic3A_323 : vector<512x256xf32>
    %logistic3A_327 = arith.divf %logistic3A_325, %logistic3A_326 : vector<512x256xf32>
    %mul3A_328 = arith.mulf %logistic3A_327, %select_n3A_280 : vector<512x256xf32>
    %logistic3A_329 = arith.negf %slice3A_319 : vector<512x256xf32>
    %logistic3A_330 = math.exp %logistic3A_329 : vector<512x256xf32>
    %logistic3A_331 = arith.constant 1.000000e+00 : f32
    %logistic3A_332 = vector.broadcast %logistic3A_331 : f32 to vector<512x256xf32>
    %logistic3A_333 = arith.addf %logistic3A_332, %logistic3A_330 : vector<512x256xf32>
    %logistic3A_334 = arith.divf %logistic3A_332, %logistic3A_333 : vector<512x256xf32>
    %tanh3A_335 = math.tanh %slice3A_321 : vector<512x256xf32>
    %mul3A_336 = arith.mulf %logistic3A_334, %tanh3A_335 : vector<512x256xf32>
    %add3A_337 = arith.addf %mul3A_328, %mul3A_336 : vector<512x256xf32>
    %gt3A_338 = arith.constant 4 : i32
    %gt3A_339 = vector.broadcast %gt3A_338 : i32 to vector<512x1xi32>
    %gt3A_340 = arith.cmpi sgt, %get3A_10, %gt3A_339 : vector<512x1xi32>
    %broadcast_in_dim3A_341 = vector.shape_cast %gt3A_340 : vector<512x1xi1> to vector<512x1xi1>
    %broadcast_in_dim3A_342 = vector.broadcast %broadcast_in_dim3A_341 : vector<512x1xi1> to vector<512x256xi1>
    %select_n3A_343 = arith.select %broadcast_in_dim3A_342, %add3A_337, %select_n3A_280 : vector<512x256xi1>, vector<512x256xf32>
    %convert_element_type3A_344 = arith.truncf %get3A_1 : vector<512x256xf32> to vector<512x256xbf16>
    %get3A_345 = arith.constant 0 : index
    %get3A_346 = arith.constant 0 : index
    %get3A_347 = vector.load %arg8[%get3A_345, %get3A_346] : memref<512x128xbf16, #tpu.memory_space<vmem>>, vector<256x128xbf16>
    %dot_general3A_348 = arith.constant dense<0.000000e+00> : vector<512x128xf32>
    %dot_general3A_349 = tpu.matmul %convert_element_type3A_344, %get3A_347, %dot_general3A_348 {dimension_numbers = #tpu.dot_dimension_numbers<[1], [0], [0], [1], [0, 0, 1, 1], [], []>, transpose_lhs_hint = false} : vector<512x256xbf16>, vector<256x128xbf16>, vector<512x128xf32> -> vector<512x128xf32>
    %convert_element_type3A_350 = arith.truncf %select_n3A_343 : vector<512x256xf32> to vector<512x256xbf16>
    %get3A_351 = arith.constant 256 : index
    %get3A_352 = arith.constant 0 : index
    %get3A_353 = vector.load %arg8[%get3A_351, %get3A_352] : memref<512x128xbf16, #tpu.memory_space<vmem>>, vector<256x128xbf16>
    %dot_general3A_354 = arith.constant dense<0.000000e+00> : vector<512x128xf32>
    %dot_general3A_355 = tpu.matmul %convert_element_type3A_350, %get3A_353, %dot_general3A_354 {dimension_numbers = #tpu.dot_dimension_numbers<[1], [0], [0], [1], [0, 0, 1, 1], [], []>, transpose_lhs_hint = false} : vector<512x256xbf16>, vector<256x128xbf16>, vector<512x128xf32> -> vector<512x128xf32>
    %add3A_356 = arith.addf %dot_general3A_349, %dot_general3A_355 : vector<512x128xf32>
    %get3A_357 = arith.constant 0 : index
    %get3A_358 = arith.constant 0 : index
    %get3A_359 = vector.load %arg9[%get3A_357, %get3A_358] : memref<1x128xf32, #tpu.memory_space<vmem>>, vector<1x128xf32>
    %add3A_360 = vector.broadcast %get3A_359 : vector<1x128xf32> to vector<512x128xf32>
    %add3A_361 = arith.addf %add3A_356, %add3A_360 : vector<512x128xf32>
    %logistic3A_362 = arith.negf %add3A_361 : vector<512x128xf32>
    %logistic3A_363 = math.exp %logistic3A_362 : vector<512x128xf32>
    %logistic3A_364 = arith.constant 1.000000e+00 : f32
    %logistic3A_365 = vector.broadcast %logistic3A_364 : f32 to vector<512x128xf32>
    %logistic3A_366 = arith.addf %logistic3A_365, %logistic3A_363 : vector<512x128xf32>
    %logistic3A_367 = arith.divf %logistic3A_365, %logistic3A_366 : vector<512x128xf32>
    %swap3A = arith.constant 0 : index
    %swap3A_368 = arith.constant 0 : index
    %swap3A_369 = vector.load %arg10[%swap3A, %swap3A_368] : memref<512x128xf32, #tpu.memory_space<vmem>>, vector<512x128xf32>
    tpu.vector_store %arg10[%swap3A, %swap3A_368], %logistic3A_367 {strides = array<i32>} : memref<512x128xf32, #tpu.memory_space<vmem>>, vector<512x128xf32>,
    return
  }
  func.func @transform_0(%arg0: i32) -> (i32, i32) {
    %add3A = arith.constant 2 : i32
    %add3A_0 = arith.addi %arg0, %add3A : i32
    %c0_i32 = arith.constant 0 : i32
    %c0_i32_1 = arith.constant 0 : i32
    return %add3A_0, %c0_i32 : i32, i32
  }
  func.func @transform_1(%arg0: i32) -> (i32, i32, i32) {
    %c0_i32 = arith.constant 0 : i32
    %c0_i32_0 = arith.constant 0 : i32
    %c0_i32_1 = arith.constant 0 : i32
    return %c0_i32, %arg0, %c0_i32_0 : i32, i32, i32
  }
  func.func @transform_2(%arg0: i32) -> (i32, i32) {
    %add3A = arith.constant 2 : i32
    %add3A_0 = arith.addi %arg0, %add3A : i32
    %c0_i32 = arith.constant 0 : i32
    %c0_i32_1 = arith.constant 0 : i32
    return %add3A_0, %c0_i32 : i32, i32
  }
  func.func @transform_3(%arg0: i32) -> (i32, i32) {
    %c0_i32 = arith.constant 0 : i32
    %c0_i32_0 = arith.constant 0 : i32
    %c0_i32_1 = arith.constant 0 : i32
    return %c0_i32, %c0_i32_0 : i32, i32
  }
  func.func @transform_4(%arg0: i32) -> (i32, i32) {
    %c0_i32 = arith.constant 0 : i32
    %c0_i32_0 = arith.constant 0 : i32
    %c0_i32_1 = arith.constant 0 : i32
    return %c0_i32, %c0_i32_0 : i32, i32
  }
  func.func @transform_5(%arg0: i32) -> (i32, i32) {
    %c0_i32 = arith.constant 0 : i32
    %c0_i32_0 = arith.constant 0 : i32
    %c0_i32_1 = arith.constant 0 : i32
    return %c0_i32, %c0_i32_0 : i32, i32
  }
  func.func @transform_6(%arg0: i32) -> (i32, i32) {
    %c0_i32 = arith.constant 0 : i32
    %c0_i32_0 = arith.constant 0 : i32
    %c0_i32_1 = arith.constant 0 : i32
    return %c0_i32, %c0_i32_0 : i32, i32
  }
  func.func @transform_7(%arg0: i32) -> (i32, i32) {
    %c0_i32 = arith.constant 0 : i32
    %c0_i32_0 = arith.constant 0 : i32
    %c0_i32_1 = arith.constant 0 : i32
    return %c0_i32, %c0_i32_0 : i32, i32
  }
  func.func @transform_8(%arg0: i32) -> (i32, i32) {
    %c0_i32 = arith.constant 0 : i32
    %c0_i32_0 = arith.constant 0 : i32
    %c0_i32_1 = arith.constant 0 : i32
    return %c0_i32, %c0_i32_0 : i32, i32
  }
  func.func @transform_9(%arg0: i32) -> (i32, i32) {
    %c0_i32 = arith.constant 0 : i32
    %c0_i32_0 = arith.constant 0 : i32
    return %arg0, %c0_i32 : i32, i32
  }
}

</mosaic_0001>

<sc_bundles>
// kernel: kernel.11.cloned.1.call-start
scs
__scs_entry_jumppad:
0x0: {  	(pc) =	sbr.rel $0x88, $3  }
0x1: {  	(tag) =	ssettag $0x0;
	lr =	simm.s32 $0x1  }
0x2: {  	[smem:$0x3F99] =	sst lr;
	_ =	strace $0xD0000000  }
0x3: {  	_ = 	snop  }
0x4: {  	_ = 	snop  }
0x5: {  	_ = 	snop  }
0x6: {  	_ = 	snop  }
0x7: {  	_ = 	snop  }
__scs_overlays_trampoline_lowered:
0x8: {  	[smem:$0x3FA8] =	sst s0  }
0x9: {  	[smem:$0x3FA9] =	sst s1  }
0xa: {  	[smem:$0x3FAA] =	sst s2  }
0xb: {  	[smem:$0x3FAB] =	sst s3  }
0xc: {  	[smem:$0x3FAC] =	sst s4  }
0xd: {  	[smem:$0x3FAD] =	sst s5  }
0xe: {  	[smem:$0x3FAE] =	sst s6  }
0xf: {  	[smem:$0x3FAF] =	sst s7  }
0x10: {  	[smem:$0x3FB0] =	sst s8  }
0x11: {  	[smem:$0x3FB1] =	sst s9;
	s0 =	simm.s32 @!p0 $0x0  }
0x12: {  	s1 =	sld [smem:$0x3F97];
	s0 =	simm.s32 @p0 $0x1  }
0x13: {  	[smem:$0x3FB2] =	sst s0;
	s0 =	simm.s32 @!p1 $0x0  }
0x14: {  	s2 =	sld [smem:$0x3F96];
	s0 =	simm.s32 @p1 $0x1  }
0x15: {  	[smem:$0x3FB3] =	sst s0;
	s0 =	simm.s32 @!p2 $0x0  }
0x16: {  	s3 =	sld [smem:$0x3FDB];
	s0 =	simm.s32 @p2 $0x1  }
0x17: {  	s4 =	simm.s32 $0x1BF5;
	[smem:$0x3FB5] =	sst s0  }
0x18: {  	s0 =	sld [smem:$0x3F98];
	_ =	swait.ge [sflag:s4], $0x0  }
0x19: {  	s7 =	sld [smem:$0x3F99]  }
0x1a: {  	s8 =	sadd.s32 $0xFFFFE003, lr  }
0x1b: {  	s9 =	sadd.s32 $0xFFFFFEF7, lr;
	s5 =	simm.s32 $0xFFFFFFFF;
	p2 =	slt.u32 s8, $0xFFFFF086  }
0x1c: {  	p1 =	slt.u32 s9, $0xF7A;
	s5 =	simm.s32 @!p2 $0x0  }
0x1d: {  	s5 =	simm.s32 @p1 $0x1;
	p0 =	seq.s32 s7, s2  }
0x1e: {  	s7 =	smul.u32 @!p0 $0xF7A, s2;
	p2 =	seq.s32 @!p0 s5, $0x0  }
0x1f: {  	s9 =	smul.u32 $0xF7A, s1;
	s8 =	simm.s32 @!p0 $0x1BF5;
	p2 =	por !p2, p0  }
0x20: {  	[sflag:s8] =	ssyncset.s32 @!p0 $0xFFFFF086;
	s6 =	sadd.s32 @!p0 s3, s7;
	s7 =	simm.s32 @!p0 $0x108  }
0x21: {  	s3 =	sadd.s32 s3, s9;
	s6 =	sadd.s32 @!p0 $0x88, s6;
	s7 =	simm.s32 @p2 $0x1082  }
0x22: {  	[simem:s7], [sflag:s8] =	dma.local @!p0 [hbm:s6], $0xF7A  }
0x23: {  	s9 =	sor.u32 $0xD0000000, s2;
	s6 =	simm.s32 $0x108;
	_ =	swait.ge @!p0 [sflag:s8], $0x0  }
0x24: {  	s3 =	sadd.s32 $0x88, s3;
	s6 =	simm.s32 @!p1 $0x1082;
	[sflag:s4] =	ssyncset.s32 $0xFFFFF086  }
0x25: {  	[simem:s6], [sflag:s4] =	dma.local [hbm:s3], $0xF7A  }
0x26: {  	[smem:$0x3F99] =	sst s1;
	(tag) =	ssettag s2;
	_ =	strace s9  }
0x27: {  	s1 =	sld [smem:$0x3FA9]  }
0x28: {  	s2 =	sld [smem:$0x3FAA]  }
0x29: {  	s4 =	sld [smem:$0x3FAC]  }
0x2a: {  	p0 =	seq.s32 s5, $0x0;
	s5 =	sld [smem:$0x3FAD]  }
0x2b: {  	s6 =	sld [smem:$0x3FAE]  }
0x2c: {  	s7 =	sld [smem:$0x3FAF]  }
0x2d: {  	s3 =	simm.s32 $0x108;
	s8 =	sld [smem:$0x3FB0]  }
0x2e: {  	s3 =	simm.s32 @!p0 $0x1082;
	s9 =	sld [smem:$0x3FB1]  }
0x2f: {  	lr =	sadd.s32 s0, s3;
	s0 =	sld [smem:$0x3FA8]  }
0x30: {  	s3 =	sld [smem:$0x3FAB]  }
0x31: {  	[smem:$0x3FB4] =	sst s10  }
0x32: {  	s10 =	sld [smem:$0x3FB2];
	_ =	sdelay $0x3  }
0x33: {  	p0 =	seq.s32 s10, $0x1;
	s10 =	sld [smem:$0x3FB4];
	_ =	sdelay $0x3  }
0x34: {  	[smem:$0x3FB4] =	sst s10  }
0x35: {  	s10 =	sld [smem:$0x3FB3];
	_ =	sdelay $0x3  }
0x36: {  	p1 =	seq.s32 s10, $0x1;
	s10 =	sld [smem:$0x3FB4];
	_ =	sdelay $0x3  }
0x37: {  	[smem:$0x3FB4] =	sst s10  }
0x38: {  	s10 =	sld [smem:$0x3FB5]  }
0x39: {  	_ = 	snop;
	(pc) =	sbr.ind lr, $3  }
0x3a: {  	_ = 	snop  }
0x3b: {  	_ = 	snop  }
0x3c: {  	p2 =	seq.s32 s10, $0x1;
	s10 =	sld [smem:$0x3FB4]  }
0x3d: {  	_ =	shalt  }
0x3e: {  	_ =	shalt  }
0x3f: {  	_ =	shalt  }
0x40: {  	_ =	shalt  }
0x41: {  	_ =	shalt  }
0x42: {  	_ =	shalt  }
0x43: {  	_ =	shalt  }
0x44: {  	_ =	shalt  }
0x45: {  	_ =	shalt  }
0x46: {  	_ =	shalt  }
0x47: {  	_ =	shalt  }
0x48: {  	_ =	shalt  }
0x49: {  	_ =	shalt  }
0x4a: {  	_ =	shalt  }
0x4b: {  	_ =	shalt  }
0x4c: {  	_ =	shalt  }
0x4d: {  	_ =	shalt  }
0x4e: {  	_ =	shalt  }
0x4f: {  	_ =	shalt  }
0x50: {  	_ =	shalt  }
0x51: {  	_ =	shalt  }
0x52: {  	_ =	shalt  }
0x53: {  	_ =	shalt  }
0x54: {  	_ =	shalt  }
0x55: {  	_ =	shalt  }
0x56: {  	_ =	shalt  }
0x57: {  	_ =	shalt  }
0x58: {  	_ =	shalt  }
0x59: {  	_ =	shalt  }
0x5a: {  	_ =	shalt  }
0x5b: {  	_ =	shalt  }
0x5c: {  	_ =	shalt  }
0x5d: {  	_ =	shalt  }
0x5e: {  	_ =	shalt  }
0x5f: {  	_ =	shalt  }
0x60: {  	_ =	shalt  }
0x61: {  	_ =	shalt  }
0x62: {  	_ =	shalt  }
0x63: {  	_ =	shalt  }
0x64: {  	_ =	shalt  }
0x65: {  	_ =	shalt  }
0x66: {  	_ =	shalt  }
0x67: {  	_ =	shalt  }
0x68: {  	_ =	shalt  }
0x69: {  	_ =	shalt  }
0x6a: {  	_ =	shalt  }
0x6b: {  	_ =	shalt  }
0x6c: {  	_ =	shalt  }
0x6d: {  	_ =	shalt  }
0x6e: {  	_ =	shalt  }
0x6f: {  	_ =	shalt  }
0x70: {  	_ =	shalt  }
0x71: {  	_ =	shalt  }
0x72: {  	_ =	shalt  }
0x73: {  	_ =	shalt  }
0x74: {  	_ =	shalt  }
0x75: {  	_ =	shalt  }
0x76: {  	_ =	shalt  }
0x77: {  	_ =	shalt  }
0x78: {  	_ =	shalt  }
0x79: {  	_ =	shalt  }
0x7a: {  	_ =	shalt  }
0x7b: {  	_ =	shalt  }
0x7c: {  	_ =	shalt  }
0x7d: {  	_ =	shalt  }
0x7e: {  	_ =	shalt  }
0x7f: {  	_ =	shalt  }
0x80: {  	_ =	shalt  }
0x81: {  	_ =	shalt  }
0x82: {  	_ =	shalt  }
0x83: {  	_ =	shalt  }
0x84: {  	_ =	shalt  }
0x85: {  	_ =	shalt  }
0x86: {  	_ =	shalt  }
0x87: {  	_ =	shalt  }
.Lfunc_end0:
.L_simem_size_0:
called_computation.1_lowered:
.L_overlay_start_0:
0x88: {  	s2 =	sld [smem:$0x3FD9]  }
0x89: {  	s3 =	sld [smem:$0x3FFE];
	_ =	sdelay $0x1  }
0x8a: {  	s1 =	srdreg.scid  }
0x8b: {  	s0 =	sand.u32 $0x1, s1  }
0x8c: {  	s17 =	sshll.u32 s0, $0xA;
	s2 =	sadd.s32 s3, s2  }
0x8d: {  	s2 =	sadd.s32 s2, s17  }
0x8e: {  	[smem:$0x3FC0] =	sst s2  }
0x8f: {  	_ = 	snop  }
0x90: {  	s2 =	sld [smem:$0x3FD0];
	(tm) =	ssettm $0x1  }
0x91: {  	s18 =	sld [smem:$0x3FFB];
	_ =	sdelay $0x3  }
0x92: {  	_ =	strace s18  }
0x93: {  	s3 =	sld [smem:$0x3FFC];
	_ =	sdelay $0x3  }
0x94: {  	_ =	strace s3  }
0x95: {  	s3 =	sld [smem:$0x3FFD];
	_ =	sdelay $0x3  }
0x96: {  	_ =	strace s3  }
0x97: {  	_ =	strace $0x8FFFFFFF  }
0x98: {  	s19 =	sld [smem:$0x3FDB];
	_ =	sdelay $0x1  }
0x99: {  	s4 =	simm.s32 $_scs_section_size  }
0x9a: {  	s5 =	simm.s32 $_size__tile_overlayer_lowered;
	s6 =	simm.s32 $_tile_overlayer_lowered  }
0x9b: {  	s22 =	simm.s32 $0x1BFF;
	s21 =	sshll.u32 s6, $0x1;
	s3 =	sadd.s32 s4, s19  }
0x9c: {  	s7 =	simm.s32 $0x0;
	s20 =	sshll.u32 s5, $0x1;
	s5 =	sadd.s32 s21, s3  }
0x9d: {  	[timem:s7], [sflag:s22] =	dma.local [hbm:s5], s20  }
0x9e: {  	_ =	swait.ge [sflag:s22], s20  }
0x9f: {  	s4 =	ssub.s32 $0x0, s20;
	[sflag:s22] =	ssyncset.done $0x0  }
0xa0: {  	[sflag:s22] =	ssyncadd.s32 s4;
	_ =	sdelay $0x1  }
0xa1: {  	s23 =	simm.s32 $0x1B8B  }
0xa2: {  	_ =	swait.ge [sflag:s23], $0x1  }
0xa3: {  	[sflag:s23] =	ssyncset.done $0x0  }
0xa4: {  	s25 =	simm.s32 $0x1B8E;
	s24 =	sld [smem:$0x3FFE];
	[sflag:s23] =	ssyncadd.s32 $0xFFFFFFFF  }
0xa5: {  	s26 =	simm.s32 $execute0_lowered;
	[smem:$0x3FD2] =	sst s25  }
0xa6: {  	s5 =	sshll.u32 s26, $0x1;
	_ =	strace $0x80000049;
	[dreg:$0x1] =	wrdreg $0xFFFFFFFF  }
0xa7: {  	s28 =	simm.s32 $_size_execute0_lowered;
	s3 =	sadd.s32 s3, s5;
	[dreg:$0x0] =	wrdreg $0x0  }
0xa8: {  	s5 =	sshll.u32 s28, $0x1;
	[dreg:$0x2] =	wrdreg s3  }
0xa9: {  	[dreg:$0x3] =	wrdreg s5  }
0xaa: {  	[dreg:$0x4] =	wrdreg $0xC0  }
0xab: {  	_ =	task [dreg:s7], $0x5FFFF  }
0xac: {  	[dreg:$0x1] =	wrdreg $0xFFFFFFFF  }
0xad: {  	[dreg:$0x0] =	wrdreg $0x60  }
0xae: {  	[dreg:$0x2] =	wrdreg s2  }
0xaf: {  	[dreg:$0x3] =	wrdreg s24  }
0xb0: {  	[dreg:$0x4] =	wrdreg $0x9  }
0xb1: {  	_ =	task.clear_ibuf [dreg:s7], $0x5FFFF;
	_ =	strace $0x90000049  }
0xb2: {  	s29 =	simm.s32 $0x9;
	_ =	strace $0x8000004B  }
0xb3: {  	_ =	swait.ge [sflag:s29], $0x1  }
0xb4: {  	[sflag:s29] =	ssyncadd.s32 $0xFFFFFFFF  }
0xb5: {  	_ =	strace $0x9000004B  }
0xb6: {  	_ =	sfence  }
0xb7: {  	s30 =	sld [smem:$0x0];
	_ =	sdelay $0x2  }
0xb8: {  	s31 =	sshll.u32 s1, $0xD;
	s1 =	sshrl.u32 s1, $0x2  }
0xb9: {  	s3 =	sand.u32 $0x4000, s31;
	s1 =	sadd.s32 s1, s30  }
0xba: {  	s0 =	sor.u32 s3, s0;
	s1 =	sshll.u32 s1, $0x11  }
0xbb: {  	s0 =	sor.u32 s1, s0  }
0xbc: {  	s0 =	sadd.s32 $0x8F2B, s0  }
0xbd: {  	[sflag:s0] =	ssyncadd.remote.s32 $0x1  }
0xbe: {  	_ =	sfence.sel $0xFFFF  }
0xbf: {  	[dreg:$0x0] =	wrdreg $0xFFFFFFFF;
	(pc) =	sbr.abs _section_cstart, $3  }
0xc0: {  	[dreg:$0x1] =	wrdreg $0xFFFFFFFF  }
0xc1: {  	_ =	task.clear_ibuf [dreg:s7], $0x2FFFF;
	_ =	strace $0x9FFFFFFF  }
0xc2: {  	(tm) =	ssettm $0x7FFFFFFF  }
0xc3: {  	_ =	shalt  }
tec
execute0_lowered:
.L_overlay_start_1:
0x0: {  	(tag) =	ssettag $0x1  }
0x1: {  	s1 =	srdreg.scid  }
0x2: {  	s0 =	stileid.u32;
	s24 =	sand.u32 $0x1, s1  }
0x3: {  	s31 =	sshll.u32 s0, $0x6;
	s3 =	sshll.u32 s24, $0x5  }
0x4: {  	s2 =	rddreg [dreg:$0x0];
	s20 =	sor.u32 s3, s31  }
0x5: {  	s19 =	rddreg [dreg:$0x1];
	s3 =	simm.s32 $0x0;
	s4 =	sshrl.u32 s20, $0x3  }
0x6: {  	[smem:$0x7FF] =	sst s3;
	s11 =	sadd.s32 s4, s19  }
0x7: {  	s1 =	rddreg [dreg:$0x2];
	_ =	strace $0x8000004A;
	s4 =	sadd.s32 $0x6E00, s11  }
0x8: {  	[tilespmem:s3], [sflag:$0x1] =	stream.linear.gather [hbm4b:s4+s3], $0x20, $0x38;
	[tilespmem:$0x5100] =	vst v63  }
0x9: {  	s6 =	simm.s32 $0x20;
	s5 =	sadd.s32 $0x7000, s11  }
0xa: {  	[tilespmem:s6], [sflag:$0x1] =	stream.linear.gather [hbm4b:s5+s3], $0x20, $0x38;
	[tilespmem:$0x5100] =	vst v63  }
0xb: {  	s8 =	simm.s32 $0x40;
	s7 =	sadd.s32 $0x7200, s11  }
0xc: {  	[tilespmem:s8], [sflag:$0x1] =	stream.linear.gather [hbm4b:s7+s3], $0x20, $0x38;
	[tilespmem:$0x5100] =	vst v63  }
0xd: {  	s10 =	simm.s32 $0x60;
	s9 =	sadd.s32 $0x7400, s11  }
0xe: {  	[tilespmem:s10], [sflag:$0x1] =	stream.linear.gather [hbm4b:s9+s3], $0x20, $0x38;
	[tilespmem:$0x5100] =	vst v63  }
0xf: {  	s13 =	simm.s32 $0x80;
	s12 =	simm.s32 $0x1;
	s11 =	sadd.s32 $0x7600, s11  }
0x10: {  	[tilespmem:s13], [sflag:$0x1] =	stream.linear.gather [hbm4b:s11+s3], $0x20, $0x38;
	[tilespmem:$0x5100] =	vst v63  }
0x11: {  	_ =	swait.ge [sflag:s12], $0x20  }
0x12: {  	[sflag:s12] =	ssyncset.done $0x0  }
0x13: {  	[sflag:s12] =	ssyncadd.s32 $0xFFFFFFE0  }
0x14: {  	_ =	swait.ge [sflag:s12], $0x20  }
0x15: {  	[sflag:s12] =	ssyncset.done $0x0  }
0x16: {  	[sflag:s12] =	ssyncadd.s32 $0xFFFFFFE0  }
0x17: {  	_ =	swait.ge [sflag:s12], $0x20  }
0x18: {  	[sflag:s12] =	ssyncset.done $0x0  }
0x19: {  	[sflag:s12] =	ssyncadd.s32 $0xFFFFFFE0  }
0x1a: {  	_ =	swait.ge [sflag:s12], $0x20  }
0x1b: {  	[sflag:s12] =	ssyncset.done $0x0  }
0x1c: {  	[sflag:s12] =	ssyncadd.s32 $0xFFFFFFE0  }
0x1d: {  	_ =	swait.ge [sflag:s12], $0x20  }
0x1e: {  	[sflag:s12] =	ssyncset.done $0x0  }
0x1f: {  	s14 =	simm.s32 $0x100;
	[sflag:s12] =	ssyncadd.s32 $0xFFFFFFE0  }
0x20: {  	[tilespmem:s14], [sflag:$0x1] =	stream.indirect.gather [hbm4b:s2+s6], $0x80, s3, s6, $0xb8;
	[tilespmem:$0x5100] =	vst v63  }
0x21: {  	s15 =	simm.s32 $0x1100  }
0x22: {  	[tilespmem:s15], [sflag:$0x1] =	stream.indirect.gather [hbm4b:s2+s6], $0x80, s6, s6, $0xb8;
	[tilespmem:$0x5100] =	vst v63  }
0x23: {  	s16 =	simm.s32 $0x2100  }
0x24: {  	[tilespmem:s16], [sflag:$0x1] =	stream.indirect.gather [hbm4b:s2+s6], $0x80, s8, s6, $0xb8;
	[tilespmem:$0x5100] =	vst v63  }
0x25: {  	s17 =	simm.s32 $0x3100  }
0x26: {  	[tilespmem:s17], [sflag:$0x1] =	stream.indirect.gather [hbm4b:s2+s6], $0x80, s10, s6, $0xb8;
	[tilespmem:$0x5100] =	vst v63  }
0x27: {  	s18 =	simm.s32 $0x4100  }
0x28: {  	[tilespmem:s18], [sflag:$0x1] =	stream.indirect.gather [hbm4b:s2+s6], $0x80, s13, s6, $0xb8;
	[tilespmem:$0x5100] =	vst v63  }
0x29: {  	_ =	swait.ge [sflag:s12], $0x1000  }
0x2a: {  	[sflag:s12] =	ssyncset.done $0x0  }
0x2b: {  	[sflag:s12] =	ssyncadd.s32 $0xFFFFF000  }
0x2c: {  	_ =	swait.ge [sflag:s12], $0x1000  }
0x2d: {  	[sflag:s12] =	ssyncset.done $0x0  }
0x2e: {  	[sflag:s12] =	ssyncadd.s32 $0xFFFFF000  }
0x2f: {  	_ =	swait.ge [sflag:s12], $0x1000  }
0x30: {  	[sflag:s12] =	ssyncset.done $0x0  }
0x31: {  	[sflag:s12] =	ssyncadd.s32 $0xFFFFF000  }
0x32: {  	_ =	swait.ge [sflag:s12], $0x1000  }
0x33: {  	[sflag:s12] =	ssyncset.done $0x0  }
0x34: {  	[sflag:s12] =	ssyncadd.s32 $0xFFFFF000  }
0x35: {  	s20 =	sshll.u32 s20, $0x4;
	_ =	swait.ge [sflag:s12], $0x1000  }
0x36: {  	s23 =	sadd.s32 s20, s19;
	[sflag:s12] =	ssyncset.done $0x0  }
0x37: {  	s19 =	sadd.s32 $0x7800, s23;
	[sflag:s12] =	ssyncadd.s32 $0xFFFFF000  }
0x38: {  	[hbm4b:s19+s3] =	stream.linear.scatter [tilespmem:s14], [sflag:$0x1], $0x1000, $0x38;
	[tilespmem:$0x5100] =	vst v63  }
0x39: {  	s20 =	sadd.s32 $0xB800, s23  }
0x3a: {  	[hbm4b:s20+s3] =	stream.linear.scatter [tilespmem:s15], [sflag:$0x1], $0x1000, $0x38;
	[tilespmem:$0x5100] =	vst v63  }
0x3b: {  	s21 =	sadd.s32 $0xF800, s23  }
0x3c: {  	[hbm4b:s21+s3] =	stream.linear.scatter [tilespmem:s16], [sflag:$0x1], $0x1000, $0x38;
	[tilespmem:$0x5100] =	vst v63  }
0x3d: {  	s22 =	sadd.s32 $0x13800, s23  }
0x3e: {  	[hbm4b:s22+s3] =	stream.linear.scatter [tilespmem:s17], [sflag:$0x1], $0x1000, $0x38;
	[tilespmem:$0x5100] =	vst v63  }
0x3f: {  	s23 =	sadd.s32 $0x17800, s23  }
0x40: {  	[hbm4b:s23+s3] =	stream.linear.scatter [tilespmem:s18], [sflag:$0x1], $0x1000, $0x38;
	[tilespmem:$0x5100] =	vst v63  }
0x41: {  	_ =	swait.ge [sflag:s12], $0x1000  }
0x42: {  	[sflag:s12] =	ssyncset.done $0x0  }
0x43: {  	[sflag:s12] =	ssyncadd.s32 $0xFFFFF000  }
0x44: {  	_ =	swait.ge [sflag:s12], $0x1000  }
0x45: {  	s24 =	ssub.s32 $0x2, s24;
	[sflag:s12] =	ssyncset.done $0x0  }
0x46: {  	s25 =	sshrl.u32 s24, $0x1;
	[sflag:s12] =	ssyncadd.s32 $0xFFFFF000  }
0x47: {  	s24 =	ssub.s32 s24, s25;
	_ =	swait.ge [sflag:s12], $0x1000  }
0x48: {  	s24 =	smax.u32 s24, $0x1;
	[sflag:s12] =	ssyncset.done $0x0  }
0x49: {  	p0 =	sne.s32 s24, $0x1;
	[sflag:s12] =	ssyncadd.s32 $0xFFFFF000  }
.Ltmp0:
0x4a: {  	_ =	swait.ge [sflag:s12], $0x1000;
	(pc) =	sbr.rel @!p0 .LBB2_2-.Ltmp0, $4  }
0x4b: {  	[sflag:s12] =	ssyncset.done $0x0  }
0x4c: {  	[sflag:s12] =	ssyncadd.s32 $0xFFFFF000  }
0x4d: {  	_ =	swait.ge [sflag:s12], $0x1000  }
0x4e: {  	s24 =	sadd.s32 $0xFFFFFFFF, s24;
	[sflag:s12] =	ssyncset.done $0x0  }
.LBB2_1:
0x4f: {  	p0 =	sne.s32 s24, $0x1;
	s24 =	sadd.s32 $0xFFFFFFFF, s24;
	[sflag:s12] =	ssyncadd.s32 $0xFFFFF000  }
0x50: {  	[tilespmem:s3], [sflag:$0x1] =	stream.linear.gather [hbm4b:s4+s3], $0x20, $0x38;
	[tilespmem:$0x5100] =	vst v63  }
0x51: {  	_ = 	snop  }
0x52: {  	[tilespmem:s6], [sflag:$0x1] =	stream.linear.gather [hbm4b:s5+s3], $0x20, $0x38;
	[tilespmem:$0x5100] =	vst v63  }
0x53: {  	_ = 	snop  }
0x54: {  	[tilespmem:s8], [sflag:$0x1] =	stream.linear.gather [hbm4b:s7+s3], $0x20, $0x38;
	[tilespmem:$0x5100] =	vst v63  }
0x55: {  	_ = 	snop  }
0x56: {  	[tilespmem:s10], [sflag:$0x1] =	stream.linear.gather [hbm4b:s9+s3], $0x20, $0x38;
	[tilespmem:$0x5100] =	vst v63  }
0x57: {  	_ = 	snop  }
0x58: {  	[tilespmem:s13], [sflag:$0x1] =	stream.linear.gather [hbm4b:s11+s3], $0x20, $0x38;
	[tilespmem:$0x5100] =	vst v63  }
0x59: {  	_ =	swait.ge [sflag:s12], $0x20  }
0x5a: {  	[sflag:s12] =	ssyncset.done $0x0  }
0x5b: {  	[sflag:s12] =	ssyncadd.s32 $0xFFFFFFE0  }
0x5c: {  	_ =	swait.ge [sflag:s12], $0x20  }
0x5d: {  	[sflag:s12] =	ssyncset.done $0x0  }
0x5e: {  	[sflag:s12] =	ssyncadd.s32 $0xFFFFFFE0  }
0x5f: {  	_ =	swait.ge [sflag:s12], $0x20  }
0x60: {  	[sflag:s12] =	ssyncset.done $0x0  }
0x61: {  	[sflag:s12] =	ssyncadd.s32 $0xFFFFFFE0  }
0x62: {  	_ =	swait.ge [sflag:s12], $0x20  }
0x63: {  	[sflag:s12] =	ssyncset.done $0x0  }
0x64: {  	[sflag:s12] =	ssyncadd.s32 $0xFFFFFFE0  }
0x65: {  	_ =	swait.ge [sflag:s12], $0x20  }
0x66: {  	[sflag:s12] =	ssyncset.done $0x0  }
0x67: {  	[sflag:s12] =	ssyncadd.s32 $0xFFFFFFE0  }
0x68: {  	[tilespmem:s14], [sflag:$0x1] =	stream.indirect.gather [hbm4b:s2+s6], $0x80, s3, s6, $0xb8;
	[tilespmem:$0x5100] =	vst v63  }
0x69: {  	_ = 	snop  }
0x6a: {  	[tilespmem:s15], [sflag:$0x1] =	stream.indirect.gather [hbm4b:s2+s6], $0x80, s6, s6, $0xb8;
	[tilespmem:$0x5100] =	vst v63  }
0x6b: {  	_ = 	snop  }
0x6c: {  	[tilespmem:s16], [sflag:$0x1] =	stream.indirect.gather [hbm4b:s2+s6], $0x80, s8, s6, $0xb8;
	[tilespmem:$0x5100] =	vst v63  }
0x6d: {  	_ = 	snop  }
0x6e: {  	[tilespmem:s17], [sflag:$0x1] =	stream.indirect.gather [hbm4b:s2+s6], $0x80, s10, s6, $0xb8;
	[tilespmem:$0x5100] =	vst v63  }
0x6f: {  	_ = 	snop  }
0x70: {  	[tilespmem:s18], [sflag:$0x1] =	stream.indirect.gather [hbm4b:s2+s6], $0x80, s13, s6, $0xb8;
	[tilespmem:$0x5100] =	vst v63  }
0x71: {  	_ =	swait.ge [sflag:s12], $0x1000  }
0x72: {  	[sflag:s12] =	ssyncset.done $0x0  }
0x73: {  	[sflag:s12] =	ssyncadd.s32 $0xFFFFF000  }
0x74: {  	_ =	swait.ge [sflag:s12], $0x1000  }
0x75: {  	[sflag:s12] =	ssyncset.done $0x0  }
0x76: {  	[sflag:s12] =	ssyncadd.s32 $0xFFFFF000  }
0x77: {  	_ =	swait.ge [sflag:s12], $0x1000  }
0x78: {  	[sflag:s12] =	ssyncset.done $0x0  }
0x79: {  	[sflag:s12] =	ssyncadd.s32 $0xFFFFF000  }
0x7a: {  	_ =	swait.ge [sflag:s12], $0x1000  }
0x7b: {  	[sflag:s12] =	ssyncset.done $0x0  }
0x7c: {  	[sflag:s12] =	ssyncadd.s32 $0xFFFFF000  }
0x7d: {  	_ =	swait.ge [sflag:s12], $0x1000  }
0x7e: {  	[sflag:s12] =	ssyncset.done $0x0  }
0x7f: {  	[sflag:s12] =	ssyncadd.s32 $0xFFFFF000  }
0x80: {  	[hbm4b:s19+s3] =	stream.linear.scatter [tilespmem:s14], [sflag:$0x1], $0x1000, $0x38;
	[tilespmem:$0x5100] =	vst v63  }
0x81: {  	_ = 	snop  }
0x82: {  	[hbm4b:s20+s3] =	stream.linear.scatter [tilespmem:s15], [sflag:$0x1], $0x1000, $0x38;
	[tilespmem:$0x5100] =	vst v63  }
0x83: {  	_ = 	snop  }
0x84: {  	[hbm4b:s21+s3] =	stream.linear.scatter [tilespmem:s16], [sflag:$0x1], $0x1000, $0x38;
	[tilespmem:$0x5100] =	vst v63  }
0x85: {  	_ = 	snop  }
0x86: {  	[hbm4b:s22+s3] =	stream.linear.scatter [tilespmem:s17], [sflag:$0x1], $0x1000, $0x38;
	[tilespmem:$0x5100] =	vst v63  }
0x87: {  	_ = 	snop  }
0x88: {  	[hbm4b:s23+s3] =	stream.linear.scatter [tilespmem:s18], [sflag:$0x1], $0x1000, $0x38;
	[tilespmem:$0x5100] =	vst v63  }
0x89: {  	_ =	swait.ge [sflag:s12], $0x1000  }
0x8a: {  	[sflag:s12] =	ssyncset.done $0x0  }
0x8b: {  	[sflag:s12] =	ssyncadd.s32 $0xFFFFF000  }
0x8c: {  	_ =	swait.ge [sflag:s12], $0x1000  }
0x8d: {  	[sflag:s12] =	ssyncset.done $0x0  }
0x8e: {  	[sflag:s12] =	ssyncadd.s32 $0xFFFFF000  }
0x8f: {  	_ =	swait.ge [sflag:s12], $0x1000  }
0x90: {  	[sflag:s12] =	ssyncset.done $0x0  }
0x91: {  	[sflag:s12] =	ssyncadd.s32 $0xFFFFF000  }
.Ltmp1:
0x92: {  	_ =	swait.ge [sflag:s12], $0x1000;
	(pc) =	sbr.rel @p0 .LBB2_1-.Ltmp1, $4  }
0x93: {  	[sflag:s12] =	ssyncset.done $0x0  }
0x94: {  	[sflag:s12] =	ssyncadd.s32 $0xFFFFF000  }
0x95: {  	_ =	swait.ge [sflag:s12], $0x1000  }
0x96: {  	[sflag:s12] =	ssyncset.done $0x0  }
.LBB2_2:
0x97: {  	[sflag:s12] =	ssyncadd.s32 $0xFFFFF000  }
0x98: {  	_ =	sfence.sel $0x180000  }
0x99: {  	[bflag:$0x0] =	sbarrier.arrive $0xFFFF  }
0x9a: {  	p0 =	sne.s32 s0, $0x0;
	_ =	strace $0x9000004A  }
0x9b: {  	s0 =	sadd.s32 @!p0 $0x100000, s1;
	[bflag:$0x2] =	sbarrier.arrive $0xFFFF  }
0x9c: {  	[sflag:s0] =	ssyncadd.tile.s32 @!p0 $0x1;
	_ =	shalt  }
.Lfunc_end2:
_tile_overlayer_lowered:
.L_overlay_start_2:
0x9d: {  	(tag) =	ssettag $0x2  }
0x9e: {  	s0 =	rddreg [dreg:$0x0];
	s2 =	stileid.u32  }
0x9f: {  	s1 =	rddreg [dreg:$0x1];
	p0 =	sne.s32 s2, $0x0  }
0xa0: {  	s3 =	rddreg [dreg:$0x2];
	[bflag:$0x3] =	sbarrier.arrive $0xFFFF;
	s2 =	simm.s32 @!p0 $0x1C02  }
0xa1: {  	[timem:s3], [sflag:s2] =	dma.local @!p0 [hbm:s0], s1  }
0xa2: {  	s0 =	simm.s32 @!p0 $0x2  }
0xa3: {  	_ =	swait.ge @!p0 [sflag:s0], s1  }
0xa4: {  	s1 =	ssub.s32 @!p0 $0x0, s1;
	[sflag:s0] =	ssyncset.done @!p0 $0x0  }
0xa5: {  	[sflag:s0] =	ssyncadd.s32 @!p0 s1  }
0xa6: {  	[bflag:$0x3] =	sbarrier.arrive $0xFFFF  }
0xa7: {  	_ =	shalt  }

// kernel: kernel.14.cloned.1.call-start
scs
__scs_entry_jumppad:
0x0: {  	(pc) =	sbr.rel $0x88, $3  }
0x1: {  	(tag) =	ssettag $0x0;
	lr =	simm.s32 $0x1  }
0x2: {  	[smem:$0x3F99] =	sst lr;
	_ =	strace $0xD0000000  }
0x3: {  	_ = 	snop  }
0x4: {  	_ = 	snop  }
0x5: {  	_ = 	snop  }
0x6: {  	_ = 	snop  }
0x7: {  	_ = 	snop  }
__scs_overlays_trampoline_lowered:
0x8: {  	[smem:$0x3FA8] =	sst s0  }
0x9: {  	[smem:$0x3FA9] =	sst s1  }
0xa: {  	[smem:$0x3FAA] =	sst s2  }
0xb: {  	[smem:$0x3FAB] =	sst s3  }
0xc: {  	[smem:$0x3FAC] =	sst s4  }
0xd: {  	[smem:$0x3FAD] =	sst s5  }
0xe: {  	[smem:$0x3FAE] =	sst s6  }
0xf: {  	[smem:$0x3FAF] =	sst s7  }
0x10: {  	[smem:$0x3FB0] =	sst s8  }
0x11: {  	[smem:$0x3FB1] =	sst s9;
	s0 =	simm.s32 @!p0 $0x0  }
0x12: {  	s1 =	sld [smem:$0x3F97];
	s0 =	simm.s32 @p0 $0x1  }
0x13: {  	[smem:$0x3FB2] =	sst s0;
	s0 =	simm.s32 @!p1 $0x0  }
0x14: {  	s2 =	sld [smem:$0x3F96];
	s0 =	simm.s32 @p1 $0x1  }
0x15: {  	[smem:$0x3FB3] =	sst s0;
	s0 =	simm.s32 @!p2 $0x0  }
0x16: {  	s3 =	sld [smem:$0x3FDB];
	s0 =	simm.s32 @p2 $0x1  }
0x17: {  	s4 =	simm.s32 $0x1BF5;
	[smem:$0x3FB5] =	sst s0  }
0x18: {  	s0 =	sld [smem:$0x3F98];
	_ =	swait.ge [sflag:s4], $0x0  }
0x19: {  	s7 =	sld [smem:$0x3F99]  }
0x1a: {  	s8 =	sadd.s32 $0xFFFFE003, lr  }
0x1b: {  	s9 =	sadd.s32 $0xFFFFFEF7, lr;
	s5 =	simm.s32 $0xFFFFFFFF;
	p2 =	slt.u32 s8, $0xFFFFF086  }
0x1c: {  	p1 =	slt.u32 s9, $0xF7A;
	s5 =	simm.s32 @!p2 $0x0  }
0x1d: {  	s5 =	simm.s32 @p1 $0x1;
	p0 =	seq.s32 s7, s2  }
0x1e: {  	s7 =	smul.u32 @!p0 $0xF7A, s2;
	p2 =	seq.s32 @!p0 s5, $0x0  }
0x1f: {  	s9 =	smul.u32 $0xF7A, s1;
	s8 =	simm.s32 @!p0 $0x1BF5;
	p2 =	por !p2, p0  }
0x20: {  	[sflag:s8] =	ssyncset.s32 @!p0 $0xFFFFF086;
	s6 =	sadd.s32 @!p0 s3, s7;
	s7 =	simm.s32 @!p0 $0x108  }
0x21: {  	s3 =	sadd.s32 s3, s9;
	s6 =	sadd.s32 @!p0 $0x88, s6;
	s7 =	simm.s32 @p2 $0x1082  }
0x22: {  	[simem:s7], [sflag:s8] =	dma.local @!p0 [hbm:s6], $0xF7A  }
0x23: {  	s9 =	sor.u32 $0xD0000000, s2;
	s6 =	simm.s32 $0x108;
	_ =	swait.ge @!p0 [sflag:s8], $0x0  }
0x24: {  	s3 =	sadd.s32 $0x88, s3;
	s6 =	simm.s32 @!p1 $0x1082;
	[sflag:s4] =	ssyncset.s32 $0xFFFFF086  }
0x25: {  	[simem:s6], [sflag:s4] =	dma.local [hbm:s3], $0xF7A  }
0x26: {  	[smem:$0x3F99] =	sst s1;
	(tag) =	ssettag s2;
	_ =	strace s9  }
0x27: {  	s1 =	sld [smem:$0x3FA9]  }
0x28: {  	s2 =	sld [smem:$0x3FAA]  }
0x29: {  	s4 =	sld [smem:$0x3FAC]  }
0x2a: {  	p0 =	seq.s32 s5, $0x0;
	s5 =	sld [smem:$0x3FAD]  }
0x2b: {  	s6 =	sld [smem:$0x3FAE]  }
0x2c: {  	s7 =	sld [smem:$0x3FAF]  }
0x2d: {  	s3 =	simm.s32 $0x108;
	s8 =	sld [smem:$0x3FB0]  }
0x2e: {  	s3 =	simm.s32 @!p0 $0x1082;
	s9 =	sld [smem:$0x3FB1]  }
0x2f: {  	lr =	sadd.s32 s0, s3;
	s0 =	sld [smem:$0x3FA8]  }
0x30: {  	s3 =	sld [smem:$0x3FAB]  }
0x31: {  	[smem:$0x3FB4] =	sst s10  }
0x32: {  	s10 =	sld [smem:$0x3FB2];
	_ =	sdelay $0x3  }
0x33: {  	p0 =	seq.s32 s10, $0x1;
	s10 =	sld [smem:$0x3FB4];
	_ =	sdelay $0x3  }
0x34: {  	[smem:$0x3FB4] =	sst s10  }
0x35: {  	s10 =	sld [smem:$0x3FB3];
	_ =	sdelay $0x3  }
0x36: {  	p1 =	seq.s32 s10, $0x1;
	s10 =	sld [smem:$0x3FB4];
	_ =	sdelay $0x3  }
0x37: {  	[smem:$0x3FB4] =	sst s10  }
0x38: {  	s10 =	sld [smem:$0x3FB5]  }
0x39: {  	_ = 	snop;
	(pc) =	sbr.ind lr, $3  }
0x3a: {  	_ = 	snop  }
0x3b: {  	_ = 	snop  }
0x3c: {  	p2 =	seq.s32 s10, $0x1;
	s10 =	sld [smem:$0x3FB4]  }
0x3d: {  	_ =	shalt  }
0x3e: {  	_ =	shalt  }
0x3f: {  	_ =	shalt  }
0x40: {  	_ =	shalt  }
0x41: {  	_ =	shalt  }
0x42: {  	_ =	shalt  }
0x43: {  	_ =	shalt  }
0x44: {  	_ =	shalt  }
0x45: {  	_ =	shalt  }
0x46: {  	_ =	shalt  }
0x47: {  	_ =	shalt  }
0x48: {  	_ =	shalt  }
0x49: {  	_ =	shalt  }
0x4a: {  	_ =	shalt  }
0x4b: {  	_ =	shalt  }
0x4c: {  	_ =	shalt  }
0x4d: {  	_ =	shalt  }
0x4e: {  	_ =	shalt  }
0x4f: {  	_ =	shalt  }
0x50: {  	_ =	shalt  }
0x51: {  	_ =	shalt  }
0x52: {  	_ =	shalt  }
0x53: {  	_ =	shalt  }
0x54: {  	_ =	shalt  }
0x55: {  	_ =	shalt  }
0x56: {  	_ =	shalt  }
0x57: {  	_ =	shalt  }
0x58: {  	_ =	shalt  }
0x59: {  	_ =	shalt  }
0x5a: {  	_ =	shalt  }
0x5b: {  	_ =	shalt  }
0x5c: {  	_ =	shalt  }
0x5d: {  	_ =	shalt  }
0x5e: {  	_ =	shalt  }
0x5f: {  	_ =	shalt  }
0x60: {  	_ =	shalt  }
0x61: {  	_ =	shalt  }
0x62: {  	_ =	shalt  }
0x63: {  	_ =	shalt  }
0x64: {  	_ =	shalt  }
0x65: {  	_ =	shalt  }
0x66: {  	_ =	shalt  }
0x67: {  	_ =	shalt  }
0x68: {  	_ =	shalt  }
0x69: {  	_ =	shalt  }
0x6a: {  	_ =	shalt  }
0x6b: {  	_ =	shalt  }
0x6c: {  	_ =	shalt  }
0x6d: {  	_ =	shalt  }
0x6e: {  	_ =	shalt  }
0x6f: {  	_ =	shalt  }
0x70: {  	_ =	shalt  }
0x71: {  	_ =	shalt  }
0x72: {  	_ =	shalt  }
0x73: {  	_ =	shalt  }
0x74: {  	_ =	shalt  }
0x75: {  	_ =	shalt  }
0x76: {  	_ =	shalt  }
0x77: {  	_ =	shalt  }
0x78: {  	_ =	shalt  }
0x79: {  	_ =	shalt  }
0x7a: {  	_ =	shalt  }
0x7b: {  	_ =	shalt  }
0x7c: {  	_ =	shalt  }
0x7d: {  	_ =	shalt  }
0x7e: {  	_ =	shalt  }
0x7f: {  	_ =	shalt  }
0x80: {  	_ =	shalt  }
0x81: {  	_ =	shalt  }
0x82: {  	_ =	shalt  }
0x83: {  	_ =	shalt  }
0x84: {  	_ =	shalt  }
0x85: {  	_ =	shalt  }
0x86: {  	_ =	shalt  }
0x87: {  	_ =	shalt  }
.Lfunc_end0:
.L_simem_size_0:
called_computation.2_lowered:
.L_overlay_start_0:
0x88: {  	s2 =	sld [smem:$0x3FD9]  }
0x89: {  	s3 =	sld [smem:$0x3FFE];
	_ =	sdelay $0x1  }
0x8a: {  	s1 =	srdreg.scid  }
0x8b: {  	s0 =	sand.u32 $0x1, s1  }
0x8c: {  	s17 =	sshll.u32 s0, $0xA;
	s2 =	sadd.s32 s3, s2  }
0x8d: {  	s2 =	sadd.s32 s2, s17  }
0x8e: {  	[smem:$0x3FC0] =	sst s2  }
0x8f: {  	_ = 	snop  }
0x90: {  	s18 =	sld [smem:$0x3FD0];
	(tm) =	ssettm $0x1  }
0x91: {  	s19 =	sld [smem:$0x3FFB];
	_ =	sdelay $0x3  }
0x92: {  	_ =	strace s19  }
0x93: {  	s2 =	sld [smem:$0x3FFC];
	_ =	sdelay $0x3  }
0x94: {  	_ =	strace s2  }
0x95: {  	s2 =	sld [smem:$0x3FFD];
	_ =	sdelay $0x3  }
0x96: {  	_ =	strace s2  }
0x97: {  	_ =	strace $0x8FFFFFFF  }
0x98: {  	s20 =	sld [smem:$0x3FDB];
	_ =	sdelay $0x1  }
0x99: {  	s4 =	simm.s32 $_scs_section_size  }
0x9a: {  	s5 =	simm.s32 $_size__tile_overlayer_lowered;
	s6 =	simm.s32 $_tile_overlayer_lowered  }
0x9b: {  	s7 =	simm.s32 $0x1BFF;
	s21 =	sshll.u32 s6, $0x1;
	s4 =	sadd.s32 s4, s20  }
0x9c: {  	s22 =	simm.s32 $0x0;
	s5 =	sshll.u32 s5, $0x1;
	s6 =	sadd.s32 s21, s4  }
0x9d: {  	[timem:s22], [sflag:s7] =	dma.local [hbm:s6], s5  }
0x9e: {  	_ =	swait.ge [sflag:s7], s5  }
0x9f: {  	s5 =	ssub.s32 $0x0, s5;
	[sflag:s7] =	ssyncset.done $0x0  }
0xa0: {  	[sflag:s7] =	ssyncadd.s32 s5;
	_ =	sdelay $0x1  }
0xa1: {  	s23 =	simm.s32 $0x1B8B  }
0xa2: {  	_ =	swait.ge [sflag:s23], $0x1  }
0xa3: {  	[sflag:s23] =	ssyncset.done $0x0  }
0xa4: {  	[sflag:s23] =	ssyncadd.s32 $0xFFFFFFFF  }
0xa5: {  	s5 =	sld [smem:$0x0]  }
0xa6: {  	s6 =	sand.u32 $0xFFFFFFFE, s1  }
0xa7: {  	p0 =	sne.s32 s1, s6  }
0xa8: {  	s6 =	sshll.u32 @p0 s6, $0xE  }
0xa9: {  	s6 =	sadd.s32 @p0 $0x11B8D, s6;
	s7 =	sshll.u32 @p0 s5, $0x11  }
0xaa: {  	s6 =	sor.u32 @p0 s7, s6  }
0xab: {  	[sflag:s6] =	ssyncadd.remote.s32 @p0 $0x1;
	_ =	sdelay $0x1  }
0xac: {  	s6 =	simm.s32 @p0 $0x1B8D  }
0xad: {  	_ =	swait.eq @p0 [sflag:s6], $0x1  }
0xae: {  	[sflag:s6] =	ssyncadd.s32 @p0 $0xFFFFFFFF  }
0xaf: {  	s7 =	sshll.u32 @!p0 s1, $0xE  }
0xb0: {  	s7 =	sor.u32 @!p0 $0x4000, s7;
	s6 =	simm.s32 @!p0 $0x1B8D  }
0xb1: {  	s5 =	sshll.u32 @!p0 s5, $0x11;
	s7 =	sadd.s32 @!p0 $0x11B8D, s7;
	_ =	swait.eq @!p0 [sflag:s6], $0x1  }
0xb2: {  	s5 =	sor.u32 @!p0 s5, s7;
	[sflag:s6] =	ssyncadd.s32 @!p0 $0xFFFFFFFF  }
0xb3: {  	s25 =	simm.s32 $0x1B8E;
	s24 =	sld [smem:$0x3FFE];
	[sflag:s5] =	ssyncadd.remote.s32 @!p0 $0x1  }
0xb4: {  	s26 =	simm.s32 $execute0_lowered;
	[smem:$0x3FD2] =	sst s25  }
0xb5: {  	s6 =	sshll.u32 s26, $0x1;
	_ =	strace $0x8000004C;
	[dreg:$0x1] =	wrdreg $0xFFFFFFFF  }
0xb6: {  	s28 =	simm.s32 $_size_execute0_lowered;
	s4 =	sadd.s32 s4, s6;
	[dreg:$0x0] =	wrdreg $0x0  }
0xb7: {  	s6 =	sshll.u32 s28, $0x1;
	[dreg:$0x2] =	wrdreg s4  }
0xb8: {  	[dreg:$0x3] =	wrdreg s6  }
0xb9: {  	[dreg:$0x4] =	wrdreg $0xC0  }
0xba: {  	_ =	task [dreg:s22], $0x5FFFF  }
0xbb: {  	[dreg:$0x1] =	wrdreg $0xFFFFFFFF  }
0xbc: {  	[dreg:$0x0] =	wrdreg $0x60  }
0xbd: {  	[dreg:$0x2] =	wrdreg s18  }
0xbe: {  	[dreg:$0x3] =	wrdreg s24  }
0xbf: {  	[dreg:$0x4] =	wrdreg $0xA  }
0xc0: {  	_ =	task.clear_ibuf [dreg:s22], $0x5FFFF;
	_ =	strace $0x9000004C  }
0xc1: {  	s29 =	simm.s32 $0xA;
	_ =	strace $0x8000004E  }
0xc2: {  	_ =	swait.ge [sflag:s29], $0x1  }
0xc3: {  	[sflag:s29] =	ssyncadd.s32 $0xFFFFFFFF  }
0xc4: {  	_ =	strace $0x9000004E  }
0xc5: {  	_ =	sfence  }
0xc6: {  	s30 =	sld [smem:$0x0];
	_ =	sdelay $0x2  }
0xc7: {  	s31 =	sshll.u32 s1, $0xD;
	s1 =	sshrl.u32 s1, $0x2  }
0xc8: {  	s4 =	sand.u32 $0x4000, s31;
	s1 =	sadd.s32 s1, s30  }
0xc9: {  	s0 =	sor.u32 s4, s0;
	s1 =	sshll.u32 s1, $0x11  }
0xca: {  	s0 =	sor.u32 s1, s0  }
0xcb: {  	s0 =	sadd.s32 $0x8F2B, s0  }
0xcc: {  	[sflag:s0] =	ssyncadd.remote.s32 $0x1  }
0xcd: {  	_ =	sfence.sel $0xFFFF  }
0xce: {  	[dreg:$0x0] =	wrdreg $0xFFFFFFFF;
	(pc) =	sbr.abs _section_cstart, $3  }
0xcf: {  	[dreg:$0x1] =	wrdreg $0xFFFFFFFF  }
0xd0: {  	_ =	task.clear_ibuf [dreg:s22], $0x2FFFF;
	_ =	strace $0x9FFFFFFF  }
0xd1: {  	(tm) =	ssettm $0x7FFFFFFF  }
tec
execute0_lowered:
.L_overlay_start_1:
0x0: {  	(tag) =	ssettag $0x1  }
0x1: {  	s1 =	srdreg.scid;
	s0 =	stileid.u32  }
0x2: {  	s24 =	sand.u32 $0x1, s1;
	s31 =	sshll.u32 s0, $0x1  }
0x3: {  	s19 =	sor.u32 s24, s31  }
0x4: {  	s4 =	smul.u32 $0x60, s19  }
0x5: {  	s2 =	rddreg [dreg:$0x0]  }
0x6: {  	s20 =	rddreg [dreg:$0x1];
	s3 =	simm.s32 $0x0;
	s4 =	sshrl.u32 s4, $0x3  }
0x7: {  	[smem:$0x7FF] =	sst s3;
	s11 =	sadd.s32 s4, s20  }
0x8: {  	s1 =	rddreg [dreg:$0x2];
	_ =	strace $0x8000004D;
	s4 =	sadd.s32 $0x6E80, s11  }
0x9: {  	[tilespmem:s3], [sflag:$0x1] =	stream.linear.gather [hbm4b:s4+s3], $0x60, $0x38;
	[tilespmem:$0xF200] =	vst v63  }
0xa: {  	s6 =	simm.s32 $0x60;
	s5 =	sadd.s32 $0x7080, s11  }
0xb: {  	[tilespmem:s6], [sflag:$0x1] =	stream.linear.gather [hbm4b:s5+s3], $0x60, $0x38;
	[tilespmem:$0xF200] =	vst v63  }
0xc: {  	s8 =	simm.s32 $0xC0;
	s7 =	sadd.s32 $0x7280, s11  }
0xd: {  	[tilespmem:s8], [sflag:$0x1] =	stream.linear.gather [hbm4b:s7+s3], $0x60, $0x38;
	[tilespmem:$0xF200] =	vst v63  }
0xe: {  	s10 =	simm.s32 $0x120;
	s9 =	sadd.s32 $0x7480, s11  }
0xf: {  	[tilespmem:s10], [sflag:$0x1] =	stream.linear.gather [hbm4b:s9+s3], $0x60, $0x38;
	[tilespmem:$0xF200] =	vst v63  }
0x10: {  	s13 =	simm.s32 $0x180;
	s12 =	simm.s32 $0x1;
	s11 =	sadd.s32 $0x7680, s11  }
0x11: {  	[tilespmem:s13], [sflag:$0x1] =	stream.linear.gather [hbm4b:s11+s3], $0x60, $0x38;
	[tilespmem:$0xF200] =	vst v63  }
0x12: {  	_ =	swait.ge [sflag:s12], $0x60  }
0x13: {  	[sflag:s12] =	ssyncset.done $0x0  }
0x14: {  	[sflag:s12] =	ssyncadd.s32 $0xFFFFFFA0  }
0x15: {  	_ =	swait.ge [sflag:s12], $0x60  }
0x16: {  	[sflag:s12] =	ssyncset.done $0x0  }
0x17: {  	[sflag:s12] =	ssyncadd.s32 $0xFFFFFFA0  }
0x18: {  	_ =	swait.ge [sflag:s12], $0x60  }
0x19: {  	[sflag:s12] =	ssyncset.done $0x0  }
0x1a: {  	[sflag:s12] =	ssyncadd.s32 $0xFFFFFFA0  }
0x1b: {  	_ =	swait.ge [sflag:s12], $0x60  }
0x1c: {  	[sflag:s12] =	ssyncset.done $0x0  }
0x1d: {  	[sflag:s12] =	ssyncadd.s32 $0xFFFFFFA0  }
0x1e: {  	_ =	swait.ge [sflag:s12], $0x60  }
0x1f: {  	[sflag:s12] =	ssyncset.done $0x0  }
0x20: {  	s14 =	simm.s32 $0x200;
	[sflag:s12] =	ssyncadd.s32 $0xFFFFFFA0  }
0x21: {  	[tilespmem:s14], [sflag:$0x1] =	stream.indirect.gather [hbm4b:s2+s6], $0x80, s3, s6, $0xb8;
	[tilespmem:$0xF200] =	vst v63  }
0x22: {  	s15 =	simm.s32 $0x3200  }
0x23: {  	[tilespmem:s15], [sflag:$0x1] =	stream.indirect.gather [hbm4b:s2+s6], $0x80, s6, s6, $0xb8;
	[tilespmem:$0xF200] =	vst v63  }
0x24: {  	s16 =	simm.s32 $0x6200  }
0x25: {  	[tilespmem:s16], [sflag:$0x1] =	stream.indirect.gather [hbm4b:s2+s6], $0x80, s8, s6, $0xb8;
	[tilespmem:$0xF200] =	vst v63  }
0x26: {  	s17 =	simm.s32 $0x9200  }
0x27: {  	[tilespmem:s17], [sflag:$0x1] =	stream.indirect.gather [hbm4b:s2+s6], $0x80, s10, s6, $0xb8;
	[tilespmem:$0xF200] =	vst v63  }
0x28: {  	s18 =	simm.s32 $0xC200  }
0x29: {  	[tilespmem:s18], [sflag:$0x1] =	stream.indirect.gather [hbm4b:s2+s6], $0x80, s13, s6, $0xb8;
	[tilespmem:$0xF200] =	vst v63  }
0x2a: {  	_ =	swait.ge [sflag:s12], $0x3000  }
0x2b: {  	[sflag:s12] =	ssyncset.done $0x0  }
0x2c: {  	[sflag:s12] =	ssyncadd.s32 $0xFFFFD000  }
0x2d: {  	_ =	swait.ge [sflag:s12], $0x3000  }
0x2e: {  	[sflag:s12] =	ssyncset.done $0x0  }
0x2f: {  	[sflag:s12] =	ssyncadd.s32 $0xFFFFD000  }
0x30: {  	_ =	swait.ge [sflag:s12], $0x3000  }
0x31: {  	[sflag:s12] =	ssyncset.done $0x0  }
0x32: {  	[sflag:s12] =	ssyncadd.s32 $0xFFFFD000  }
0x33: {  	_ =	swait.ge [sflag:s12], $0x3000  }
0x34: {  	s19 =	smul.u32 $0x3000, s19;
	[sflag:s12] =	ssyncset.done $0x0  }
0x35: {  	[sflag:s12] =	ssyncadd.s32 $0xFFFFD000  }
0x36: {  	s19 =	sshrl.u32 s19, $0x3;
	_ =	swait.ge [sflag:s12], $0x3000  }
0x37: {  	s23 =	sadd.s32 s19, s20;
	[sflag:s12] =	ssyncset.done $0x0  }
0x38: {  	s19 =	sadd.s32 $0x1B800, s23;
	[sflag:s12] =	ssyncadd.s32 $0xFFFFD000  }
0x39: {  	[hbm4b:s19+s3] =	stream.linear.scatter [tilespmem:s14], [sflag:$0x1], $0x3000, $0x38;
	[tilespmem:$0xF200] =	vst v63  }
0x3a: {  	s20 =	sadd.s32 $0x27800, s23  }
0x3b: {  	[hbm4b:s20+s3] =	stream.linear.scatter [tilespmem:s15], [sflag:$0x1], $0x3000, $0x38;
	[tilespmem:$0xF200] =	vst v63  }
0x3c: {  	s21 =	sadd.s32 $0x33800, s23  }
0x3d: {  	[hbm4b:s21+s3] =	stream.linear.scatter [tilespmem:s16], [sflag:$0x1], $0x3000, $0x38;
	[tilespmem:$0xF200] =	vst v63  }
0x3e: {  	s22 =	sadd.s32 $0x3F800, s23  }
0x3f: {  	[hbm4b:s22+s3] =	stream.linear.scatter [tilespmem:s17], [sflag:$0x1], $0x3000, $0x38;
	[tilespmem:$0xF200] =	vst v63  }
0x40: {  	s23 =	sadd.s32 $0x4B800, s23  }
0x41: {  	[hbm4b:s23+s3] =	stream.linear.scatter [tilespmem:s18], [sflag:$0x1], $0x3000, $0x38;
	[tilespmem:$0xF200] =	vst v63  }
0x42: {  	_ =	swait.ge [sflag:s12], $0x3000  }
0x43: {  	[sflag:s12] =	ssyncset.done $0x0  }
0x44: {  	[sflag:s12] =	ssyncadd.s32 $0xFFFFD000  }
0x45: {  	_ =	swait.ge [sflag:s12], $0x3000  }
0x46: {  	s24 =	ssub.s32 $0x2, s24;
	[sflag:s12] =	ssyncset.done $0x0  }
0x47: {  	s25 =	sshrl.u32 s24, $0x1;
	[sflag:s12] =	ssyncadd.s32 $0xFFFFD000  }
0x48: {  	s24 =	ssub.s32 s24, s25;
	_ =	swait.ge [sflag:s12], $0x3000  }
0x49: {  	s24 =	smax.u32 s24, $0x1;
	[sflag:s12] =	ssyncset.done $0x0  }
0x4a: {  	p0 =	sne.s32 s24, $0x1;
	[sflag:s12] =	ssyncadd.s32 $0xFFFFD000  }
.Ltmp0:
0x4b: {  	_ =	swait.ge [sflag:s12], $0x3000;
	(pc) =	sbr.rel @!p0 .LBB2_2-.Ltmp0, $4  }
0x4c: {  	[sflag:s12] =	ssyncset.done $0x0  }
0x4d: {  	[sflag:s12] =	ssyncadd.s32 $0xFFFFD000  }
0x4e: {  	_ =	swait.ge [sflag:s12], $0x3000  }
0x4f: {  	s24 =	sadd.s32 $0xFFFFFFFF, s24;
	[sflag:s12] =	ssyncset.done $0x0  }
.LBB2_1:
0x50: {  	p0 =	sne.s32 s24, $0x1;
	s24 =	sadd.s32 $0xFFFFFFFF, s24;
	[sflag:s12] =	ssyncadd.s32 $0xFFFFD000  }
0x51: {  	[tilespmem:s3], [sflag:$0x1] =	stream.linear.gather [hbm4b:s4+s3], $0x60, $0x38;
	[tilespmem:$0xF200] =	vst v63  }
0x52: {  	_ = 	snop  }
0x53: {  	[tilespmem:s6], [sflag:$0x1] =	stream.linear.gather [hbm4b:s5+s3], $0x60, $0x38;
	[tilespmem:$0xF200] =	vst v63  }
0x54: {  	_ = 	snop  }
0x55: {  	[tilespmem:s8], [sflag:$0x1] =	stream.linear.gather [hbm4b:s7+s3], $0x60, $0x38;
	[tilespmem:$0xF200] =	vst v63  }
0x56: {  	_ = 	snop  }
0x57: {  	[tilespmem:s10], [sflag:$0x1] =	stream.linear.gather [hbm4b:s9+s3], $0x60, $0x38;
	[tilespmem:$0xF200] =	vst v63  }
0x58: {  	_ = 	snop  }
0x59: {  	[tilespmem:s13], [sflag:$0x1] =	stream.linear.gather [hbm4b:s11+s3], $0x60, $0x38;
	[tilespmem:$0xF200] =	vst v63  }
0x5a: {  	_ =	swait.ge [sflag:s12], $0x60  }
0x5b: {  	[sflag:s12] =	ssyncset.done $0x0  }
0x5c: {  	[sflag:s12] =	ssyncadd.s32 $0xFFFFFFA0  }
0x5d: {  	_ =	swait.ge [sflag:s12], $0x60  }
0x5e: {  	[sflag:s12] =	ssyncset.done $0x0  }
0x5f: {  	[sflag:s12] =	ssyncadd.s32 $0xFFFFFFA0  }
0x60: {  	_ =	swait.ge [sflag:s12], $0x60  }
0x61: {  	[sflag:s12] =	ssyncset.done $0x0  }
0x62: {  	[sflag:s12] =	ssyncadd.s32 $0xFFFFFFA0  }
0x63: {  	_ =	swait.ge [sflag:s12], $0x60  }
0x64: {  	[sflag:s12] =	ssyncset.done $0x0  }
0x65: {  	[sflag:s12] =	ssyncadd.s32 $0xFFFFFFA0  }
0x66: {  	_ =	swait.ge [sflag:s12], $0x60  }
0x67: {  	[sflag:s12] =	ssyncset.done $0x0  }
0x68: {  	[sflag:s12] =	ssyncadd.s32 $0xFFFFFFA0  }
0x69: {  	[tilespmem:s14], [sflag:$0x1] =	stream.indirect.gather [hbm4b:s2+s6], $0x80, s3, s6, $0xb8;
	[tilespmem:$0xF200] =	vst v63  }
0x6a: {  	_ = 	snop  }
0x6b: {  	[tilespmem:s15], [sflag:$0x1] =	stream.indirect.gather [hbm4b:s2+s6], $0x80, s6, s6, $0xb8;
	[tilespmem:$0xF200] =	vst v63  }
0x6c: {  	_ = 	snop  }
0x6d: {  	[tilespmem:s16], [sflag:$0x1] =	stream.indirect.gather [hbm4b:s2+s6], $0x80, s8, s6, $0xb8;
	[tilespmem:$0xF200] =	vst v63  }
0x6e: {  	_ = 	snop  }
0x6f: {  	[tilespmem:s17], [sflag:$0x1] =	stream.indirect.gather [hbm4b:s2+s6], $0x80, s10, s6, $0xb8;
	[tilespmem:$0xF200] =	vst v63  }
0x70: {  	_ = 	snop  }
0x71: {  	[tilespmem:s18], [sflag:$0x1] =	stream.indirect.gather [hbm4b:s2+s6], $0x80, s13, s6, $0xb8;
	[tilespmem:$0xF200] =	vst v63  }
0x72: {  	_ =	swait.ge [sflag:s12], $0x3000  }
0x73: {  	[sflag:s12] =	ssyncset.done $0x0  }
0x74: {  	[sflag:s12] =	ssyncadd.s32 $0xFFFFD000  }
0x75: {  	_ =	swait.ge [sflag:s12], $0x3000  }
0x76: {  	[sflag:s12] =	ssyncset.done $0x0  }
0x77: {  	[sflag:s12] =	ssyncadd.s32 $0xFFFFD000  }
0x78: {  	_ =	swait.ge [sflag:s12], $0x3000  }
0x79: {  	[sflag:s12] =	ssyncset.done $0x0  }
0x7a: {  	[sflag:s12] =	ssyncadd.s32 $0xFFFFD000  }
0x7b: {  	_ =	swait.ge [sflag:s12], $0x3000  }
0x7c: {  	[sflag:s12] =	ssyncset.done $0x0  }
0x7d: {  	[sflag:s12] =	ssyncadd.s32 $0xFFFFD000  }
0x7e: {  	_ =	swait.ge [sflag:s12], $0x3000  }
0x7f: {  	[sflag:s12] =	ssyncset.done $0x0  }
0x80: {  	[sflag:s12] =	ssyncadd.s32 $0xFFFFD000  }
0x81: {  	[hbm4b:s19+s3] =	stream.linear.scatter [tilespmem:s14], [sflag:$0x1], $0x3000, $0x38;
	[tilespmem:$0xF200] =	vst v63  }
0x82: {  	_ = 	snop  }
0x83: {  	[hbm4b:s20+s3] =	stream.linear.scatter [tilespmem:s15], [sflag:$0x1], $0x3000, $0x38;
	[tilespmem:$0xF200] =	vst v63  }
0x84: {  	_ = 	snop  }
0x85: {  	[hbm4b:s21+s3] =	stream.linear.scatter [tilespmem:s16], [sflag:$0x1], $0x3000, $0x38;
	[tilespmem:$0xF200] =	vst v63  }
0x86: {  	_ = 	snop  }
0x87: {  	[hbm4b:s22+s3] =	stream.linear.scatter [tilespmem:s17], [sflag:$0x1], $0x3000, $0x38;
	[tilespmem:$0xF200] =	vst v63  }
0x88: {  	_ = 	snop  }
0x89: {  	[hbm4b:s23+s3] =	stream.linear.scatter [tilespmem:s18], [sflag:$0x1], $0x3000, $0x38;
	[tilespmem:$0xF200] =	vst v63  }
0x8a: {  	_ =	swait.ge [sflag:s12], $0x3000  }
0x8b: {  	[sflag:s12] =	ssyncset.done $0x0  }
0x8c: {  	[sflag:s12] =	ssyncadd.s32 $0xFFFFD000  }
0x8d: {  	_ =	swait.ge [sflag:s12], $0x3000  }
0x8e: {  	[sflag:s12] =	ssyncset.done $0x0  }
0x8f: {  	[sflag:s12] =	ssyncadd.s32 $0xFFFFD000  }
0x90: {  	_ =	swait.ge [sflag:s12], $0x3000  }
0x91: {  	[sflag:s12] =	ssyncset.done $0x0  }
0x92: {  	[sflag:s12] =	ssyncadd.s32 $0xFFFFD000  }
.Ltmp1:
0x93: {  	_ =	swait.ge [sflag:s12], $0x3000;
	(pc) =	sbr.rel @p0 .LBB2_1-.Ltmp1, $4  }
0x94: {  	[sflag:s12] =	ssyncset.done $0x0  }
0x95: {  	[sflag:s12] =	ssyncadd.s32 $0xFFFFD000  }
0x96: {  	_ =	swait.ge [sflag:s12], $0x3000  }
0x97: {  	[sflag:s12] =	ssyncset.done $0x0  }
.LBB2_2:
0x98: {  	[sflag:s12] =	ssyncadd.s32 $0xFFFFD000  }
0x99: {  	_ =	sfence.sel $0x180000  }
0x9a: {  	[bflag:$0x0] =	sbarrier.arrive $0xFFFF  }
0x9b: {  	p0 =	sne.s32 s0, $0x0;
	_ =	strace $0x9000004D  }
0x9c: {  	s0 =	sadd.s32 @!p0 $0x100000, s1;
	[bflag:$0x2] =	sbarrier.arrive $0xFFFF  }
0x9d: {  	[sflag:s0] =	ssyncadd.tile.s32 @!p0 $0x1;
	_ =	shalt  }
.Lfunc_end2:
_tile_overlayer_lowered:
.L_overlay_start_2:
0x9e: {  	(tag) =	ssettag $0x2  }
0x9f: {  	s0 =	rddreg [dreg:$0x0];
	s2 =	stileid.u32  }
0xa0: {  	s1 =	rddreg [dreg:$0x1];
	p0 =	sne.s32 s2, $0x0  }
0xa1: {  	s3 =	rddreg [dreg:$0x2];
	[bflag:$0x3] =	sbarrier.arrive $0xFFFF;
	s2 =	simm.s32 @!p0 $0x1C02  }
0xa2: {  	[timem:s3], [sflag:s2] =	dma.local @!p0 [hbm:s0], s1  }
0xa3: {  	s0 =	simm.s32 @!p0 $0x2  }
0xa4: {  	_ =	swait.ge @!p0 [sflag:s0], s1  }
0xa5: {  	s1 =	ssub.s32 @!p0 $0x0, s1;
	[sflag:s0] =	ssyncset.done @!p0 $0x0  }
0xa6: {  	[sflag:s0] =	ssyncadd.s32 @!p0 s1  }
0xa7: {  	[bflag:$0x3] =	sbarrier.arrive $0xFFFF  }
0xa8: {  	_ =	shalt  }

// kernel: kernel.8.cloned.1.call-start
scs
__scs_entry_jumppad:
0x0: {  	(pc) =	sbr.rel $0x88, $3  }
0x1: {  	(tag) =	ssettag $0x0;
	lr =	simm.s32 $0x1  }
0x2: {  	[smem:$0x3F99] =	sst lr;
	_ =	strace $0xD0000000  }
0x3: {  	_ = 	snop  }
0x4: {  	_ = 	snop  }
0x5: {  	_ = 	snop  }
0x6: {  	_ = 	snop  }
0x7: {  	_ = 	snop  }
__scs_overlays_trampoline_lowered:
0x8: {  	[smem:$0x3FA8] =	sst s0  }
0x9: {  	[smem:$0x3FA9] =	sst s1  }
0xa: {  	[smem:$0x3FAA] =	sst s2  }
0xb: {  	[smem:$0x3FAB] =	sst s3  }
0xc: {  	[smem:$0x3FAC] =	sst s4  }
0xd: {  	[smem:$0x3FAD] =	sst s5  }
0xe: {  	[smem:$0x3FAE] =	sst s6  }
0xf: {  	[smem:$0x3FAF] =	sst s7  }
0x10: {  	[smem:$0x3FB0] =	sst s8  }
0x11: {  	[smem:$0x3FB1] =	sst s9;
	s0 =	simm.s32 @!p0 $0x0  }
0x12: {  	s1 =	sld [smem:$0x3F97];
	s0 =	simm.s32 @p0 $0x1  }
0x13: {  	[smem:$0x3FB2] =	sst s0;
	s0 =	simm.s32 @!p1 $0x0  }
0x14: {  	s2 =	sld [smem:$0x3F96];
	s0 =	simm.s32 @p1 $0x1  }
0x15: {  	[smem:$0x3FB3] =	sst s0;
	s0 =	simm.s32 @!p2 $0x0  }
0x16: {  	s3 =	sld [smem:$0x3FDB];
	s0 =	simm.s32 @p2 $0x1  }
0x17: {  	s4 =	simm.s32 $0x1BF5;
	[smem:$0x3FB5] =	sst s0  }
0x18: {  	s0 =	sld [smem:$0x3F98];
	_ =	swait.ge [sflag:s4], $0x0  }
0x19: {  	s7 =	sld [smem:$0x3F99]  }
0x1a: {  	s8 =	sadd.s32 $0xFFFFE003, lr  }
0x1b: {  	s9 =	sadd.s32 $0xFFFFFEF7, lr;
	s5 =	simm.s32 $0xFFFFFFFF;
	p2 =	slt.u32 s8, $0xFFFFF086  }
0x1c: {  	p1 =	slt.u32 s9, $0xF7A;
	s5 =	simm.s32 @!p2 $0x0  }
0x1d: {  	s5 =	simm.s32 @p1 $0x1;
	p0 =	seq.s32 s7, s2  }
0x1e: {  	s7 =	smul.u32 @!p0 $0xF7A, s2;
	p2 =	seq.s32 @!p0 s5, $0x0  }
0x1f: {  	s9 =	smul.u32 $0xF7A, s1;
	s8 =	simm.s32 @!p0 $0x1BF5;
	p2 =	por !p2, p0  }
0x20: {  	[sflag:s8] =	ssyncset.s32 @!p0 $0xFFFFF086;
	s6 =	sadd.s32 @!p0 s3, s7;
	s7 =	simm.s32 @!p0 $0x108  }
0x21: {  	s3 =	sadd.s32 s3, s9;
	s6 =	sadd.s32 @!p0 $0x88, s6;
	s7 =	simm.s32 @p2 $0x1082  }
0x22: {  	[simem:s7], [sflag:s8] =	dma.local @!p0 [hbm:s6], $0xF7A  }
0x23: {  	s9 =	sor.u32 $0xD0000000, s2;
	s6 =	simm.s32 $0x108;
	_ =	swait.ge @!p0 [sflag:s8], $0x0  }
0x24: {  	s3 =	sadd.s32 $0x88, s3;
	s6 =	simm.s32 @!p1 $0x1082;
	[sflag:s4] =	ssyncset.s32 $0xFFFFF086  }
0x25: {  	[simem:s6], [sflag:s4] =	dma.local [hbm:s3], $0xF7A  }
0x26: {  	[smem:$0x3F99] =	sst s1;
	(tag) =	ssettag s2;
	_ =	strace s9  }
0x27: {  	s1 =	sld [smem:$0x3FA9]  }
0x28: {  	s2 =	sld [smem:$0x3FAA]  }
0x29: {  	s4 =	sld [smem:$0x3FAC]  }
0x2a: {  	p0 =	seq.s32 s5, $0x0;
	s5 =	sld [smem:$0x3FAD]  }
0x2b: {  	s6 =	sld [smem:$0x3FAE]  }
0x2c: {  	s7 =	sld [smem:$0x3FAF]  }
0x2d: {  	s3 =	simm.s32 $0x108;
	s8 =	sld [smem:$0x3FB0]  }
0x2e: {  	s3 =	simm.s32 @!p0 $0x1082;
	s9 =	sld [smem:$0x3FB1]  }
0x2f: {  	lr =	sadd.s32 s0, s3;
	s0 =	sld [smem:$0x3FA8]  }
0x30: {  	s3 =	sld [smem:$0x3FAB]  }
0x31: {  	[smem:$0x3FB4] =	sst s10  }
0x32: {  	s10 =	sld [smem:$0x3FB2];
	_ =	sdelay $0x3  }
0x33: {  	p0 =	seq.s32 s10, $0x1;
	s10 =	sld [smem:$0x3FB4];
	_ =	sdelay $0x3  }
0x34: {  	[smem:$0x3FB4] =	sst s10  }
0x35: {  	s10 =	sld [smem:$0x3FB3];
	_ =	sdelay $0x3  }
0x36: {  	p1 =	seq.s32 s10, $0x1;
	s10 =	sld [smem:$0x3FB4];
	_ =	sdelay $0x3  }
0x37: {  	[smem:$0x3FB4] =	sst s10  }
0x38: {  	s10 =	sld [smem:$0x3FB5]  }
0x39: {  	_ = 	snop;
	(pc) =	sbr.ind lr, $3  }
0x3a: {  	_ = 	snop  }
0x3b: {  	_ = 	snop  }
0x3c: {  	p2 =	seq.s32 s10, $0x1;
	s10 =	sld [smem:$0x3FB4]  }
0x3d: {  	_ =	shalt  }
0x3e: {  	_ =	shalt  }
0x3f: {  	_ =	shalt  }
0x40: {  	_ =	shalt  }
0x41: {  	_ =	shalt  }
0x42: {  	_ =	shalt  }
0x43: {  	_ =	shalt  }
0x44: {  	_ =	shalt  }
0x45: {  	_ =	shalt  }
0x46: {  	_ =	shalt  }
0x47: {  	_ =	shalt  }
0x48: {  	_ =	shalt  }
0x49: {  	_ =	shalt  }
0x4a: {  	_ =	shalt  }
0x4b: {  	_ =	shalt  }
0x4c: {  	_ =	shalt  }
0x4d: {  	_ =	shalt  }
0x4e: {  	_ =	shalt  }
0x4f: {  	_ =	shalt  }
0x50: {  	_ =	shalt  }
0x51: {  	_ =	shalt  }
0x52: {  	_ =	shalt  }
0x53: {  	_ =	shalt  }
0x54: {  	_ =	shalt  }
0x55: {  	_ =	shalt  }
0x56: {  	_ =	shalt  }
0x57: {  	_ =	shalt  }
0x58: {  	_ =	shalt  }
0x59: {  	_ =	shalt  }
0x5a: {  	_ =	shalt  }
0x5b: {  	_ =	shalt  }
0x5c: {  	_ =	shalt  }
0x5d: {  	_ =	shalt  }
0x5e: {  	_ =	shalt  }
0x5f: {  	_ =	shalt  }
0x60: {  	_ =	shalt  }
0x61: {  	_ =	shalt  }
0x62: {  	_ =	shalt  }
0x63: {  	_ =	shalt  }
0x64: {  	_ =	shalt  }
0x65: {  	_ =	shalt  }
0x66: {  	_ =	shalt  }
0x67: {  	_ =	shalt  }
0x68: {  	_ =	shalt  }
0x69: {  	_ =	shalt  }
0x6a: {  	_ =	shalt  }
0x6b: {  	_ =	shalt  }
0x6c: {  	_ =	shalt  }
0x6d: {  	_ =	shalt  }
0x6e: {  	_ =	shalt  }
0x6f: {  	_ =	shalt  }
0x70: {  	_ =	shalt  }
0x71: {  	_ =	shalt  }
0x72: {  	_ =	shalt  }
0x73: {  	_ =	shalt  }
0x74: {  	_ =	shalt  }
0x75: {  	_ =	shalt  }
0x76: {  	_ =	shalt  }
0x77: {  	_ =	shalt  }
0x78: {  	_ =	shalt  }
0x79: {  	_ =	shalt  }
0x7a: {  	_ =	shalt  }
0x7b: {  	_ =	shalt  }
0x7c: {  	_ =	shalt  }
0x7d: {  	_ =	shalt  }
0x7e: {  	_ =	shalt  }
0x7f: {  	_ =	shalt  }
0x80: {  	_ =	shalt  }
0x81: {  	_ =	shalt  }
0x82: {  	_ =	shalt  }
0x83: {  	_ =	shalt  }
0x84: {  	_ =	shalt  }
0x85: {  	_ =	shalt  }
0x86: {  	_ =	shalt  }
0x87: {  	_ =	shalt  }
.Lfunc_end0:
.L_simem_size_0:
called_computation_lowered:
.L_overlay_start_0:
0x88: {  	s2 =	sld [smem:$0x3FD9]  }
0x89: {  	s3 =	sld [smem:$0x3FFE];
	_ =	sdelay $0x1  }
0x8a: {  	s1 =	srdreg.scid  }
0x8b: {  	s0 =	sand.u32 $0x1, s1  }
0x8c: {  	s16 =	sshll.u32 s0, $0xA;
	s2 =	sadd.s32 s3, s2  }
0x8d: {  	s2 =	sadd.s32 s2, s16  }
0x8e: {  	[smem:$0x3FC0] =	sst s2  }
0x8f: {  	_ = 	snop  }
0x90: {  	(tm) =	ssettm $0x1  }
0x91: {  	s17 =	sld [smem:$0x3FFB];
	_ =	sdelay $0x3  }
0x92: {  	_ =	strace s17  }
0x93: {  	s2 =	sld [smem:$0x3FFC];
	_ =	sdelay $0x3  }
0x94: {  	_ =	strace s2  }
0x95: {  	s2 =	sld [smem:$0x3FFD];
	_ =	sdelay $0x3  }
0x96: {  	_ =	strace s2  }
0x97: {  	_ =	strace $0x8FFFFFFF  }
0x98: {  	s18 =	sld [smem:$0x3FDB];
	_ =	sdelay $0x1  }
0x99: {  	s19 =	simm.s32 $_scs_section_size  }
0x9a: {  	s4 =	simm.s32 $_size__tile_overlayer_lowered;
	s5 =	simm.s32 $_tile_overlayer_lowered  }
0x9b: {  	s22 =	simm.s32 $0x1BFF;
	s21 =	sshll.u32 s5, $0x1;
	s2 =	sadd.s32 s19, s18  }
0x9c: {  	s6 =	simm.s32 $0x0;
	s20 =	sshll.u32 s4, $0x1;
	s4 =	sadd.s32 s21, s2  }
0x9d: {  	[timem:s6], [sflag:s22] =	dma.local [hbm:s4], s20  }
0x9e: {  	_ =	swait.ge [sflag:s22], s20  }
0x9f: {  	s3 =	ssub.s32 $0x0, s20;
	[sflag:s22] =	ssyncset.done $0x0  }
0xa0: {  	[sflag:s22] =	ssyncadd.s32 s3;
	_ =	sdelay $0x1  }
0xa1: {  	s23 =	simm.s32 $0x1B8B  }
0xa2: {  	_ =	swait.ge [sflag:s23], $0x1  }
0xa3: {  	[sflag:s23] =	ssyncset.done $0x0  }
0xa4: {  	s25 =	simm.s32 $0x1B8E;
	s24 =	sld [smem:$0x3FFE];
	[sflag:s23] =	ssyncadd.s32 $0xFFFFFFFF  }
0xa5: {  	s26 =	simm.s32 $execute0_lowered;
	[smem:$0x3FD2] =	sst s25  }
0xa6: {  	s4 =	sshll.u32 s26, $0x1;
	_ =	strace $0x80000046;
	[dreg:$0x1] =	wrdreg $0xFFFFFFFF  }
0xa7: {  	s28 =	simm.s32 $_size_execute0_lowered;
	s2 =	sadd.s32 s2, s4;
	[dreg:$0x0] =	wrdreg $0x0  }
0xa8: {  	s4 =	sshll.u32 s28, $0x1;
	[dreg:$0x2] =	wrdreg s2  }
0xa9: {  	[dreg:$0x3] =	wrdreg s4  }
0xaa: {  	[dreg:$0x4] =	wrdreg $0xC0  }
0xab: {  	_ =	task [dreg:s6], $0x5FFFF  }
0xac: {  	[dreg:$0x1] =	wrdreg $0xFFFFFFFF  }
0xad: {  	[dreg:$0x0] =	wrdreg $0x60  }
0xae: {  	[dreg:$0x2] =	wrdreg s24  }
0xaf: {  	[dreg:$0x3] =	wrdreg $0x83000  }
0xb0: {  	[dreg:$0x4] =	wrdreg $0x8B000  }
0xb1: {  	[dreg:$0x5] =	wrdreg $0x9  }
0xb2: {  	_ =	task.clear_ibuf [dreg:s6], $0x6FFFF;
	_ =	strace $0x90000046  }
0xb3: {  	s29 =	simm.s32 $0x9;
	_ =	strace $0x80000048  }
0xb4: {  	_ =	swait.ge [sflag:s29], $0x1  }
0xb5: {  	[sflag:s29] =	ssyncadd.s32 $0xFFFFFFFF  }
0xb6: {  	_ =	strace $0x90000048  }
0xb7: {  	_ =	sfence  }
0xb8: {  	s30 =	sld [smem:$0x0];
	_ =	sdelay $0x2  }
0xb9: {  	s31 =	sshll.u32 s1, $0xD;
	s1 =	sshrl.u32 s1, $0x2  }
0xba: {  	s3 =	sand.u32 $0x4000, s31;
	s1 =	sadd.s32 s1, s30  }
0xbb: {  	s0 =	sor.u32 s3, s0;
	s1 =	sshll.u32 s1, $0x11  }
0xbc: {  	s0 =	sor.u32 s1, s0  }
0xbd: {  	s0 =	sadd.s32 $0x8F2B, s0  }
0xbe: {  	[sflag:s0] =	ssyncadd.remote.s32 $0x1  }
0xbf: {  	_ =	sfence.sel $0xFFFF  }
0xc0: {  	[dreg:$0x0] =	wrdreg $0xFFFFFFFF;
	(pc) =	sbr.abs _section_cstart, $3  }
0xc1: {  	[dreg:$0x1] =	wrdreg $0xFFFFFFFF  }
0xc2: {  	_ =	task.clear_ibuf [dreg:s6], $0x2FFFF;
	_ =	strace $0x9FFFFFFF  }
0xc3: {  	(tm) =	ssettm $0x7FFFFFFF  }
tec
execute0_lowered:
.L_overlay_start_1:
0x0: {  	(tag) =	ssettag $0x1  }
0x1: {  	s1 =	rddreg [dreg:$0x0]  }
0x2: {  	s7 =	rddreg [dreg:$0x1]  }
0x3: {  	s8 =	rddreg [dreg:$0x2]  }
0x4: {  	s2 =	simm.s32 $0x0;
	s0 =	srdreg.scid;
	s11 =	stileid.u32  }
0x5: {  	v0 =	vimm.s32 $0x1780;
	vm0 =	vcmask $0x300;
	s16 =	simm.s32 $0x1;
	s18 =	simm.s32 $0x2000;
	s19 =	simm.s32 $0x2800  }
0x6: {  	vm14 =	vcmask $0x704;
	s20 =	simm.s32 $0x80;
	s21 =	simm.s32 $0x400;
	s23 =	simm.s32 $0x5000;
	v0 =	vsel vm0, $0x0, v0  }
0x7: {  	vm15 =	vcmask $0xB08;
	s28 =	simm.s32 $0x8000;
	s31 =	simm.s32 $0x8100;
	s17 =	simm.s32 $0x0;
	v0 =	vsel vm14, $0x80, v0  }
0x8: {  	vm4 =	vcmask $0xF0C;
	[smem:$0x7FF] =	sst s2;
	s3 =	sand.u32 $0x1, s0;
	s4 =	sshll.u32 s11, $0x9;
	v0 =	vsel vm15, $0x100, v0  }
0x9: {  	vm5 =	vcmask $0x1310;
	s5 =	sshll.u32 s11, $0x7;
	s10 =	sshrl.u32 s11, $0x3;
	s29 =	smul.u32 $0x5000, s11;
	v0 =	vsel vm4, $0x180, v0  }
0xa: {  	vm6 =	vcmask $0x1714;
	s30 =	sshll.u32 s11, $0xA;
	_ =	strace $0x80000047;
	s0 =	sshll.u32 s3, $0xB;
	v0 =	vsel vm5, $0x200, v0  }
0xb: {  	vm7 =	vcmask $0x1B18;
	s4 =	sadd.s32 s4, s1;
	s3 =	ssub.s32 $0x2, s3;
	s24 =	smul.u32 $0x50000, s10;
	v0 =	vsel vm6, $0x280, v0  }
0xc: {  	vm8 =	vcmask $0x1F1C;
	s25 =	sand.u32 $0x380, s5;
	s26 =	sshll.u32 s10, $0xE;
	s6 =	sor.u32 s5, s0;
	v0 =	vsel vm7, $0x300, v0  }
0xd: {  	vm9 =	vcmask $0x2320;
	s9 =	sshrl.u32 s3, $0x1;
	s5 =	sadd.s32 s26, s7;
	s10 =	sshrl.u32 s29, $0x2;
	v0 =	vsel vm8, $0x380, v0  }
0xe: {  	vm10 =	vcmask $0x2724;
	s7 =	sadd.s32 s30, s7;
	s26 =	simm.s32 $0x5800;
	s6 =	sshrl.u32 s6, $0x3;
	v0 =	vsel vm9, $0x1400, v0  }
0xf: {  	vm11 =	vcmask $0x2B28;
	s15 =	ssub.s32 s3, s9;
	s3 =	sadd.s32 $0x4C00, s4;
	s4 =	sadd.s32 $0x2C00, s4;
	v0 =	vsel vm10, $0x1480, v0  }
0x10: {  	vm12 =	vcmask $0x2F2C;
	s5 =	sadd.s32 s25, s5;
	s1 =	sadd.s32 s6, s1;
	s6 =	sshrl.u32 s24, $0x2;
	v0 =	vsel vm11, $0x1500, v0  }
0x11: {  	vm13 =	vcmask $0x3330;
	s15 =	smax.u32 s15, $0x1;
	s6 =	sadd.s32 s6, s8;
	s8 =	sadd.s32 s10, s8;
	v1 =	vsel vm12, $0x1580, v0  }
0x12: {  	v2 =	vlaneseq.u32;
	vm14 =	vcmask $0x3734;
	s9 =	sadd.s32 $0x6C00, s1;
	s10 =	sadd.s32 $0x6E00, s1;
	s11 =	sadd.s32 $0x7000, s1;
	v1 =	vsel vm13, $0x1600, v1  }
0x13: {  	v2 =	vmul.u32 $0x80, v2;
	vm15 =	vcmask $0x3B38;
	s12 =	sadd.s32 $0x7200, s1;
	s13 =	sadd.s32 $0x7400, s1;
	s14 =	sadd.s32 $0x7600, s1;
	v3 =	vsel vm14, $0x1680, v1  }
0x14: {  	s1 =	simm.s32 $0x8200;
	s6 =	sadd.s32 s25, s6;
	v0 =	vmov s0;
	s0 =	simm.s32 $0x8180;
	v1 =	vimm.s32 $0x0;
	v3 =	vsel vm15, $0x1700, v3  }
.LBB2_1:
0x15: {  	[tilespmem:s2], [sflag:$0x1] =	stream.linear.gather [hbm4b:s3+s2], $0x1000, $0x38;
	[tilespmem:$0xB300] =	vst v63  }
0x16: {  	_ =	swait.ge [sflag:s16], $0x1000  }
0x17: {  	[sflag:s16] =	ssyncset.done $0x0  }
0x18: {  	s22 =	simm.s32 $0x1000;
	[sflag:s16] =	ssyncadd.s32 $0xFFFFF000  }
0x19: {  	[tilespmem:s22], [sflag:$0x1] =	stream.linear.gather [hbm4b:s4+s2], $0x1000, $0x38;
	[tilespmem:$0xB300] =	vst v63  }
0x1a: {  	_ =	swait.ge [sflag:s16], $0x1000  }
0x1b: {  	[sflag:s16] =	ssyncset.done $0x0  }
0x1c: {  	[sflag:s16] =	ssyncadd.s32 $0xFFFFF000  }
0x1d: {  	s24 =	simm.s32 $0x2000;
	s22 =	simm.s32 $0x0;
	[tilespmem:s18+$0x0] =	vst v1  }
.LBB2_2:
0x1e: {  	s22 =	sadd.s32 $0x10, s22  }
0x1f: {  	p0 =	slt.u32 s22, $0x7F0  }
.Ltmp0:
0x20: {  	_ = 	snop;
	(pc) =	sbr.rel @p0 .LBB2_2-.Ltmp0, $3  }
0x21: {  	_ =	sdelay $0x1  }
0x22: {  	s24 =	sadd.s32 $0x10, s24  }
0x23: {  	[tilespmem:s24+$0x0] =	vst v1  }
0x24: {  	v4 =	vld [tilespmem:$0x0];
	_ =	sdelay $0x4  }
0x25: {  	v4 =	vsub.s32 v4, v0  }
0x26: {  	vm0 =	vlt.u32 v4, $0x800  }
0x27: {  	(xrf1) =	vunique.msk.u32 vm0, v4;
	_ =	sdelay $0x4  }
0x28: {  	v4 =	vand.u32 $0x7FF, v4  }
0x29: {  	s22 =	simm.s32 $0x1  }
0x2a: {  	s22 =	smin.u32 s22, $0xFF  }
0x2b: {  	s22 =	sshll.u32 s22, $0x4  }
0x2c: {  	v7 =	vld [tilespmem:s22+$0x0]  }
0x2d: {  	v5 =	vld.idx.msk [tilespmem:v4+s18+$0x0], vm0;
	_ =	sdelay $0x3  }
0x2e: {  	_, v6, vm3 =	vpop (xrf1)  }
0x2f: {  	v7 =	vsub.s32 v7, v0;
	v6 =	vadd.s32 v6, v5  }
0x30: {  	vm1 =	vlt.u32 v7, $0x800;
	v5 =	vadd.s32 $0xFFFFFFFF, v6  }
0x31: {  	v8 =	vmul.u32 $0x5, v4;
	vm0 =	vmmov vm0;
	(xrf1) =	vunique.msk.u32 vm1, v7;
	vm2 =	vlt.s32 v5, $0x5  }
0x32: {  	vm2 =	vmand vm0, vm2  }
0x33: {  	vm3 =	vmand vm0, vm3;
	v8 =	vadd.s32 v8, v5;
	v5 =	vld [tilespmem:$0x1000];
	_ =	sdelay $0x2  }
0x34: {  	s24 =	simm.s32 $0x2;
	s25 =	simm.s32 $0x3;
	v7 =	vand.u32 $0x7FF, v7;
	vm0 =	vmmov vm1  }
.LBB2_4:
0x35: {  	p0 =	sne.s32 s25, $0x100  }
0x36: {  	[tilespmem:v8+s19+$0x0] =	vst.idx.msk vm2, v5;
	v5 =	vld [tilespmem:s22+$0x1000]  }
0x37: {  	s22 =	smin.u32 s24, $0xFF;
	s24 =	smov.u32 s25;
	[tilespmem:v4+s18+$0x0] =	vst.idx.msk vm3, v6;
	v4 =	vmov v7  }
0x38: {  	s22 =	sshll.u32 s22, $0x4;
	v6 =	vld.idx.msk [tilespmem:v7+s18+$0x0], vm1  }
0x39: {  	v7 =	vld [tilespmem:s22+$0x0];
	_ =	sdelay $0x3  }
0x3a: {  	_, v8, vm3 =	vpop (xrf1)  }
0x3b: {  	v7 =	vsub.s32 v7, v0;
	v6 =	vadd.s32 v8, v6  }
0x3c: {  	vm1 =	vlt.u32 v7, $0x800;
	v8 =	vadd.s32 $0xFFFFFFFF, v6  }
0x3d: {  	v9 =	vmul.u32 $0x5, v4;
	vm2 =	vlt.s32 v8, $0x5;
	(xrf1) =	vunique.msk.u32 vm1, v7  }
.Ltmp1:
0x3e: {  	vm2 =	vmand vm0, vm2;
	(pc) =	sbr.rel @p0 .LBB2_4-.Ltmp1, $3  }
0x3f: {  	vm3 =	vmand vm0, vm3;
	v8 =	vadd.s32 v9, v8;
	vm0 =	vmmov vm1;
	_ =	sdelay $0x1  }
0x40: {  	v7 =	vand.u32 $0x7FF, v7  }
0x41: {  	s25 =	sadd.s32 $0x1, s25  }
0x42: {  	_ =	sdelay $0x4  }
0x43: {  	v9 =	vld [tilespmem:s22+$0x1000];
	[tilespmem:v8+s19+$0x0] =	vst.idx.msk vm2, v5;
	s24 =	smin.u32 s24, $0xFF  }
0x44: {  	[tilespmem:v4+s18+$0x0] =	vst.idx.msk vm3, v6;
	s22 =	sshll.u32 s24, $0x4  }
0x45: {  	v4 =	vld [tilespmem:s22+$0x0];
	_ =	sdelay $0x4  }
0x46: {  	v5 =	vld.idx.msk [tilespmem:v7+s18+$0x0], vm1;
	v4 =	vsub.s32 v4, v0  }
0x47: {  	vm13 =	vlt.u32 v4, $0x800  }
0x48: {  	(xrf1) =	vunique.msk.u32 vm13, v4;
	_ =	sdelay $0x1  }
0x49: {  	_, v4, vm1 =	vpop (xrf1)  }
0x4a: {  	v4 =	vadd.s32 v4, v5  }
0x4b: {  	v5 =	vadd.s32 $0xFFFFFFFF, v4  }
0x4c: {  	v63 =	vmul.u32 $0x5, v7;
	vm14 =	vlt.s32 v5, $0x5  }
0x4d: {  	vm2 =	vmand vm0, vm14  }
0x4e: {  	vm15 =	vmand vm0, vm1;
	v5 =	vadd.s32 v63, v5;
	_ =	sdelay $0x4  }
0x4f: {  	[tilespmem:v5+s19+$0x0] =	vst.idx.msk vm2, v9  }
0x50: {  	[tilespmem:v7+s18+$0x0] =	vst.idx.msk vm15, v4  }
0x51: {  	_, v4, vm0 =	vpop (xrf1);
	[spmem:s5] =	stream.strided.scatter [tilespmem:s18], [sflag:$0x1], $0x800, s21, s20, $0x38;
	[tilespmem:$0xB300] =	vst v63  }
0x52: {  	_ =	swait.ge [sflag:s16], $0x800  }
0x53: {  	[sflag:s16] =	ssyncset.done $0x0  }
0x54: {  	[sflag:s16] =	ssyncadd.s32 $0xFFFFF800  }
0x55: {  	[spmem:s6] =	stream.strided.scatter [tilespmem:s19], [sflag:$0x1], $0x2800, s21, s20, $0x38;
	[tilespmem:$0xB300] =	vst v63  }
0x56: {  	_ =	swait.ge [sflag:s16], $0x2800  }
0x57: {  	[sflag:s16] =	ssyncset.done $0x0  }
0x58: {  	[sflag:s16] =	ssyncadd.s32 $0xFFFFD800  }
0x59: {  	s25 =	simm.s32 $0x4000;
	[bflag:$0x0] =	sbarrier.arrive $0xFFFF  }
0x5a: {  	[tilespmem:s23], [sflag:$0x1] =	stream.strided.gather [spmem:s7], $0x800, s25, s21, $0x38;
	[tilespmem:$0xB300] =	vst v63  }
0x5b: {  	_ =	swait.ge [sflag:s16], $0x800  }
0x5c: {  	[sflag:s16] =	ssyncset.done $0x0  }
0x5d: {  	s29 =	simm.s32 $0x1400;
	s30 =	simm.s32 $0x14000;
	[sflag:s16] =	ssyncadd.s32 $0xFFFFF800  }
0x5e: {  	[tilespmem:s26], [sflag:$0x1] =	stream.strided.gather [spmem:s8], $0x2800, s30, s29, $0x38;
	[tilespmem:$0xB300] =	vst v63  }
0x5f: {  	_ =	swait.ge [sflag:s16], $0x2800  }
0x60: {  	[sflag:s16] =	ssyncset.done $0x0  }
0x61: {  	s24 =	simm.s32 $0x8000;
	[sflag:s16] =	ssyncadd.s32 $0xFFFFD800  }
0x62: {  	s22 =	simm.s32 $0x5400;
	s25 =	simm.s32 $0x0;
	[tilespmem:s24+$0x0] =	vst v1  }
.LBB2_6:
0x63: {  	s25 =	sadd.s32 $0x10, s25  }
0x64: {  	s24 =	sadd.s32 $0x10, s24;
	p0 =	slt.u32 s25, $0x270  }
.Ltmp2:
0x65: {  	[tilespmem:s24+$0x0] =	vst v1;
	(pc) =	sbr.rel @p0 .LBB2_6-.Ltmp2, $1  }
0x66: {  	_ =	sdelay $0x3  }
0x67: {  	v4 =	vld [tilespmem:s22+$0xFFFFFC00]  }
0x68: {  	v5 =	vld [tilespmem:s22+$0xFFFFFC80]  }
0x69: {  	v6 =	vld [tilespmem:s22+$0xFFFFFD00]  }
0x6a: {  	v7 =	vld [tilespmem:s22+$0xFFFFFD80]  }
0x6b: {  	v8 =	vld [tilespmem:s22+$0xFFFFFE00]  }
0x6c: {  	v9 =	vld [tilespmem:s22+$0xFFFFFE80]  }
0x6d: {  	v10 =	vld [tilespmem:s22+$0xFFFFFF00];
	vm0 =	vlt.s32 v4, $0x5;
	vm1 =	vlt.s32 v5, $0x5  }
0x6e: {  	v11 =	vld [tilespmem:s22+$0xFFFFFF80];
	vm2 =	vlt.s32 v6, $0x5;
	v4 =	vnsel vm0, $0x5, v4;
	v5 =	vnsel vm1, $0x5, v5  }
0x6f: {  	vm0 =	vlt.s32 v7, $0x5;
	v4 =	vadd.s32 v4, v5;
	v5 =	vnsel vm2, $0x5, v6;
	v6 =	vld [tilespmem:s22+$0x0]  }
0x70: {  	v4 =	vadd.s32 v5, v4;
	v5 =	vnsel vm0, $0x5, v7;
	vm0 =	vlt.s32 v8, $0x5;
	v7 =	vld [tilespmem:s22+$0x80]  }
0x71: {  	v4 =	vadd.s32 v5, v4;
	v5 =	vnsel vm0, $0x5, v8;
	vm0 =	vlt.s32 v9, $0x5;
	v8 =	vld [tilespmem:s22+$0x100]  }
0x72: {  	v4 =	vadd.s32 v5, v4;
	v5 =	vnsel vm0, $0x5, v9;
	vm0 =	vlt.s32 v10, $0x5;
	v9 =	vld [tilespmem:s22+$0x180]  }
0x73: {  	v4 =	vadd.s32 v5, v4;
	v5 =	vnsel vm0, $0x5, v10;
	vm0 =	vlt.s32 v11, $0x5;
	v10 =	vld [tilespmem:s22+$0x200]  }
0x74: {  	v4 =	vadd.s32 v5, v4;
	v5 =	vnsel vm0, $0x5, v11;
	vm0 =	vlt.s32 v6, $0x5;
	v11 =	vld [tilespmem:s22+$0x280]  }
0x75: {  	v4 =	vadd.s32 v5, v4;
	v5 =	vnsel vm0, $0x5, v6;
	vm0 =	vlt.s32 v7, $0x5;
	v6 =	vld [tilespmem:s22+$0x300]  }
0x76: {  	s25 =	simm.s32 $0x5410;
	v4 =	vadd.s32 v5, v4;
	v5 =	vnsel vm0, $0x5, v7;
	vm0 =	vlt.s32 v8, $0x5;
	v7 =	vld [tilespmem:s22+$0x380]  }
0x77: {  	v12 =	vld [tilespmem:s25+$0xFFFFFD00];
	v4 =	vadd.s32 v5, v4;
	v5 =	vnsel vm0, $0x5, v8;
	vm0 =	vlt.s32 v9, $0x5  }
0x78: {  	v8 =	vld [tilespmem:s25+$0xFFFFFC00];
	v4 =	vadd.s32 v5, v4;
	v5 =	vnsel vm0, $0x5, v9;
	vm0 =	vlt.s32 v10, $0x5  }
0x79: {  	v9 =	vld [tilespmem:s25+$0xFFFFFC80];
	v4 =	vadd.s32 v5, v4;
	v5 =	vnsel vm0, $0x5, v10;
	vm0 =	vlt.s32 v11, $0x5  }
0x7a: {  	v4 =	vadd.s32 v5, v4;
	v5 =	vnsel vm0, $0x5, v11;
	vm0 =	vlt.s32 v6, $0x5  }
0x7b: {  	v10 =	vld [tilespmem:s25+$0xFFFFFD80];
	v4 =	vadd.s32 v5, v4;
	v5 =	vnsel vm0, $0x5, v6;
	vm0 =	vlt.s32 v7, $0x5  }
0x7c: {  	v6 =	vld [tilespmem:s25+$0xFFFFFE00];
	v4 =	vadd.s32 v5, v4;
	v5 =	vnsel vm0, $0x5, v7  }
0x7d: {  	vm0 =	vlt.s32 v12, $0x5;
	v7 =	vld [tilespmem:s25+$0xFFFFFE80];
	v4 =	vadd.s32 v5, v4  }
0x7e: {  	v11 =	vld [tilespmem:s25+$0xFFFFFF00];
	vm1 =	vlt.s32 v8, $0x5;
	vm2 =	vlt.s32 v9, $0x5;
	vm3 =	vlt.s32 v4, $0x5  }
0x7f: {  	v5 =	vnsel vm1, $0x5, v8;
	v8 =	vnsel vm2, $0x5, v9;
	v9 =	vld [tilespmem:s25+$0xFFFFFF80];
	v13 =	vnsel vm3, $0x5, v4  }
0x80: {  	v4 =	vadd.s32 v5, v8;
	v5 =	vnsel vm0, $0x5, v12;
	vm0 =	vlt.s32 v10, $0x5;
	v8 =	vld [tilespmem:s25+$0x0]  }
0x81: {  	v63 =	vld [tilespmem:s25+$0x80];
	v4 =	vadd.s32 v5, v4;
	v5 =	vnsel vm0, $0x5, v10;
	vm0 =	vlt.s32 v6, $0x5  }
0x82: {  	v5 =	vadd.s32 v5, v4;
	v6 =	vnsel vm0, $0x5, v6;
	vm0 =	vlt.s32 v7, $0x5;
	v4 =	vld [tilespmem:s25+$0x100]  }
0x83: {  	v6 =	vadd.s32 v6, v5;
	v7 =	vnsel vm0, $0x5, v7;
	vm0 =	vlt.s32 v11, $0x5;
	v5 =	vld [tilespmem:s25+$0x180]  }
0x84: {  	v7 =	vadd.s32 v7, v6;
	v10 =	vnsel vm0, $0x5, v11;
	vm0 =	vlt.s32 v9, $0x5;
	v6 =	vld [tilespmem:s25+$0x200]  }
0x85: {  	v10 =	vadd.s32 v10, v7;
	v9 =	vnsel vm0, $0x5, v9;
	vm0 =	vlt.s32 v8, $0x5;
	v7 =	vld [tilespmem:s25+$0x280]  }
0x86: {  	s22 =	simm.s32 $0x8280;
	v9 =	vadd.s32 v9, v10;
	v10 =	vnsel vm0, $0x5, v8;
	vm0 =	vlt.s32 v63, $0x5;
	v8 =	vld [tilespmem:s25+$0x300]  }
0x87: {  	s24 =	simm.s32 $0x10;
	[tilespmem:s22+$0x0] =	vst v13;
	v10 =	vadd.s32 v10, v9;
	v11 =	vnsel vm0, $0x5, v63;
	vm0 =	vlt.s32 v4, $0x5;
	v9 =	vld [tilespmem:s25+$0x380];
	s25 =	simm.s32 $0x5420  }
.LBB2_8:
0x88: {  	v12 =	vld [tilespmem:s25+$0xFFFFFD00];
	v10 =	vadd.s32 v11, v10;
	v4 =	vnsel vm0, $0x5, v4;
	vm0 =	vlt.s32 v5, $0x5  }
0x89: {  	v11 =	vld [tilespmem:s25+$0xFFFFFC00];
	v4 =	vadd.s32 v4, v10;
	v5 =	vnsel vm0, $0x5, v5;
	vm0 =	vlt.s32 v6, $0x5  }
0x8a: {  	s24 =	sadd.s32 $0x10, s24;
	v10 =	vld [tilespmem:s25+$0xFFFFFC80];
	v4 =	vadd.s32 v5, v4;
	v5 =	vnsel vm0, $0x5, v6;
	vm0 =	vlt.s32 v7, $0x5  }
0x8b: {  	p0 =	slt.u32 s24, $0x70;
	v4 =	vadd.s32 v5, v4;
	v5 =	vnsel vm0, $0x5, v7;
	vm0 =	vlt.s32 v8, $0x5  }
0x8c: {  	v6 =	vld [tilespmem:s25+$0xFFFFFD80];
	v4 =	vadd.s32 v5, v4;
	v5 =	vnsel vm0, $0x5, v8;
	vm0 =	vlt.s32 v9, $0x5  }
0x8d: {  	v7 =	vld [tilespmem:s25+$0xFFFFFE00];
	v4 =	vadd.s32 v5, v4;
	v5 =	vnsel vm0, $0x5, v9  }
0x8e: {  	vm0 =	vlt.s32 v12, $0x5;
	v8 =	vld [tilespmem:s25+$0xFFFFFE80];
	v4 =	vadd.s32 v5, v4  }
0x8f: {  	vm1 =	vlt.s32 v11, $0x5;
	vm2 =	vlt.s32 v10, $0x5;
	v9 =	vld [tilespmem:s25+$0xFFFFFF00];
	vm3 =	vlt.s32 v4, $0x5  }
0x90: {  	s22 =	sadd.s32 $0x10, s22;
	v5 =	vnsel vm1, $0x5, v11;
	v10 =	vnsel vm2, $0x5, v10;
	v11 =	vld [tilespmem:s25+$0xFFFFFF80];
	v4 =	vnsel vm3, $0x5, v4  }
0x91: {  	v5 =	vadd.s32 v5, v10;
	v10 =	vnsel vm0, $0x5, v12;
	vm0 =	vlt.s32 v6, $0x5;
	v12 =	vld [tilespmem:s25+$0x0];
	[tilespmem:s22+$0x0] =	vst v4  }
0x92: {  	v4 =	vadd.s32 v10, v5;
	v5 =	vnsel vm0, $0x5, v6;
	vm0 =	vlt.s32 v7, $0x5;
	v13 =	vld [tilespmem:s25+$0x80]  }
0x93: {  	v5 =	vadd.s32 v5, v4;
	v6 =	vnsel vm0, $0x5, v7;
	vm0 =	vlt.s32 v8, $0x5;
	v4 =	vld [tilespmem:s25+$0x100]  }
.Ltmp3:
0x94: {  	v6 =	vadd.s32 v6, v5;
	v7 =	vnsel vm0, $0x5, v8;
	vm0 =	vlt.s32 v9, $0x5;
	v5 =	vld [tilespmem:s25+$0x180];
	(pc) =	sbr.rel @p0 .LBB2_8-.Ltmp3, $4  }
0x95: {  	v7 =	vadd.s32 v7, v6;
	v8 =	vnsel vm0, $0x5, v9;
	vm0 =	vlt.s32 v11, $0x5;
	v6 =	vld [tilespmem:s25+$0x200]  }
0x96: {  	v8 =	vadd.s32 v8, v7;
	v9 =	vnsel vm0, $0x5, v11;
	vm0 =	vlt.s32 v12, $0x5;
	v7 =	vld [tilespmem:s25+$0x280]  }
0x97: {  	v9 =	vadd.s32 v9, v8;
	v10 =	vnsel vm0, $0x5, v12;
	vm0 =	vlt.s32 v13, $0x5;
	v8 =	vld [tilespmem:s25+$0x300]  }
0x98: {  	v10 =	vadd.s32 v10, v9;
	v11 =	vnsel vm0, $0x5, v13;
	vm0 =	vlt.s32 v4, $0x5;
	v9 =	vld [tilespmem:s25+$0x380];
	s25 =	sadd.s32 $0x10, s25  }
0x99: {  	v10 =	vadd.s32 v11, v10;
	v4 =	vnsel vm0, $0x5, v4;
	vm10 =	vlt.s32 v5, $0x5  }
0x9a: {  	v4 =	vadd.s32 v4, v10;
	v5 =	vnsel vm10, $0x5, v5;
	vm11 =	vlt.s32 v6, $0x5  }
0x9b: {  	v4 =	vadd.s32 v5, v4;
	v5 =	vnsel vm11, $0x5, v6;
	vm12 =	vlt.s32 v7, $0x5  }
0x9c: {  	v4 =	vadd.s32 v5, v4;
	v5 =	vnsel vm12, $0x5, v7;
	vm13 =	vlt.s32 v8, $0x5  }
0x9d: {  	s25 =	simm.s32 $0x0;
	v4 =	vadd.s32 v5, v4;
	v5 =	vnsel vm13, $0x5, v8;
	vm14 =	vlt.s32 v9, $0x5  }
0x9e: {  	p1 =	por $0x1, $0x1;
	v6 =	vor.u32 s25, v2;
	v4 =	vadd.s32 v5, v4;
	v5 =	vnsel vm14, $0x5, v9  }
.Ltmp4:
0x9f: {  	v4 =	vadd.s32 v5, v4;
	(pc) =	sbr.rel @!p1 .LBB2_10-.Ltmp4, $4  }
0xa0: {  	vm15 =	vlt.s32 v4, $0x5  }
0xa1: {  	s22 =	sadd.s32 $0x10, s22;
	v4 =	vnsel vm15, $0x5, v4  }
0xa2: {  	[tilespmem:s22+$0x0] =	vst v4  }
0xa3: {  	s24 =	simm.s32 $0x1;
	p0 =	por $0x0, $0x0;
	s22 =	simm.s32 $0x2;
	v4 =	vld.idx.msk [tilespmem:v6+s23+$0x0], $0xffff  }
0xa4: {  	v5 =	vor.u32 s24, v2;
	_ =	sdelay $0x4  }
0xa5: {  	v6 =	vmov s25;
	v8 =	vor.u32 s22, v2;
	vm0 =	vlt.s32 v4, $0x5;
	v5 =	vld.idx.msk [tilespmem:v5+s23+$0x0], $0xffff  }
0xa6: {  	v13 =	vmov s24;
	v7 =	vmul.u32 $0x5, v6;
	v9 =	vnsel vm0, $0x5, v4  }
0xa7: {  	v6 =	vmul.u32 $0x28, v6;
	v17 =	vmul.u32 $0x5, v13;
	v13 =	vmul.u32 $0x28, v13;
	(xrf0) =	vadd.scan.msk.s32 $0xffff, v9  }
0xa8: {  	v10 =	vadd.s32 $0x3, v7;
	v11 =	vadd.s32 $0x4, v7;
	v12 =	vand.u32 $0x7E, v7  }
0xa9: {  	v7 =	vadd.s32 $0x2, v7;
	v6 =	vand.u32 $0x1C00, v6;
	v13 =	vand.u32 $0x1C00, v13  }
0xaa: {  	v20 =	vadd.s32 $0x1, v17;
	v6 =	vor.u32 v12, v6;
	vm0 =	vlt.s32 v5, $0x5  }
0xab: {  	v15 =	vand.u32 $0x7E, v11;
	v16 =	vand.u32 $0x7F, v10;
	v14 =	vnsel vm0, $0x5, v5  }
0xac: {  	v10 =	vshll.u32 v10, $0x3;
	v11 =	vshll.u32 v11, $0x3;
	v12 =	vand.u32 $0x7F, v17;
	(xrf0) =	vadd.scan.msk.s32 $0xffff, v14  }
0xad: {  	v19 =	vand.u32 $0x7E, v7;
	v18 =	vadd.s32 v3, v6;
	v12 =	vor.u32 v12, v13;
	v6, _, _ =	vpop (xrf0)  }
0xae: {  	v13 =	vand.u32 $0x3C00, v11;
	v10 =	vand.u32 $0x3C00, v10;
	v6 =	vsub.s32 v6, v9  }
0xaf: {  	v12 =	vadd.s32 v3, v12;
	v9 =	vshll.u32 v7, $0x3;
	v7 =	vshll.u32 v6, $0x7  }
0xb0: {  	v22 =	vor.u32 $0x1, v18;
	v10 =	vor.u32 v16, v10;
	vm0 =	vgt.s32 v4, $0x0  }
0xb1: {  	vm1 =	vlt.s32 v6, $0x5;
	v9 =	vand.u32 $0x3C00, v9;
	v11 =	vadd.s32 s25, v7  }
0xb2: {  	vm2 =	vmand vm0, vm1;
	v9 =	vor.u32 v19, v9;
	v19 =	vadd.s32 $0x2, v17;
	v7, _, _ =	vpop (xrf0)  }
0xb3: {  	v18 =	vld.idx.msk [tilespmem:v18+s26+$0x0], $0xffff;
	vm0 =	vgt.s32 v5, $0x0;
	v24 =	vshll.u32 v19, $0x3;
	v7 =	vsub.s32 v7, v14  }
0xb4: {  	v14 =	vand.u32 $0x7E, v20;
	v20 =	vshll.u32 v20, $0x3;
	vm1 =	vlt.s32 v7, $0x5  }
0xb5: {  	v21 =	vshll.u32 v7, $0x7;
	v20 =	vand.u32 $0x7FFFFC00, v20;
	vm0 =	vmand vm0, vm1  }
0xb6: {  	v12 =	vld.idx.msk [tilespmem:v12+s26+$0x0], $0xffff;
	v19 =	vand.u32 $0x7F, v19;
	v21 =	vadd.s32 s24, v21;
	v14 =	vor.u32 v14, v20  }
0xb7: {  	v24 =	vand.u32 $0x7FFFFC00, v24;
	v20 =	vadd.s32 $0x1, v6;
	v14 =	vadd.s32 v3, v14  }
0xb8: {  	vm1 =	vgt.s32 v4, $0x1;
	[tilespmem:v11+s28+$0x0] =	vst.idx.msk vm2, v18;
	v11 =	vadd.s32 v3, v9;
	v9 =	vor.u32 v19, v24  }
0xb9: {  	v23 =	vshll.u32 v20, $0x7;
	vm3 =	vlt.s32 v20, $0x5;
	v20 =	vadd.s32 $0x1, v7  }
0xba: {  	vm3 =	vmand vm1, vm3;
	vm1 =	vgt.s32 v5, $0x1;
	vm4 =	vlt.s32 v20, $0x5  }
0xbb: {  	v19 =	vld.idx.msk [tilespmem:v22+s26+$0x0], $0xffff;
	v23 =	vadd.s32 s25, v23;
	v20 =	vshll.u32 v20, $0x7;
	vm1 =	vmand vm1, vm4;
	[tilespmem:v21+s28+$0x0] =	vst.idx.msk vm0, v12  }
0xbc: {  	v13 =	vor.u32 v15, v13;
	v16 =	vadd.s32 $0x2, v7;
	v18 =	vadd.s32 s24, v20;
	v14 =	vld.idx.msk [tilespmem:v14+s26+$0x0], $0xffff  }
0xbd: {  	vm15 =	vlt.s32 v16, $0x5;
	v63 =	vadd.s32 v3, v9;
	v20 =	vadd.s32 $0x2, v6  }
0xbe: {  	v16 =	vshll.u32 v16, $0x7;
	vm2 =	vlt.s32 v20, $0x5;
	vm0 =	vgt.s32 v4, $0x2  }
0xbf: {  	v9 =	vshll.u32 v20, $0x7;
	v12 =	vadd.s32 $0x3, v17;
	vm0 =	vmand vm0, vm2  }
0xc0: {  	p1 =	por $0x1, $0x1;
	v20 =	vand.u32 $0x7E, v12;
	vm2 =	vgt.s32 v5, $0x2;
	v12 =	vshll.u32 v12, $0x3;
	[tilespmem:v23+s28+$0x0] =	vst.idx.msk vm3, v19  }
.Ltmp5:
0xc1: {  	v9 =	vadd.s32 s25, v9;
	vm2 =	vmand vm2, vm15;
	v19 =	vand.u32 $0x7FFFFC00, v12;
	v11 =	vld.idx.msk [tilespmem:v11+s26+$0x0], $0xffff;
	[tilespmem:v18+s28+$0x0] =	vst.idx.msk vm1, v14;
	(pc) =	sbr.rel @!p1 .LBB2_13-.Ltmp5, $4  }
0xc2: {  	v16 =	vadd.s32 s24, v16;
	v12 =	vadd.s32 v3, v10;
	v10 =	vor.u32 v20, v19;
	v15 =	vld.idx.msk [tilespmem:v63+s26+$0x0], $0xffff  }
0xc3: {  	v18 =	vadd.s32 $0x3, v6;
	v14 =	vadd.s32 v3, v10  }
0xc4: {  	vm1 =	vgt.s32 v4, $0x3;
	vm3 =	vlt.s32 v18, $0x5;
	v10 =	vshll.u32 v18, $0x7  }
0xc5: {  	s29 =	simm.s32 $0x3;
	s30 =	simm.s32 $0x4;
	p0 =	por $0x1, $0x1;
	v8 =	vld.idx.msk [tilespmem:v8+s23+$0x0], $0xffff;
	v19 =	vadd.s32 $0x4, v17;
	vm1 =	vmand vm1, vm3;
	v10 =	vadd.s32 s25, v10  }
.LBB2_12:
0xc6: {  	p1 =	slt.u32 s30, $0x7E;
	v18 =	vor.u32 s29, v2;
	[tilespmem:v9+s28+$0x0] =	vst.idx.msk vm0, v11;
	v9 =	vadd.s32 $0x3, v7;
	v11 =	vand.u32 $0x7F, v19  }
0xc7: {  	vm0 =	vgt.s32 v5, $0x3;
	v12 =	vld.idx.msk [tilespmem:v12+s26+$0x0], $0xffff;
	[tilespmem:v16+s28+$0x0] =	vst.idx.msk vm2, v15;
	vm2 =	vlt.s32 v9, $0x5;
	v15 =	vshll.u32 v19, $0x3  }
0xc8: {  	v9 =	vshll.u32 v9, $0x7;
	v14 =	vld.idx.msk [tilespmem:v14+s26+$0x0], $0xffff;
	vm2 =	vmand vm0, vm2;
	v15 =	vand.u32 $0x7FFFFC00, v15  }
0xc9: {  	v13 =	vadd.s32 v3, v13;
	v9 =	vadd.s32 s24, v9;
	v11 =	vor.u32 v11, v15  }
0xca: {  	v17 =	vor.u32 s30, v2;
	v15 =	vmov s22;
	v11 =	vadd.s32 v3, v11  }
0xcb: {  	vm0 =	vlt.s32 v8, $0x5;
	v16 =	vmul.u32 $0x5, v15;
	v15 =	vmul.u32 $0x28, v15;
	v18 =	vld.idx.msk [tilespmem:v18+s23+$0x0], $0xffff  }
0xcc: {  	v6 =	vadd.s32 $0x4, v6;
	v19 =	vnsel vm0, $0x5, v8;
	vm0 =	vgt.s32 v4, $0x4;
	v4 =	vmovc v8  }
0xcd: {  	v7 =	vadd.s32 $0x4, v7;
	[tilespmem:v10+s28+$0x0] =	vst.idx.msk vm1, v12;
	vm1 =	vlt.s32 v6, $0x5;
	v6 =	vshll.u32 v6, $0x7  }
0xce: {  	v8 =	vld.idx.msk [tilespmem:v13+s26+$0x0], $0xffff;
	vm0 =	vmand vm0, vm1;
	[tilespmem:v9+s28+$0x0] =	vst.idx.msk vm2, v14;
	vm1 =	vgt.s32 v5, $0x4;
	vm2 =	vlt.s32 v7, $0x5  }
0xcf: {  	v6 =	vadd.s32 s25, v6;
	v14 =	vshll.u32 v7, $0x7;
	s25 =	smov.u32 s22;
	s22 =	smov.u32 s30;
	v9 =	vld.idx.msk [tilespmem:v11+s26+$0x0], $0xffff;
	vm1 =	vmand vm1, vm2  }
0xd0: {  	v10 =	vadd.s32 $0x4, v16;
	v7 =	vadd.s32 $0x3, v16;
	v11 =	vadd.s32 s24, v14;
	s24 =	smov.u32 s29;
	(xrf0) =	vadd.scan.msk.s32 $0xffff, v19  }
0xd1: {  	v12 =	vand.u32 $0x7E, v16;
	v13 =	vadd.s32 $0x2, v16;
	vm2 =	vlt.s32 v18, $0x5;
	v5 =	vmovc v18  }
0xd2: {  	v14 =	vand.u32 $0x1C00, v15;
	v15 =	vmov s24;
	v16 =	vnsel vm2, $0x5, v5  }
0xd3: {  	v18 =	vand.u32 $0x7E, v10;
	v20 =	vmul.u32 $0x5, v15;
	v15 =	vmul.u32 $0x28, v15;
	(xrf0) =	vadd.scan.msk.s32 $0xffff, v16  }
0xd4: {  	v21 =	vand.u32 $0x7F, v7;
	v22 =	vshll.u32 v7, $0x3;
	v7 =	vshll.u32 v10, $0x3;
	[tilespmem:v6+s28+$0x0] =	vst.idx.msk vm0, v8  }
0xd5: {  	v12 =	vor.u32 v12, v14;
	v10 =	vand.u32 $0x1C00, v15;
	v8 =	vand.u32 $0x7F, v20;
	[tilespmem:v11+s28+$0x0] =	vst.idx.msk vm1, v9  }
0xd6: {  	v9 =	vadd.s32 v3, v12;
	v11 =	vand.u32 $0x7E, v13;
	v8 =	vor.u32 v8, v10;
	v6, _, _ =	vpop (xrf0)  }
0xd7: {  	v10 =	vshll.u32 v13, $0x3;
	v8 =	vadd.s32 v3, v8;
	v6 =	vsub.s32 v6, v19  }
0xd8: {  	vm0 =	vgt.s32 v4, $0x0;
	v13 =	vand.u32 $0x3C00, v7;
	v12 =	vshll.u32 v6, $0x7  }
0xd9: {  	v14 =	vadd.s32 $0x1, v20;
	vm1 =	vlt.s32 v6, $0x5;
	v12 =	vadd.s32 s25, v12;
	v7, _, _ =	vpop (xrf0)  }
0xda: {  	v15 =	vand.u32 $0x7E, v14;
	vm0 =	vmand vm0, vm1;
	v7 =	vsub.s32 v7, v16  }
0xdb: {  	v14 =	vshll.u32 v14, $0x3;
	vm1 =	vgt.s32 v5, $0x0;
	v16 =	vld.idx.msk [tilespmem:v9+s26+$0x0], $0xffff;
	vm2 =	vlt.s32 v7, $0x5  }
0xdc: {  	v14 =	vand.u32 $0x7FFFFC00, v14;
	v19 =	vshll.u32 v7, $0x7;
	v8 =	vld.idx.msk [tilespmem:v8+s26+$0x0], $0xffff;
	vm1 =	vmand vm1, vm2  }
0xdd: {  	v14 =	vor.u32 v15, v14;
	v9 =	vor.u32 $0x1, v9;
	v19 =	vadd.s32 s24, v19  }
0xde: {  	v10 =	vand.u32 $0x3C00, v10;
	v14 =	vadd.s32 v3, v14;
	v15 =	vadd.s32 $0x1, v6  }
0xdf: {  	v10 =	vor.u32 v11, v10;
	v23 =	vshll.u32 v15, $0x7;
	vm2 =	vgt.s32 v4, $0x1  }
0xe0: {  	vm3 =	vlt.s32 v15, $0x5;
	v15 =	vadd.s32 $0x2, v20;
	v11 =	vadd.s32 s25, v23  }
0xe1: {  	[tilespmem:v12+s28+$0x0] =	vst.idx.msk vm0, v16;
	vm0 =	vmand vm2, vm3;
	v12 =	vadd.s32 $0x1, v7;
	v16 =	vand.u32 $0x7F, v15  }
0xe2: {  	v23 =	vld.idx.msk [tilespmem:v9+s26+$0x0], $0xffff;
	[tilespmem:v19+s28+$0x0] =	vst.idx.msk vm1, v8;
	vm1 =	vgt.s32 v5, $0x1;
	vm2 =	vlt.s32 v12, $0x5;
	v8 =	vshll.u32 v15, $0x3  }
0xe3: {  	v9 =	vshll.u32 v12, $0x7;
	v14 =	vld.idx.msk [tilespmem:v14+s26+$0x0], $0xffff;
	vm1 =	vmand vm1, vm2;
	v8 =	vand.u32 $0x7FFFFC00, v8  }
0xe4: {  	v10 =	vadd.s32 v3, v10;
	v12 =	vadd.s32 s24, v9;
	v8 =	vor.u32 v16, v8  }
0xe5: {  	v15 =	vand.u32 $0x3C00, v22;
	v9 =	vadd.s32 $0x2, v6;
	v8 =	vadd.s32 v3, v8  }
0xe6: {  	vm2 =	vgt.s32 v4, $0x2;
	v19 =	vor.u32 v21, v15;
	v16 =	vshll.u32 v9, $0x7  }
0xe7: {  	v15 =	vadd.s32 $0x3, v20;
	vm3 =	vlt.s32 v9, $0x5;
	v9 =	vadd.s32 s25, v16  }
0xe8: {  	v21 =	vand.u32 $0x7E, v15;
	v16 =	vadd.s32 $0x2, v7;
	[tilespmem:v11+s28+$0x0] =	vst.idx.msk vm0, v23;
	vm0 =	vmand vm2, vm3  }
0xe9: {  	vm2 =	vlt.s32 v16, $0x5;
	v11 =	vld.idx.msk [tilespmem:v10+s26+$0x0], $0xffff;
	[tilespmem:v12+s28+$0x0] =	vst.idx.msk vm1, v14;
	vm1 =	vgt.s32 v5, $0x2;
	v10 =	vshll.u32 v15, $0x3  }
.Ltmp6:
0xea: {  	v15 =	vld.idx.msk [tilespmem:v8+s26+$0x0], $0xffff;
	vm2 =	vmand vm1, vm2;
	v8 =	vshll.u32 v16, $0x7;
	v10 =	vand.u32 $0x7FFFFC00, v10;
	(pc) =	sbr.rel @p1 .LBB2_12-.Ltmp6, $4  }
0xeb: {  	v12 =	vadd.s32 v3, v19;
	v16 =	vadd.s32 s24, v8;
	v8 =	vor.u32 v21, v10  }
0xec: {  	v13 =	vor.u32 v18, v13;
	v10 =	vadd.s32 $0x3, v6;
	v14 =	vadd.s32 v3, v8  }
0xed: {  	vm1 =	vgt.s32 v4, $0x3;
	vm3 =	vlt.s32 v10, $0x5;
	v10 =	vshll.u32 v10, $0x7  }
0xee: {  	s30 =	sadd.s32 $0x2, s30;
	s29 =	sadd.s32 $0x1, s22;
	v19 =	vadd.s32 $0x4, v20;
	vm1 =	vmand vm1, vm3;
	v10 =	vadd.s32 s25, v10;
	v8 =	vld.idx.msk [tilespmem:v17+s23+$0x0], $0xffff  }
.LBB2_13:
0xef: {  	_ = 	snop  }
0xf0: {  	v17 =	vor.u32 s29, v2  }
0xf1: {  	v18 =	vadd.s32 @p0 $0x3, v7;
	vm3 =	vgt.s32 @p0 v5, $0x3;
	v21 =	vmov s22  }
0xf2: {  	v6 =	vadd.s32 @p0 $0x4, v6;
	v30 =	vand.u32 @p0 $0x7F, v19;
	v19 =	vshll.u32 @p0 v19, $0x3  }
0xf3: {  	v13 =	vadd.s32 @p0 v3, v13;
	vm5 =	vlt.s32 @p0 v18, $0x5;
	v23 =	vmul.u32 $0x5, v21  }
0xf4: {  	v21 =	vmul.u32 $0x28, v21;
	v19 =	vand.u32 @p0 $0x7FFFFC00, v19;
	[tilespmem:v16+s28+$0x0] =	vst.idx.msk @p0 vm2, v15;
	v15 =	vshll.u32 @p0 v18, $0x7  }
0xf5: {  	v19 =	vor.u32 @p0 v30, v19;
	v15 =	vadd.s32 @p0 s24, v15;
	v24 =	vand.u32 $0x7E, v23  }
0xf6: {  	v21 =	vand.u32 $0x1C00, v21;
	v41 =	vadd.s32 $0x2, v23;
	v42 =	vadd.s32 $0x3, v23  }
0xf7: {  	v23 =	vadd.s32 $0x4, v23;
	vm4 =	vlt.s32 v8, $0x5;
	v21 =	vor.u32 v24, v21  }
0xf8: {  	vm15 =	vgt.s32 v8, $0x0;
	vm10 =	vgt.s32 v8, $0x1;
	v36 =	vand.u32 $0x7E, v41;
	v17 =	vld.idx.msk [tilespmem:v17+s23+$0x0], $0xffff  }
0xf9: {  	v30 =	vshll.u32 v41, $0x3;
	v44 =	vshll.u32 v42, $0x3;
	v51 =	vand.u32 $0x7E, v23  }
0xfa: {  	v54 =	vshll.u32 v23, $0x3;
	v20 =	vnsel vm4, $0x5, v8;
	vm4 =	vmand @p0 vm3, vm5  }
0xfb: {  	vm3 =	vgt.s32 @p0 v4, $0x4;
	vm5 =	vlt.s32 @p0 v6, $0x5;
	v4 =	vadd.s32 @p0 $0x4, v7  }
0xfc: {  	[tilespmem:v9+s28+$0x0] =	vst.idx.msk @p0 vm0, v11;
	v21 =	vadd.s32 v3, v21;
	v30 =	vand.u32 $0x3C00, v30;
	v9 =	vand.u32 $0x3C00, v54  }
0xfd: {  	(xrf0) =	vadd.scan.msk.s32 $0xffff, v20;
	vm3 =	vmand @p0 vm3, vm5;
	vm5 =	vgt.s32 @p0 v5, $0x4;
	vm6 =	vlt.s32 v17, $0x5  }
0xfe: {  	v5 =	vmov s29;
	v30 =	vor.u32 v36, v30;
	v22 =	vnsel vm6, $0x5, v17  }
0xff: {  	v9 =	vor.u32 v51, v9;
	v60 =	vmul.u32 $0x5, v5;
	v5 =	vmul.u32 $0x28, v5;
	(xrf0) =	vadd.scan.msk.s32 $0xffff, v22  }
0x100: {  	v6 =	vshll.u32 @p0 v6, $0x7;
	v30 =	vadd.s32 v3, v30;
	v9 =	vadd.s32 v3, v9  }
0x101: {  	v61 =	vand.u32 $0x7F, v60;
	v5 =	vand.u32 $0x1C00, v5;
	v32 =	vadd.s32 $0x1, v60  }
0x102: {  	v37 =	vadd.s32 $0x2, v60;
	v45 =	vadd.s32 $0x3, v60;
	v5 =	vor.u32 v61, v5  }
0x103: {  	vm8 =	vgt.s32 v17, $0x0;
	vm14 =	vgt.s32 v17, $0x2;
	v33 =	vshll.u32 v32, $0x3;
	v25, _, _ =	vpop (xrf0)  }
0x104: {  	v32 =	vand.u32 $0x7E, v32;
	v5 =	vadd.s32 v3, v5;
	v20 =	vsub.s32 v25, v20  }
0x105: {  	v34 =	vld.idx.msk [tilespmem:v21+s26+$0x0], $0xffff;
	v21 =	vor.u32 $0x1, v21;
	v43 =	vshll.u32 v37, $0x3;
	vm7 =	vlt.s32 v20, $0x5;
	v62, _, _ =	vpop (xrf0)  }
0x106: {  	v31 =	vshll.u32 v20, $0x7;
	vm13 =	vmand vm15, vm7;
	v22 =	vsub.s32 v62, v22  }
0x107: {  	v46 =	vshll.u32 v45, $0x3;
	v31 =	vadd.s32 s22, v31;
	vm9 =	vlt.s32 v22, $0x5  }
0x108: {  	v33 =	vand.u32 $0x7FFFFC00, v33;
	v35 =	vshll.u32 v22, $0x7;
	vm12 =	vmand vm8, vm9  }
0x109: {  	v47 =	vand.u32 $0x7E, v45;
	v32 =	vor.u32 v32, v33;
	v5 =	vld.idx.msk [tilespmem:v5+s26+$0x0], $0xffff;
	v35 =	vadd.s32 s29, v35  }
0x10a: {  	vm6 =	vlt.s32 @p0 v4, $0x5;
	v32 =	vadd.s32 v3, v32;
	v63 =	vadd.s32 $0x1, v20  }
0x10b: {  	vm5 =	vmand @p0 vm5, vm6;
	vm6 =	vgt.s32 v17, $0x1;
	vm11 =	vlt.s32 v63, $0x5  }
0x10c: {  	v24 =	vshll.u32 v63, $0x7;
	vm10 =	vmand vm10, vm11;
	v40 =	vadd.s32 $0x1, v22;
	[tilespmem:v31+s28+$0x0] =	vst.idx.msk vm13, v34  }
0x10d: {  	v24 =	vadd.s32 s22, v24;
	vm7 =	vlt.s32 v40, $0x5;
	v25 =	vshll.u32 v40, $0x7;
	v21 =	vld.idx.msk [tilespmem:v21+s26+$0x0], $0xffff  }
0x10e: {  	v31 =	vand.u32 $0x7FFFFC00, v43;
	vm11 =	vmand vm6, vm7;
	[tilespmem:v35+s28+$0x0] =	vst.idx.msk vm12, v5;
	v5 =	vand.u32 $0x7F, v37  }
0x10f: {  	v48 =	vand.u32 $0x7FFFFC00, v46;
	v25 =	vadd.s32 s29, v25;
	v32 =	vld.idx.msk [tilespmem:v32+s26+$0x0], $0xffff;
	v5 =	vor.u32 v5, v31  }
0x110: {  	v33 =	vand.u32 $0x7F, v42;
	v26 =	vadd.s32 $0x2, v20;
	v5 =	vadd.s32 v3, v5  }
0x111: {  	v50 =	vshll.u32 v26, $0x7;
	vm8 =	vgt.s32 v8, $0x2;
	vm9 =	vlt.s32 v26, $0x5  }
0x112: {  	v27 =	vadd.s32 $0x2, v22;
	vm9 =	vmand vm8, vm9;
	[tilespmem:v24+s28+$0x0] =	vst.idx.msk vm10, v21;
	v31 =	vand.u32 $0x3C00, v44  }
0x113: {  	vm15 =	vlt.s32 v27, $0x5;
	v24 =	vadd.s32 s22, v50;
	v52 =	vld.idx.msk [tilespmem:v30+s26+$0x0], $0xffff;
	v31 =	vor.u32 v33, v31  }
0x114: {  	v27 =	vshll.u32 v27, $0x7;
	vm8 =	vmand vm14, vm15;
	v53 =	vadd.s32 v3, v31;
	[tilespmem:v25+s28+$0x0] =	vst.idx.msk vm11, v32  }
0x115: {  	v7 =	vadd.s32 $0x4, v60;
	v49 =	vor.u32 v47, v48;
	v27 =	vadd.s32 s29, v27;
	v5 =	vld.idx.msk [tilespmem:v5+s26+$0x0], $0xffff  }
0x116: {  	v56 =	vshll.u32 v7, $0x3;
	v55 =	vadd.s32 v3, v49;
	v28 =	vadd.s32 $0x3, v20  }
0x117: {  	v7 =	vand.u32 $0x7F, v7;
	vm6 =	vgt.s32 v8, $0x3;
	vm7 =	vlt.s32 v28, $0x5  }
0x118: {  	v12 =	vld.idx.msk @p0 [tilespmem:v12+s26+$0x0], $0xffff;
	v58 =	vshll.u32 v28, $0x7;
	v29 =	vadd.s32 $0x3, v22;
	vm7 =	vmand vm6, vm7;
	[tilespmem:v24+s28+$0x0] =	vst.idx.msk vm9, v52  }
0x119: {  	v16 =	vadd.s32 s22, v58;
	vm14 =	vgt.s32 v17, $0x3;
	vm15 =	vlt.s32 v29, $0x5;
	v59 =	vld.idx.msk [tilespmem:v53+s26+$0x0], $0xffff  }
0x11a: {  	v14 =	vld.idx.msk @p0 [tilespmem:v14+s26+$0x0], $0xffff;
	v57 =	vand.u32 $0x7FFFFC00, v56;
	v60 =	vshll.u32 v29, $0x7;
	vm6 =	vmand vm14, vm15;
	[tilespmem:v27+s28+$0x0] =	vst.idx.msk vm8, v5  }
0x11b: {  	v7 =	vor.u32 v7, v57;
	v5 =	vadd.s32 @p0 v3, v19;
	v19 =	vadd.s32 s29, v60;
	v11 =	vld.idx.msk [tilespmem:v55+s26+$0x0], $0xffff  }
0x11c: {  	v6 =	vadd.s32 @p0 s25, v6;
	v7 =	vadd.s32 v3, v7;
	v61 =	vadd.s32 $0x4, v20  }
0x11d: {  	[tilespmem:v10+s28+$0x0] =	vst.idx.msk @p0 vm1, v12;
	v4 =	vshll.u32 @p0 v4, $0x7;
	vm13 =	vlt.s32 v61, $0x5;
	vm12 =	vgt.s32 v8, $0x4  }
0x11e: {  	v10 =	vshll.u32 v61, $0x7;
	v62 =	vadd.s32 $0x4, v22;
	v8 =	vld.idx.msk @p0 [tilespmem:v13+s26+$0x0], $0xffff;
	vm0 =	vmand vm12, vm13;
	[tilespmem:v16+s28+$0x0] =	vst.idx.msk vm7, v59  }
0x11f: {  	[tilespmem:v15+s28+$0x0] =	vst.idx.msk @p0 vm4, v14;
	v10 =	vadd.s32 s22, v10;
	vm14 =	vgt.s32 v17, $0x4;
	vm15 =	vlt.s32 v62, $0x5;
	v9 =	vld.idx.msk [tilespmem:v9+s26+$0x0], $0xffff  }
0x120: {  	v4 =	vadd.s32 @p0 s24, v4;
	v63 =	vshll.u32 v62, $0x7;
	vm1 =	vmand vm14, vm15;
	v5 =	vld.idx.msk @p0 [tilespmem:v5+s26+$0x0], $0xffff;
	[tilespmem:v19+s28+$0x0] =	vst.idx.msk vm6, v11  }
0x121: {  	v11 =	vadd.s32 s29, v63;
	v7 =	vld.idx.msk [tilespmem:v7+s26+$0x0], $0xffff;
	_ =	sdelay $0x1  }
0x122: {  	[tilespmem:v6+s28+$0x0] =	vst.idx.msk @p0 vm3, v8  }
0x123: {  	[tilespmem:v10+s28+$0x0] =	vst.idx.msk vm0, v9  }
0x124: {  	[tilespmem:v4+s28+$0x0] =	vst.idx.msk @p0 vm5, v5  }
0x125: {  	s29 =	simm.s32 $0x8280;
	[tilespmem:v11+s28+$0x0] =	vst.idx.msk vm1, v7  }
0x126: {  	[hbm4b:s9+s2] =	stream.linear.scatter [tilespmem:s29], [sflag:$0x1], $0x80, $0x38;
	[tilespmem:$0xB300] =	vst v63  }
0x127: {  	_ =	swait.ge [sflag:s16], $0x80  }
0x128: {  	[sflag:s16] =	ssyncset.done $0x0  }
0x129: {  	[sflag:s16] =	ssyncadd.s32 $0xFFFFFF80  }
0x12a: {  	[hbm4b:s10+s2] =	stream.linear.scatter [tilespmem:s28], [sflag:$0x1], $0x80, $0x38;
	[tilespmem:$0xB300] =	vst v63  }
0x12b: {  	_ =	swait.ge [sflag:s16], $0x80  }
0x12c: {  	[sflag:s16] =	ssyncset.done $0x0  }
0x12d: {  	s30 =	simm.s32 $0x8080;
	[sflag:s16] =	ssyncadd.s32 $0xFFFFFF80  }
0x12e: {  	[hbm4b:s11+s2] =	stream.linear.scatter [tilespmem:s30], [sflag:$0x1], $0x80, $0x38;
	[tilespmem:$0xB300] =	vst v63  }
0x12f: {  	_ =	swait.ge [sflag:s16], $0x80  }
0x130: {  	[sflag:s16] =	ssyncset.done $0x0  }
0x131: {  	[sflag:s16] =	ssyncadd.s32 $0xFFFFFF80  }
0x132: {  	[hbm4b:s12+s2] =	stream.linear.scatter [tilespmem:s31], [sflag:$0x1], $0x80, $0x38;
	[tilespmem:$0xB300] =	vst v63  }
0x133: {  	_ =	swait.ge [sflag:s16], $0x80  }
0x134: {  	[sflag:s16] =	ssyncset.done $0x0  }
0x135: {  	[sflag:s16] =	ssyncadd.s32 $0xFFFFFF80  }
0x136: {  	[hbm4b:s13+s2] =	stream.linear.scatter [tilespmem:s0], [sflag:$0x1], $0x80, $0x38;
	[tilespmem:$0xB300] =	vst v63  }
0x137: {  	_ =	swait.ge [sflag:s16], $0x80  }
0x138: {  	s17 =	sadd.s32 $0x1, s17;
	[sflag:s16] =	ssyncset.done $0x0  }
0x139: {  	p0 =	sne.s32 s17, s15;
	[sflag:s16] =	ssyncadd.s32 $0xFFFFFF80  }
0x13a: {  	[hbm4b:s14+s2] =	stream.linear.scatter [tilespmem:s1], [sflag:$0x1], $0x80, $0x38;
	[tilespmem:$0xB300] =	vst v63  }
.Ltmp7:
0x13b: {  	_ = 	snop;
	(pc) =	sbr.rel @p0 .LBB2_1-.Ltmp7, $4  }
.Ltmp8:
0x13c: {  	_ = 	snop;
	(pc) =	sbr.rel @!p0 .LBB2_14-.Ltmp8, $4  }
0x13d: {  	_ =	swait.ge [sflag:s16], $0x80  }
0x13e: {  	[sflag:s16] =	ssyncset.done $0x0  }
0x13f: {  	[sflag:s16] =	ssyncadd.s32 $0xFFFFFF80  }
0x140: {  	_ = 	snop  }
.LBB2_10:
.Ltmp9:
0x141: {  	_ = 	snop;
	(pc) =	sbr.rel .LBB2_13-.Ltmp9, $2  }
0x142: {  	_ =	sdelay $0x2  }
0x143: {  	s29 =	simm.s32 $0x1;
	s22 =	simm.s32 $0x0;
	v8 =	vmov v4  }
.LBB2_14:
0x144: {  	_ =	sfence.sel $0x180000  }
0x145: {  	[bflag:$0x0] =	sbarrier.arrive $0xFFFF  }
0x146: {  	_ =	strace $0x90000047  }
0x147: {  	s0 =	stileid.u32;
	[bflag:$0x2] =	sbarrier.arrive $0xFFFF  }
0x148: {  	p0 =	sne.s32 s0, $0x0;
	s0 =	rddreg [dreg:$0x3]  }
0x149: {  	s0 =	sadd.s32 @!p0 $0x100000, s0  }
0x14a: {  	[sflag:s0] =	ssyncadd.tile.s32 @!p0 $0x1;
	_ =	shalt  }
.Lfunc_end2:
_tile_overlayer_lowered:
.L_overlay_start_2:
0x14b: {  	(tag) =	ssettag $0x2  }
0x14c: {  	s0 =	rddreg [dreg:$0x0];
	s2 =	stileid.u32  }
0x14d: {  	s1 =	rddreg [dreg:$0x1];
	p0 =	sne.s32 s2, $0x0  }
0x14e: {  	s3 =	rddreg [dreg:$0x2];
	[bflag:$0x3] =	sbarrier.arrive $0xFFFF;
	s2 =	simm.s32 @!p0 $0x1C01  }
0x14f: {  	[timem:s3], [sflag:s2] =	dma.local @!p0 [hbm:s0], s1  }
0x150: {  	s0 =	simm.s32 @!p0 $0x1  }
0x151: {  	_ =	swait.ge @!p0 [sflag:s0], s1  }
0x152: {  	s1 =	ssub.s32 @!p0 $0x0, s1;
	[sflag:s0] =	ssyncset.done @!p0 $0x0  }
0x153: {  	[sflag:s0] =	ssyncadd.s32 @!p0 s1  }
0x154: {  	[bflag:$0x3] =	sbarrier.arrive $0xFFFF  }
0x155: {  	_ =	shalt  }

</sc_bundles>
